<compile_context>
chip_gen: v7x
topology: tpu7x:2x2x1
jax: 0.10.2.dev20260603
libtpu: 0.0.44.dev20260713+nightly
codegen_flags: <defaults>
</compile_context>

<pallas_src>
import functools

import jax
import jax.numpy as jnp
from jax import lax
from jax.experimental import pallas as pl
from jax.experimental.pallas import tpu as pltpu
from jax.experimental.pallas import tpu_sc as plsc

_NUM_CORES = 2
_NUM_SUBCORES = 16
_NW = _NUM_CORES * _NUM_SUBCORES

_D = 128
_V0, _V1, _V2 = 5, 6, 2
_VT = _V0 * _V1 * _V2

_CHUNK = 80
_NBUF = 8


def _build_table_kernel(w0_ref, w1_ref, w2_ref, t_ref):
    for i in range(_V0):
        for j in range(_V1):
            base = w0_ref[pl.ds(i, 1), :] + w1_ref[pl.ds(j, 1), :]
            for k in range(_V2):
                r = (i * _V1 + j) * _V2 + k
                t_ref[pl.ds(r, 1), :] = base + w2_ref[pl.ds(k, 1), :]


def _build_table(w0, w1, w2):
    return pl.pallas_call(
        _build_table_kernel,
        out_shape=jax.ShapeDtypeStruct((_VT, _D), jnp.float32),
    )(w0, w1, w2)


def _make_lookup(n_edges):
    assert n_edges % (_NW * _CHUNK) == 0
    epw = n_edges // _NW
    nchunk = epw // _CHUNK
    assert nchunk >= 2 * _NBUF
    r_full = (nchunk - _NBUF) // _NBUF
    tail_start = r_full * _NBUF
    mesh = plsc.VectorSubcoreMesh(
        core_axis_name="c",
        subcore_axis_name="s",
        num_cores=_NUM_CORES,
        num_subcores=_NUM_SUBCORES,
    )

    @functools.partial(
        pl.kernel,
        mesh=mesh,
        out_type=jax.ShapeDtypeStruct((n_edges, _D), jnp.float32),
        scratch_types=[
            pltpu.VMEM((epw,), jnp.int32),
            pltpu.VMEM((epw,), jnp.int32),
            pltpu.VMEM((epw,), jnp.int32),
            pltpu.VMEM((nchunk, _CHUNK), jnp.int32),
            pltpu.VMEM((_NBUF, _CHUNK, _D), jnp.float32),
            pltpu.VMEM_SHARED((_VT, _D), jnp.float32),
            [pltpu.SemaphoreType.DMA] * _NBUF,
            [pltpu.SemaphoreType.DMA] * _NBUF,
        ],
    )
    def lookup(a0_hbm, a1_hbm, a2_hbm, t_hbm, out_hbm,
               a0_v, a1_v, a2_v, idx_v, rows_v, t_sh, gsem, ssem):
        cid = lax.axis_index("c")
        sid = lax.axis_index("s")
        wid = sid * _NUM_CORES + cid
        base = wid * epw

        @pl.when(sid == 0)
        def _():
            pltpu.sync_copy(t_hbm, t_sh)

        d0 = pltpu.async_copy(a0_hbm.at[pl.ds(base, epw)], a0_v, ssem[0])
        d1 = pltpu.async_copy(a1_hbm.at[pl.ds(base, epw)], a1_v, ssem[1])
        d2 = pltpu.async_copy(a2_hbm.at[pl.ds(base, epw)], a2_v, ssem[2])
        d0.wait()
        d1.wait()
        d2.wait()

        def compute_idx(g):
            for t in range(_CHUNK // 16):
                s = g * _CHUNK + t * 16
                a0 = a0_v[pl.ds(s, 16)]
                a1 = a1_v[pl.ds(s, 16)]
                a2 = a2_v[pl.ds(s, 16)]
                idx_v[g, pl.ds(t * 16, 16)] = (a0 * _V1 + a1) * _V2 + a2

        def cbody(g, carry):
            compute_idx(g)
            return carry

        lax.fori_loop(0, _NBUF, cbody, 0)
        plsc.subcore_barrier()

        def issue_gather(g, b):
            pltpu.async_copy(t_sh.at[idx_v.at[g]], rows_v.at[b], gsem[b])

        def wait_gather(g, b):
            pltpu.make_async_copy(t_sh.at[idx_v.at[g]], rows_v.at[b], gsem[b]).wait()

        def out_slice(g):
            return out_hbm.at[pl.ds(base + g * _CHUNK, _CHUNK), :]

        def issue_scatter(g, b):
            pltpu.async_copy(rows_v.at[b], out_slice(g), ssem[b])

        def wait_scatter(g, b):
            pltpu.make_async_copy(rows_v.at[b], out_slice(g), ssem[b]).wait()

        for b in range(_NBUF):
            issue_gather(b, b)

        def rbody(r, carry):
            g0 = r * _NBUF
            for b in range(_NBUF):
                compute_idx(g0 + b + _NBUF)
                wait_gather(g0 + b, b)
                issue_scatter(g0 + b, b)
            for b in range(_NBUF):
                wait_scatter(g0 + b, b)
                issue_gather(g0 + b + _NBUF, b)
            return carry

        lax.fori_loop(0, r_full, rbody, 0)

        for g in range(tail_start, nchunk):
            b = g % _NBUF
            if g + _NBUF < nchunk:
                compute_idx(g + _NBUF)
            wait_gather(g, b)
            issue_scatter(g, b)
            if g + _NBUF < nchunk:
                wait_scatter(g, b)
                issue_gather(g + _NBUF, b)
        for g in range(nchunk - _NBUF, nchunk):
            wait_scatter(g, g % _NBUF)

    return lookup


@jax.jit
def kernel(edge_attr, W0, W1, W2):
    edge_attr = jnp.asarray(edge_attr, jnp.int32)
    table = _build_table(
        jnp.asarray(W0, jnp.float32),
        jnp.asarray(W1, jnp.float32),
        jnp.asarray(W2, jnp.float32),
    )
    lookup = _make_lookup(edge_attr.shape[0])
    return lookup(edge_attr[:, 0], edge_attr[:, 1], edge_attr[:, 2], table)

# --- scband reference (transcript-rebuilt; emitter-appended) ---
"""Pipeline reference for scband-bond-encoder-89945205113481 (READ-ONLY COPY).

The authoritative reference and input builder live on the scoring server;
editing this copy changes nothing except your own understanding.
"""

import jax, jax.numpy as jnp
import numpy as np

EDGE_FEAT_DIMS = [5, 6, 2]  # OGB molecule e_map: bond_type, stereo, is_conjugated
EMB_DIM = 128
NUM_EDGES = 320000


def setup_inputs(seed: int = 0) -> dict:
    key = jax.random.key(seed)
    k_idx, k0, k1, k2 = jax.random.split(key, 4)
    edge_attr = jax.random.randint(k_idx, (NUM_EDGES, len(EDGE_FEAT_DIMS)), 0, 2, dtype=jnp.int64) if jax.config.jax_enable_x64 else jax.random.randint(k_idx, (NUM_EDGES, len(EDGE_FEAT_DIMS)), 0, 2, dtype=jnp.int32)
    # xavier_uniform-initialized embedding tables per edge feature
    def xavier(k, fan_in, fan_out):
        a = float(np.sqrt(6.0 / (fan_in + fan_out)))
        return jax.random.uniform(k, (fan_in, fan_out), dtype=jnp.float32, minval=-a, maxval=a)
    W0 = xavier(k0, EDGE_FEAT_DIMS[0], EMB_DIM)
    W1 = xavier(k1, EDGE_FEAT_DIMS[1], EMB_DIM)
    W2 = xavier(k2, EDGE_FEAT_DIMS[2], EMB_DIM)
    return {"edge_attr": edge_attr, "W0": W0, "W1": W1, "W2": W2}


def reference(edge_attr, W0, W1, W2):
    # bond_embedding = sum_i Embedding_i(edge_attr[:, i])
    tables = [W0, W1, W2]
    bond_embedding = jnp.zeros((edge_attr.shape[0], W0.shape[1]), dtype=W0.dtype)
    for i, W in enumerate(tables):
        bond_embedding = bond_embedding + jnp.take(W, edge_attr[:, i], axis=0)
    return bond_embedding

if __name__ == "__main__":
    import jax
    _d = setup_inputs()
    print(jax.jit(kernel)(*tuple(_d.values())))

</pallas_src>

<mosaic_0001>
#map = affine_map<(d0, d1) -> (0)>
#map1 = affine_map<(d0, d1) -> (0, 0)>
module attributes {stable_mosaic.version = 14 : i64} {
  func.func @lookup(%arg0: i32, %arg1: i32, %arg2: memref<320000xi32, #tpu.memory_space<hbm>>, %arg3: memref<320000xi32, #tpu.memory_space<hbm>>, %arg4: memref<320000xi32, #tpu.memory_space<hbm>>, %arg5: memref<60x128xf32, #tpu.memory_space<hbm>>, %arg6: memref<320000x128xf32, #tpu.memory_space<hbm>>, %arg7: memref<10000xi32, #tpu.memory_space<vmem>>, %arg8: memref<10000xi32, #tpu.memory_space<vmem>>, %arg9: memref<10000xi32, #tpu.memory_space<vmem>>, %arg10: memref<125x80xi32, #tpu.memory_space<vmem>>, %arg11: memref<8x80x128xf32, #tpu.memory_space<vmem>>, %arg12: memref<60x128xf32, #tpu.memory_space<vmem_shared>>, %arg13: memref<!tpu.dma_semaphore, #tpu.memory_space<semaphore_mem>>, %arg14: memref<!tpu.dma_semaphore, #tpu.memory_space<semaphore_mem>>, %arg15: memref<!tpu.dma_semaphore, #tpu.memory_space<semaphore_mem>>, %arg16: memref<!tpu.dma_semaphore, #tpu.memory_space<semaphore_mem>>, %arg17: memref<!tpu.dma_semaphore, #tpu.memory_space<semaphore_mem>>, %arg18: memref<!tpu.dma_semaphore, #tpu.memory_space<semaphore_mem>>, %arg19: memref<!tpu.dma_semaphore, #tpu.memory_space<semaphore_mem>>, %arg20: memref<!tpu.dma_semaphore, #tpu.memory_space<semaphore_mem>>, %arg21: memref<!tpu.dma_semaphore, #tpu.memory_space<semaphore_mem>>, %arg22: memref<!tpu.dma_semaphore, #tpu.memory_space<semaphore_mem>>, %arg23: memref<!tpu.dma_semaphore, #tpu.memory_space<semaphore_mem>>, %arg24: memref<!tpu.dma_semaphore, #tpu.memory_space<semaphore_mem>>, %arg25: memref<!tpu.dma_semaphore, #tpu.memory_space<semaphore_mem>>, %arg26: memref<!tpu.dma_semaphore, #tpu.memory_space<semaphore_mem>>, %arg27: memref<!tpu.dma_semaphore, #tpu.memory_space<semaphore_mem>>, %arg28: memref<!tpu.dma_semaphore, #tpu.memory_space<semaphore_mem>>) attributes {dimension_semantics = [#tpu.dimension_semantics<core_parallel>, #tpu.dimension_semantics<subcore_parallel>], iteration_bounds = array<i64: 2, 16>, scalar_prefetch = 0 : i64, scratch_operands = 22 : i64, tpu.core_type = #tpu.core_type<sc_vector_subcore>, window_params = [{transform_indices = #map}, {transform_indices = #map}, {transform_indices = #map}, {transform_indices = #map1}, {transform_indices = #map1}]} {
    %mul3A = arith.constant 2 : i32
    %mul3A_0 = arith.muli %arg1, %mul3A : i32
    %add3A = arith.addi %mul3A_0, %arg0 : i32
    %mul3A_1 = arith.constant 10000 : i32
    %mul3A_2 = arith.muli %add3A, %mul3A_1 : i32
    %eq3A = arith.constant 0 : i32
    %eq3A_3 = arith.cmpi eq, %arg1, %eq3A : i32
    %convert_element_type3A = arith.extui %eq3A_3 : i1 to i32
    %cond3A = arith.constant 0 : i32
    %cond3A_4 = arith.cmpi ne, %convert_element_type3A, %cond3A : i32
    scf.if %cond3A_4 {
      "tpu.region"() ({
        %run_scoped3A = tpu.sem_alloc : memref<!tpu.dma_semaphore, #tpu.memory_space<semaphore_mem>>
        tpu.enqueue_dma source(%arg5 : memref<60x128xf32, #tpu.memory_space<hbm>>) target(%arg12 : memref<60x128xf32, #tpu.memory_space<vmem_shared>>) target_semaphore(%run_scoped3A : memref<!tpu.dma_semaphore, #tpu.memory_space<semaphore_mem>>)
        tpu.wait_dma2 semaphore(%run_scoped3A : memref<!tpu.dma_semaphore, #tpu.memory_space<semaphore_mem>>) src(%arg5 : memref<60x128xf32, #tpu.memory_space<hbm>>) dst(%arg12 : memref<60x128xf32, #tpu.memory_space<vmem_shared>>)
        tpu.yield
      }) : () -> ()
    } else {
    }
    %dma_start3A = tpu.memref_slice %arg2[%mul3A_2] : memref<320000xi32, #tpu.memory_space<hbm>> -> memref<10000xi32, #tpu.memory_space<hbm>>
    %dma_start3A_5 = tpu.memref_slice %arg2[%mul3A_2] : memref<320000xi32, #tpu.memory_space<hbm>> -> memref<10000xi32, #tpu.memory_space<hbm>>
    tpu.enqueue_dma source(%dma_start3A_5 : memref<10000xi32, #tpu.memory_space<hbm>>) target(%arg7 : memref<10000xi32, #tpu.memory_space<vmem>>) target_semaphore(%arg21 : memref<!tpu.dma_semaphore, #tpu.memory_space<semaphore_mem>>)
    %dma_start3A_6 = tpu.memref_slice %arg3[%mul3A_2] : memref<320000xi32, #tpu.memory_space<hbm>> -> memref<10000xi32, #tpu.memory_space<hbm>>
    %dma_start3A_7 = tpu.memref_slice %arg3[%mul3A_2] : memref<320000xi32, #tpu.memory_space<hbm>> -> memref<10000xi32, #tpu.memory_space<hbm>>
    tpu.enqueue_dma source(%dma_start3A_7 : memref<10000xi32, #tpu.memory_space<hbm>>) target(%arg8 : memref<10000xi32, #tpu.memory_space<vmem>>) target_semaphore(%arg22 : memref<!tpu.dma_semaphore, #tpu.memory_space<semaphore_mem>>)
    %dma_start3A_8 = tpu.memref_slice %arg4[%mul3A_2] : memref<320000xi32, #tpu.memory_space<hbm>> -> memref<10000xi32, #tpu.memory_space<hbm>>
    %dma_start3A_9 = tpu.memref_slice %arg4[%mul3A_2] : memref<320000xi32, #tpu.memory_space<hbm>> -> memref<10000xi32, #tpu.memory_space<hbm>>
    tpu.enqueue_dma source(%dma_start3A_9 : memref<10000xi32, #tpu.memory_space<hbm>>) target(%arg9 : memref<10000xi32, #tpu.memory_space<vmem>>) target_semaphore(%arg23 : memref<!tpu.dma_semaphore, #tpu.memory_space<semaphore_mem>>)
    %dma_wait3A = tpu.memref_slice %arg2[%mul3A_2] : memref<320000xi32, #tpu.memory_space<hbm>> -> memref<10000xi32, #tpu.memory_space<hbm>>
    %dma_wait3A_10 = tpu.memref_slice %arg2[%mul3A_2] : memref<320000xi32, #tpu.memory_space<hbm>> -> memref<10000xi32, #tpu.memory_space<hbm>>
    tpu.wait_dma2 semaphore(%arg21 : memref<!tpu.dma_semaphore, #tpu.memory_space<semaphore_mem>>) src(%dma_wait3A_10 : memref<10000xi32, #tpu.memory_space<hbm>>) dst(%arg7 : memref<10000xi32, #tpu.memory_space<vmem>>)
    %dma_wait3A_11 = tpu.memref_slice %arg3[%mul3A_2] : memref<320000xi32, #tpu.memory_space<hbm>> -> memref<10000xi32, #tpu.memory_space<hbm>>
    %dma_wait3A_12 = tpu.memref_slice %arg3[%mul3A_2] : memref<320000xi32, #tpu.memory_space<hbm>> -> memref<10000xi32, #tpu.memory_space<hbm>>
    tpu.wait_dma2 semaphore(%arg22 : memref<!tpu.dma_semaphore, #tpu.memory_space<semaphore_mem>>) src(%dma_wait3A_12 : memref<10000xi32, #tpu.memory_space<hbm>>) dst(%arg8 : memref<10000xi32, #tpu.memory_space<vmem>>)
    %dma_wait3A_13 = tpu.memref_slice %arg4[%mul3A_2] : memref<320000xi32, #tpu.memory_space<hbm>> -> memref<10000xi32, #tpu.memory_space<hbm>>
    %dma_wait3A_14 = tpu.memref_slice %arg4[%mul3A_2] : memref<320000xi32, #tpu.memory_space<hbm>> -> memref<10000xi32, #tpu.memory_space<hbm>>
    tpu.wait_dma2 semaphore(%arg23 : memref<!tpu.dma_semaphore, #tpu.memory_space<semaphore_mem>>) src(%dma_wait3A_14 : memref<10000xi32, #tpu.memory_space<hbm>>) dst(%arg9 : memref<10000xi32, #tpu.memory_space<vmem>>)
    %scan3A = arith.constant 0 : i32
    %scan3A_15 = arith.constant 0 : i32
    %scan3A_16 = arith.constant 8 : i32
    %scan3A_17 = arith.addi %scan3A_15, %scan3A_16 : i32
    %scan3A_18 = arith.constant 1 : i32
    scf.for %scan3A_1301 = %scan3A_15 to %scan3A_17 step %scan3A_18  : i32 {
      %mul3A_1302 = arith.constant 80 : i32
      %mul3A_1303 = arith.muli %scan3A_1301, %mul3A_1302 : i32
      %add3A_1304 = arith.constant 0 : i32
      %add3A_1305 = arith.addi %mul3A_1303, %add3A_1304 : i32
      %get3A_1306 = arith.index_cast %add3A_1305 : i32 to index
      %get3A_1307 = tpu.vector_load %arg7[%get3A_1306] {strides = array<i32>} : memref<10000xi32, #tpu.memory_space<vmem>>, vector<16xi32>,
      %get3A_1308 = vector.shape_cast %get3A_1307 : vector<16xi32> to vector<16xi32>
      %get3A_1309 = arith.index_cast %add3A_1305 : i32 to index
      %get3A_1310 = tpu.vector_load %arg8[%get3A_1309] {strides = array<i32>} : memref<10000xi32, #tpu.memory_space<vmem>>, vector<16xi32>,
      %get3A_1311 = vector.shape_cast %get3A_1310 : vector<16xi32> to vector<16xi32>
      %get3A_1312 = arith.index_cast %add3A_1305 : i32 to index
      %get3A_1313 = tpu.vector_load %arg9[%get3A_1312] {strides = array<i32>} : memref<10000xi32, #tpu.memory_space<vmem>>, vector<16xi32>,
      %get3A_1314 = vector.shape_cast %get3A_1313 : vector<16xi32> to vector<16xi32>
      %mul3A_1315 = arith.constant 6 : i32
      %mul3A_1316 = vector.broadcast %mul3A_1315 : i32 to vector<16xi32>
      %mul3A_1317 = arith.muli %get3A_1308, %mul3A_1316 : vector<16xi32>
      %add3A_1318 = arith.addi %mul3A_1317, %get3A_1311 : vector<16xi32>
      %mul3A_1319 = arith.constant 2 : i32
      %mul3A_1320 = vector.broadcast %mul3A_1319 : i32 to vector<16xi32>
      %mul3A_1321 = arith.muli %add3A_1318, %mul3A_1320 : vector<16xi32>
      %add3A_1322 = arith.addi %mul3A_1321, %get3A_1314 : vector<16xi32>
      %swap3A_1323 = arith.index_cast %scan3A_1301 : i32 to index
      %swap3A_1324 = arith.constant 0 : index
      %swap3A_1325 = tpu.vector_load %arg10[%swap3A_1323, %swap3A_1324] {strides = array<i32>} : memref<125x80xi32, #tpu.memory_space<vmem>>, vector<1x16xi32>,
      %swap3A_1326 = vector.shape_cast %swap3A_1325 : vector<1x16xi32> to vector<16xi32>
      %swap3A_1327 = vector.shape_cast %add3A_1322 : vector<16xi32> to vector<1x16xi32>
      tpu.vector_store %arg10[%swap3A_1323, %swap3A_1324], %swap3A_1327 {strides = array<i32>} : memref<125x80xi32, #tpu.memory_space<vmem>>, vector<1x16xi32>,
      %mul3A_1328 = arith.constant 80 : i32
      %mul3A_1329 = arith.muli %scan3A_1301, %mul3A_1328 : i32
      %add3A_1330 = arith.constant 16 : i32
      %add3A_1331 = arith.addi %mul3A_1329, %add3A_1330 : i32
      %get3A_1332 = arith.index_cast %add3A_1331 : i32 to index
      %get3A_1333 = tpu.vector_load %arg7[%get3A_1332] {strides = array<i32>} : memref<10000xi32, #tpu.memory_space<vmem>>, vector<16xi32>,
      %get3A_1334 = vector.shape_cast %get3A_1333 : vector<16xi32> to vector<16xi32>
      %get3A_1335 = arith.index_cast %add3A_1331 : i32 to index
      %get3A_1336 = tpu.vector_load %arg8[%get3A_1335] {strides = array<i32>} : memref<10000xi32, #tpu.memory_space<vmem>>, vector<16xi32>,
      %get3A_1337 = vector.shape_cast %get3A_1336 : vector<16xi32> to vector<16xi32>
      %get3A_1338 = arith.index_cast %add3A_1331 : i32 to index
      %get3A_1339 = tpu.vector_load %arg9[%get3A_1338] {strides = array<i32>} : memref<10000xi32, #tpu.memory_space<vmem>>, vector<16xi32>,
      %get3A_1340 = vector.shape_cast %get3A_1339 : vector<16xi32> to vector<16xi32>
      %mul3A_1341 = arith.constant 6 : i32
      %mul3A_1342 = vector.broadcast %mul3A_1341 : i32 to vector<16xi32>
      %mul3A_1343 = arith.muli %get3A_1334, %mul3A_1342 : vector<16xi32>
      %add3A_1344 = arith.addi %mul3A_1343, %get3A_1337 : vector<16xi32>
      %mul3A_1345 = arith.constant 2 : i32
      %mul3A_1346 = vector.broadcast %mul3A_1345 : i32 to vector<16xi32>
      %mul3A_1347 = arith.muli %add3A_1344, %mul3A_1346 : vector<16xi32>
      %add3A_1348 = arith.addi %mul3A_1347, %get3A_1340 : vector<16xi32>
      %swap3A_1349 = arith.index_cast %scan3A_1301 : i32 to index
      %swap3A_1350 = arith.constant 16 : index
      %swap3A_1351 = tpu.vector_load %arg10[%swap3A_1349, %swap3A_1350] {strides = array<i32>} : memref<125x80xi32, #tpu.memory_space<vmem>>, vector<1x16xi32>,
      %swap3A_1352 = vector.shape_cast %swap3A_1351 : vector<1x16xi32> to vector<16xi32>
      %swap3A_1353 = vector.shape_cast %add3A_1348 : vector<16xi32> to vector<1x16xi32>
      tpu.vector_store %arg10[%swap3A_1349, %swap3A_1350], %swap3A_1353 {strides = array<i32>} : memref<125x80xi32, #tpu.memory_space<vmem>>, vector<1x16xi32>,
      %mul3A_1354 = arith.constant 80 : i32
      %mul3A_1355 = arith.muli %scan3A_1301, %mul3A_1354 : i32
      %add3A_1356 = arith.constant 32 : i32
      %add3A_1357 = arith.addi %mul3A_1355, %add3A_1356 : i32
      %get3A_1358 = arith.index_cast %add3A_1357 : i32 to index
      %get3A_1359 = tpu.vector_load %arg7[%get3A_1358] {strides = array<i32>} : memref<10000xi32, #tpu.memory_space<vmem>>, vector<16xi32>,
      %get3A_1360 = vector.shape_cast %get3A_1359 : vector<16xi32> to vector<16xi32>
      %get3A_1361 = arith.index_cast %add3A_1357 : i32 to index
      %get3A_1362 = tpu.vector_load %arg8[%get3A_1361] {strides = array<i32>} : memref<10000xi32, #tpu.memory_space<vmem>>, vector<16xi32>,
      %get3A_1363 = vector.shape_cast %get3A_1362 : vector<16xi32> to vector<16xi32>
      %get3A_1364 = arith.index_cast %add3A_1357 : i32 to index
      %get3A_1365 = tpu.vector_load %arg9[%get3A_1364] {strides = array<i32>} : memref<10000xi32, #tpu.memory_space<vmem>>, vector<16xi32>,
      %get3A_1366 = vector.shape_cast %get3A_1365 : vector<16xi32> to vector<16xi32>
      %mul3A_1367 = arith.constant 6 : i32
      %mul3A_1368 = vector.broadcast %mul3A_1367 : i32 to vector<16xi32>
      %mul3A_1369 = arith.muli %get3A_1360, %mul3A_1368 : vector<16xi32>
      %add3A_1370 = arith.addi %mul3A_1369, %get3A_1363 : vector<16xi32>
      %mul3A_1371 = arith.constant 2 : i32
      %mul3A_1372 = vector.broadcast %mul3A_1371 : i32 to vector<16xi32>
      %mul3A_1373 = arith.muli %add3A_1370, %mul3A_1372 : vector<16xi32>
      %add3A_1374 = arith.addi %mul3A_1373, %get3A_1366 : vector<16xi32>
      %swap3A_1375 = arith.index_cast %scan3A_1301 : i32 to index
      %swap3A_1376 = arith.constant 32 : index
      %swap3A_1377 = tpu.vector_load %arg10[%swap3A_1375, %swap3A_1376] {strides = array<i32>} : memref<125x80xi32, #tpu.memory_space<vmem>>, vector<1x16xi32>,
      %swap3A_1378 = vector.shape_cast %swap3A_1377 : vector<1x16xi32> to vector<16xi32>
      %swap3A_1379 = vector.shape_cast %add3A_1374 : vector<16xi32> to vector<1x16xi32>
      tpu.vector_store %arg10[%swap3A_1375, %swap3A_1376], %swap3A_1379 {strides = array<i32>} : memref<125x80xi32, #tpu.memory_space<vmem>>, vector<1x16xi32>,
      %mul3A_1380 = arith.constant 80 : i32
      %mul3A_1381 = arith.muli %scan3A_1301, %mul3A_1380 : i32
      %add3A_1382 = arith.constant 48 : i32
      %add3A_1383 = arith.addi %mul3A_1381, %add3A_1382 : i32
      %get3A_1384 = arith.index_cast %add3A_1383 : i32 to index
      %get3A_1385 = tpu.vector_load %arg7[%get3A_1384] {strides = array<i32>} : memref<10000xi32, #tpu.memory_space<vmem>>, vector<16xi32>,
      %get3A_1386 = vector.shape_cast %get3A_1385 : vector<16xi32> to vector<16xi32>
      %get3A_1387 = arith.index_cast %add3A_1383 : i32 to index
      %get3A_1388 = tpu.vector_load %arg8[%get3A_1387] {strides = array<i32>} : memref<10000xi32, #tpu.memory_space<vmem>>, vector<16xi32>,
      %get3A_1389 = vector.shape_cast %get3A_1388 : vector<16xi32> to vector<16xi32>
      %get3A_1390 = arith.index_cast %add3A_1383 : i32 to index
      %get3A_1391 = tpu.vector_load %arg9[%get3A_1390] {strides = array<i32>} : memref<10000xi32, #tpu.memory_space<vmem>>, vector<16xi32>,
      %get3A_1392 = vector.shape_cast %get3A_1391 : vector<16xi32> to vector<16xi32>
      %mul3A_1393 = arith.constant 6 : i32
      %mul3A_1394 = vector.broadcast %mul3A_1393 : i32 to vector<16xi32>
      %mul3A_1395 = arith.muli %get3A_1386, %mul3A_1394 : vector<16xi32>
      %add3A_1396 = arith.addi %mul3A_1395, %get3A_1389 : vector<16xi32>
      %mul3A_1397 = arith.constant 2 : i32
      %mul3A_1398 = vector.broadcast %mul3A_1397 : i32 to vector<16xi32>
      %mul3A_1399 = arith.muli %add3A_1396, %mul3A_1398 : vector<16xi32>
      %add3A_1400 = arith.addi %mul3A_1399, %get3A_1392 : vector<16xi32>
      %swap3A_1401 = arith.index_cast %scan3A_1301 : i32 to index
      %swap3A_1402 = arith.constant 48 : index
      %swap3A_1403 = tpu.vector_load %arg10[%swap3A_1401, %swap3A_1402] {strides = array<i32>} : memref<125x80xi32, #tpu.memory_space<vmem>>, vector<1x16xi32>,
      %swap3A_1404 = vector.shape_cast %swap3A_1403 : vector<1x16xi32> to vector<16xi32>
      %swap3A_1405 = vector.shape_cast %add3A_1400 : vector<16xi32> to vector<1x16xi32>
      tpu.vector_store %arg10[%swap3A_1401, %swap3A_1402], %swap3A_1405 {strides = array<i32>} : memref<125x80xi32, #tpu.memory_space<vmem>>, vector<1x16xi32>,
      %mul3A_1406 = arith.constant 80 : i32
      %mul3A_1407 = arith.muli %scan3A_1301, %mul3A_1406 : i32
      %add3A_1408 = arith.constant 64 : i32
      %add3A_1409 = arith.addi %mul3A_1407, %add3A_1408 : i32
      %get3A_1410 = arith.index_cast %add3A_1409 : i32 to index
      %get3A_1411 = tpu.vector_load %arg7[%get3A_1410] {strides = array<i32>} : memref<10000xi32, #tpu.memory_space<vmem>>, vector<16xi32>,
      %get3A_1412 = vector.shape_cast %get3A_1411 : vector<16xi32> to vector<16xi32>
      %get3A_1413 = arith.index_cast %add3A_1409 : i32 to index
      %get3A_1414 = tpu.vector_load %arg8[%get3A_1413] {strides = array<i32>} : memref<10000xi32, #tpu.memory_space<vmem>>, vector<16xi32>,
      %get3A_1415 = vector.shape_cast %get3A_1414 : vector<16xi32> to vector<16xi32>
      %get3A_1416 = arith.index_cast %add3A_1409 : i32 to index
      %get3A_1417 = tpu.vector_load %arg9[%get3A_1416] {strides = array<i32>} : memref<10000xi32, #tpu.memory_space<vmem>>, vector<16xi32>,
      %get3A_1418 = vector.shape_cast %get3A_1417 : vector<16xi32> to vector<16xi32>
      %mul3A_1419 = arith.constant 6 : i32
      %mul3A_1420 = vector.broadcast %mul3A_1419 : i32 to vector<16xi32>
      %mul3A_1421 = arith.muli %get3A_1412, %mul3A_1420 : vector<16xi32>
      %add3A_1422 = arith.addi %mul3A_1421, %get3A_1415 : vector<16xi32>
      %mul3A_1423 = arith.constant 2 : i32
      %mul3A_1424 = vector.broadcast %mul3A_1423 : i32 to vector<16xi32>
      %mul3A_1425 = arith.muli %add3A_1422, %mul3A_1424 : vector<16xi32>
      %add3A_1426 = arith.addi %mul3A_1425, %get3A_1418 : vector<16xi32>
      %swap3A_1427 = arith.index_cast %scan3A_1301 : i32 to index
      %swap3A_1428 = arith.constant 64 : index
      %swap3A_1429 = tpu.vector_load %arg10[%swap3A_1427, %swap3A_1428] {strides = array<i32>} : memref<125x80xi32, #tpu.memory_space<vmem>>, vector<1x16xi32>,
      %swap3A_1430 = vector.shape_cast %swap3A_1429 : vector<1x16xi32> to vector<16xi32>
      %swap3A_1431 = vector.shape_cast %add3A_1426 : vector<16xi32> to vector<1x16xi32>
      tpu.vector_store %arg10[%swap3A_1427, %swap3A_1428], %swap3A_1431 {strides = array<i32>} : memref<125x80xi32, #tpu.memory_space<vmem>>, vector<1x16xi32>,
    }
    %scan3A_19 = arith.constant 8 : i32
    %barrier3A = arith.constant 0 : index
    tpu.barrier barrier_id(%barrier3A)
    %dma_start3A_20 = arith.constant 0 : i32
    %dma_start3A_21 = arith.constant 0 : i32
    %dma_start3A_22 = arith.constant 0 : i32
    %dma_start3A_23 = arith.constant 0 : i32
    %dma_start3A_24 = tpu.memref_slice %arg11[%dma_start3A_21, %dma_start3A_22, %dma_start3A_23] : memref<8x80x128xf32, #tpu.memory_space<vmem>> -> memref<1x80x128xf32, #tpu.memory_space<vmem>>
    %dma_start3A_25 = tpu.memref_squeeze %dma_start3A_24 : memref<1x80x128xf32, #tpu.memory_space<vmem>> -> memref<80x128xf32, #tpu.memory_space<vmem>>
    %dma_start3A_26 = arith.constant 0 : i32
    %dma_start3A_27 = tpu.memref_slice %arg10[%dma_start3A_20, %dma_start3A_26] : memref<125x80xi32, #tpu.memory_space<vmem>> -> memref<1x80xi32, #tpu.memory_space<vmem>>
    %dma_start3A_28 = tpu.memref_squeeze %dma_start3A_27 : memref<1x80xi32, #tpu.memory_space<vmem>> -> memref<80xi32, #tpu.memory_space<vmem>>
    %dma_start3A_29 = arith.constant 0 : i32
    %dma_start3A_30 = arith.constant 0 : i32
    %dma_start3A_31 = tpu.memref_slice %arg12[%dma_start3A_29, %dma_start3A_30] : memref<60x128xf32, #tpu.memory_space<vmem_shared>> -> memref<60x128xf32, #tpu.memory_space<vmem_shared>>
    tpu.enqueue_indirect_dma source(%dma_start3A_31 : memref<60x128xf32, #tpu.memory_space<vmem_shared>>) target(%dma_start3A_25 : memref<80x128xf32, #tpu.memory_space<vmem>>) offsets(%dma_start3A_28 : memref<80xi32, #tpu.memory_space<vmem>>) semaphore(%arg13 : memref<!tpu.dma_semaphore, #tpu.memory_space<semaphore_mem>>)
    %dma_start3A_32 = arith.constant 1 : i32
    %dma_start3A_33 = arith.constant 1 : i32
    %dma_start3A_34 = arith.constant 0 : i32
    %dma_start3A_35 = arith.constant 0 : i32
    %dma_start3A_36 = tpu.memref_slice %arg11[%dma_start3A_33, %dma_start3A_34, %dma_start3A_35] : memref<8x80x128xf32, #tpu.memory_space<vmem>> -> memref<1x80x128xf32, #tpu.memory_space<vmem>>
    %dma_start3A_37 = tpu.memref_squeeze %dma_start3A_36 : memref<1x80x128xf32, #tpu.memory_space<vmem>> -> memref<80x128xf32, #tpu.memory_space<vmem>>
    %dma_start3A_38 = arith.constant 0 : i32
    %dma_start3A_39 = tpu.memref_slice %arg10[%dma_start3A_32, %dma_start3A_38] : memref<125x80xi32, #tpu.memory_space<vmem>> -> memref<1x80xi32, #tpu.memory_space<vmem>>
    %dma_start3A_40 = tpu.memref_squeeze %dma_start3A_39 : memref<1x80xi32, #tpu.memory_space<vmem>> -> memref<80xi32, #tpu.memory_space<vmem>>
    %dma_start3A_41 = arith.constant 0 : i32
    %dma_start3A_42 = arith.constant 0 : i32
    %dma_start3A_43 = tpu.memref_slice %arg12[%dma_start3A_41, %dma_start3A_42] : memref<60x128xf32, #tpu.memory_space<vmem_shared>> -> memref<60x128xf32, #tpu.memory_space<vmem_shared>>
    tpu.enqueue_indirect_dma source(%dma_start3A_43 : memref<60x128xf32, #tpu.memory_space<vmem_shared>>) target(%dma_start3A_37 : memref<80x128xf32, #tpu.memory_space<vmem>>) offsets(%dma_start3A_40 : memref<80xi32, #tpu.memory_space<vmem>>) semaphore(%arg14 : memref<!tpu.dma_semaphore, #tpu.memory_space<semaphore_mem>>)
    %dma_start3A_44 = arith.constant 2 : i32
    %dma_start3A_45 = arith.constant 2 : i32
    %dma_start3A_46 = arith.constant 0 : i32
    %dma_start3A_47 = arith.constant 0 : i32
    %dma_start3A_48 = tpu.memref_slice %arg11[%dma_start3A_45, %dma_start3A_46, %dma_start3A_47] : memref<8x80x128xf32, #tpu.memory_space<vmem>> -> memref<1x80x128xf32, #tpu.memory_space<vmem>>
    %dma_start3A_49 = tpu.memref_squeeze %dma_start3A_48 : memref<1x80x128xf32, #tpu.memory_space<vmem>> -> memref<80x128xf32, #tpu.memory_space<vmem>>
    %dma_start3A_50 = arith.constant 0 : i32
    %dma_start3A_51 = tpu.memref_slice %arg10[%dma_start3A_44, %dma_start3A_50] : memref<125x80xi32, #tpu.memory_space<vmem>> -> memref<1x80xi32, #tpu.memory_space<vmem>>
    %dma_start3A_52 = tpu.memref_squeeze %dma_start3A_51 : memref<1x80xi32, #tpu.memory_space<vmem>> -> memref<80xi32, #tpu.memory_space<vmem>>
    %dma_start3A_53 = arith.constant 0 : i32
    %dma_start3A_54 = arith.constant 0 : i32
    %dma_start3A_55 = tpu.memref_slice %arg12[%dma_start3A_53, %dma_start3A_54] : memref<60x128xf32, #tpu.memory_space<vmem_shared>> -> memref<60x128xf32, #tpu.memory_space<vmem_shared>>
    tpu.enqueue_indirect_dma source(%dma_start3A_55 : memref<60x128xf32, #tpu.memory_space<vmem_shared>>) target(%dma_start3A_49 : memref<80x128xf32, #tpu.memory_space<vmem>>) offsets(%dma_start3A_52 : memref<80xi32, #tpu.memory_space<vmem>>) semaphore(%arg15 : memref<!tpu.dma_semaphore, #tpu.memory_space<semaphore_mem>>)
    %dma_start3A_56 = arith.constant 3 : i32
    %dma_start3A_57 = arith.constant 3 : i32
    %dma_start3A_58 = arith.constant 0 : i32
    %dma_start3A_59 = arith.constant 0 : i32
    %dma_start3A_60 = tpu.memref_slice %arg11[%dma_start3A_57, %dma_start3A_58, %dma_start3A_59] : memref<8x80x128xf32, #tpu.memory_space<vmem>> -> memref<1x80x128xf32, #tpu.memory_space<vmem>>
    %dma_start3A_61 = tpu.memref_squeeze %dma_start3A_60 : memref<1x80x128xf32, #tpu.memory_space<vmem>> -> memref<80x128xf32, #tpu.memory_space<vmem>>
    %dma_start3A_62 = arith.constant 0 : i32
    %dma_start3A_63 = tpu.memref_slice %arg10[%dma_start3A_56, %dma_start3A_62] : memref<125x80xi32, #tpu.memory_space<vmem>> -> memref<1x80xi32, #tpu.memory_space<vmem>>
    %dma_start3A_64 = tpu.memref_squeeze %dma_start3A_63 : memref<1x80xi32, #tpu.memory_space<vmem>> -> memref<80xi32, #tpu.memory_space<vmem>>
    %dma_start3A_65 = arith.constant 0 : i32
    %dma_start3A_66 = arith.constant 0 : i32
    %dma_start3A_67 = tpu.memref_slice %arg12[%dma_start3A_65, %dma_start3A_66] : memref<60x128xf32, #tpu.memory_space<vmem_shared>> -> memref<60x128xf32, #tpu.memory_space<vmem_shared>>
    tpu.enqueue_indirect_dma source(%dma_start3A_67 : memref<60x128xf32, #tpu.memory_space<vmem_shared>>) target(%dma_start3A_61 : memref<80x128xf32, #tpu.memory_space<vmem>>) offsets(%dma_start3A_64 : memref<80xi32, #tpu.memory_space<vmem>>) semaphore(%arg16 : memref<!tpu.dma_semaphore, #tpu.memory_space<semaphore_mem>>)
    %dma_start3A_68 = arith.constant 4 : i32
    %dma_start3A_69 = arith.constant 4 : i32
    %dma_start3A_70 = arith.constant 0 : i32
    %dma_start3A_71 = arith.constant 0 : i32
    %dma_start3A_72 = tpu.memref_slice %arg11[%dma_start3A_69, %dma_start3A_70, %dma_start3A_71] : memref<8x80x128xf32, #tpu.memory_space<vmem>> -> memref<1x80x128xf32, #tpu.memory_space<vmem>>
    %dma_start3A_73 = tpu.memref_squeeze %dma_start3A_72 : memref<1x80x128xf32, #tpu.memory_space<vmem>> -> memref<80x128xf32, #tpu.memory_space<vmem>>
    %dma_start3A_74 = arith.constant 0 : i32
    %dma_start3A_75 = tpu.memref_slice %arg10[%dma_start3A_68, %dma_start3A_74] : memref<125x80xi32, #tpu.memory_space<vmem>> -> memref<1x80xi32, #tpu.memory_space<vmem>>
    %dma_start3A_76 = tpu.memref_squeeze %dma_start3A_75 : memref<1x80xi32, #tpu.memory_space<vmem>> -> memref<80xi32, #tpu.memory_space<vmem>>
    %dma_start3A_77 = arith.constant 0 : i32
    %dma_start3A_78 = arith.constant 0 : i32
    %dma_start3A_79 = tpu.memref_slice %arg12[%dma_start3A_77, %dma_start3A_78] : memref<60x128xf32, #tpu.memory_space<vmem_shared>> -> memref<60x128xf32, #tpu.memory_space<vmem_shared>>
    tpu.enqueue_indirect_dma source(%dma_start3A_79 : memref<60x128xf32, #tpu.memory_space<vmem_shared>>) target(%dma_start3A_73 : memref<80x128xf32, #tpu.memory_space<vmem>>) offsets(%dma_start3A_76 : memref<80xi32, #tpu.memory_space<vmem>>) semaphore(%arg17 : memref<!tpu.dma_semaphore, #tpu.memory_space<semaphore_mem>>)
    %dma_start3A_80 = arith.constant 5 : i32
    %dma_start3A_81 = arith.constant 5 : i32
    %dma_start3A_82 = arith.constant 0 : i32
    %dma_start3A_83 = arith.constant 0 : i32
    %dma_start3A_84 = tpu.memref_slice %arg11[%dma_start3A_81, %dma_start3A_82, %dma_start3A_83] : memref<8x80x128xf32, #tpu.memory_space<vmem>> -> memref<1x80x128xf32, #tpu.memory_space<vmem>>
    %dma_start3A_85 = tpu.memref_squeeze %dma_start3A_84 : memref<1x80x128xf32, #tpu.memory_space<vmem>> -> memref<80x128xf32, #tpu.memory_space<vmem>>
    %dma_start3A_86 = arith.constant 0 : i32
    %dma_start3A_87 = tpu.memref_slice %arg10[%dma_start3A_80, %dma_start3A_86] : memref<125x80xi32, #tpu.memory_space<vmem>> -> memref<1x80xi32, #tpu.memory_space<vmem>>
    %dma_start3A_88 = tpu.memref_squeeze %dma_start3A_87 : memref<1x80xi32, #tpu.memory_space<vmem>> -> memref<80xi32, #tpu.memory_space<vmem>>
    %dma_start3A_89 = arith.constant 0 : i32
    %dma_start3A_90 = arith.constant 0 : i32
    %dma_start3A_91 = tpu.memref_slice %arg12[%dma_start3A_89, %dma_start3A_90] : memref<60x128xf32, #tpu.memory_space<vmem_shared>> -> memref<60x128xf32, #tpu.memory_space<vmem_shared>>
    tpu.enqueue_indirect_dma source(%dma_start3A_91 : memref<60x128xf32, #tpu.memory_space<vmem_shared>>) target(%dma_start3A_85 : memref<80x128xf32, #tpu.memory_space<vmem>>) offsets(%dma_start3A_88 : memref<80xi32, #tpu.memory_space<vmem>>) semaphore(%arg18 : memref<!tpu.dma_semaphore, #tpu.memory_space<semaphore_mem>>)
    %dma_start3A_92 = arith.constant 6 : i32
    %dma_start3A_93 = arith.constant 6 : i32
    %dma_start3A_94 = arith.constant 0 : i32
    %dma_start3A_95 = arith.constant 0 : i32
    %dma_start3A_96 = tpu.memref_slice %arg11[%dma_start3A_93, %dma_start3A_94, %dma_start3A_95] : memref<8x80x128xf32, #tpu.memory_space<vmem>> -> memref<1x80x128xf32, #tpu.memory_space<vmem>>
    %dma_start3A_97 = tpu.memref_squeeze %dma_start3A_96 : memref<1x80x128xf32, #tpu.memory_space<vmem>> -> memref<80x128xf32, #tpu.memory_space<vmem>>
    %dma_start3A_98 = arith.constant 0 : i32
    %dma_start3A_99 = tpu.memref_slice %arg10[%dma_start3A_92, %dma_start3A_98] : memref<125x80xi32, #tpu.memory_space<vmem>> -> memref<1x80xi32, #tpu.memory_space<vmem>>
    %dma_start3A_100 = tpu.memref_squeeze %dma_start3A_99 : memref<1x80xi32, #tpu.memory_space<vmem>> -> memref<80xi32, #tpu.memory_space<vmem>>
    %dma_start3A_101 = arith.constant 0 : i32
    %dma_start3A_102 = arith.constant 0 : i32
    %dma_start3A_103 = tpu.memref_slice %arg12[%dma_start3A_101, %dma_start3A_102] : memref<60x128xf32, #tpu.memory_space<vmem_shared>> -> memref<60x128xf32, #tpu.memory_space<vmem_shared>>
    tpu.enqueue_indirect_dma source(%dma_start3A_103 : memref<60x128xf32, #tpu.memory_space<vmem_shared>>) target(%dma_start3A_97 : memref<80x128xf32, #tpu.memory_space<vmem>>) offsets(%dma_start3A_100 : memref<80xi32, #tpu.memory_space<vmem>>) semaphore(%arg19 : memref<!tpu.dma_semaphore, #tpu.memory_space<semaphore_mem>>)
    %dma_start3A_104 = arith.constant 7 : i32
    %dma_start3A_105 = arith.constant 7 : i32
    %dma_start3A_106 = arith.constant 0 : i32
    %dma_start3A_107 = arith.constant 0 : i32
    %dma_start3A_108 = tpu.memref_slice %arg11[%dma_start3A_105, %dma_start3A_106, %dma_start3A_107] : memref<8x80x128xf32, #tpu.memory_space<vmem>> -> memref<1x80x128xf32, #tpu.memory_space<vmem>>
    %dma_start3A_109 = tpu.memref_squeeze %dma_start3A_108 : memref<1x80x128xf32, #tpu.memory_space<vmem>> -> memref<80x128xf32, #tpu.memory_space<vmem>>
    %dma_start3A_110 = arith.constant 0 : i32
    %dma_start3A_111 = tpu.memref_slice %arg10[%dma_start3A_104, %dma_start3A_110] : memref<125x80xi32, #tpu.memory_space<vmem>> -> memref<1x80xi32, #tpu.memory_space<vmem>>
    %dma_start3A_112 = tpu.memref_squeeze %dma_start3A_111 : memref<1x80xi32, #tpu.memory_space<vmem>> -> memref<80xi32, #tpu.memory_space<vmem>>
    %dma_start3A_113 = arith.constant 0 : i32
    %dma_start3A_114 = arith.constant 0 : i32
    %dma_start3A_115 = tpu.memref_slice %arg12[%dma_start3A_113, %dma_start3A_114] : memref<60x128xf32, #tpu.memory_space<vmem_shared>> -> memref<60x128xf32, #tpu.memory_space<vmem_shared>>
    tpu.enqueue_indirect_dma source(%dma_start3A_115 : memref<60x128xf32, #tpu.memory_space<vmem_shared>>) target(%dma_start3A_109 : memref<80x128xf32, #tpu.memory_space<vmem>>) offsets(%dma_start3A_112 : memref<80xi32, #tpu.memory_space<vmem>>) semaphore(%arg20 : memref<!tpu.dma_semaphore, #tpu.memory_space<semaphore_mem>>)
    %scan3A_116 = arith.constant 0 : i32
    %scan3A_117 = arith.constant 0 : i32
    %scan3A_118 = arith.constant 14 : i32
    %scan3A_119 = arith.addi %scan3A_117, %scan3A_118 : i32
    %scan3A_120 = arith.constant 1 : i32
    scf.for %scan3A_1301 = %scan3A_117 to %scan3A_119 step %scan3A_120  : i32 {
      %mul3A_1302 = arith.constant 8 : i32
      %mul3A_1303 = arith.muli %scan3A_1301, %mul3A_1302 : i32
      %add3A_1304 = arith.constant 0 : i32
      %add3A_1305 = arith.addi %mul3A_1303, %add3A_1304 : i32
      %add3A_1306 = arith.constant 8 : i32
      %add3A_1307 = arith.addi %add3A_1305, %add3A_1306 : i32
      %mul3A_1308 = arith.constant 80 : i32
      %mul3A_1309 = arith.muli %add3A_1307, %mul3A_1308 : i32
      %add3A_1310 = arith.constant 0 : i32
      %add3A_1311 = arith.addi %mul3A_1309, %add3A_1310 : i32
      %get3A_1312 = arith.index_cast %add3A_1311 : i32 to index
      %get3A_1313 = tpu.vector_load %arg7[%get3A_1312] {strides = array<i32>} : memref<10000xi32, #tpu.memory_space<vmem>>, vector<16xi32>,
      %get3A_1314 = vector.shape_cast %get3A_1313 : vector<16xi32> to vector<16xi32>
      %get3A_1315 = arith.index_cast %add3A_1311 : i32 to index
      %get3A_1316 = tpu.vector_load %arg8[%get3A_1315] {strides = array<i32>} : memref<10000xi32, #tpu.memory_space<vmem>>, vector<16xi32>,
      %get3A_1317 = vector.shape_cast %get3A_1316 : vector<16xi32> to vector<16xi32>
      %get3A_1318 = arith.index_cast %add3A_1311 : i32 to index
      %get3A_1319 = tpu.vector_load %arg9[%get3A_1318] {strides = array<i32>} : memref<10000xi32, #tpu.memory_space<vmem>>, vector<16xi32>,
      %get3A_1320 = vector.shape_cast %get3A_1319 : vector<16xi32> to vector<16xi32>
      %mul3A_1321 = arith.constant 6 : i32
      %mul3A_1322 = vector.broadcast %mul3A_1321 : i32 to vector<16xi32>
      %mul3A_1323 = arith.muli %get3A_1314, %mul3A_1322 : vector<16xi32>
      %add3A_1324 = arith.addi %mul3A_1323, %get3A_1317 : vector<16xi32>
      %mul3A_1325 = arith.constant 2 : i32
      %mul3A_1326 = vector.broadcast %mul3A_1325 : i32 to vector<16xi32>
      %mul3A_1327 = arith.muli %add3A_1324, %mul3A_1326 : vector<16xi32>
      %add3A_1328 = arith.addi %mul3A_1327, %get3A_1320 : vector<16xi32>
      %swap3A_1329 = arith.index_cast %add3A_1307 : i32 to index
      %swap3A_1330 = arith.constant 0 : index
      %swap3A_1331 = tpu.vector_load %arg10[%swap3A_1329, %swap3A_1330] {strides = array<i32>} : memref<125x80xi32, #tpu.memory_space<vmem>>, vector<1x16xi32>,
      %swap3A_1332 = vector.shape_cast %swap3A_1331 : vector<1x16xi32> to vector<16xi32>
      %swap3A_1333 = vector.shape_cast %add3A_1328 : vector<16xi32> to vector<1x16xi32>
      tpu.vector_store %arg10[%swap3A_1329, %swap3A_1330], %swap3A_1333 {strides = array<i32>} : memref<125x80xi32, #tpu.memory_space<vmem>>, vector<1x16xi32>,
      %mul3A_1334 = arith.constant 80 : i32
      %mul3A_1335 = arith.muli %add3A_1307, %mul3A_1334 : i32
      %add3A_1336 = arith.constant 16 : i32
      %add3A_1337 = arith.addi %mul3A_1335, %add3A_1336 : i32
      %get3A_1338 = arith.index_cast %add3A_1337 : i32 to index
      %get3A_1339 = tpu.vector_load %arg7[%get3A_1338] {strides = array<i32>} : memref<10000xi32, #tpu.memory_space<vmem>>, vector<16xi32>,
      %get3A_1340 = vector.shape_cast %get3A_1339 : vector<16xi32> to vector<16xi32>
      %get3A_1341 = arith.index_cast %add3A_1337 : i32 to index
      %get3A_1342 = tpu.vector_load %arg8[%get3A_1341] {strides = array<i32>} : memref<10000xi32, #tpu.memory_space<vmem>>, vector<16xi32>,
      %get3A_1343 = vector.shape_cast %get3A_1342 : vector<16xi32> to vector<16xi32>
      %get3A_1344 = arith.index_cast %add3A_1337 : i32 to index
      %get3A_1345 = tpu.vector_load %arg9[%get3A_1344] {strides = array<i32>} : memref<10000xi32, #tpu.memory_space<vmem>>, vector<16xi32>,
      %get3A_1346 = vector.shape_cast %get3A_1345 : vector<16xi32> to vector<16xi32>
      %mul3A_1347 = arith.constant 6 : i32
      %mul3A_1348 = vector.broadcast %mul3A_1347 : i32 to vector<16xi32>
      %mul3A_1349 = arith.muli %get3A_1340, %mul3A_1348 : vector<16xi32>
      %add3A_1350 = arith.addi %mul3A_1349, %get3A_1343 : vector<16xi32>
      %mul3A_1351 = arith.constant 2 : i32
      %mul3A_1352 = vector.broadcast %mul3A_1351 : i32 to vector<16xi32>
      %mul3A_1353 = arith.muli %add3A_1350, %mul3A_1352 : vector<16xi32>
      %add3A_1354 = arith.addi %mul3A_1353, %get3A_1346 : vector<16xi32>
      %swap3A_1355 = arith.index_cast %add3A_1307 : i32 to index
      %swap3A_1356 = arith.constant 16 : index
      %swap3A_1357 = tpu.vector_load %arg10[%swap3A_1355, %swap3A_1356] {strides = array<i32>} : memref<125x80xi32, #tpu.memory_space<vmem>>, vector<1x16xi32>,
      %swap3A_1358 = vector.shape_cast %swap3A_1357 : vector<1x16xi32> to vector<16xi32>
      %swap3A_1359 = vector.shape_cast %add3A_1354 : vector<16xi32> to vector<1x16xi32>
      tpu.vector_store %arg10[%swap3A_1355, %swap3A_1356], %swap3A_1359 {strides = array<i32>} : memref<125x80xi32, #tpu.memory_space<vmem>>, vector<1x16xi32>,
      %mul3A_1360 = arith.constant 80 : i32
      %mul3A_1361 = arith.muli %add3A_1307, %mul3A_1360 : i32
      %add3A_1362 = arith.constant 32 : i32
      %add3A_1363 = arith.addi %mul3A_1361, %add3A_1362 : i32
      %get3A_1364 = arith.index_cast %add3A_1363 : i32 to index
      %get3A_1365 = tpu.vector_load %arg7[%get3A_1364] {strides = array<i32>} : memref<10000xi32, #tpu.memory_space<vmem>>, vector<16xi32>,
      %get3A_1366 = vector.shape_cast %get3A_1365 : vector<16xi32> to vector<16xi32>
      %get3A_1367 = arith.index_cast %add3A_1363 : i32 to index
      %get3A_1368 = tpu.vector_load %arg8[%get3A_1367] {strides = array<i32>} : memref<10000xi32, #tpu.memory_space<vmem>>, vector<16xi32>,
      %get3A_1369 = vector.shape_cast %get3A_1368 : vector<16xi32> to vector<16xi32>
      %get3A_1370 = arith.index_cast %add3A_1363 : i32 to index
      %get3A_1371 = tpu.vector_load %arg9[%get3A_1370] {strides = array<i32>} : memref<10000xi32, #tpu.memory_space<vmem>>, vector<16xi32>,
      %get3A_1372 = vector.shape_cast %get3A_1371 : vector<16xi32> to vector<16xi32>
      %mul3A_1373 = arith.constant 6 : i32
      %mul3A_1374 = vector.broadcast %mul3A_1373 : i32 to vector<16xi32>
      %mul3A_1375 = arith.muli %get3A_1366, %mul3A_1374 : vector<16xi32>
      %add3A_1376 = arith.addi %mul3A_1375, %get3A_1369 : vector<16xi32>
      %mul3A_1377 = arith.constant 2 : i32
      %mul3A_1378 = vector.broadcast %mul3A_1377 : i32 to vector<16xi32>
      %mul3A_1379 = arith.muli %add3A_1376, %mul3A_1378 : vector<16xi32>
      %add3A_1380 = arith.addi %mul3A_1379, %get3A_1372 : vector<16xi32>
      %swap3A_1381 = arith.index_cast %add3A_1307 : i32 to index
      %swap3A_1382 = arith.constant 32 : index
      %swap3A_1383 = tpu.vector_load %arg10[%swap3A_1381, %swap3A_1382] {strides = array<i32>} : memref<125x80xi32, #tpu.memory_space<vmem>>, vector<1x16xi32>,
      %swap3A_1384 = vector.shape_cast %swap3A_1383 : vector<1x16xi32> to vector<16xi32>
      %swap3A_1385 = vector.shape_cast %add3A_1380 : vector<16xi32> to vector<1x16xi32>
      tpu.vector_store %arg10[%swap3A_1381, %swap3A_1382], %swap3A_1385 {strides = array<i32>} : memref<125x80xi32, #tpu.memory_space<vmem>>, vector<1x16xi32>,
      %mul3A_1386 = arith.constant 80 : i32
      %mul3A_1387 = arith.muli %add3A_1307, %mul3A_1386 : i32
      %add3A_1388 = arith.constant 48 : i32
      %add3A_1389 = arith.addi %mul3A_1387, %add3A_1388 : i32
      %get3A_1390 = arith.index_cast %add3A_1389 : i32 to index
      %get3A_1391 = tpu.vector_load %arg7[%get3A_1390] {strides = array<i32>} : memref<10000xi32, #tpu.memory_space<vmem>>, vector<16xi32>,
      %get3A_1392 = vector.shape_cast %get3A_1391 : vector<16xi32> to vector<16xi32>
      %get3A_1393 = arith.index_cast %add3A_1389 : i32 to index
      %get3A_1394 = tpu.vector_load %arg8[%get3A_1393] {strides = array<i32>} : memref<10000xi32, #tpu.memory_space<vmem>>, vector<16xi32>,
      %get3A_1395 = vector.shape_cast %get3A_1394 : vector<16xi32> to vector<16xi32>
      %get3A_1396 = arith.index_cast %add3A_1389 : i32 to index
      %get3A_1397 = tpu.vector_load %arg9[%get3A_1396] {strides = array<i32>} : memref<10000xi32, #tpu.memory_space<vmem>>, vector<16xi32>,
      %get3A_1398 = vector.shape_cast %get3A_1397 : vector<16xi32> to vector<16xi32>
      %mul3A_1399 = arith.constant 6 : i32
      %mul3A_1400 = vector.broadcast %mul3A_1399 : i32 to vector<16xi32>
      %mul3A_1401 = arith.muli %get3A_1392, %mul3A_1400 : vector<16xi32>
      %add3A_1402 = arith.addi %mul3A_1401, %get3A_1395 : vector<16xi32>
      %mul3A_1403 = arith.constant 2 : i32
      %mul3A_1404 = vector.broadcast %mul3A_1403 : i32 to vector<16xi32>
      %mul3A_1405 = arith.muli %add3A_1402, %mul3A_1404 : vector<16xi32>
      %add3A_1406 = arith.addi %mul3A_1405, %get3A_1398 : vector<16xi32>
      %swap3A_1407 = arith.index_cast %add3A_1307 : i32 to index
      %swap3A_1408 = arith.constant 48 : index
      %swap3A_1409 = tpu.vector_load %arg10[%swap3A_1407, %swap3A_1408] {strides = array<i32>} : memref<125x80xi32, #tpu.memory_space<vmem>>, vector<1x16xi32>,
      %swap3A_1410 = vector.shape_cast %swap3A_1409 : vector<1x16xi32> to vector<16xi32>
      %swap3A_1411 = vector.shape_cast %add3A_1406 : vector<16xi32> to vector<1x16xi32>
      tpu.vector_store %arg10[%swap3A_1407, %swap3A_1408], %swap3A_1411 {strides = array<i32>} : memref<125x80xi32, #tpu.memory_space<vmem>>, vector<1x16xi32>,
      %mul3A_1412 = arith.constant 80 : i32
      %mul3A_1413 = arith.muli %add3A_1307, %mul3A_1412 : i32
      %add3A_1414 = arith.constant 64 : i32
      %add3A_1415 = arith.addi %mul3A_1413, %add3A_1414 : i32
      %get3A_1416 = arith.index_cast %add3A_1415 : i32 to index
      %get3A_1417 = tpu.vector_load %arg7[%get3A_1416] {strides = array<i32>} : memref<10000xi32, #tpu.memory_space<vmem>>, vector<16xi32>,
      %get3A_1418 = vector.shape_cast %get3A_1417 : vector<16xi32> to vector<16xi32>
      %get3A_1419 = arith.index_cast %add3A_1415 : i32 to index
      %get3A_1420 = tpu.vector_load %arg8[%get3A_1419] {strides = array<i32>} : memref<10000xi32, #tpu.memory_space<vmem>>, vector<16xi32>,
      %get3A_1421 = vector.shape_cast %get3A_1420 : vector<16xi32> to vector<16xi32>
      %get3A_1422 = arith.index_cast %add3A_1415 : i32 to index
      %get3A_1423 = tpu.vector_load %arg9[%get3A_1422] {strides = array<i32>} : memref<10000xi32, #tpu.memory_space<vmem>>, vector<16xi32>,
      %get3A_1424 = vector.shape_cast %get3A_1423 : vector<16xi32> to vector<16xi32>
      %mul3A_1425 = arith.constant 6 : i32
      %mul3A_1426 = vector.broadcast %mul3A_1425 : i32 to vector<16xi32>
      %mul3A_1427 = arith.muli %get3A_1418, %mul3A_1426 : vector<16xi32>
      %add3A_1428 = arith.addi %mul3A_1427, %get3A_1421 : vector<16xi32>
      %mul3A_1429 = arith.constant 2 : i32
      %mul3A_1430 = vector.broadcast %mul3A_1429 : i32 to vector<16xi32>
      %mul3A_1431 = arith.muli %add3A_1428, %mul3A_1430 : vector<16xi32>
      %add3A_1432 = arith.addi %mul3A_1431, %get3A_1424 : vector<16xi32>
      %swap3A_1433 = arith.index_cast %add3A_1307 : i32 to index
      %swap3A_1434 = arith.constant 64 : index
      %swap3A_1435 = tpu.vector_load %arg10[%swap3A_1433, %swap3A_1434] {strides = array<i32>} : memref<125x80xi32, #tpu.memory_space<vmem>>, vector<1x16xi32>,
      %swap3A_1436 = vector.shape_cast %swap3A_1435 : vector<1x16xi32> to vector<16xi32>
      %swap3A_1437 = vector.shape_cast %add3A_1432 : vector<16xi32> to vector<1x16xi32>
      tpu.vector_store %arg10[%swap3A_1433, %swap3A_1434], %swap3A_1437 {strides = array<i32>} : memref<125x80xi32, #tpu.memory_space<vmem>>, vector<1x16xi32>,
      %add3A_1438 = arith.constant 0 : i32
      %add3A_1439 = arith.addi %mul3A_1303, %add3A_1438 : i32
      %dma_wait3A_1440 = arith.constant 0 : i32
      %dma_wait3A_1441 = arith.constant 0 : i32
      %dma_wait3A_1442 = arith.constant 0 : i32
      %dma_wait3A_1443 = tpu.memref_slice %arg11[%dma_wait3A_1440, %dma_wait3A_1441, %dma_wait3A_1442] : memref<8x80x128xf32, #tpu.memory_space<vmem>> -> memref<1x80x128xf32, #tpu.memory_space<vmem>>
      %dma_wait3A_1444 = tpu.memref_squeeze %dma_wait3A_1443 : memref<1x80x128xf32, #tpu.memory_space<vmem>> -> memref<80x128xf32, #tpu.memory_space<vmem>>
      %dma_wait3A_1445 = arith.constant 0 : i32
      %dma_wait3A_1446 = tpu.memref_slice %arg10[%add3A_1439, %dma_wait3A_1445] : memref<125x80xi32, #tpu.memory_space<vmem>> -> memref<1x80xi32, #tpu.memory_space<vmem>>
      %dma_wait3A_1447 = tpu.memref_squeeze %dma_wait3A_1446 : memref<1x80xi32, #tpu.memory_space<vmem>> -> memref<80xi32, #tpu.memory_space<vmem>>
      %dma_wait3A_1448 = arith.constant 0 : i32
      %dma_wait3A_1449 = arith.constant 0 : i32
      %dma_wait3A_1450 = tpu.memref_slice %arg12[%dma_wait3A_1448, %dma_wait3A_1449] : memref<60x128xf32, #tpu.memory_space<vmem_shared>> -> memref<60x128xf32, #tpu.memory_space<vmem_shared>>
      tpu.wait_indirect_dma semaphore(%arg13 : memref<!tpu.dma_semaphore, #tpu.memory_space<semaphore_mem>>) src(%dma_wait3A_1450 : memref<60x128xf32, #tpu.memory_space<vmem_shared>>) dst(%dma_wait3A_1444 : memref<80x128xf32, #tpu.memory_space<vmem>>)
      %add3A_1451 = arith.constant 0 : i32
      %add3A_1452 = arith.addi %mul3A_1303, %add3A_1451 : i32
      %mul3A_1453 = arith.constant 80 : i32
      %mul3A_1454 = arith.muli %add3A_1452, %mul3A_1453 : i32
      %add3A_1455 = arith.addi %mul3A_2, %mul3A_1454 : i32
      %dma_start3A_1456 = arith.constant 0 : i32
      %dma_start3A_1457 = arith.constant 0 : i32
      %dma_start3A_1458 = arith.constant 0 : i32
      %dma_start3A_1459 = tpu.memref_slice %arg11[%dma_start3A_1456, %dma_start3A_1457, %dma_start3A_1458] : memref<8x80x128xf32, #tpu.memory_space<vmem>> -> memref<1x80x128xf32, #tpu.memory_space<vmem>>
      %dma_start3A_1460 = tpu.memref_squeeze %dma_start3A_1459 : memref<1x80x128xf32, #tpu.memory_space<vmem>> -> memref<80x128xf32, #tpu.memory_space<vmem>>
      %dma_start3A_1461 = arith.constant 0 : i32
      %dma_start3A_1462 = tpu.memref_slice %arg6[%add3A_1455, %dma_start3A_1461] : memref<320000x128xf32, #tpu.memory_space<hbm>> -> memref<80x128xf32, #tpu.memory_space<hbm>>
      %dma_start3A_1463 = arith.constant 0 : i32
      %dma_start3A_1464 = tpu.memref_slice %arg6[%add3A_1455, %dma_start3A_1463] : memref<320000x128xf32, #tpu.memory_space<hbm>> -> memref<80x128xf32, #tpu.memory_space<hbm>>
      %dma_start3A_1465 = arith.constant 0 : i32
      %dma_start3A_1466 = arith.constant 0 : i32
      %dma_start3A_1467 = tpu.memref_slice %arg11[%dma_start3A_1456, %dma_start3A_1465, %dma_start3A_1466] : memref<8x80x128xf32, #tpu.memory_space<vmem>> -> memref<1x80x128xf32, #tpu.memory_space<vmem>>
      %dma_start3A_1468 = tpu.memref_squeeze %dma_start3A_1467 : memref<1x80x128xf32, #tpu.memory_space<vmem>> -> memref<80x128xf32, #tpu.memory_space<vmem>>
      tpu.enqueue_dma source(%dma_start3A_1468 : memref<80x128xf32, #tpu.memory_space<vmem>>) target(%dma_start3A_1464 : memref<80x128xf32, #tpu.memory_space<hbm>>) target_semaphore(%arg21 : memref<!tpu.dma_semaphore, #tpu.memory_space<semaphore_mem>>)
      %add3A_1469 = arith.constant 1 : i32
      %add3A_1470 = arith.addi %mul3A_1303, %add3A_1469 : i32
      %add3A_1471 = arith.constant 8 : i32
      %add3A_1472 = arith.addi %add3A_1470, %add3A_1471 : i32
      %mul3A_1473 = arith.constant 80 : i32
      %mul3A_1474 = arith.muli %add3A_1472, %mul3A_1473 : i32
      %add3A_1475 = arith.constant 0 : i32
      %add3A_1476 = arith.addi %mul3A_1474, %add3A_1475 : i32
      %get3A_1477 = arith.index_cast %add3A_1476 : i32 to index
      %get3A_1478 = tpu.vector_load %arg7[%get3A_1477] {strides = array<i32>} : memref<10000xi32, #tpu.memory_space<vmem>>, vector<16xi32>,
      %get3A_1479 = vector.shape_cast %get3A_1478 : vector<16xi32> to vector<16xi32>
      %get3A_1480 = arith.index_cast %add3A_1476 : i32 to index
      %get3A_1481 = tpu.vector_load %arg8[%get3A_1480] {strides = array<i32>} : memref<10000xi32, #tpu.memory_space<vmem>>, vector<16xi32>,
      %get3A_1482 = vector.shape_cast %get3A_1481 : vector<16xi32> to vector<16xi32>
      %get3A_1483 = arith.index_cast %add3A_1476 : i32 to index
      %get3A_1484 = tpu.vector_load %arg9[%get3A_1483] {strides = array<i32>} : memref<10000xi32, #tpu.memory_space<vmem>>, vector<16xi32>,
      %get3A_1485 = vector.shape_cast %get3A_1484 : vector<16xi32> to vector<16xi32>
      %mul3A_1486 = arith.constant 6 : i32
      %mul3A_1487 = vector.broadcast %mul3A_1486 : i32 to vector<16xi32>
      %mul3A_1488 = arith.muli %get3A_1479, %mul3A_1487 : vector<16xi32>
      %add3A_1489 = arith.addi %mul3A_1488, %get3A_1482 : vector<16xi32>
      %mul3A_1490 = arith.constant 2 : i32
      %mul3A_1491 = vector.broadcast %mul3A_1490 : i32 to vector<16xi32>
      %mul3A_1492 = arith.muli %add3A_1489, %mul3A_1491 : vector<16xi32>
      %add3A_1493 = arith.addi %mul3A_1492, %get3A_1485 : vector<16xi32>
      %swap3A_1494 = arith.index_cast %add3A_1472 : i32 to index
      %swap3A_1495 = arith.constant 0 : index
      %swap3A_1496 = tpu.vector_load %arg10[%swap3A_1494, %swap3A_1495] {strides = array<i32>} : memref<125x80xi32, #tpu.memory_space<vmem>>, vector<1x16xi32>,
      %swap3A_1497 = vector.shape_cast %swap3A_1496 : vector<1x16xi32> to vector<16xi32>
      %swap3A_1498 = vector.shape_cast %add3A_1493 : vector<16xi32> to vector<1x16xi32>
      tpu.vector_store %arg10[%swap3A_1494, %swap3A_1495], %swap3A_1498 {strides = array<i32>} : memref<125x80xi32, #tpu.memory_space<vmem>>, vector<1x16xi32>,
      %mul3A_1499 = arith.constant 80 : i32
      %mul3A_1500 = arith.muli %add3A_1472, %mul3A_1499 : i32
      %add3A_1501 = arith.constant 16 : i32
      %add3A_1502 = arith.addi %mul3A_1500, %add3A_1501 : i32
      %get3A_1503 = arith.index_cast %add3A_1502 : i32 to index
      %get3A_1504 = tpu.vector_load %arg7[%get3A_1503] {strides = array<i32>} : memref<10000xi32, #tpu.memory_space<vmem>>, vector<16xi32>,
      %get3A_1505 = vector.shape_cast %get3A_1504 : vector<16xi32> to vector<16xi32>
      %get3A_1506 = arith.index_cast %add3A_1502 : i32 to index
      %get3A_1507 = tpu.vector_load %arg8[%get3A_1506] {strides = array<i32>} : memref<10000xi32, #tpu.memory_space<vmem>>, vector<16xi32>,
      %get3A_1508 = vector.shape_cast %get3A_1507 : vector<16xi32> to vector<16xi32>
      %get3A_1509 = arith.index_cast %add3A_1502 : i32 to index
      %get3A_1510 = tpu.vector_load %arg9[%get3A_1509] {strides = array<i32>} : memref<10000xi32, #tpu.memory_space<vmem>>, vector<16xi32>,
      %get3A_1511 = vector.shape_cast %get3A_1510 : vector<16xi32> to vector<16xi32>
      %mul3A_1512 = arith.constant 6 : i32
      %mul3A_1513 = vector.broadcast %mul3A_1512 : i32 to vector<16xi32>
      %mul3A_1514 = arith.muli %get3A_1505, %mul3A_1513 : vector<16xi32>
      %add3A_1515 = arith.addi %mul3A_1514, %get3A_1508 : vector<16xi32>
      %mul3A_1516 = arith.constant 2 : i32
      %mul3A_1517 = vector.broadcast %mul3A_1516 : i32 to vector<16xi32>
      %mul3A_1518 = arith.muli %add3A_1515, %mul3A_1517 : vector<16xi32>
      %add3A_1519 = arith.addi %mul3A_1518, %get3A_1511 : vector<16xi32>
      %swap3A_1520 = arith.index_cast %add3A_1472 : i32 to index
      %swap3A_1521 = arith.constant 16 : index
      %swap3A_1522 = tpu.vector_load %arg10[%swap3A_1520, %swap3A_1521] {strides = array<i32>} : memref<125x80xi32, #tpu.memory_space<vmem>>, vector<1x16xi32>,
      %swap3A_1523 = vector.shape_cast %swap3A_1522 : vector<1x16xi32> to vector<16xi32>
      %swap3A_1524 = vector.shape_cast %add3A_1519 : vector<16xi32> to vector<1x16xi32>
      tpu.vector_store %arg10[%swap3A_1520, %swap3A_1521], %swap3A_1524 {strides = array<i32>} : memref<125x80xi32, #tpu.memory_space<vmem>>, vector<1x16xi32>,
      %mul3A_1525 = arith.constant 80 : i32
      %mul3A_1526 = arith.muli %add3A_1472, %mul3A_1525 : i32
      %add3A_1527 = arith.constant 32 : i32
      %add3A_1528 = arith.addi %mul3A_1526, %add3A_1527 : i32
      %get3A_1529 = arith.index_cast %add3A_1528 : i32 to index
      %get3A_1530 = tpu.vector_load %arg7[%get3A_1529] {strides = array<i32>} : memref<10000xi32, #tpu.memory_space<vmem>>, vector<16xi32>,
      %get3A_1531 = vector.shape_cast %get3A_1530 : vector<16xi32> to vector<16xi32>
      %get3A_1532 = arith.index_cast %add3A_1528 : i32 to index
      %get3A_1533 = tpu.vector_load %arg8[%get3A_1532] {strides = array<i32>} : memref<10000xi32, #tpu.memory_space<vmem>>, vector<16xi32>,
      %get3A_1534 = vector.shape_cast %get3A_1533 : vector<16xi32> to vector<16xi32>
      %get3A_1535 = arith.index_cast %add3A_1528 : i32 to index
      %get3A_1536 = tpu.vector_load %arg9[%get3A_1535] {strides = array<i32>} : memref<10000xi32, #tpu.memory_space<vmem>>, vector<16xi32>,
      %get3A_1537 = vector.shape_cast %get3A_1536 : vector<16xi32> to vector<16xi32>
      %mul3A_1538 = arith.constant 6 : i32
      %mul3A_1539 = vector.broadcast %mul3A_1538 : i32 to vector<16xi32>
      %mul3A_1540 = arith.muli %get3A_1531, %mul3A_1539 : vector<16xi32>
      %add3A_1541 = arith.addi %mul3A_1540, %get3A_1534 : vector<16xi32>
      %mul3A_1542 = arith.constant 2 : i32
      %mul3A_1543 = vector.broadcast %mul3A_1542 : i32 to vector<16xi32>
      %mul3A_1544 = arith.muli %add3A_1541, %mul3A_1543 : vector<16xi32>
      %add3A_1545 = arith.addi %mul3A_1544, %get3A_1537 : vector<16xi32>
      %swap3A_1546 = arith.index_cast %add3A_1472 : i32 to index
      %swap3A_1547 = arith.constant 32 : index
      %swap3A_1548 = tpu.vector_load %arg10[%swap3A_1546, %swap3A_1547] {strides = array<i32>} : memref<125x80xi32, #tpu.memory_space<vmem>>, vector<1x16xi32>,
      %swap3A_1549 = vector.shape_cast %swap3A_1548 : vector<1x16xi32> to vector<16xi32>
      %swap3A_1550 = vector.shape_cast %add3A_1545 : vector<16xi32> to vector<1x16xi32>
      tpu.vector_store %arg10[%swap3A_1546, %swap3A_1547], %swap3A_1550 {strides = array<i32>} : memref<125x80xi32, #tpu.memory_space<vmem>>, vector<1x16xi32>,
      %mul3A_1551 = arith.constant 80 : i32
      %mul3A_1552 = arith.muli %add3A_1472, %mul3A_1551 : i32
      %add3A_1553 = arith.constant 48 : i32
      %add3A_1554 = arith.addi %mul3A_1552, %add3A_1553 : i32
      %get3A_1555 = arith.index_cast %add3A_1554 : i32 to index
      %get3A_1556 = tpu.vector_load %arg7[%get3A_1555] {strides = array<i32>} : memref<10000xi32, #tpu.memory_space<vmem>>, vector<16xi32>,
      %get3A_1557 = vector.shape_cast %get3A_1556 : vector<16xi32> to vector<16xi32>
      %get3A_1558 = arith.index_cast %add3A_1554 : i32 to index
      %get3A_1559 = tpu.vector_load %arg8[%get3A_1558] {strides = array<i32>} : memref<10000xi32, #tpu.memory_space<vmem>>, vector<16xi32>,
      %get3A_1560 = vector.shape_cast %get3A_1559 : vector<16xi32> to vector<16xi32>
      %get3A_1561 = arith.index_cast %add3A_1554 : i32 to index
      %get3A_1562 = tpu.vector_load %arg9[%get3A_1561] {strides = array<i32>} : memref<10000xi32, #tpu.memory_space<vmem>>, vector<16xi32>,
      %get3A_1563 = vector.shape_cast %get3A_1562 : vector<16xi32> to vector<16xi32>
      %mul3A_1564 = arith.constant 6 : i32
      %mul3A_1565 = vector.broadcast %mul3A_1564 : i32 to vector<16xi32>
      %mul3A_1566 = arith.muli %get3A_1557, %mul3A_1565 : vector<16xi32>
      %add3A_1567 = arith.addi %mul3A_1566, %get3A_1560 : vector<16xi32>
      %mul3A_1568 = arith.constant 2 : i32
      %mul3A_1569 = vector.broadcast %mul3A_1568 : i32 to vector<16xi32>
      %mul3A_1570 = arith.muli %add3A_1567, %mul3A_1569 : vector<16xi32>
      %add3A_1571 = arith.addi %mul3A_1570, %get3A_1563 : vector<16xi32>
      %swap3A_1572 = arith.index_cast %add3A_1472 : i32 to index
      %swap3A_1573 = arith.constant 48 : index
      %swap3A_1574 = tpu.vector_load %arg10[%swap3A_1572, %swap3A_1573] {strides = array<i32>} : memref<125x80xi32, #tpu.memory_space<vmem>>, vector<1x16xi32>,
      %swap3A_1575 = vector.shape_cast %swap3A_1574 : vector<1x16xi32> to vector<16xi32>
      %swap3A_1576 = vector.shape_cast %add3A_1571 : vector<16xi32> to vector<1x16xi32>
      tpu.vector_store %arg10[%swap3A_1572, %swap3A_1573], %swap3A_1576 {strides = array<i32>} : memref<125x80xi32, #tpu.memory_space<vmem>>, vector<1x16xi32>,
      %mul3A_1577 = arith.constant 80 : i32
      %mul3A_1578 = arith.muli %add3A_1472, %mul3A_1577 : i32
      %add3A_1579 = arith.constant 64 : i32
      %add3A_1580 = arith.addi %mul3A_1578, %add3A_1579 : i32
      %get3A_1581 = arith.index_cast %add3A_1580 : i32 to index
      %get3A_1582 = tpu.vector_load %arg7[%get3A_1581] {strides = array<i32>} : memref<10000xi32, #tpu.memory_space<vmem>>, vector<16xi32>,
      %get3A_1583 = vector.shape_cast %get3A_1582 : vector<16xi32> to vector<16xi32>
      %get3A_1584 = arith.index_cast %add3A_1580 : i32 to index
      %get3A_1585 = tpu.vector_load %arg8[%get3A_1584] {strides = array<i32>} : memref<10000xi32, #tpu.memory_space<vmem>>, vector<16xi32>,
      %get3A_1586 = vector.shape_cast %get3A_1585 : vector<16xi32> to vector<16xi32>
      %get3A_1587 = arith.index_cast %add3A_1580 : i32 to index
      %get3A_1588 = tpu.vector_load %arg9[%get3A_1587] {strides = array<i32>} : memref<10000xi32, #tpu.memory_space<vmem>>, vector<16xi32>,
      %get3A_1589 = vector.shape_cast %get3A_1588 : vector<16xi32> to vector<16xi32>
      %mul3A_1590 = arith.constant 6 : i32
      %mul3A_1591 = vector.broadcast %mul3A_1590 : i32 to vector<16xi32>
      %mul3A_1592 = arith.muli %get3A_1583, %mul3A_1591 : vector<16xi32>
      %add3A_1593 = arith.addi %mul3A_1592, %get3A_1586 : vector<16xi32>
      %mul3A_1594 = arith.constant 2 : i32
      %mul3A_1595 = vector.broadcast %mul3A_1594 : i32 to vector<16xi32>
      %mul3A_1596 = arith.muli %add3A_1593, %mul3A_1595 : vector<16xi32>
      %add3A_1597 = arith.addi %mul3A_1596, %get3A_1589 : vector<16xi32>
      %swap3A_1598 = arith.index_cast %add3A_1472 : i32 to index
      %swap3A_1599 = arith.constant 64 : index
      %swap3A_1600 = tpu.vector_load %arg10[%swap3A_1598, %swap3A_1599] {strides = array<i32>} : memref<125x80xi32, #tpu.memory_space<vmem>>, vector<1x16xi32>,
      %swap3A_1601 = vector.shape_cast %swap3A_1600 : vector<1x16xi32> to vector<16xi32>
      %swap3A_1602 = vector.shape_cast %add3A_1597 : vector<16xi32> to vector<1x16xi32>
      tpu.vector_store %arg10[%swap3A_1598, %swap3A_1599], %swap3A_1602 {strides = array<i32>} : memref<125x80xi32, #tpu.memory_space<vmem>>, vector<1x16xi32>,
      %add3A_1603 = arith.constant 1 : i32
      %add3A_1604 = arith.addi %mul3A_1303, %add3A_1603 : i32
      %dma_wait3A_1605 = arith.constant 1 : i32
      %dma_wait3A_1606 = arith.constant 0 : i32
      %dma_wait3A_1607 = arith.constant 0 : i32
      %dma_wait3A_1608 = tpu.memref_slice %arg11[%dma_wait3A_1605, %dma_wait3A_1606, %dma_wait3A_1607] : memref<8x80x128xf32, #tpu.memory_space<vmem>> -> memref<1x80x128xf32, #tpu.memory_space<vmem>>
      %dma_wait3A_1609 = tpu.memref_squeeze %dma_wait3A_1608 : memref<1x80x128xf32, #tpu.memory_space<vmem>> -> memref<80x128xf32, #tpu.memory_space<vmem>>
      %dma_wait3A_1610 = arith.constant 0 : i32
      %dma_wait3A_1611 = tpu.memref_slice %arg10[%add3A_1604, %dma_wait3A_1610] : memref<125x80xi32, #tpu.memory_space<vmem>> -> memref<1x80xi32, #tpu.memory_space<vmem>>
      %dma_wait3A_1612 = tpu.memref_squeeze %dma_wait3A_1611 : memref<1x80xi32, #tpu.memory_space<vmem>> -> memref<80xi32, #tpu.memory_space<vmem>>
      %dma_wait3A_1613 = arith.constant 0 : i32
      %dma_wait3A_1614 = arith.constant 0 : i32
      %dma_wait3A_1615 = tpu.memref_slice %arg12[%dma_wait3A_1613, %dma_wait3A_1614] : memref<60x128xf32, #tpu.memory_space<vmem_shared>> -> memref<60x128xf32, #tpu.memory_space<vmem_shared>>
      tpu.wait_indirect_dma semaphore(%arg14 : memref<!tpu.dma_semaphore, #tpu.memory_space<semaphore_mem>>) src(%dma_wait3A_1615 : memref<60x128xf32, #tpu.memory_space<vmem_shared>>) dst(%dma_wait3A_1609 : memref<80x128xf32, #tpu.memory_space<vmem>>)
      %add3A_1616 = arith.constant 1 : i32
      %add3A_1617 = arith.addi %mul3A_1303, %add3A_1616 : i32
      %mul3A_1618 = arith.constant 80 : i32
      %mul3A_1619 = arith.muli %add3A_1617, %mul3A_1618 : i32
      %add3A_1620 = arith.addi %mul3A_2, %mul3A_1619 : i32
      %dma_start3A_1621 = arith.constant 1 : i32
      %dma_start3A_1622 = arith.constant 0 : i32
      %dma_start3A_1623 = arith.constant 0 : i32
      %dma_start3A_1624 = tpu.memref_slice %arg11[%dma_start3A_1621, %dma_start3A_1622, %dma_start3A_1623] : memref<8x80x128xf32, #tpu.memory_space<vmem>> -> memref<1x80x128xf32, #tpu.memory_space<vmem>>
      %dma_start3A_1625 = tpu.memref_squeeze %dma_start3A_1624 : memref<1x80x128xf32, #tpu.memory_space<vmem>> -> memref<80x128xf32, #tpu.memory_space<vmem>>
      %dma_start3A_1626 = arith.constant 0 : i32
      %dma_start3A_1627 = tpu.memref_slice %arg6[%add3A_1620, %dma_start3A_1626] : memref<320000x128xf32, #tpu.memory_space<hbm>> -> memref<80x128xf32, #tpu.memory_space<hbm>>
      %dma_start3A_1628 = arith.constant 0 : i32
      %dma_start3A_1629 = tpu.memref_slice %arg6[%add3A_1620, %dma_start3A_1628] : memref<320000x128xf32, #tpu.memory_space<hbm>> -> memref<80x128xf32, #tpu.memory_space<hbm>>
      %dma_start3A_1630 = arith.constant 0 : i32
      %dma_start3A_1631 = arith.constant 0 : i32
      %dma_start3A_1632 = tpu.memref_slice %arg11[%dma_start3A_1621, %dma_start3A_1630, %dma_start3A_1631] : memref<8x80x128xf32, #tpu.memory_space<vmem>> -> memref<1x80x128xf32, #tpu.memory_space<vmem>>
      %dma_start3A_1633 = tpu.memref_squeeze %dma_start3A_1632 : memref<1x80x128xf32, #tpu.memory_space<vmem>> -> memref<80x128xf32, #tpu.memory_space<vmem>>
      tpu.enqueue_dma source(%dma_start3A_1633 : memref<80x128xf32, #tpu.memory_space<vmem>>) target(%dma_start3A_1629 : memref<80x128xf32, #tpu.memory_space<hbm>>) target_semaphore(%arg22 : memref<!tpu.dma_semaphore, #tpu.memory_space<semaphore_mem>>)
      %add3A_1634 = arith.constant 2 : i32
      %add3A_1635 = arith.addi %mul3A_1303, %add3A_1634 : i32
      %add3A_1636 = arith.constant 8 : i32
      %add3A_1637 = arith.addi %add3A_1635, %add3A_1636 : i32
      %mul3A_1638 = arith.constant 80 : i32
      %mul3A_1639 = arith.muli %add3A_1637, %mul3A_1638 : i32
      %add3A_1640 = arith.constant 0 : i32
      %add3A_1641 = arith.addi %mul3A_1639, %add3A_1640 : i32
      %get3A_1642 = arith.index_cast %add3A_1641 : i32 to index
      %get3A_1643 = tpu.vector_load %arg7[%get3A_1642] {strides = array<i32>} : memref<10000xi32, #tpu.memory_space<vmem>>, vector<16xi32>,
      %get3A_1644 = vector.shape_cast %get3A_1643 : vector<16xi32> to vector<16xi32>
      %get3A_1645 = arith.index_cast %add3A_1641 : i32 to index
      %get3A_1646 = tpu.vector_load %arg8[%get3A_1645] {strides = array<i32>} : memref<10000xi32, #tpu.memory_space<vmem>>, vector<16xi32>,
      %get3A_1647 = vector.shape_cast %get3A_1646 : vector<16xi32> to vector<16xi32>
      %get3A_1648 = arith.index_cast %add3A_1641 : i32 to index
      %get3A_1649 = tpu.vector_load %arg9[%get3A_1648] {strides = array<i32>} : memref<10000xi32, #tpu.memory_space<vmem>>, vector<16xi32>,
      %get3A_1650 = vector.shape_cast %get3A_1649 : vector<16xi32> to vector<16xi32>
      %mul3A_1651 = arith.constant 6 : i32
      %mul3A_1652 = vector.broadcast %mul3A_1651 : i32 to vector<16xi32>
      %mul3A_1653 = arith.muli %get3A_1644, %mul3A_1652 : vector<16xi32>
      %add3A_1654 = arith.addi %mul3A_1653, %get3A_1647 : vector<16xi32>
      %mul3A_1655 = arith.constant 2 : i32
      %mul3A_1656 = vector.broadcast %mul3A_1655 : i32 to vector<16xi32>
      %mul3A_1657 = arith.muli %add3A_1654, %mul3A_1656 : vector<16xi32>
      %add3A_1658 = arith.addi %mul3A_1657, %get3A_1650 : vector<16xi32>
      %swap3A_1659 = arith.index_cast %add3A_1637 : i32 to index
      %swap3A_1660 = arith.constant 0 : index
      %swap3A_1661 = tpu.vector_load %arg10[%swap3A_1659, %swap3A_1660] {strides = array<i32>} : memref<125x80xi32, #tpu.memory_space<vmem>>, vector<1x16xi32>,
      %swap3A_1662 = vector.shape_cast %swap3A_1661 : vector<1x16xi32> to vector<16xi32>
      %swap3A_1663 = vector.shape_cast %add3A_1658 : vector<16xi32> to vector<1x16xi32>
      tpu.vector_store %arg10[%swap3A_1659, %swap3A_1660], %swap3A_1663 {strides = array<i32>} : memref<125x80xi32, #tpu.memory_space<vmem>>, vector<1x16xi32>,
      %mul3A_1664 = arith.constant 80 : i32
      %mul3A_1665 = arith.muli %add3A_1637, %mul3A_1664 : i32
      %add3A_1666 = arith.constant 16 : i32
      %add3A_1667 = arith.addi %mul3A_1665, %add3A_1666 : i32
      %get3A_1668 = arith.index_cast %add3A_1667 : i32 to index
      %get3A_1669 = tpu.vector_load %arg7[%get3A_1668] {strides = array<i32>} : memref<10000xi32, #tpu.memory_space<vmem>>, vector<16xi32>,
      %get3A_1670 = vector.shape_cast %get3A_1669 : vector<16xi32> to vector<16xi32>
      %get3A_1671 = arith.index_cast %add3A_1667 : i32 to index
      %get3A_1672 = tpu.vector_load %arg8[%get3A_1671] {strides = array<i32>} : memref<10000xi32, #tpu.memory_space<vmem>>, vector<16xi32>,
      %get3A_1673 = vector.shape_cast %get3A_1672 : vector<16xi32> to vector<16xi32>
      %get3A_1674 = arith.index_cast %add3A_1667 : i32 to index
      %get3A_1675 = tpu.vector_load %arg9[%get3A_1674] {strides = array<i32>} : memref<10000xi32, #tpu.memory_space<vmem>>, vector<16xi32>,
      %get3A_1676 = vector.shape_cast %get3A_1675 : vector<16xi32> to vector<16xi32>
      %mul3A_1677 = arith.constant 6 : i32
      %mul3A_1678 = vector.broadcast %mul3A_1677 : i32 to vector<16xi32>
      %mul3A_1679 = arith.muli %get3A_1670, %mul3A_1678 : vector<16xi32>
      %add3A_1680 = arith.addi %mul3A_1679, %get3A_1673 : vector<16xi32>
      %mul3A_1681 = arith.constant 2 : i32
      %mul3A_1682 = vector.broadcast %mul3A_1681 : i32 to vector<16xi32>
      %mul3A_1683 = arith.muli %add3A_1680, %mul3A_1682 : vector<16xi32>
      %add3A_1684 = arith.addi %mul3A_1683, %get3A_1676 : vector<16xi32>
      %swap3A_1685 = arith.index_cast %add3A_1637 : i32 to index
      %swap3A_1686 = arith.constant 16 : index
      %swap3A_1687 = tpu.vector_load %arg10[%swap3A_1685, %swap3A_1686] {strides = array<i32>} : memref<125x80xi32, #tpu.memory_space<vmem>>, vector<1x16xi32>,
      %swap3A_1688 = vector.shape_cast %swap3A_1687 : vector<1x16xi32> to vector<16xi32>
      %swap3A_1689 = vector.shape_cast %add3A_1684 : vector<16xi32> to vector<1x16xi32>
      tpu.vector_store %arg10[%swap3A_1685, %swap3A_1686], %swap3A_1689 {strides = array<i32>} : memref<125x80xi32, #tpu.memory_space<vmem>>, vector<1x16xi32>,
      %mul3A_1690 = arith.constant 80 : i32
      %mul3A_1691 = arith.muli %add3A_1637, %mul3A_1690 : i32
      %add3A_1692 = arith.constant 32 : i32
      %add3A_1693 = arith.addi %mul3A_1691, %add3A_1692 : i32
      %get3A_1694 = arith.index_cast %add3A_1693 : i32 to index
      %get3A_1695 = tpu.vector_load %arg7[%get3A_1694] {strides = array<i32>} : memref<10000xi32, #tpu.memory_space<vmem>>, vector<16xi32>,
      %get3A_1696 = vector.shape_cast %get3A_1695 : vector<16xi32> to vector<16xi32>
      %get3A_1697 = arith.index_cast %add3A_1693 : i32 to index
      %get3A_1698 = tpu.vector_load %arg8[%get3A_1697] {strides = array<i32>} : memref<10000xi32, #tpu.memory_space<vmem>>, vector<16xi32>,
      %get3A_1699 = vector.shape_cast %get3A_1698 : vector<16xi32> to vector<16xi32>
      %get3A_1700 = arith.index_cast %add3A_1693 : i32 to index
      %get3A_1701 = tpu.vector_load %arg9[%get3A_1700] {strides = array<i32>} : memref<10000xi32, #tpu.memory_space<vmem>>, vector<16xi32>,
      %get3A_1702 = vector.shape_cast %get3A_1701 : vector<16xi32> to vector<16xi32>
      %mul3A_1703 = arith.constant 6 : i32
      %mul3A_1704 = vector.broadcast %mul3A_1703 : i32 to vector<16xi32>
      %mul3A_1705 = arith.muli %get3A_1696, %mul3A_1704 : vector<16xi32>
      %add3A_1706 = arith.addi %mul3A_1705, %get3A_1699 : vector<16xi32>
      %mul3A_1707 = arith.constant 2 : i32
      %mul3A_1708 = vector.broadcast %mul3A_1707 : i32 to vector<16xi32>
      %mul3A_1709 = arith.muli %add3A_1706, %mul3A_1708 : vector<16xi32>
      %add3A_1710 = arith.addi %mul3A_1709, %get3A_1702 : vector<16xi32>
      %swap3A_1711 = arith.index_cast %add3A_1637 : i32 to index
      %swap3A_1712 = arith.constant 32 : index
      %swap3A_1713 = tpu.vector_load %arg10[%swap3A_1711, %swap3A_1712] {strides = array<i32>} : memref<125x80xi32, #tpu.memory_space<vmem>>, vector<1x16xi32>,
      %swap3A_1714 = vector.shape_cast %swap3A_1713 : vector<1x16xi32> to vector<16xi32>
      %swap3A_1715 = vector.shape_cast %add3A_1710 : vector<16xi32> to vector<1x16xi32>
      tpu.vector_store %arg10[%swap3A_1711, %swap3A_1712], %swap3A_1715 {strides = array<i32>} : memref<125x80xi32, #tpu.memory_space<vmem>>, vector<1x16xi32>,
      %mul3A_1716 = arith.constant 80 : i32
      %mul3A_1717 = arith.muli %add3A_1637, %mul3A_1716 : i32
      %add3A_1718 = arith.constant 48 : i32
      %add3A_1719 = arith.addi %mul3A_1717, %add3A_1718 : i32
      %get3A_1720 = arith.index_cast %add3A_1719 : i32 to index
      %get3A_1721 = tpu.vector_load %arg7[%get3A_1720] {strides = array<i32>} : memref<10000xi32, #tpu.memory_space<vmem>>, vector<16xi32>,
      %get3A_1722 = vector.shape_cast %get3A_1721 : vector<16xi32> to vector<16xi32>
      %get3A_1723 = arith.index_cast %add3A_1719 : i32 to index
      %get3A_1724 = tpu.vector_load %arg8[%get3A_1723] {strides = array<i32>} : memref<10000xi32, #tpu.memory_space<vmem>>, vector<16xi32>,
      %get3A_1725 = vector.shape_cast %get3A_1724 : vector<16xi32> to vector<16xi32>
      %get3A_1726 = arith.index_cast %add3A_1719 : i32 to index
      %get3A_1727 = tpu.vector_load %arg9[%get3A_1726] {strides = array<i32>} : memref<10000xi32, #tpu.memory_space<vmem>>, vector<16xi32>,
      %get3A_1728 = vector.shape_cast %get3A_1727 : vector<16xi32> to vector<16xi32>
      %mul3A_1729 = arith.constant 6 : i32
      %mul3A_1730 = vector.broadcast %mul3A_1729 : i32 to vector<16xi32>
      %mul3A_1731 = arith.muli %get3A_1722, %mul3A_1730 : vector<16xi32>
      %add3A_1732 = arith.addi %mul3A_1731, %get3A_1725 : vector<16xi32>
      %mul3A_1733 = arith.constant 2 : i32
      %mul3A_1734 = vector.broadcast %mul3A_1733 : i32 to vector<16xi32>
      %mul3A_1735 = arith.muli %add3A_1732, %mul3A_1734 : vector<16xi32>
      %add3A_1736 = arith.addi %mul3A_1735, %get3A_1728 : vector<16xi32>
      %swap3A_1737 = arith.index_cast %add3A_1637 : i32 to index
      %swap3A_1738 = arith.constant 48 : index
      %swap3A_1739 = tpu.vector_load %arg10[%swap3A_1737, %swap3A_1738] {strides = array<i32>} : memref<125x80xi32, #tpu.memory_space<vmem>>, vector<1x16xi32>,
      %swap3A_1740 = vector.shape_cast %swap3A_1739 : vector<1x16xi32> to vector<16xi32>
      %swap3A_1741 = vector.shape_cast %add3A_1736 : vector<16xi32> to vector<1x16xi32>
      tpu.vector_store %arg10[%swap3A_1737, %swap3A_1738], %swap3A_1741 {strides = array<i32>} : memref<125x80xi32, #tpu.memory_space<vmem>>, vector<1x16xi32>,
      %mul3A_1742 = arith.constant 80 : i32
      %mul3A_1743 = arith.muli %add3A_1637, %mul3A_1742 : i32
      %add3A_1744 = arith.constant 64 : i32
      %add3A_1745 = arith.addi %mul3A_1743, %add3A_1744 : i32
      %get3A_1746 = arith.index_cast %add3A_1745 : i32 to index
      %get3A_1747 = tpu.vector_load %arg7[%get3A_1746] {strides = array<i32>} : memref<10000xi32, #tpu.memory_space<vmem>>, vector<16xi32>,
      %get3A_1748 = vector.shape_cast %get3A_1747 : vector<16xi32> to vector<16xi32>
      %get3A_1749 = arith.index_cast %add3A_1745 : i32 to index
      %get3A_1750 = tpu.vector_load %arg8[%get3A_1749] {strides = array<i32>} : memref<10000xi32, #tpu.memory_space<vmem>>, vector<16xi32>,
      %get3A_1751 = vector.shape_cast %get3A_1750 : vector<16xi32> to vector<16xi32>
      %get3A_1752 = arith.index_cast %add3A_1745 : i32 to index
      %get3A_1753 = tpu.vector_load %arg9[%get3A_1752] {strides = array<i32>} : memref<10000xi32, #tpu.memory_space<vmem>>, vector<16xi32>,
      %get3A_1754 = vector.shape_cast %get3A_1753 : vector<16xi32> to vector<16xi32>
      %mul3A_1755 = arith.constant 6 : i32
      %mul3A_1756 = vector.broadcast %mul3A_1755 : i32 to vector<16xi32>
      %mul3A_1757 = arith.muli %get3A_1748, %mul3A_1756 : vector<16xi32>
      %add3A_1758 = arith.addi %mul3A_1757, %get3A_1751 : vector<16xi32>
      %mul3A_1759 = arith.constant 2 : i32
      %mul3A_1760 = vector.broadcast %mul3A_1759 : i32 to vector<16xi32>
      %mul3A_1761 = arith.muli %add3A_1758, %mul3A_1760 : vector<16xi32>
      %add3A_1762 = arith.addi %mul3A_1761, %get3A_1754 : vector<16xi32>
      %swap3A_1763 = arith.index_cast %add3A_1637 : i32 to index
      %swap3A_1764 = arith.constant 64 : index
      %swap3A_1765 = tpu.vector_load %arg10[%swap3A_1763, %swap3A_1764] {strides = array<i32>} : memref<125x80xi32, #tpu.memory_space<vmem>>, vector<1x16xi32>,
      %swap3A_1766 = vector.shape_cast %swap3A_1765 : vector<1x16xi32> to vector<16xi32>
      %swap3A_1767 = vector.shape_cast %add3A_1762 : vector<16xi32> to vector<1x16xi32>
      tpu.vector_store %arg10[%swap3A_1763, %swap3A_1764], %swap3A_1767 {strides = array<i32>} : memref<125x80xi32, #tpu.memory_space<vmem>>, vector<1x16xi32>,
      %add3A_1768 = arith.constant 2 : i32
      %add3A_1769 = arith.addi %mul3A_1303, %add3A_1768 : i32
      %dma_wait3A_1770 = arith.constant 2 : i32
      %dma_wait3A_1771 = arith.constant 0 : i32
      %dma_wait3A_1772 = arith.constant 0 : i32
      %dma_wait3A_1773 = tpu.memref_slice %arg11[%dma_wait3A_1770, %dma_wait3A_1771, %dma_wait3A_1772] : memref<8x80x128xf32, #tpu.memory_space<vmem>> -> memref<1x80x128xf32, #tpu.memory_space<vmem>>
      %dma_wait3A_1774 = tpu.memref_squeeze %dma_wait3A_1773 : memref<1x80x128xf32, #tpu.memory_space<vmem>> -> memref<80x128xf32, #tpu.memory_space<vmem>>
      %dma_wait3A_1775 = arith.constant 0 : i32
      %dma_wait3A_1776 = tpu.memref_slice %arg10[%add3A_1769, %dma_wait3A_1775] : memref<125x80xi32, #tpu.memory_space<vmem>> -> memref<1x80xi32, #tpu.memory_space<vmem>>
      %dma_wait3A_1777 = tpu.memref_squeeze %dma_wait3A_1776 : memref<1x80xi32, #tpu.memory_space<vmem>> -> memref<80xi32, #tpu.memory_space<vmem>>
      %dma_wait3A_1778 = arith.constant 0 : i32
      %dma_wait3A_1779 = arith.constant 0 : i32
      %dma_wait3A_1780 = tpu.memref_slice %arg12[%dma_wait3A_1778, %dma_wait3A_1779] : memref<60x128xf32, #tpu.memory_space<vmem_shared>> -> memref<60x128xf32, #tpu.memory_space<vmem_shared>>
      tpu.wait_indirect_dma semaphore(%arg15 : memref<!tpu.dma_semaphore, #tpu.memory_space<semaphore_mem>>) src(%dma_wait3A_1780 : memref<60x128xf32, #tpu.memory_space<vmem_shared>>) dst(%dma_wait3A_1774 : memref<80x128xf32, #tpu.memory_space<vmem>>)
      %add3A_1781 = arith.constant 2 : i32
      %add3A_1782 = arith.addi %mul3A_1303, %add3A_1781 : i32
      %mul3A_1783 = arith.constant 80 : i32
      %mul3A_1784 = arith.muli %add3A_1782, %mul3A_1783 : i32
      %add3A_1785 = arith.addi %mul3A_2, %mul3A_1784 : i32
      %dma_start3A_1786 = arith.constant 2 : i32
      %dma_start3A_1787 = arith.constant 0 : i32
      %dma_start3A_1788 = arith.constant 0 : i32
      %dma_start3A_1789 = tpu.memref_slice %arg11[%dma_start3A_1786, %dma_start3A_1787, %dma_start3A_1788] : memref<8x80x128xf32, #tpu.memory_space<vmem>> -> memref<1x80x128xf32, #tpu.memory_space<vmem>>
      %dma_start3A_1790 = tpu.memref_squeeze %dma_start3A_1789 : memref<1x80x128xf32, #tpu.memory_space<vmem>> -> memref<80x128xf32, #tpu.memory_space<vmem>>
      %dma_start3A_1791 = arith.constant 0 : i32
      %dma_start3A_1792 = tpu.memref_slice %arg6[%add3A_1785, %dma_start3A_1791] : memref<320000x128xf32, #tpu.memory_space<hbm>> -> memref<80x128xf32, #tpu.memory_space<hbm>>
      %dma_start3A_1793 = arith.constant 0 : i32
      %dma_start3A_1794 = tpu.memref_slice %arg6[%add3A_1785, %dma_start3A_1793] : memref<320000x128xf32, #tpu.memory_space<hbm>> -> memref<80x128xf32, #tpu.memory_space<hbm>>
      %dma_start3A_1795 = arith.constant 0 : i32
      %dma_start3A_1796 = arith.constant 0 : i32
      %dma_start3A_1797 = tpu.memref_slice %arg11[%dma_start3A_1786, %dma_start3A_1795, %dma_start3A_1796] : memref<8x80x128xf32, #tpu.memory_space<vmem>> -> memref<1x80x128xf32, #tpu.memory_space<vmem>>
      %dma_start3A_1798 = tpu.memref_squeeze %dma_start3A_1797 : memref<1x80x128xf32, #tpu.memory_space<vmem>> -> memref<80x128xf32, #tpu.memory_space<vmem>>
      tpu.enqueue_dma source(%dma_start3A_1798 : memref<80x128xf32, #tpu.memory_space<vmem>>) target(%dma_start3A_1794 : memref<80x128xf32, #tpu.memory_space<hbm>>) target_semaphore(%arg23 : memref<!tpu.dma_semaphore, #tpu.memory_space<semaphore_mem>>)
      %add3A_1799 = arith.constant 3 : i32
      %add3A_1800 = arith.addi %mul3A_1303, %add3A_1799 : i32
      %add3A_1801 = arith.constant 8 : i32
      %add3A_1802 = arith.addi %add3A_1800, %add3A_1801 : i32
      %mul3A_1803 = arith.constant 80 : i32
      %mul3A_1804 = arith.muli %add3A_1802, %mul3A_1803 : i32
      %add3A_1805 = arith.constant 0 : i32
      %add3A_1806 = arith.addi %mul3A_1804, %add3A_1805 : i32
      %get3A_1807 = arith.index_cast %add3A_1806 : i32 to index
      %get3A_1808 = tpu.vector_load %arg7[%get3A_1807] {strides = array<i32>} : memref<10000xi32, #tpu.memory_space<vmem>>, vector<16xi32>,
      %get3A_1809 = vector.shape_cast %get3A_1808 : vector<16xi32> to vector<16xi32>
      %get3A_1810 = arith.index_cast %add3A_1806 : i32 to index
      %get3A_1811 = tpu.vector_load %arg8[%get3A_1810] {strides = array<i32>} : memref<10000xi32, #tpu.memory_space<vmem>>, vector<16xi32>,
      %get3A_1812 = vector.shape_cast %get3A_1811 : vector<16xi32> to vector<16xi32>
      %get3A_1813 = arith.index_cast %add3A_1806 : i32 to index
      %get3A_1814 = tpu.vector_load %arg9[%get3A_1813] {strides = array<i32>} : memref<10000xi32, #tpu.memory_space<vmem>>, vector<16xi32>,
      %get3A_1815 = vector.shape_cast %get3A_1814 : vector<16xi32> to vector<16xi32>
      %mul3A_1816 = arith.constant 6 : i32
      %mul3A_1817 = vector.broadcast %mul3A_1816 : i32 to vector<16xi32>
      %mul3A_1818 = arith.muli %get3A_1809, %mul3A_1817 : vector<16xi32>
      %add3A_1819 = arith.addi %mul3A_1818, %get3A_1812 : vector<16xi32>
      %mul3A_1820 = arith.constant 2 : i32
      %mul3A_1821 = vector.broadcast %mul3A_1820 : i32 to vector<16xi32>
      %mul3A_1822 = arith.muli %add3A_1819, %mul3A_1821 : vector<16xi32>
      %add3A_1823 = arith.addi %mul3A_1822, %get3A_1815 : vector<16xi32>
      %swap3A_1824 = arith.index_cast %add3A_1802 : i32 to index
      %swap3A_1825 = arith.constant 0 : index
      %swap3A_1826 = tpu.vector_load %arg10[%swap3A_1824, %swap3A_1825] {strides = array<i32>} : memref<125x80xi32, #tpu.memory_space<vmem>>, vector<1x16xi32>,
      %swap3A_1827 = vector.shape_cast %swap3A_1826 : vector<1x16xi32> to vector<16xi32>
      %swap3A_1828 = vector.shape_cast %add3A_1823 : vector<16xi32> to vector<1x16xi32>
      tpu.vector_store %arg10[%swap3A_1824, %swap3A_1825], %swap3A_1828 {strides = array<i32>} : memref<125x80xi32, #tpu.memory_space<vmem>>, vector<1x16xi32>,
      %mul3A_1829 = arith.constant 80 : i32
      %mul3A_1830 = arith.muli %add3A_1802, %mul3A_1829 : i32
      %add3A_1831 = arith.constant 16 : i32
      %add3A_1832 = arith.addi %mul3A_1830, %add3A_1831 : i32
      %get3A_1833 = arith.index_cast %add3A_1832 : i32 to index
      %get3A_1834 = tpu.vector_load %arg7[%get3A_1833] {strides = array<i32>} : memref<10000xi32, #tpu.memory_space<vmem>>, vector<16xi32>,
      %get3A_1835 = vector.shape_cast %get3A_1834 : vector<16xi32> to vector<16xi32>
      %get3A_1836 = arith.index_cast %add3A_1832 : i32 to index
      %get3A_1837 = tpu.vector_load %arg8[%get3A_1836] {strides = array<i32>} : memref<10000xi32, #tpu.memory_space<vmem>>, vector<16xi32>,
      %get3A_1838 = vector.shape_cast %get3A_1837 : vector<16xi32> to vector<16xi32>
      %get3A_1839 = arith.index_cast %add3A_1832 : i32 to index
      %get3A_1840 = tpu.vector_load %arg9[%get3A_1839] {strides = array<i32>} : memref<10000xi32, #tpu.memory_space<vmem>>, vector<16xi32>,
      %get3A_1841 = vector.shape_cast %get3A_1840 : vector<16xi32> to vector<16xi32>
      %mul3A_1842 = arith.constant 6 : i32
      %mul3A_1843 = vector.broadcast %mul3A_1842 : i32 to vector<16xi32>
      %mul3A_1844 = arith.muli %get3A_1835, %mul3A_1843 : vector<16xi32>
      %add3A_1845 = arith.addi %mul3A_1844, %get3A_1838 : vector<16xi32>
      %mul3A_1846 = arith.constant 2 : i32
      %mul3A_1847 = vector.broadcast %mul3A_1846 : i32 to vector<16xi32>
      %mul3A_1848 = arith.muli %add3A_1845, %mul3A_1847 : vector<16xi32>
      %add3A_1849 = arith.addi %mul3A_1848, %get3A_1841 : vector<16xi32>
      %swap3A_1850 = arith.index_cast %add3A_1802 : i32 to index
      %swap3A_1851 = arith.constant 16 : index
      %swap3A_1852 = tpu.vector_load %arg10[%swap3A_1850, %swap3A_1851] {strides = array<i32>} : memref<125x80xi32, #tpu.memory_space<vmem>>, vector<1x16xi32>,
      %swap3A_1853 = vector.shape_cast %swap3A_1852 : vector<1x16xi32> to vector<16xi32>
      %swap3A_1854 = vector.shape_cast %add3A_1849 : vector<16xi32> to vector<1x16xi32>
      tpu.vector_store %arg10[%swap3A_1850, %swap3A_1851], %swap3A_1854 {strides = array<i32>} : memref<125x80xi32, #tpu.memory_space<vmem>>, vector<1x16xi32>,
      %mul3A_1855 = arith.constant 80 : i32
      %mul3A_1856 = arith.muli %add3A_1802, %mul3A_1855 : i32
      %add3A_1857 = arith.constant 32 : i32
      %add3A_1858 = arith.addi %mul3A_1856, %add3A_1857 : i32
      %get3A_1859 = arith.index_cast %add3A_1858 : i32 to index
      %get3A_1860 = tpu.vector_load %arg7[%get3A_1859] {strides = array<i32>} : memref<10000xi32, #tpu.memory_space<vmem>>, vector<16xi32>,
      %get3A_1861 = vector.shape_cast %get3A_1860 : vector<16xi32> to vector<16xi32>
      %get3A_1862 = arith.index_cast %add3A_1858 : i32 to index
      %get3A_1863 = tpu.vector_load %arg8[%get3A_1862] {strides = array<i32>} : memref<10000xi32, #tpu.memory_space<vmem>>, vector<16xi32>,
      %get3A_1864 = vector.shape_cast %get3A_1863 : vector<16xi32> to vector<16xi32>
      %get3A_1865 = arith.index_cast %add3A_1858 : i32 to index
      %get3A_1866 = tpu.vector_load %arg9[%get3A_1865] {strides = array<i32>} : memref<10000xi32, #tpu.memory_space<vmem>>, vector<16xi32>,
      %get3A_1867 = vector.shape_cast %get3A_1866 : vector<16xi32> to vector<16xi32>
      %mul3A_1868 = arith.constant 6 : i32
      %mul3A_1869 = vector.broadcast %mul3A_1868 : i32 to vector<16xi32>
      %mul3A_1870 = arith.muli %get3A_1861, %mul3A_1869 : vector<16xi32>
      %add3A_1871 = arith.addi %mul3A_1870, %get3A_1864 : vector<16xi32>
      %mul3A_1872 = arith.constant 2 : i32
      %mul3A_1873 = vector.broadcast %mul3A_1872 : i32 to vector<16xi32>
      %mul3A_1874 = arith.muli %add3A_1871, %mul3A_1873 : vector<16xi32>
      %add3A_1875 = arith.addi %mul3A_1874, %get3A_1867 : vector<16xi32>
      %swap3A_1876 = arith.index_cast %add3A_1802 : i32 to index
      %swap3A_1877 = arith.constant 32 : index
      %swap3A_1878 = tpu.vector_load %arg10[%swap3A_1876, %swap3A_1877] {strides = array<i32>} : memref<125x80xi32, #tpu.memory_space<vmem>>, vector<1x16xi32>,
      %swap3A_1879 = vector.shape_cast %swap3A_1878 : vector<1x16xi32> to vector<16xi32>
      %swap3A_1880 = vector.shape_cast %add3A_1875 : vector<16xi32> to vector<1x16xi32>
      tpu.vector_store %arg10[%swap3A_1876, %swap3A_1877], %swap3A_1880 {strides = array<i32>} : memref<125x80xi32, #tpu.memory_space<vmem>>, vector<1x16xi32>,
      %mul3A_1881 = arith.constant 80 : i32
      %mul3A_1882 = arith.muli %add3A_1802, %mul3A_1881 : i32
      %add3A_1883 = arith.constant 48 : i32
      %add3A_1884 = arith.addi %mul3A_1882, %add3A_1883 : i32
      %get3A_1885 = arith.index_cast %add3A_1884 : i32 to index
      %get3A_1886 = tpu.vector_load %arg7[%get3A_1885] {strides = array<i32>} : memref<10000xi32, #tpu.memory_space<vmem>>, vector<16xi32>,
      %get3A_1887 = vector.shape_cast %get3A_1886 : vector<16xi32> to vector<16xi32>
      %get3A_1888 = arith.index_cast %add3A_1884 : i32 to index
      %get3A_1889 = tpu.vector_load %arg8[%get3A_1888] {strides = array<i32>} : memref<10000xi32, #tpu.memory_space<vmem>>, vector<16xi32>,
      %get3A_1890 = vector.shape_cast %get3A_1889 : vector<16xi32> to vector<16xi32>
      %get3A_1891 = arith.index_cast %add3A_1884 : i32 to index
      %get3A_1892 = tpu.vector_load %arg9[%get3A_1891] {strides = array<i32>} : memref<10000xi32, #tpu.memory_space<vmem>>, vector<16xi32>,
      %get3A_1893 = vector.shape_cast %get3A_1892 : vector<16xi32> to vector<16xi32>
      %mul3A_1894 = arith.constant 6 : i32
      %mul3A_1895 = vector.broadcast %mul3A_1894 : i32 to vector<16xi32>
      %mul3A_1896 = arith.muli %get3A_1887, %mul3A_1895 : vector<16xi32>
      %add3A_1897 = arith.addi %mul3A_1896, %get3A_1890 : vector<16xi32>
      %mul3A_1898 = arith.constant 2 : i32
      %mul3A_1899 = vector.broadcast %mul3A_1898 : i32 to vector<16xi32>
      %mul3A_1900 = arith.muli %add3A_1897, %mul3A_1899 : vector<16xi32>
      %add3A_1901 = arith.addi %mul3A_1900, %get3A_1893 : vector<16xi32>
      %swap3A_1902 = arith.index_cast %add3A_1802 : i32 to index
      %swap3A_1903 = arith.constant 48 : index
      %swap3A_1904 = tpu.vector_load %arg10[%swap3A_1902, %swap3A_1903] {strides = array<i32>} : memref<125x80xi32, #tpu.memory_space<vmem>>, vector<1x16xi32>,
      %swap3A_1905 = vector.shape_cast %swap3A_1904 : vector<1x16xi32> to vector<16xi32>
      %swap3A_1906 = vector.shape_cast %add3A_1901 : vector<16xi32> to vector<1x16xi32>
      tpu.vector_store %arg10[%swap3A_1902, %swap3A_1903], %swap3A_1906 {strides = array<i32>} : memref<125x80xi32, #tpu.memory_space<vmem>>, vector<1x16xi32>,
      %mul3A_1907 = arith.constant 80 : i32
      %mul3A_1908 = arith.muli %add3A_1802, %mul3A_1907 : i32
      %add3A_1909 = arith.constant 64 : i32
      %add3A_1910 = arith.addi %mul3A_1908, %add3A_1909 : i32
      %get3A_1911 = arith.index_cast %add3A_1910 : i32 to index
      %get3A_1912 = tpu.vector_load %arg7[%get3A_1911] {strides = array<i32>} : memref<10000xi32, #tpu.memory_space<vmem>>, vector<16xi32>,
      %get3A_1913 = vector.shape_cast %get3A_1912 : vector<16xi32> to vector<16xi32>
      %get3A_1914 = arith.index_cast %add3A_1910 : i32 to index
      %get3A_1915 = tpu.vector_load %arg8[%get3A_1914] {strides = array<i32>} : memref<10000xi32, #tpu.memory_space<vmem>>, vector<16xi32>,
      %get3A_1916 = vector.shape_cast %get3A_1915 : vector<16xi32> to vector<16xi32>
      %get3A_1917 = arith.index_cast %add3A_1910 : i32 to index
      %get3A_1918 = tpu.vector_load %arg9[%get3A_1917] {strides = array<i32>} : memref<10000xi32, #tpu.memory_space<vmem>>, vector<16xi32>,
      %get3A_1919 = vector.shape_cast %get3A_1918 : vector<16xi32> to vector<16xi32>
      %mul3A_1920 = arith.constant 6 : i32
      %mul3A_1921 = vector.broadcast %mul3A_1920 : i32 to vector<16xi32>
      %mul3A_1922 = arith.muli %get3A_1913, %mul3A_1921 : vector<16xi32>
      %add3A_1923 = arith.addi %mul3A_1922, %get3A_1916 : vector<16xi32>
      %mul3A_1924 = arith.constant 2 : i32
      %mul3A_1925 = vector.broadcast %mul3A_1924 : i32 to vector<16xi32>
      %mul3A_1926 = arith.muli %add3A_1923, %mul3A_1925 : vector<16xi32>
      %add3A_1927 = arith.addi %mul3A_1926, %get3A_1919 : vector<16xi32>
      %swap3A_1928 = arith.index_cast %add3A_1802 : i32 to index
      %swap3A_1929 = arith.constant 64 : index
      %swap3A_1930 = tpu.vector_load %arg10[%swap3A_1928, %swap3A_1929] {strides = array<i32>} : memref<125x80xi32, #tpu.memory_space<vmem>>, vector<1x16xi32>,
      %swap3A_1931 = vector.shape_cast %swap3A_1930 : vector<1x16xi32> to vector<16xi32>
      %swap3A_1932 = vector.shape_cast %add3A_1927 : vector<16xi32> to vector<1x16xi32>
      tpu.vector_store %arg10[%swap3A_1928, %swap3A_1929], %swap3A_1932 {strides = array<i32>} : memref<125x80xi32, #tpu.memory_space<vmem>>, vector<1x16xi32>,
      %add3A_1933 = arith.constant 3 : i32
      %add3A_1934 = arith.addi %mul3A_1303, %add3A_1933 : i32
      %dma_wait3A_1935 = arith.constant 3 : i32
      %dma_wait3A_1936 = arith.constant 0 : i32
      %dma_wait3A_1937 = arith.constant 0 : i32
      %dma_wait3A_1938 = tpu.memref_slice %arg11[%dma_wait3A_1935, %dma_wait3A_1936, %dma_wait3A_1937] : memref<8x80x128xf32, #tpu.memory_space<vmem>> -> memref<1x80x128xf32, #tpu.memory_space<vmem>>
      %dma_wait3A_1939 = tpu.memref_squeeze %dma_wait3A_1938 : memref<1x80x128xf32, #tpu.memory_space<vmem>> -> memref<80x128xf32, #tpu.memory_space<vmem>>
      %dma_wait3A_1940 = arith.constant 0 : i32
      %dma_wait3A_1941 = tpu.memref_slice %arg10[%add3A_1934, %dma_wait3A_1940] : memref<125x80xi32, #tpu.memory_space<vmem>> -> memref<1x80xi32, #tpu.memory_space<vmem>>
      %dma_wait3A_1942 = tpu.memref_squeeze %dma_wait3A_1941 : memref<1x80xi32, #tpu.memory_space<vmem>> -> memref<80xi32, #tpu.memory_space<vmem>>
      %dma_wait3A_1943 = arith.constant 0 : i32
      %dma_wait3A_1944 = arith.constant 0 : i32
      %dma_wait3A_1945 = tpu.memref_slice %arg12[%dma_wait3A_1943, %dma_wait3A_1944] : memref<60x128xf32, #tpu.memory_space<vmem_shared>> -> memref<60x128xf32, #tpu.memory_space<vmem_shared>>
      tpu.wait_indirect_dma semaphore(%arg16 : memref<!tpu.dma_semaphore, #tpu.memory_space<semaphore_mem>>) src(%dma_wait3A_1945 : memref<60x128xf32, #tpu.memory_space<vmem_shared>>) dst(%dma_wait3A_1939 : memref<80x128xf32, #tpu.memory_space<vmem>>)
      %add3A_1946 = arith.constant 3 : i32
      %add3A_1947 = arith.addi %mul3A_1303, %add3A_1946 : i32
      %mul3A_1948 = arith.constant 80 : i32
      %mul3A_1949 = arith.muli %add3A_1947, %mul3A_1948 : i32
      %add3A_1950 = arith.addi %mul3A_2, %mul3A_1949 : i32
      %dma_start3A_1951 = arith.constant 3 : i32
      %dma_start3A_1952 = arith.constant 0 : i32
      %dma_start3A_1953 = arith.constant 0 : i32
      %dma_start3A_1954 = tpu.memref_slice %arg11[%dma_start3A_1951, %dma_start3A_1952, %dma_start3A_1953] : memref<8x80x128xf32, #tpu.memory_space<vmem>> -> memref<1x80x128xf32, #tpu.memory_space<vmem>>
      %dma_start3A_1955 = tpu.memref_squeeze %dma_start3A_1954 : memref<1x80x128xf32, #tpu.memory_space<vmem>> -> memref<80x128xf32, #tpu.memory_space<vmem>>
      %dma_start3A_1956 = arith.constant 0 : i32
      %dma_start3A_1957 = tpu.memref_slice %arg6[%add3A_1950, %dma_start3A_1956] : memref<320000x128xf32, #tpu.memory_space<hbm>> -> memref<80x128xf32, #tpu.memory_space<hbm>>
      %dma_start3A_1958 = arith.constant 0 : i32
      %dma_start3A_1959 = tpu.memref_slice %arg6[%add3A_1950, %dma_start3A_1958] : memref<320000x128xf32, #tpu.memory_space<hbm>> -> memref<80x128xf32, #tpu.memory_space<hbm>>
      %dma_start3A_1960 = arith.constant 0 : i32
      %dma_start3A_1961 = arith.constant 0 : i32
      %dma_start3A_1962 = tpu.memref_slice %arg11[%dma_start3A_1951, %dma_start3A_1960, %dma_start3A_1961] : memref<8x80x128xf32, #tpu.memory_space<vmem>> -> memref<1x80x128xf32, #tpu.memory_space<vmem>>
      %dma_start3A_1963 = tpu.memref_squeeze %dma_start3A_1962 : memref<1x80x128xf32, #tpu.memory_space<vmem>> -> memref<80x128xf32, #tpu.memory_space<vmem>>
      tpu.enqueue_dma source(%dma_start3A_1963 : memref<80x128xf32, #tpu.memory_space<vmem>>) target(%dma_start3A_1959 : memref<80x128xf32, #tpu.memory_space<hbm>>) target_semaphore(%arg24 : memref<!tpu.dma_semaphore, #tpu.memory_space<semaphore_mem>>)
      %add3A_1964 = arith.constant 4 : i32
      %add3A_1965 = arith.addi %mul3A_1303, %add3A_1964 : i32
      %add3A_1966 = arith.constant 8 : i32
      %add3A_1967 = arith.addi %add3A_1965, %add3A_1966 : i32
      %mul3A_1968 = arith.constant 80 : i32
      %mul3A_1969 = arith.muli %add3A_1967, %mul3A_1968 : i32
      %add3A_1970 = arith.constant 0 : i32
      %add3A_1971 = arith.addi %mul3A_1969, %add3A_1970 : i32
      %get3A_1972 = arith.index_cast %add3A_1971 : i32 to index
      %get3A_1973 = tpu.vector_load %arg7[%get3A_1972] {strides = array<i32>} : memref<10000xi32, #tpu.memory_space<vmem>>, vector<16xi32>,
      %get3A_1974 = vector.shape_cast %get3A_1973 : vector<16xi32> to vector<16xi32>
      %get3A_1975 = arith.index_cast %add3A_1971 : i32 to index
      %get3A_1976 = tpu.vector_load %arg8[%get3A_1975] {strides = array<i32>} : memref<10000xi32, #tpu.memory_space<vmem>>, vector<16xi32>,
      %get3A_1977 = vector.shape_cast %get3A_1976 : vector<16xi32> to vector<16xi32>
      %get3A_1978 = arith.index_cast %add3A_1971 : i32 to index
      %get3A_1979 = tpu.vector_load %arg9[%get3A_1978] {strides = array<i32>} : memref<10000xi32, #tpu.memory_space<vmem>>, vector<16xi32>,
      %get3A_1980 = vector.shape_cast %get3A_1979 : vector<16xi32> to vector<16xi32>
      %mul3A_1981 = arith.constant 6 : i32
      %mul3A_1982 = vector.broadcast %mul3A_1981 : i32 to vector<16xi32>
      %mul3A_1983 = arith.muli %get3A_1974, %mul3A_1982 : vector<16xi32>
      %add3A_1984 = arith.addi %mul3A_1983, %get3A_1977 : vector<16xi32>
      %mul3A_1985 = arith.constant 2 : i32
      %mul3A_1986 = vector.broadcast %mul3A_1985 : i32 to vector<16xi32>
      %mul3A_1987 = arith.muli %add3A_1984, %mul3A_1986 : vector<16xi32>
      %add3A_1988 = arith.addi %mul3A_1987, %get3A_1980 : vector<16xi32>
      %swap3A_1989 = arith.index_cast %add3A_1967 : i32 to index
      %swap3A_1990 = arith.constant 0 : index
      %swap3A_1991 = tpu.vector_load %arg10[%swap3A_1989, %swap3A_1990] {strides = array<i32>} : memref<125x80xi32, #tpu.memory_space<vmem>>, vector<1x16xi32>,
      %swap3A_1992 = vector.shape_cast %swap3A_1991 : vector<1x16xi32> to vector<16xi32>
      %swap3A_1993 = vector.shape_cast %add3A_1988 : vector<16xi32> to vector<1x16xi32>
      tpu.vector_store %arg10[%swap3A_1989, %swap3A_1990], %swap3A_1993 {strides = array<i32>} : memref<125x80xi32, #tpu.memory_space<vmem>>, vector<1x16xi32>,
      %mul3A_1994 = arith.constant 80 : i32
      %mul3A_1995 = arith.muli %add3A_1967, %mul3A_1994 : i32
      %add3A_1996 = arith.constant 16 : i32
      %add3A_1997 = arith.addi %mul3A_1995, %add3A_1996 : i32
      %get3A_1998 = arith.index_cast %add3A_1997 : i32 to index
      %get3A_1999 = tpu.vector_load %arg7[%get3A_1998] {strides = array<i32>} : memref<10000xi32, #tpu.memory_space<vmem>>, vector<16xi32>,
      %get3A_2000 = vector.shape_cast %get3A_1999 : vector<16xi32> to vector<16xi32>
      %get3A_2001 = arith.index_cast %add3A_1997 : i32 to index
      %get3A_2002 = tpu.vector_load %arg8[%get3A_2001] {strides = array<i32>} : memref<10000xi32, #tpu.memory_space<vmem>>, vector<16xi32>,
      %get3A_2003 = vector.shape_cast %get3A_2002 : vector<16xi32> to vector<16xi32>
      %get3A_2004 = arith.index_cast %add3A_1997 : i32 to index
      %get3A_2005 = tpu.vector_load %arg9[%get3A_2004] {strides = array<i32>} : memref<10000xi32, #tpu.memory_space<vmem>>, vector<16xi32>,
      %get3A_2006 = vector.shape_cast %get3A_2005 : vector<16xi32> to vector<16xi32>
      %mul3A_2007 = arith.constant 6 : i32
      %mul3A_2008 = vector.broadcast %mul3A_2007 : i32 to vector<16xi32>
      %mul3A_2009 = arith.muli %get3A_2000, %mul3A_2008 : vector<16xi32>
      %add3A_2010 = arith.addi %mul3A_2009, %get3A_2003 : vector<16xi32>
      %mul3A_2011 = arith.constant 2 : i32
      %mul3A_2012 = vector.broadcast %mul3A_2011 : i32 to vector<16xi32>
      %mul3A_2013 = arith.muli %add3A_2010, %mul3A_2012 : vector<16xi32>
      %add3A_2014 = arith.addi %mul3A_2013, %get3A_2006 : vector<16xi32>
      %swap3A_2015 = arith.index_cast %add3A_1967 : i32 to index
      %swap3A_2016 = arith.constant 16 : index
      %swap3A_2017 = tpu.vector_load %arg10[%swap3A_2015, %swap3A_2016] {strides = array<i32>} : memref<125x80xi32, #tpu.memory_space<vmem>>, vector<1x16xi32>,
      %swap3A_2018 = vector.shape_cast %swap3A_2017 : vector<1x16xi32> to vector<16xi32>
      %swap3A_2019 = vector.shape_cast %add3A_2014 : vector<16xi32> to vector<1x16xi32>
      tpu.vector_store %arg10[%swap3A_2015, %swap3A_2016], %swap3A_2019 {strides = array<i32>} : memref<125x80xi32, #tpu.memory_space<vmem>>, vector<1x16xi32>,
      %mul3A_2020 = arith.constant 80 : i32
      %mul3A_2021 = arith.muli %add3A_1967, %mul3A_2020 : i32
      %add3A_2022 = arith.constant 32 : i32
      %add3A_2023 = arith.addi %mul3A_2021, %add3A_2022 : i32
      %get3A_2024 = arith.index_cast %add3A_2023 : i32 to index
      %get3A_2025 = tpu.vector_load %arg7[%get3A_2024] {strides = array<i32>} : memref<10000xi32, #tpu.memory_space<vmem>>, vector<16xi32>,
      %get3A_2026 = vector.shape_cast %get3A_2025 : vector<16xi32> to vector<16xi32>
      %get3A_2027 = arith.index_cast %add3A_2023 : i32 to index
      %get3A_2028 = tpu.vector_load %arg8[%get3A_2027] {strides = array<i32>} : memref<10000xi32, #tpu.memory_space<vmem>>, vector<16xi32>,
      %get3A_2029 = vector.shape_cast %get3A_2028 : vector<16xi32> to vector<16xi32>
      %get3A_2030 = arith.index_cast %add3A_2023 : i32 to index
      %get3A_2031 = tpu.vector_load %arg9[%get3A_2030] {strides = array<i32>} : memref<10000xi32, #tpu.memory_space<vmem>>, vector<16xi32>,
      %get3A_2032 = vector.shape_cast %get3A_2031 : vector<16xi32> to vector<16xi32>
      %mul3A_2033 = arith.constant 6 : i32
      %mul3A_2034 = vector.broadcast %mul3A_2033 : i32 to vector<16xi32>
      %mul3A_2035 = arith.muli %get3A_2026, %mul3A_2034 : vector<16xi32>
      %add3A_2036 = arith.addi %mul3A_2035, %get3A_2029 : vector<16xi32>
      %mul3A_2037 = arith.constant 2 : i32
      %mul3A_2038 = vector.broadcast %mul3A_2037 : i32 to vector<16xi32>
      %mul3A_2039 = arith.muli %add3A_2036, %mul3A_2038 : vector<16xi32>
      %add3A_2040 = arith.addi %mul3A_2039, %get3A_2032 : vector<16xi32>
      %swap3A_2041 = arith.index_cast %add3A_1967 : i32 to index
      %swap3A_2042 = arith.constant 32 : index
      %swap3A_2043 = tpu.vector_load %arg10[%swap3A_2041, %swap3A_2042] {strides = array<i32>} : memref<125x80xi32, #tpu.memory_space<vmem>>, vector<1x16xi32>,
      %swap3A_2044 = vector.shape_cast %swap3A_2043 : vector<1x16xi32> to vector<16xi32>
      %swap3A_2045 = vector.shape_cast %add3A_2040 : vector<16xi32> to vector<1x16xi32>
      tpu.vector_store %arg10[%swap3A_2041, %swap3A_2042], %swap3A_2045 {strides = array<i32>} : memref<125x80xi32, #tpu.memory_space<vmem>>, vector<1x16xi32>,
      %mul3A_2046 = arith.constant 80 : i32
      %mul3A_2047 = arith.muli %add3A_1967, %mul3A_2046 : i32
      %add3A_2048 = arith.constant 48 : i32
      %add3A_2049 = arith.addi %mul3A_2047, %add3A_2048 : i32
      %get3A_2050 = arith.index_cast %add3A_2049 : i32 to index
      %get3A_2051 = tpu.vector_load %arg7[%get3A_2050] {strides = array<i32>} : memref<10000xi32, #tpu.memory_space<vmem>>, vector<16xi32>,
      %get3A_2052 = vector.shape_cast %get3A_2051 : vector<16xi32> to vector<16xi32>
      %get3A_2053 = arith.index_cast %add3A_2049 : i32 to index
      %get3A_2054 = tpu.vector_load %arg8[%get3A_2053] {strides = array<i32>} : memref<10000xi32, #tpu.memory_space<vmem>>, vector<16xi32>,
      %get3A_2055 = vector.shape_cast %get3A_2054 : vector<16xi32> to vector<16xi32>
      %get3A_2056 = arith.index_cast %add3A_2049 : i32 to index
      %get3A_2057 = tpu.vector_load %arg9[%get3A_2056] {strides = array<i32>} : memref<10000xi32, #tpu.memory_space<vmem>>, vector<16xi32>,
      %get3A_2058 = vector.shape_cast %get3A_2057 : vector<16xi32> to vector<16xi32>
      %mul3A_2059 = arith.constant 6 : i32
      %mul3A_2060 = vector.broadcast %mul3A_2059 : i32 to vector<16xi32>
      %mul3A_2061 = arith.muli %get3A_2052, %mul3A_2060 : vector<16xi32>
      %add3A_2062 = arith.addi %mul3A_2061, %get3A_2055 : vector<16xi32>
      %mul3A_2063 = arith.constant 2 : i32
      %mul3A_2064 = vector.broadcast %mul3A_2063 : i32 to vector<16xi32>
      %mul3A_2065 = arith.muli %add3A_2062, %mul3A_2064 : vector<16xi32>
      %add3A_2066 = arith.addi %mul3A_2065, %get3A_2058 : vector<16xi32>
      %swap3A_2067 = arith.index_cast %add3A_1967 : i32 to index
      %swap3A_2068 = arith.constant 48 : index
      %swap3A_2069 = tpu.vector_load %arg10[%swap3A_2067, %swap3A_2068] {strides = array<i32>} : memref<125x80xi32, #tpu.memory_space<vmem>>, vector<1x16xi32>,
      %swap3A_2070 = vector.shape_cast %swap3A_2069 : vector<1x16xi32> to vector<16xi32>
      %swap3A_2071 = vector.shape_cast %add3A_2066 : vector<16xi32> to vector<1x16xi32>
      tpu.vector_store %arg10[%swap3A_2067, %swap3A_2068], %swap3A_2071 {strides = array<i32>} : memref<125x80xi32, #tpu.memory_space<vmem>>, vector<1x16xi32>,
      %mul3A_2072 = arith.constant 80 : i32
      %mul3A_2073 = arith.muli %add3A_1967, %mul3A_2072 : i32
      %add3A_2074 = arith.constant 64 : i32
      %add3A_2075 = arith.addi %mul3A_2073, %add3A_2074 : i32
      %get3A_2076 = arith.index_cast %add3A_2075 : i32 to index
      %get3A_2077 = tpu.vector_load %arg7[%get3A_2076] {strides = array<i32>} : memref<10000xi32, #tpu.memory_space<vmem>>, vector<16xi32>,
      %get3A_2078 = vector.shape_cast %get3A_2077 : vector<16xi32> to vector<16xi32>
      %get3A_2079 = arith.index_cast %add3A_2075 : i32 to index
      %get3A_2080 = tpu.vector_load %arg8[%get3A_2079] {strides = array<i32>} : memref<10000xi32, #tpu.memory_space<vmem>>, vector<16xi32>,
      %get3A_2081 = vector.shape_cast %get3A_2080 : vector<16xi32> to vector<16xi32>
      %get3A_2082 = arith.index_cast %add3A_2075 : i32 to index
      %get3A_2083 = tpu.vector_load %arg9[%get3A_2082] {strides = array<i32>} : memref<10000xi32, #tpu.memory_space<vmem>>, vector<16xi32>,
      %get3A_2084 = vector.shape_cast %get3A_2083 : vector<16xi32> to vector<16xi32>
      %mul3A_2085 = arith.constant 6 : i32
      %mul3A_2086 = vector.broadcast %mul3A_2085 : i32 to vector<16xi32>
      %mul3A_2087 = arith.muli %get3A_2078, %mul3A_2086 : vector<16xi32>
      %add3A_2088 = arith.addi %mul3A_2087, %get3A_2081 : vector<16xi32>
      %mul3A_2089 = arith.constant 2 : i32
      %mul3A_2090 = vector.broadcast %mul3A_2089 : i32 to vector<16xi32>
      %mul3A_2091 = arith.muli %add3A_2088, %mul3A_2090 : vector<16xi32>
      %add3A_2092 = arith.addi %mul3A_2091, %get3A_2084 : vector<16xi32>
      %swap3A_2093 = arith.index_cast %add3A_1967 : i32 to index
      %swap3A_2094 = arith.constant 64 : index
      %swap3A_2095 = tpu.vector_load %arg10[%swap3A_2093, %swap3A_2094] {strides = array<i32>} : memref<125x80xi32, #tpu.memory_space<vmem>>, vector<1x16xi32>,
      %swap3A_2096 = vector.shape_cast %swap3A_2095 : vector<1x16xi32> to vector<16xi32>
      %swap3A_2097 = vector.shape_cast %add3A_2092 : vector<16xi32> to vector<1x16xi32>
      tpu.vector_store %arg10[%swap3A_2093, %swap3A_2094], %swap3A_2097 {strides = array<i32>} : memref<125x80xi32, #tpu.memory_space<vmem>>, vector<1x16xi32>,
      %add3A_2098 = arith.constant 4 : i32
      %add3A_2099 = arith.addi %mul3A_1303, %add3A_2098 : i32
      %dma_wait3A_2100 = arith.constant 4 : i32
      %dma_wait3A_2101 = arith.constant 0 : i32
      %dma_wait3A_2102 = arith.constant 0 : i32
      %dma_wait3A_2103 = tpu.memref_slice %arg11[%dma_wait3A_2100, %dma_wait3A_2101, %dma_wait3A_2102] : memref<8x80x128xf32, #tpu.memory_space<vmem>> -> memref<1x80x128xf32, #tpu.memory_space<vmem>>
      %dma_wait3A_2104 = tpu.memref_squeeze %dma_wait3A_2103 : memref<1x80x128xf32, #tpu.memory_space<vmem>> -> memref<80x128xf32, #tpu.memory_space<vmem>>
      %dma_wait3A_2105 = arith.constant 0 : i32
      %dma_wait3A_2106 = tpu.memref_slice %arg10[%add3A_2099, %dma_wait3A_2105] : memref<125x80xi32, #tpu.memory_space<vmem>> -> memref<1x80xi32, #tpu.memory_space<vmem>>
      %dma_wait3A_2107 = tpu.memref_squeeze %dma_wait3A_2106 : memref<1x80xi32, #tpu.memory_space<vmem>> -> memref<80xi32, #tpu.memory_space<vmem>>
      %dma_wait3A_2108 = arith.constant 0 : i32
      %dma_wait3A_2109 = arith.constant 0 : i32
      %dma_wait3A_2110 = tpu.memref_slice %arg12[%dma_wait3A_2108, %dma_wait3A_2109] : memref<60x128xf32, #tpu.memory_space<vmem_shared>> -> memref<60x128xf32, #tpu.memory_space<vmem_shared>>
      tpu.wait_indirect_dma semaphore(%arg17 : memref<!tpu.dma_semaphore, #tpu.memory_space<semaphore_mem>>) src(%dma_wait3A_2110 : memref<60x128xf32, #tpu.memory_space<vmem_shared>>) dst(%dma_wait3A_2104 : memref<80x128xf32, #tpu.memory_space<vmem>>)
      %add3A_2111 = arith.constant 4 : i32
      %add3A_2112 = arith.addi %mul3A_1303, %add3A_2111 : i32
      %mul3A_2113 = arith.constant 80 : i32
      %mul3A_2114 = arith.muli %add3A_2112, %mul3A_2113 : i32
      %add3A_2115 = arith.addi %mul3A_2, %mul3A_2114 : i32
      %dma_start3A_2116 = arith.constant 4 : i32
      %dma_start3A_2117 = arith.constant 0 : i32
      %dma_start3A_2118 = arith.constant 0 : i32
      %dma_start3A_2119 = tpu.memref_slice %arg11[%dma_start3A_2116, %dma_start3A_2117, %dma_start3A_2118] : memref<8x80x128xf32, #tpu.memory_space<vmem>> -> memref<1x80x128xf32, #tpu.memory_space<vmem>>
      %dma_start3A_2120 = tpu.memref_squeeze %dma_start3A_2119 : memref<1x80x128xf32, #tpu.memory_space<vmem>> -> memref<80x128xf32, #tpu.memory_space<vmem>>
      %dma_start3A_2121 = arith.constant 0 : i32
      %dma_start3A_2122 = tpu.memref_slice %arg6[%add3A_2115, %dma_start3A_2121] : memref<320000x128xf32, #tpu.memory_space<hbm>> -> memref<80x128xf32, #tpu.memory_space<hbm>>
      %dma_start3A_2123 = arith.constant 0 : i32
      %dma_start3A_2124 = tpu.memref_slice %arg6[%add3A_2115, %dma_start3A_2123] : memref<320000x128xf32, #tpu.memory_space<hbm>> -> memref<80x128xf32, #tpu.memory_space<hbm>>
      %dma_start3A_2125 = arith.constant 0 : i32
      %dma_start3A_2126 = arith.constant 0 : i32
      %dma_start3A_2127 = tpu.memref_slice %arg11[%dma_start3A_2116, %dma_start3A_2125, %dma_start3A_2126] : memref<8x80x128xf32, #tpu.memory_space<vmem>> -> memref<1x80x128xf32, #tpu.memory_space<vmem>>
      %dma_start3A_2128 = tpu.memref_squeeze %dma_start3A_2127 : memref<1x80x128xf32, #tpu.memory_space<vmem>> -> memref<80x128xf32, #tpu.memory_space<vmem>>
      tpu.enqueue_dma source(%dma_start3A_2128 : memref<80x128xf32, #tpu.memory_space<vmem>>) target(%dma_start3A_2124 : memref<80x128xf32, #tpu.memory_space<hbm>>) target_semaphore(%arg25 : memref<!tpu.dma_semaphore, #tpu.memory_space<semaphore_mem>>)
      %add3A_2129 = arith.constant 5 : i32
      %add3A_2130 = arith.addi %mul3A_1303, %add3A_2129 : i32
      %add3A_2131 = arith.constant 8 : i32
      %add3A_2132 = arith.addi %add3A_2130, %add3A_2131 : i32
      %mul3A_2133 = arith.constant 80 : i32
      %mul3A_2134 = arith.muli %add3A_2132, %mul3A_2133 : i32
      %add3A_2135 = arith.constant 0 : i32
      %add3A_2136 = arith.addi %mul3A_2134, %add3A_2135 : i32
      %get3A_2137 = arith.index_cast %add3A_2136 : i32 to index
      %get3A_2138 = tpu.vector_load %arg7[%get3A_2137] {strides = array<i32>} : memref<10000xi32, #tpu.memory_space<vmem>>, vector<16xi32>,
      %get3A_2139 = vector.shape_cast %get3A_2138 : vector<16xi32> to vector<16xi32>
      %get3A_2140 = arith.index_cast %add3A_2136 : i32 to index
      %get3A_2141 = tpu.vector_load %arg8[%get3A_2140] {strides = array<i32>} : memref<10000xi32, #tpu.memory_space<vmem>>, vector<16xi32>,
      %get3A_2142 = vector.shape_cast %get3A_2141 : vector<16xi32> to vector<16xi32>
      %get3A_2143 = arith.index_cast %add3A_2136 : i32 to index
      %get3A_2144 = tpu.vector_load %arg9[%get3A_2143] {strides = array<i32>} : memref<10000xi32, #tpu.memory_space<vmem>>, vector<16xi32>,
      %get3A_2145 = vector.shape_cast %get3A_2144 : vector<16xi32> to vector<16xi32>
      %mul3A_2146 = arith.constant 6 : i32
      %mul3A_2147 = vector.broadcast %mul3A_2146 : i32 to vector<16xi32>
      %mul3A_2148 = arith.muli %get3A_2139, %mul3A_2147 : vector<16xi32>
      %add3A_2149 = arith.addi %mul3A_2148, %get3A_2142 : vector<16xi32>
      %mul3A_2150 = arith.constant 2 : i32
      %mul3A_2151 = vector.broadcast %mul3A_2150 : i32 to vector<16xi32>
      %mul3A_2152 = arith.muli %add3A_2149, %mul3A_2151 : vector<16xi32>
      %add3A_2153 = arith.addi %mul3A_2152, %get3A_2145 : vector<16xi32>
      %swap3A_2154 = arith.index_cast %add3A_2132 : i32 to index
      %swap3A_2155 = arith.constant 0 : index
      %swap3A_2156 = tpu.vector_load %arg10[%swap3A_2154, %swap3A_2155] {strides = array<i32>} : memref<125x80xi32, #tpu.memory_space<vmem>>, vector<1x16xi32>,
      %swap3A_2157 = vector.shape_cast %swap3A_2156 : vector<1x16xi32> to vector<16xi32>
      %swap3A_2158 = vector.shape_cast %add3A_2153 : vector<16xi32> to vector<1x16xi32>
      tpu.vector_store %arg10[%swap3A_2154, %swap3A_2155], %swap3A_2158 {strides = array<i32>} : memref<125x80xi32, #tpu.memory_space<vmem>>, vector<1x16xi32>,
      %mul3A_2159 = arith.constant 80 : i32
      %mul3A_2160 = arith.muli %add3A_2132, %mul3A_2159 : i32
      %add3A_2161 = arith.constant 16 : i32
      %add3A_2162 = arith.addi %mul3A_2160, %add3A_2161 : i32
      %get3A_2163 = arith.index_cast %add3A_2162 : i32 to index
      %get3A_2164 = tpu.vector_load %arg7[%get3A_2163] {strides = array<i32>} : memref<10000xi32, #tpu.memory_space<vmem>>, vector<16xi32>,
      %get3A_2165 = vector.shape_cast %get3A_2164 : vector<16xi32> to vector<16xi32>
      %get3A_2166 = arith.index_cast %add3A_2162 : i32 to index
      %get3A_2167 = tpu.vector_load %arg8[%get3A_2166] {strides = array<i32>} : memref<10000xi32, #tpu.memory_space<vmem>>, vector<16xi32>,
      %get3A_2168 = vector.shape_cast %get3A_2167 : vector<16xi32> to vector<16xi32>
      %get3A_2169 = arith.index_cast %add3A_2162 : i32 to index
      %get3A_2170 = tpu.vector_load %arg9[%get3A_2169] {strides = array<i32>} : memref<10000xi32, #tpu.memory_space<vmem>>, vector<16xi32>,
      %get3A_2171 = vector.shape_cast %get3A_2170 : vector<16xi32> to vector<16xi32>
      %mul3A_2172 = arith.constant 6 : i32
      %mul3A_2173 = vector.broadcast %mul3A_2172 : i32 to vector<16xi32>
      %mul3A_2174 = arith.muli %get3A_2165, %mul3A_2173 : vector<16xi32>
      %add3A_2175 = arith.addi %mul3A_2174, %get3A_2168 : vector<16xi32>
      %mul3A_2176 = arith.constant 2 : i32
      %mul3A_2177 = vector.broadcast %mul3A_2176 : i32 to vector<16xi32>
      %mul3A_2178 = arith.muli %add3A_2175, %mul3A_2177 : vector<16xi32>
      %add3A_2179 = arith.addi %mul3A_2178, %get3A_2171 : vector<16xi32>
      %swap3A_2180 = arith.index_cast %add3A_2132 : i32 to index
      %swap3A_2181 = arith.constant 16 : index
      %swap3A_2182 = tpu.vector_load %arg10[%swap3A_2180, %swap3A_2181] {strides = array<i32>} : memref<125x80xi32, #tpu.memory_space<vmem>>, vector<1x16xi32>,
      %swap3A_2183 = vector.shape_cast %swap3A_2182 : vector<1x16xi32> to vector<16xi32>
      %swap3A_2184 = vector.shape_cast %add3A_2179 : vector<16xi32> to vector<1x16xi32>
      tpu.vector_store %arg10[%swap3A_2180, %swap3A_2181], %swap3A_2184 {strides = array<i32>} : memref<125x80xi32, #tpu.memory_space<vmem>>, vector<1x16xi32>,
      %mul3A_2185 = arith.constant 80 : i32
      %mul3A_2186 = arith.muli %add3A_2132, %mul3A_2185 : i32
      %add3A_2187 = arith.constant 32 : i32
      %add3A_2188 = arith.addi %mul3A_2186, %add3A_2187 : i32
      %get3A_2189 = arith.index_cast %add3A_2188 : i32 to index
      %get3A_2190 = tpu.vector_load %arg7[%get3A_2189] {strides = array<i32>} : memref<10000xi32, #tpu.memory_space<vmem>>, vector<16xi32>,
      %get3A_2191 = vector.shape_cast %get3A_2190 : vector<16xi32> to vector<16xi32>
      %get3A_2192 = arith.index_cast %add3A_2188 : i32 to index
      %get3A_2193 = tpu.vector_load %arg8[%get3A_2192] {strides = array<i32>} : memref<10000xi32, #tpu.memory_space<vmem>>, vector<16xi32>,
      %get3A_2194 = vector.shape_cast %get3A_2193 : vector<16xi32> to vector<16xi32>
      %get3A_2195 = arith.index_cast %add3A_2188 : i32 to index
      %get3A_2196 = tpu.vector_load %arg9[%get3A_2195] {strides = array<i32>} : memref<10000xi32, #tpu.memory_space<vmem>>, vector<16xi32>,
      %get3A_2197 = vector.shape_cast %get3A_2196 : vector<16xi32> to vector<16xi32>
      %mul3A_2198 = arith.constant 6 : i32
      %mul3A_2199 = vector.broadcast %mul3A_2198 : i32 to vector<16xi32>
      %mul3A_2200 = arith.muli %get3A_2191, %mul3A_2199 : vector<16xi32>
      %add3A_2201 = arith.addi %mul3A_2200, %get3A_2194 : vector<16xi32>
      %mul3A_2202 = arith.constant 2 : i32
      %mul3A_2203 = vector.broadcast %mul3A_2202 : i32 to vector<16xi32>
      %mul3A_2204 = arith.muli %add3A_2201, %mul3A_2203 : vector<16xi32>
      %add3A_2205 = arith.addi %mul3A_2204, %get3A_2197 : vector<16xi32>
      %swap3A_2206 = arith.index_cast %add3A_2132 : i32 to index
      %swap3A_2207 = arith.constant 32 : index
      %swap3A_2208 = tpu.vector_load %arg10[%swap3A_2206, %swap3A_2207] {strides = array<i32>} : memref<125x80xi32, #tpu.memory_space<vmem>>, vector<1x16xi32>,
      %swap3A_2209 = vector.shape_cast %swap3A_2208 : vector<1x16xi32> to vector<16xi32>
      %swap3A_2210 = vector.shape_cast %add3A_2205 : vector<16xi32> to vector<1x16xi32>
      tpu.vector_store %arg10[%swap3A_2206, %swap3A_2207], %swap3A_2210 {strides = array<i32>} : memref<125x80xi32, #tpu.memory_space<vmem>>, vector<1x16xi32>,
      %mul3A_2211 = arith.constant 80 : i32
      %mul3A_2212 = arith.muli %add3A_2132, %mul3A_2211 : i32
      %add3A_2213 = arith.constant 48 : i32
      %add3A_2214 = arith.addi %mul3A_2212, %add3A_2213 : i32
      %get3A_2215 = arith.index_cast %add3A_2214 : i32 to index
      %get3A_2216 = tpu.vector_load %arg7[%get3A_2215] {strides = array<i32>} : memref<10000xi32, #tpu.memory_space<vmem>>, vector<16xi32>,
      %get3A_2217 = vector.shape_cast %get3A_2216 : vector<16xi32> to vector<16xi32>
      %get3A_2218 = arith.index_cast %add3A_2214 : i32 to index
      %get3A_2219 = tpu.vector_load %arg8[%get3A_2218] {strides = array<i32>} : memref<10000xi32, #tpu.memory_space<vmem>>, vector<16xi32>,
      %get3A_2220 = vector.shape_cast %get3A_2219 : vector<16xi32> to vector<16xi32>
      %get3A_2221 = arith.index_cast %add3A_2214 : i32 to index
      %get3A_2222 = tpu.vector_load %arg9[%get3A_2221] {strides = array<i32>} : memref<10000xi32, #tpu.memory_space<vmem>>, vector<16xi32>,
      %get3A_2223 = vector.shape_cast %get3A_2222 : vector<16xi32> to vector<16xi32>
      %mul3A_2224 = arith.constant 6 : i32
      %mul3A_2225 = vector.broadcast %mul3A_2224 : i32 to vector<16xi32>
      %mul3A_2226 = arith.muli %get3A_2217, %mul3A_2225 : vector<16xi32>
      %add3A_2227 = arith.addi %mul3A_2226, %get3A_2220 : vector<16xi32>
      %mul3A_2228 = arith.constant 2 : i32
      %mul3A_2229 = vector.broadcast %mul3A_2228 : i32 to vector<16xi32>
      %mul3A_2230 = arith.muli %add3A_2227, %mul3A_2229 : vector<16xi32>
      %add3A_2231 = arith.addi %mul3A_2230, %get3A_2223 : vector<16xi32>
      %swap3A_2232 = arith.index_cast %add3A_2132 : i32 to index
      %swap3A_2233 = arith.constant 48 : index
      %swap3A_2234 = tpu.vector_load %arg10[%swap3A_2232, %swap3A_2233] {strides = array<i32>} : memref<125x80xi32, #tpu.memory_space<vmem>>, vector<1x16xi32>,
      %swap3A_2235 = vector.shape_cast %swap3A_2234 : vector<1x16xi32> to vector<16xi32>
      %swap3A_2236 = vector.shape_cast %add3A_2231 : vector<16xi32> to vector<1x16xi32>
      tpu.vector_store %arg10[%swap3A_2232, %swap3A_2233], %swap3A_2236 {strides = array<i32>} : memref<125x80xi32, #tpu.memory_space<vmem>>, vector<1x16xi32>,
      %mul3A_2237 = arith.constant 80 : i32
      %mul3A_2238 = arith.muli %add3A_2132, %mul3A_2237 : i32
      %add3A_2239 = arith.constant 64 : i32
      %add3A_2240 = arith.addi %mul3A_2238, %add3A_2239 : i32
      %get3A_2241 = arith.index_cast %add3A_2240 : i32 to index
      %get3A_2242 = tpu.vector_load %arg7[%get3A_2241] {strides = array<i32>} : memref<10000xi32, #tpu.memory_space<vmem>>, vector<16xi32>,
      %get3A_2243 = vector.shape_cast %get3A_2242 : vector<16xi32> to vector<16xi32>
      %get3A_2244 = arith.index_cast %add3A_2240 : i32 to index
      %get3A_2245 = tpu.vector_load %arg8[%get3A_2244] {strides = array<i32>} : memref<10000xi32, #tpu.memory_space<vmem>>, vector<16xi32>,
      %get3A_2246 = vector.shape_cast %get3A_2245 : vector<16xi32> to vector<16xi32>
      %get3A_2247 = arith.index_cast %add3A_2240 : i32 to index
      %get3A_2248 = tpu.vector_load %arg9[%get3A_2247] {strides = array<i32>} : memref<10000xi32, #tpu.memory_space<vmem>>, vector<16xi32>,
      %get3A_2249 = vector.shape_cast %get3A_2248 : vector<16xi32> to vector<16xi32>
      %mul3A_2250 = arith.constant 6 : i32
      %mul3A_2251 = vector.broadcast %mul3A_2250 : i32 to vector<16xi32>
      %mul3A_2252 = arith.muli %get3A_2243, %mul3A_2251 : vector<16xi32>
      %add3A_2253 = arith.addi %mul3A_2252, %get3A_2246 : vector<16xi32>
      %mul3A_2254 = arith.constant 2 : i32
      %mul3A_2255 = vector.broadcast %mul3A_2254 : i32 to vector<16xi32>
      %mul3A_2256 = arith.muli %add3A_2253, %mul3A_2255 : vector<16xi32>
      %add3A_2257 = arith.addi %mul3A_2256, %get3A_2249 : vector<16xi32>
      %swap3A_2258 = arith.index_cast %add3A_2132 : i32 to index
      %swap3A_2259 = arith.constant 64 : index
      %swap3A_2260 = tpu.vector_load %arg10[%swap3A_2258, %swap3A_2259] {strides = array<i32>} : memref<125x80xi32, #tpu.memory_space<vmem>>, vector<1x16xi32>,
      %swap3A_2261 = vector.shape_cast %swap3A_2260 : vector<1x16xi32> to vector<16xi32>
      %swap3A_2262 = vector.shape_cast %add3A_2257 : vector<16xi32> to vector<1x16xi32>
      tpu.vector_store %arg10[%swap3A_2258, %swap3A_2259], %swap3A_2262 {strides = array<i32>} : memref<125x80xi32, #tpu.memory_space<vmem>>, vector<1x16xi32>,
      %add3A_2263 = arith.constant 5 : i32
      %add3A_2264 = arith.addi %mul3A_1303, %add3A_2263 : i32
      %dma_wait3A_2265 = arith.constant 5 : i32
      %dma_wait3A_2266 = arith.constant 0 : i32
      %dma_wait3A_2267 = arith.constant 0 : i32
      %dma_wait3A_2268 = tpu.memref_slice %arg11[%dma_wait3A_2265, %dma_wait3A_2266, %dma_wait3A_2267] : memref<8x80x128xf32, #tpu.memory_space<vmem>> -> memref<1x80x128xf32, #tpu.memory_space<vmem>>
      %dma_wait3A_2269 = tpu.memref_squeeze %dma_wait3A_2268 : memref<1x80x128xf32, #tpu.memory_space<vmem>> -> memref<80x128xf32, #tpu.memory_space<vmem>>
      %dma_wait3A_2270 = arith.constant 0 : i32
      %dma_wait3A_2271 = tpu.memref_slice %arg10[%add3A_2264, %dma_wait3A_2270] : memref<125x80xi32, #tpu.memory_space<vmem>> -> memref<1x80xi32, #tpu.memory_space<vmem>>
      %dma_wait3A_2272 = tpu.memref_squeeze %dma_wait3A_2271 : memref<1x80xi32, #tpu.memory_space<vmem>> -> memref<80xi32, #tpu.memory_space<vmem>>
      %dma_wait3A_2273 = arith.constant 0 : i32
      %dma_wait3A_2274 = arith.constant 0 : i32
      %dma_wait3A_2275 = tpu.memref_slice %arg12[%dma_wait3A_2273, %dma_wait3A_2274] : memref<60x128xf32, #tpu.memory_space<vmem_shared>> -> memref<60x128xf32, #tpu.memory_space<vmem_shared>>
      tpu.wait_indirect_dma semaphore(%arg18 : memref<!tpu.dma_semaphore, #tpu.memory_space<semaphore_mem>>) src(%dma_wait3A_2275 : memref<60x128xf32, #tpu.memory_space<vmem_shared>>) dst(%dma_wait3A_2269 : memref<80x128xf32, #tpu.memory_space<vmem>>)
      %add3A_2276 = arith.constant 5 : i32
      %add3A_2277 = arith.addi %mul3A_1303, %add3A_2276 : i32
      %mul3A_2278 = arith.constant 80 : i32
      %mul3A_2279 = arith.muli %add3A_2277, %mul3A_2278 : i32
      %add3A_2280 = arith.addi %mul3A_2, %mul3A_2279 : i32
      %dma_start3A_2281 = arith.constant 5 : i32
      %dma_start3A_2282 = arith.constant 0 : i32
      %dma_start3A_2283 = arith.constant 0 : i32
      %dma_start3A_2284 = tpu.memref_slice %arg11[%dma_start3A_2281, %dma_start3A_2282, %dma_start3A_2283] : memref<8x80x128xf32, #tpu.memory_space<vmem>> -> memref<1x80x128xf32, #tpu.memory_space<vmem>>
      %dma_start3A_2285 = tpu.memref_squeeze %dma_start3A_2284 : memref<1x80x128xf32, #tpu.memory_space<vmem>> -> memref<80x128xf32, #tpu.memory_space<vmem>>
      %dma_start3A_2286 = arith.constant 0 : i32
      %dma_start3A_2287 = tpu.memref_slice %arg6[%add3A_2280, %dma_start3A_2286] : memref<320000x128xf32, #tpu.memory_space<hbm>> -> memref<80x128xf32, #tpu.memory_space<hbm>>
      %dma_start3A_2288 = arith.constant 0 : i32
      %dma_start3A_2289 = tpu.memref_slice %arg6[%add3A_2280, %dma_start3A_2288] : memref<320000x128xf32, #tpu.memory_space<hbm>> -> memref<80x128xf32, #tpu.memory_space<hbm>>
      %dma_start3A_2290 = arith.constant 0 : i32
      %dma_start3A_2291 = arith.constant 0 : i32
      %dma_start3A_2292 = tpu.memref_slice %arg11[%dma_start3A_2281, %dma_start3A_2290, %dma_start3A_2291] : memref<8x80x128xf32, #tpu.memory_space<vmem>> -> memref<1x80x128xf32, #tpu.memory_space<vmem>>
      %dma_start3A_2293 = tpu.memref_squeeze %dma_start3A_2292 : memref<1x80x128xf32, #tpu.memory_space<vmem>> -> memref<80x128xf32, #tpu.memory_space<vmem>>
      tpu.enqueue_dma source(%dma_start3A_2293 : memref<80x128xf32, #tpu.memory_space<vmem>>) target(%dma_start3A_2289 : memref<80x128xf32, #tpu.memory_space<hbm>>) target_semaphore(%arg26 : memref<!tpu.dma_semaphore, #tpu.memory_space<semaphore_mem>>)
      %add3A_2294 = arith.constant 6 : i32
      %add3A_2295 = arith.addi %mul3A_1303, %add3A_2294 : i32
      %add3A_2296 = arith.constant 8 : i32
      %add3A_2297 = arith.addi %add3A_2295, %add3A_2296 : i32
      %mul3A_2298 = arith.constant 80 : i32
      %mul3A_2299 = arith.muli %add3A_2297, %mul3A_2298 : i32
      %add3A_2300 = arith.constant 0 : i32
      %add3A_2301 = arith.addi %mul3A_2299, %add3A_2300 : i32
      %get3A_2302 = arith.index_cast %add3A_2301 : i32 to index
      %get3A_2303 = tpu.vector_load %arg7[%get3A_2302] {strides = array<i32>} : memref<10000xi32, #tpu.memory_space<vmem>>, vector<16xi32>,
      %get3A_2304 = vector.shape_cast %get3A_2303 : vector<16xi32> to vector<16xi32>
      %get3A_2305 = arith.index_cast %add3A_2301 : i32 to index
      %get3A_2306 = tpu.vector_load %arg8[%get3A_2305] {strides = array<i32>} : memref<10000xi32, #tpu.memory_space<vmem>>, vector<16xi32>,
      %get3A_2307 = vector.shape_cast %get3A_2306 : vector<16xi32> to vector<16xi32>
      %get3A_2308 = arith.index_cast %add3A_2301 : i32 to index
      %get3A_2309 = tpu.vector_load %arg9[%get3A_2308] {strides = array<i32>} : memref<10000xi32, #tpu.memory_space<vmem>>, vector<16xi32>,
      %get3A_2310 = vector.shape_cast %get3A_2309 : vector<16xi32> to vector<16xi32>
      %mul3A_2311 = arith.constant 6 : i32
      %mul3A_2312 = vector.broadcast %mul3A_2311 : i32 to vector<16xi32>
      %mul3A_2313 = arith.muli %get3A_2304, %mul3A_2312 : vector<16xi32>
      %add3A_2314 = arith.addi %mul3A_2313, %get3A_2307 : vector<16xi32>
      %mul3A_2315 = arith.constant 2 : i32
      %mul3A_2316 = vector.broadcast %mul3A_2315 : i32 to vector<16xi32>
      %mul3A_2317 = arith.muli %add3A_2314, %mul3A_2316 : vector<16xi32>
      %add3A_2318 = arith.addi %mul3A_2317, %get3A_2310 : vector<16xi32>
      %swap3A_2319 = arith.index_cast %add3A_2297 : i32 to index
      %swap3A_2320 = arith.constant 0 : index
      %swap3A_2321 = tpu.vector_load %arg10[%swap3A_2319, %swap3A_2320] {strides = array<i32>} : memref<125x80xi32, #tpu.memory_space<vmem>>, vector<1x16xi32>,
      %swap3A_2322 = vector.shape_cast %swap3A_2321 : vector<1x16xi32> to vector<16xi32>
      %swap3A_2323 = vector.shape_cast %add3A_2318 : vector<16xi32> to vector<1x16xi32>
      tpu.vector_store %arg10[%swap3A_2319, %swap3A_2320], %swap3A_2323 {strides = array<i32>} : memref<125x80xi32, #tpu.memory_space<vmem>>, vector<1x16xi32>,
      %mul3A_2324 = arith.constant 80 : i32
      %mul3A_2325 = arith.muli %add3A_2297, %mul3A_2324 : i32
      %add3A_2326 = arith.constant 16 : i32
      %add3A_2327 = arith.addi %mul3A_2325, %add3A_2326 : i32
      %get3A_2328 = arith.index_cast %add3A_2327 : i32 to index
      %get3A_2329 = tpu.vector_load %arg7[%get3A_2328] {strides = array<i32>} : memref<10000xi32, #tpu.memory_space<vmem>>, vector<16xi32>,
      %get3A_2330 = vector.shape_cast %get3A_2329 : vector<16xi32> to vector<16xi32>
      %get3A_2331 = arith.index_cast %add3A_2327 : i32 to index
      %get3A_2332 = tpu.vector_load %arg8[%get3A_2331] {strides = array<i32>} : memref<10000xi32, #tpu.memory_space<vmem>>, vector<16xi32>,
      %get3A_2333 = vector.shape_cast %get3A_2332 : vector<16xi32> to vector<16xi32>
      %get3A_2334 = arith.index_cast %add3A_2327 : i32 to index
      %get3A_2335 = tpu.vector_load %arg9[%get3A_2334] {strides = array<i32>} : memref<10000xi32, #tpu.memory_space<vmem>>, vector<16xi32>,
      %get3A_2336 = vector.shape_cast %get3A_2335 : vector<16xi32> to vector<16xi32>
      %mul3A_2337 = arith.constant 6 : i32
      %mul3A_2338 = vector.broadcast %mul3A_2337 : i32 to vector<16xi32>
      %mul3A_2339 = arith.muli %get3A_2330, %mul3A_2338 : vector<16xi32>
      %add3A_2340 = arith.addi %mul3A_2339, %get3A_2333 : vector<16xi32>
      %mul3A_2341 = arith.constant 2 : i32
      %mul3A_2342 = vector.broadcast %mul3A_2341 : i32 to vector<16xi32>
      %mul3A_2343 = arith.muli %add3A_2340, %mul3A_2342 : vector<16xi32>
      %add3A_2344 = arith.addi %mul3A_2343, %get3A_2336 : vector<16xi32>
      %swap3A_2345 = arith.index_cast %add3A_2297 : i32 to index
      %swap3A_2346 = arith.constant 16 : index
      %swap3A_2347 = tpu.vector_load %arg10[%swap3A_2345, %swap3A_2346] {strides = array<i32>} : memref<125x80xi32, #tpu.memory_space<vmem>>, vector<1x16xi32>,
      %swap3A_2348 = vector.shape_cast %swap3A_2347 : vector<1x16xi32> to vector<16xi32>
      %swap3A_2349 = vector.shape_cast %add3A_2344 : vector<16xi32> to vector<1x16xi32>
      tpu.vector_store %arg10[%swap3A_2345, %swap3A_2346], %swap3A_2349 {strides = array<i32>} : memref<125x80xi32, #tpu.memory_space<vmem>>, vector<1x16xi32>,
      %mul3A_2350 = arith.constant 80 : i32
      %mul3A_2351 = arith.muli %add3A_2297, %mul3A_2350 : i32
      %add3A_2352 = arith.constant 32 : i32
      %add3A_2353 = arith.addi %mul3A_2351, %add3A_2352 : i32
      %get3A_2354 = arith.index_cast %add3A_2353 : i32 to index
      %get3A_2355 = tpu.vector_load %arg7[%get3A_2354] {strides = array<i32>} : memref<10000xi32, #tpu.memory_space<vmem>>, vector<16xi32>,
      %get3A_2356 = vector.shape_cast %get3A_2355 : vector<16xi32> to vector<16xi32>
      %get3A_2357 = arith.index_cast %add3A_2353 : i32 to index
      %get3A_2358 = tpu.vector_load %arg8[%get3A_2357] {strides = array<i32>} : memref<10000xi32, #tpu.memory_space<vmem>>, vector<16xi32>,
      %get3A_2359 = vector.shape_cast %get3A_2358 : vector<16xi32> to vector<16xi32>
      %get3A_2360 = arith.index_cast %add3A_2353 : i32 to index
      %get3A_2361 = tpu.vector_load %arg9[%get3A_2360] {strides = array<i32>} : memref<10000xi32, #tpu.memory_space<vmem>>, vector<16xi32>,
      %get3A_2362 = vector.shape_cast %get3A_2361 : vector<16xi32> to vector<16xi32>
      %mul3A_2363 = arith.constant 6 : i32
      %mul3A_2364 = vector.broadcast %mul3A_2363 : i32 to vector<16xi32>
      %mul3A_2365 = arith.muli %get3A_2356, %mul3A_2364 : vector<16xi32>
      %add3A_2366 = arith.addi %mul3A_2365, %get3A_2359 : vector<16xi32>
      %mul3A_2367 = arith.constant 2 : i32
      %mul3A_2368 = vector.broadcast %mul3A_2367 : i32 to vector<16xi32>
      %mul3A_2369 = arith.muli %add3A_2366, %mul3A_2368 : vector<16xi32>
      %add3A_2370 = arith.addi %mul3A_2369, %get3A_2362 : vector<16xi32>
      %swap3A_2371 = arith.index_cast %add3A_2297 : i32 to index
      %swap3A_2372 = arith.constant 32 : index
      %swap3A_2373 = tpu.vector_load %arg10[%swap3A_2371, %swap3A_2372] {strides = array<i32>} : memref<125x80xi32, #tpu.memory_space<vmem>>, vector<1x16xi32>,
      %swap3A_2374 = vector.shape_cast %swap3A_2373 : vector<1x16xi32> to vector<16xi32>
      %swap3A_2375 = vector.shape_cast %add3A_2370 : vector<16xi32> to vector<1x16xi32>
      tpu.vector_store %arg10[%swap3A_2371, %swap3A_2372], %swap3A_2375 {strides = array<i32>} : memref<125x80xi32, #tpu.memory_space<vmem>>, vector<1x16xi32>,
      %mul3A_2376 = arith.constant 80 : i32
      %mul3A_2377 = arith.muli %add3A_2297, %mul3A_2376 : i32
      %add3A_2378 = arith.constant 48 : i32
      %add3A_2379 = arith.addi %mul3A_2377, %add3A_2378 : i32
      %get3A_2380 = arith.index_cast %add3A_2379 : i32 to index
      %get3A_2381 = tpu.vector_load %arg7[%get3A_2380] {strides = array<i32>} : memref<10000xi32, #tpu.memory_space<vmem>>, vector<16xi32>,
      %get3A_2382 = vector.shape_cast %get3A_2381 : vector<16xi32> to vector<16xi32>
      %get3A_2383 = arith.index_cast %add3A_2379 : i32 to index
      %get3A_2384 = tpu.vector_load %arg8[%get3A_2383] {strides = array<i32>} : memref<10000xi32, #tpu.memory_space<vmem>>, vector<16xi32>,
      %get3A_2385 = vector.shape_cast %get3A_2384 : vector<16xi32> to vector<16xi32>
      %get3A_2386 = arith.index_cast %add3A_2379 : i32 to index
      %get3A_2387 = tpu.vector_load %arg9[%get3A_2386] {strides = array<i32>} : memref<10000xi32, #tpu.memory_space<vmem>>, vector<16xi32>,
      %get3A_2388 = vector.shape_cast %get3A_2387 : vector<16xi32> to vector<16xi32>
      %mul3A_2389 = arith.constant 6 : i32
      %mul3A_2390 = vector.broadcast %mul3A_2389 : i32 to vector<16xi32>
      %mul3A_2391 = arith.muli %get3A_2382, %mul3A_2390 : vector<16xi32>
      %add3A_2392 = arith.addi %mul3A_2391, %get3A_2385 : vector<16xi32>
      %mul3A_2393 = arith.constant 2 : i32
      %mul3A_2394 = vector.broadcast %mul3A_2393 : i32 to vector<16xi32>
      %mul3A_2395 = arith.muli %add3A_2392, %mul3A_2394 : vector<16xi32>
      %add3A_2396 = arith.addi %mul3A_2395, %get3A_2388 : vector<16xi32>
      %swap3A_2397 = arith.index_cast %add3A_2297 : i32 to index
      %swap3A_2398 = arith.constant 48 : index
      %swap3A_2399 = tpu.vector_load %arg10[%swap3A_2397, %swap3A_2398] {strides = array<i32>} : memref<125x80xi32, #tpu.memory_space<vmem>>, vector<1x16xi32>,
      %swap3A_2400 = vector.shape_cast %swap3A_2399 : vector<1x16xi32> to vector<16xi32>
      %swap3A_2401 = vector.shape_cast %add3A_2396 : vector<16xi32> to vector<1x16xi32>
      tpu.vector_store %arg10[%swap3A_2397, %swap3A_2398], %swap3A_2401 {strides = array<i32>} : memref<125x80xi32, #tpu.memory_space<vmem>>, vector<1x16xi32>,
      %mul3A_2402 = arith.constant 80 : i32
      %mul3A_2403 = arith.muli %add3A_2297, %mul3A_2402 : i32
      %add3A_2404 = arith.constant 64 : i32
      %add3A_2405 = arith.addi %mul3A_2403, %add3A_2404 : i32
      %get3A_2406 = arith.index_cast %add3A_2405 : i32 to index
      %get3A_2407 = tpu.vector_load %arg7[%get3A_2406] {strides = array<i32>} : memref<10000xi32, #tpu.memory_space<vmem>>, vector<16xi32>,
      %get3A_2408 = vector.shape_cast %get3A_2407 : vector<16xi32> to vector<16xi32>
      %get3A_2409 = arith.index_cast %add3A_2405 : i32 to index
      %get3A_2410 = tpu.vector_load %arg8[%get3A_2409] {strides = array<i32>} : memref<10000xi32, #tpu.memory_space<vmem>>, vector<16xi32>,
      %get3A_2411 = vector.shape_cast %get3A_2410 : vector<16xi32> to vector<16xi32>
      %get3A_2412 = arith.index_cast %add3A_2405 : i32 to index
      %get3A_2413 = tpu.vector_load %arg9[%get3A_2412] {strides = array<i32>} : memref<10000xi32, #tpu.memory_space<vmem>>, vector<16xi32>,
      %get3A_2414 = vector.shape_cast %get3A_2413 : vector<16xi32> to vector<16xi32>
      %mul3A_2415 = arith.constant 6 : i32
      %mul3A_2416 = vector.broadcast %mul3A_2415 : i32 to vector<16xi32>
      %mul3A_2417 = arith.muli %get3A_2408, %mul3A_2416 : vector<16xi32>
      %add3A_2418 = arith.addi %mul3A_2417, %get3A_2411 : vector<16xi32>
      %mul3A_2419 = arith.constant 2 : i32
      %mul3A_2420 = vector.broadcast %mul3A_2419 : i32 to vector<16xi32>
      %mul3A_2421 = arith.muli %add3A_2418, %mul3A_2420 : vector<16xi32>
      %add3A_2422 = arith.addi %mul3A_2421, %get3A_2414 : vector<16xi32>
      %swap3A_2423 = arith.index_cast %add3A_2297 : i32 to index
      %swap3A_2424 = arith.constant 64 : index
      %swap3A_2425 = tpu.vector_load %arg10[%swap3A_2423, %swap3A_2424] {strides = array<i32>} : memref<125x80xi32, #tpu.memory_space<vmem>>, vector<1x16xi32>,
      %swap3A_2426 = vector.shape_cast %swap3A_2425 : vector<1x16xi32> to vector<16xi32>
      %swap3A_2427 = vector.shape_cast %add3A_2422 : vector<16xi32> to vector<1x16xi32>
      tpu.vector_store %arg10[%swap3A_2423, %swap3A_2424], %swap3A_2427 {strides = array<i32>} : memref<125x80xi32, #tpu.memory_space<vmem>>, vector<1x16xi32>,
      %add3A_2428 = arith.constant 6 : i32
      %add3A_2429 = arith.addi %mul3A_1303, %add3A_2428 : i32
      %dma_wait3A_2430 = arith.constant 6 : i32
      %dma_wait3A_2431 = arith.constant 0 : i32
      %dma_wait3A_2432 = arith.constant 0 : i32
      %dma_wait3A_2433 = tpu.memref_slice %arg11[%dma_wait3A_2430, %dma_wait3A_2431, %dma_wait3A_2432] : memref<8x80x128xf32, #tpu.memory_space<vmem>> -> memref<1x80x128xf32, #tpu.memory_space<vmem>>
      %dma_wait3A_2434 = tpu.memref_squeeze %dma_wait3A_2433 : memref<1x80x128xf32, #tpu.memory_space<vmem>> -> memref<80x128xf32, #tpu.memory_space<vmem>>
      %dma_wait3A_2435 = arith.constant 0 : i32
      %dma_wait3A_2436 = tpu.memref_slice %arg10[%add3A_2429, %dma_wait3A_2435] : memref<125x80xi32, #tpu.memory_space<vmem>> -> memref<1x80xi32, #tpu.memory_space<vmem>>
      %dma_wait3A_2437 = tpu.memref_squeeze %dma_wait3A_2436 : memref<1x80xi32, #tpu.memory_space<vmem>> -> memref<80xi32, #tpu.memory_space<vmem>>
      %dma_wait3A_2438 = arith.constant 0 : i32
      %dma_wait3A_2439 = arith.constant 0 : i32
      %dma_wait3A_2440 = tpu.memref_slice %arg12[%dma_wait3A_2438, %dma_wait3A_2439] : memref<60x128xf32, #tpu.memory_space<vmem_shared>> -> memref<60x128xf32, #tpu.memory_space<vmem_shared>>
      tpu.wait_indirect_dma semaphore(%arg19 : memref<!tpu.dma_semaphore, #tpu.memory_space<semaphore_mem>>) src(%dma_wait3A_2440 : memref<60x128xf32, #tpu.memory_space<vmem_shared>>) dst(%dma_wait3A_2434 : memref<80x128xf32, #tpu.memory_space<vmem>>)
      %add3A_2441 = arith.constant 6 : i32
      %add3A_2442 = arith.addi %mul3A_1303, %add3A_2441 : i32
      %mul3A_2443 = arith.constant 80 : i32
      %mul3A_2444 = arith.muli %add3A_2442, %mul3A_2443 : i32
      %add3A_2445 = arith.addi %mul3A_2, %mul3A_2444 : i32
      %dma_start3A_2446 = arith.constant 6 : i32
      %dma_start3A_2447 = arith.constant 0 : i32
      %dma_start3A_2448 = arith.constant 0 : i32
      %dma_start3A_2449 = tpu.memref_slice %arg11[%dma_start3A_2446, %dma_start3A_2447, %dma_start3A_2448] : memref<8x80x128xf32, #tpu.memory_space<vmem>> -> memref<1x80x128xf32, #tpu.memory_space<vmem>>
      %dma_start3A_2450 = tpu.memref_squeeze %dma_start3A_2449 : memref<1x80x128xf32, #tpu.memory_space<vmem>> -> memref<80x128xf32, #tpu.memory_space<vmem>>
      %dma_start3A_2451 = arith.constant 0 : i32
      %dma_start3A_2452 = tpu.memref_slice %arg6[%add3A_2445, %dma_start3A_2451] : memref<320000x128xf32, #tpu.memory_space<hbm>> -> memref<80x128xf32, #tpu.memory_space<hbm>>
      %dma_start3A_2453 = arith.constant 0 : i32
      %dma_start3A_2454 = tpu.memref_slice %arg6[%add3A_2445, %dma_start3A_2453] : memref<320000x128xf32, #tpu.memory_space<hbm>> -> memref<80x128xf32, #tpu.memory_space<hbm>>
      %dma_start3A_2455 = arith.constant 0 : i32
      %dma_start3A_2456 = arith.constant 0 : i32
      %dma_start3A_2457 = tpu.memref_slice %arg11[%dma_start3A_2446, %dma_start3A_2455, %dma_start3A_2456] : memref<8x80x128xf32, #tpu.memory_space<vmem>> -> memref<1x80x128xf32, #tpu.memory_space<vmem>>
      %dma_start3A_2458 = tpu.memref_squeeze %dma_start3A_2457 : memref<1x80x128xf32, #tpu.memory_space<vmem>> -> memref<80x128xf32, #tpu.memory_space<vmem>>
      tpu.enqueue_dma source(%dma_start3A_2458 : memref<80x128xf32, #tpu.memory_space<vmem>>) target(%dma_start3A_2454 : memref<80x128xf32, #tpu.memory_space<hbm>>) target_semaphore(%arg27 : memref<!tpu.dma_semaphore, #tpu.memory_space<semaphore_mem>>)
      %add3A_2459 = arith.constant 7 : i32
      %add3A_2460 = arith.addi %mul3A_1303, %add3A_2459 : i32
      %add3A_2461 = arith.constant 8 : i32
      %add3A_2462 = arith.addi %add3A_2460, %add3A_2461 : i32
      %mul3A_2463 = arith.constant 80 : i32
      %mul3A_2464 = arith.muli %add3A_2462, %mul3A_2463 : i32
      %add3A_2465 = arith.constant 0 : i32
      %add3A_2466 = arith.addi %mul3A_2464, %add3A_2465 : i32
      %get3A_2467 = arith.index_cast %add3A_2466 : i32 to index
      %get3A_2468 = tpu.vector_load %arg7[%get3A_2467] {strides = array<i32>} : memref<10000xi32, #tpu.memory_space<vmem>>, vector<16xi32>,
      %get3A_2469 = vector.shape_cast %get3A_2468 : vector<16xi32> to vector<16xi32>
      %get3A_2470 = arith.index_cast %add3A_2466 : i32 to index
      %get3A_2471 = tpu.vector_load %arg8[%get3A_2470] {strides = array<i32>} : memref<10000xi32, #tpu.memory_space<vmem>>, vector<16xi32>,
      %get3A_2472 = vector.shape_cast %get3A_2471 : vector<16xi32> to vector<16xi32>
      %get3A_2473 = arith.index_cast %add3A_2466 : i32 to index
      %get3A_2474 = tpu.vector_load %arg9[%get3A_2473] {strides = array<i32>} : memref<10000xi32, #tpu.memory_space<vmem>>, vector<16xi32>,
      %get3A_2475 = vector.shape_cast %get3A_2474 : vector<16xi32> to vector<16xi32>
      %mul3A_2476 = arith.constant 6 : i32
      %mul3A_2477 = vector.broadcast %mul3A_2476 : i32 to vector<16xi32>
      %mul3A_2478 = arith.muli %get3A_2469, %mul3A_2477 : vector<16xi32>
      %add3A_2479 = arith.addi %mul3A_2478, %get3A_2472 : vector<16xi32>
      %mul3A_2480 = arith.constant 2 : i32
      %mul3A_2481 = vector.broadcast %mul3A_2480 : i32 to vector<16xi32>
      %mul3A_2482 = arith.muli %add3A_2479, %mul3A_2481 : vector<16xi32>
      %add3A_2483 = arith.addi %mul3A_2482, %get3A_2475 : vector<16xi32>
      %swap3A_2484 = arith.index_cast %add3A_2462 : i32 to index
      %swap3A_2485 = arith.constant 0 : index
      %swap3A_2486 = tpu.vector_load %arg10[%swap3A_2484, %swap3A_2485] {strides = array<i32>} : memref<125x80xi32, #tpu.memory_space<vmem>>, vector<1x16xi32>,
      %swap3A_2487 = vector.shape_cast %swap3A_2486 : vector<1x16xi32> to vector<16xi32>
      %swap3A_2488 = vector.shape_cast %add3A_2483 : vector<16xi32> to vector<1x16xi32>
      tpu.vector_store %arg10[%swap3A_2484, %swap3A_2485], %swap3A_2488 {strides = array<i32>} : memref<125x80xi32, #tpu.memory_space<vmem>>, vector<1x16xi32>,
      %mul3A_2489 = arith.constant 80 : i32
      %mul3A_2490 = arith.muli %add3A_2462, %mul3A_2489 : i32
      %add3A_2491 = arith.constant 16 : i32
      %add3A_2492 = arith.addi %mul3A_2490, %add3A_2491 : i32
      %get3A_2493 = arith.index_cast %add3A_2492 : i32 to index
      %get3A_2494 = tpu.vector_load %arg7[%get3A_2493] {strides = array<i32>} : memref<10000xi32, #tpu.memory_space<vmem>>, vector<16xi32>,
      %get3A_2495 = vector.shape_cast %get3A_2494 : vector<16xi32> to vector<16xi32>
      %get3A_2496 = arith.index_cast %add3A_2492 : i32 to index
      %get3A_2497 = tpu.vector_load %arg8[%get3A_2496] {strides = array<i32>} : memref<10000xi32, #tpu.memory_space<vmem>>, vector<16xi32>,
      %get3A_2498 = vector.shape_cast %get3A_2497 : vector<16xi32> to vector<16xi32>
      %get3A_2499 = arith.index_cast %add3A_2492 : i32 to index
      %get3A_2500 = tpu.vector_load %arg9[%get3A_2499] {strides = array<i32>} : memref<10000xi32, #tpu.memory_space<vmem>>, vector<16xi32>,
      %get3A_2501 = vector.shape_cast %get3A_2500 : vector<16xi32> to vector<16xi32>
      %mul3A_2502 = arith.constant 6 : i32
      %mul3A_2503 = vector.broadcast %mul3A_2502 : i32 to vector<16xi32>
      %mul3A_2504 = arith.muli %get3A_2495, %mul3A_2503 : vector<16xi32>
      %add3A_2505 = arith.addi %mul3A_2504, %get3A_2498 : vector<16xi32>
      %mul3A_2506 = arith.constant 2 : i32
      %mul3A_2507 = vector.broadcast %mul3A_2506 : i32 to vector<16xi32>
      %mul3A_2508 = arith.muli %add3A_2505, %mul3A_2507 : vector<16xi32>
      %add3A_2509 = arith.addi %mul3A_2508, %get3A_2501 : vector<16xi32>
      %swap3A_2510 = arith.index_cast %add3A_2462 : i32 to index
      %swap3A_2511 = arith.constant 16 : index
      %swap3A_2512 = tpu.vector_load %arg10[%swap3A_2510, %swap3A_2511] {strides = array<i32>} : memref<125x80xi32, #tpu.memory_space<vmem>>, vector<1x16xi32>,
      %swap3A_2513 = vector.shape_cast %swap3A_2512 : vector<1x16xi32> to vector<16xi32>
      %swap3A_2514 = vector.shape_cast %add3A_2509 : vector<16xi32> to vector<1x16xi32>
      tpu.vector_store %arg10[%swap3A_2510, %swap3A_2511], %swap3A_2514 {strides = array<i32>} : memref<125x80xi32, #tpu.memory_space<vmem>>, vector<1x16xi32>,
      %mul3A_2515 = arith.constant 80 : i32
      %mul3A_2516 = arith.muli %add3A_2462, %mul3A_2515 : i32
      %add3A_2517 = arith.constant 32 : i32
      %add3A_2518 = arith.addi %mul3A_2516, %add3A_2517 : i32
      %get3A_2519 = arith.index_cast %add3A_2518 : i32 to index
      %get3A_2520 = tpu.vector_load %arg7[%get3A_2519] {strides = array<i32>} : memref<10000xi32, #tpu.memory_space<vmem>>, vector<16xi32>,
      %get3A_2521 = vector.shape_cast %get3A_2520 : vector<16xi32> to vector<16xi32>
      %get3A_2522 = arith.index_cast %add3A_2518 : i32 to index
      %get3A_2523 = tpu.vector_load %arg8[%get3A_2522] {strides = array<i32>} : memref<10000xi32, #tpu.memory_space<vmem>>, vector<16xi32>,
      %get3A_2524 = vector.shape_cast %get3A_2523 : vector<16xi32> to vector<16xi32>
      %get3A_2525 = arith.index_cast %add3A_2518 : i32 to index
      %get3A_2526 = tpu.vector_load %arg9[%get3A_2525] {strides = array<i32>} : memref<10000xi32, #tpu.memory_space<vmem>>, vector<16xi32>,
      %get3A_2527 = vector.shape_cast %get3A_2526 : vector<16xi32> to vector<16xi32>
      %mul3A_2528 = arith.constant 6 : i32
      %mul3A_2529 = vector.broadcast %mul3A_2528 : i32 to vector<16xi32>
      %mul3A_2530 = arith.muli %get3A_2521, %mul3A_2529 : vector<16xi32>
      %add3A_2531 = arith.addi %mul3A_2530, %get3A_2524 : vector<16xi32>
      %mul3A_2532 = arith.constant 2 : i32
      %mul3A_2533 = vector.broadcast %mul3A_2532 : i32 to vector<16xi32>
      %mul3A_2534 = arith.muli %add3A_2531, %mul3A_2533 : vector<16xi32>
      %add3A_2535 = arith.addi %mul3A_2534, %get3A_2527 : vector<16xi32>
      %swap3A_2536 = arith.index_cast %add3A_2462 : i32 to index
      %swap3A_2537 = arith.constant 32 : index
      %swap3A_2538 = tpu.vector_load %arg10[%swap3A_2536, %swap3A_2537] {strides = array<i32>} : memref<125x80xi32, #tpu.memory_space<vmem>>, vector<1x16xi32>,
      %swap3A_2539 = vector.shape_cast %swap3A_2538 : vector<1x16xi32> to vector<16xi32>
      %swap3A_2540 = vector.shape_cast %add3A_2535 : vector<16xi32> to vector<1x16xi32>
      tpu.vector_store %arg10[%swap3A_2536, %swap3A_2537], %swap3A_2540 {strides = array<i32>} : memref<125x80xi32, #tpu.memory_space<vmem>>, vector<1x16xi32>,
      %mul3A_2541 = arith.constant 80 : i32
      %mul3A_2542 = arith.muli %add3A_2462, %mul3A_2541 : i32
      %add3A_2543 = arith.constant 48 : i32
      %add3A_2544 = arith.addi %mul3A_2542, %add3A_2543 : i32
      %get3A_2545 = arith.index_cast %add3A_2544 : i32 to index
      %get3A_2546 = tpu.vector_load %arg7[%get3A_2545] {strides = array<i32>} : memref<10000xi32, #tpu.memory_space<vmem>>, vector<16xi32>,
      %get3A_2547 = vector.shape_cast %get3A_2546 : vector<16xi32> to vector<16xi32>
      %get3A_2548 = arith.index_cast %add3A_2544 : i32 to index
      %get3A_2549 = tpu.vector_load %arg8[%get3A_2548] {strides = array<i32>} : memref<10000xi32, #tpu.memory_space<vmem>>, vector<16xi32>,
      %get3A_2550 = vector.shape_cast %get3A_2549 : vector<16xi32> to vector<16xi32>
      %get3A_2551 = arith.index_cast %add3A_2544 : i32 to index
      %get3A_2552 = tpu.vector_load %arg9[%get3A_2551] {strides = array<i32>} : memref<10000xi32, #tpu.memory_space<vmem>>, vector<16xi32>,
      %get3A_2553 = vector.shape_cast %get3A_2552 : vector<16xi32> to vector<16xi32>
      %mul3A_2554 = arith.constant 6 : i32
      %mul3A_2555 = vector.broadcast %mul3A_2554 : i32 to vector<16xi32>
      %mul3A_2556 = arith.muli %get3A_2547, %mul3A_2555 : vector<16xi32>
      %add3A_2557 = arith.addi %mul3A_2556, %get3A_2550 : vector<16xi32>
      %mul3A_2558 = arith.constant 2 : i32
      %mul3A_2559 = vector.broadcast %mul3A_2558 : i32 to vector<16xi32>
      %mul3A_2560 = arith.muli %add3A_2557, %mul3A_2559 : vector<16xi32>
      %add3A_2561 = arith.addi %mul3A_2560, %get3A_2553 : vector<16xi32>
      %swap3A_2562 = arith.index_cast %add3A_2462 : i32 to index
      %swap3A_2563 = arith.constant 48 : index
      %swap3A_2564 = tpu.vector_load %arg10[%swap3A_2562, %swap3A_2563] {strides = array<i32>} : memref<125x80xi32, #tpu.memory_space<vmem>>, vector<1x16xi32>,
      %swap3A_2565 = vector.shape_cast %swap3A_2564 : vector<1x16xi32> to vector<16xi32>
      %swap3A_2566 = vector.shape_cast %add3A_2561 : vector<16xi32> to vector<1x16xi32>
      tpu.vector_store %arg10[%swap3A_2562, %swap3A_2563], %swap3A_2566 {strides = array<i32>} : memref<125x80xi32, #tpu.memory_space<vmem>>, vector<1x16xi32>,
      %mul3A_2567 = arith.constant 80 : i32
      %mul3A_2568 = arith.muli %add3A_2462, %mul3A_2567 : i32
      %add3A_2569 = arith.constant 64 : i32
      %add3A_2570 = arith.addi %mul3A_2568, %add3A_2569 : i32
      %get3A_2571 = arith.index_cast %add3A_2570 : i32 to index
      %get3A_2572 = tpu.vector_load %arg7[%get3A_2571] {strides = array<i32>} : memref<10000xi32, #tpu.memory_space<vmem>>, vector<16xi32>,
      %get3A_2573 = vector.shape_cast %get3A_2572 : vector<16xi32> to vector<16xi32>
      %get3A_2574 = arith.index_cast %add3A_2570 : i32 to index
      %get3A_2575 = tpu.vector_load %arg8[%get3A_2574] {strides = array<i32>} : memref<10000xi32, #tpu.memory_space<vmem>>, vector<16xi32>,
      %get3A_2576 = vector.shape_cast %get3A_2575 : vector<16xi32> to vector<16xi32>
      %get3A_2577 = arith.index_cast %add3A_2570 : i32 to index
      %get3A_2578 = tpu.vector_load %arg9[%get3A_2577] {strides = array<i32>} : memref<10000xi32, #tpu.memory_space<vmem>>, vector<16xi32>,
      %get3A_2579 = vector.shape_cast %get3A_2578 : vector<16xi32> to vector<16xi32>
      %mul3A_2580 = arith.constant 6 : i32
      %mul3A_2581 = vector.broadcast %mul3A_2580 : i32 to vector<16xi32>
      %mul3A_2582 = arith.muli %get3A_2573, %mul3A_2581 : vector<16xi32>
      %add3A_2583 = arith.addi %mul3A_2582, %get3A_2576 : vector<16xi32>
      %mul3A_2584 = arith.constant 2 : i32
      %mul3A_2585 = vector.broadcast %mul3A_2584 : i32 to vector<16xi32>
      %mul3A_2586 = arith.muli %add3A_2583, %mul3A_2585 : vector<16xi32>
      %add3A_2587 = arith.addi %mul3A_2586, %get3A_2579 : vector<16xi32>
      %swap3A_2588 = arith.index_cast %add3A_2462 : i32 to index
      %swap3A_2589 = arith.constant 64 : index
      %swap3A_2590 = tpu.vector_load %arg10[%swap3A_2588, %swap3A_2589] {strides = array<i32>} : memref<125x80xi32, #tpu.memory_space<vmem>>, vector<1x16xi32>,
      %swap3A_2591 = vector.shape_cast %swap3A_2590 : vector<1x16xi32> to vector<16xi32>
      %swap3A_2592 = vector.shape_cast %add3A_2587 : vector<16xi32> to vector<1x16xi32>
      tpu.vector_store %arg10[%swap3A_2588, %swap3A_2589], %swap3A_2592 {strides = array<i32>} : memref<125x80xi32, #tpu.memory_space<vmem>>, vector<1x16xi32>,
      %add3A_2593 = arith.constant 7 : i32
      %add3A_2594 = arith.addi %mul3A_1303, %add3A_2593 : i32
      %dma_wait3A_2595 = arith.constant 7 : i32
      %dma_wait3A_2596 = arith.constant 0 : i32
      %dma_wait3A_2597 = arith.constant 0 : i32
      %dma_wait3A_2598 = tpu.memref_slice %arg11[%dma_wait3A_2595, %dma_wait3A_2596, %dma_wait3A_2597] : memref<8x80x128xf32, #tpu.memory_space<vmem>> -> memref<1x80x128xf32, #tpu.memory_space<vmem>>
      %dma_wait3A_2599 = tpu.memref_squeeze %dma_wait3A_2598 : memref<1x80x128xf32, #tpu.memory_space<vmem>> -> memref<80x128xf32, #tpu.memory_space<vmem>>
      %dma_wait3A_2600 = arith.constant 0 : i32
      %dma_wait3A_2601 = tpu.memref_slice %arg10[%add3A_2594, %dma_wait3A_2600] : memref<125x80xi32, #tpu.memory_space<vmem>> -> memref<1x80xi32, #tpu.memory_space<vmem>>
      %dma_wait3A_2602 = tpu.memref_squeeze %dma_wait3A_2601 : memref<1x80xi32, #tpu.memory_space<vmem>> -> memref<80xi32, #tpu.memory_space<vmem>>
      %dma_wait3A_2603 = arith.constant 0 : i32
      %dma_wait3A_2604 = arith.constant 0 : i32
      %dma_wait3A_2605 = tpu.memref_slice %arg12[%dma_wait3A_2603, %dma_wait3A_2604] : memref<60x128xf32, #tpu.memory_space<vmem_shared>> -> memref<60x128xf32, #tpu.memory_space<vmem_shared>>
      tpu.wait_indirect_dma semaphore(%arg20 : memref<!tpu.dma_semaphore, #tpu.memory_space<semaphore_mem>>) src(%dma_wait3A_2605 : memref<60x128xf32, #tpu.memory_space<vmem_shared>>) dst(%dma_wait3A_2599 : memref<80x128xf32, #tpu.memory_space<vmem>>)
      %add3A_2606 = arith.constant 7 : i32
      %add3A_2607 = arith.addi %mul3A_1303, %add3A_2606 : i32
      %mul3A_2608 = arith.constant 80 : i32
      %mul3A_2609 = arith.muli %add3A_2607, %mul3A_2608 : i32
      %add3A_2610 = arith.addi %mul3A_2, %mul3A_2609 : i32
      %dma_start3A_2611 = arith.constant 7 : i32
      %dma_start3A_2612 = arith.constant 0 : i32
      %dma_start3A_2613 = arith.constant 0 : i32
      %dma_start3A_2614 = tpu.memref_slice %arg11[%dma_start3A_2611, %dma_start3A_2612, %dma_start3A_2613] : memref<8x80x128xf32, #tpu.memory_space<vmem>> -> memref<1x80x128xf32, #tpu.memory_space<vmem>>
      %dma_start3A_2615 = tpu.memref_squeeze %dma_start3A_2614 : memref<1x80x128xf32, #tpu.memory_space<vmem>> -> memref<80x128xf32, #tpu.memory_space<vmem>>
      %dma_start3A_2616 = arith.constant 0 : i32
      %dma_start3A_2617 = tpu.memref_slice %arg6[%add3A_2610, %dma_start3A_2616] : memref<320000x128xf32, #tpu.memory_space<hbm>> -> memref<80x128xf32, #tpu.memory_space<hbm>>
      %dma_start3A_2618 = arith.constant 0 : i32
      %dma_start3A_2619 = tpu.memref_slice %arg6[%add3A_2610, %dma_start3A_2618] : memref<320000x128xf32, #tpu.memory_space<hbm>> -> memref<80x128xf32, #tpu.memory_space<hbm>>
      %dma_start3A_2620 = arith.constant 0 : i32
      %dma_start3A_2621 = arith.constant 0 : i32
      %dma_start3A_2622 = tpu.memref_slice %arg11[%dma_start3A_2611, %dma_start3A_2620, %dma_start3A_2621] : memref<8x80x128xf32, #tpu.memory_space<vmem>> -> memref<1x80x128xf32, #tpu.memory_space<vmem>>
      %dma_start3A_2623 = tpu.memref_squeeze %dma_start3A_2622 : memref<1x80x128xf32, #tpu.memory_space<vmem>> -> memref<80x128xf32, #tpu.memory_space<vmem>>
      tpu.enqueue_dma source(%dma_start3A_2623 : memref<80x128xf32, #tpu.memory_space<vmem>>) target(%dma_start3A_2619 : memref<80x128xf32, #tpu.memory_space<hbm>>) target_semaphore(%arg28 : memref<!tpu.dma_semaphore, #tpu.memory_space<semaphore_mem>>)
      %add3A_2624 = arith.constant 0 : i32
      %add3A_2625 = arith.addi %mul3A_1303, %add3A_2624 : i32
      %mul3A_2626 = arith.constant 80 : i32
      %mul3A_2627 = arith.muli %add3A_2625, %mul3A_2626 : i32
      %add3A_2628 = arith.addi %mul3A_2, %mul3A_2627 : i32
      %dma_wait3A_2629 = arith.constant 0 : i32
      %dma_wait3A_2630 = arith.constant 0 : i32
      %dma_wait3A_2631 = arith.constant 0 : i32
      %dma_wait3A_2632 = tpu.memref_slice %arg11[%dma_wait3A_2629, %dma_wait3A_2630, %dma_wait3A_2631] : memref<8x80x128xf32, #tpu.memory_space<vmem>> -> memref<1x80x128xf32, #tpu.memory_space<vmem>>
      %dma_wait3A_2633 = tpu.memref_squeeze %dma_wait3A_2632 : memref<1x80x128xf32, #tpu.memory_space<vmem>> -> memref<80x128xf32, #tpu.memory_space<vmem>>
      %dma_wait3A_2634 = arith.constant 0 : i32
      %dma_wait3A_2635 = tpu.memref_slice %arg6[%add3A_2628, %dma_wait3A_2634] : memref<320000x128xf32, #tpu.memory_space<hbm>> -> memref<80x128xf32, #tpu.memory_space<hbm>>
      %dma_wait3A_2636 = arith.constant 0 : i32
      %dma_wait3A_2637 = tpu.memref_slice %arg6[%add3A_2628, %dma_wait3A_2636] : memref<320000x128xf32, #tpu.memory_space<hbm>> -> memref<80x128xf32, #tpu.memory_space<hbm>>
      %dma_wait3A_2638 = arith.constant 0 : i32
      %dma_wait3A_2639 = arith.constant 0 : i32
      %dma_wait3A_2640 = tpu.memref_slice %arg11[%dma_wait3A_2629, %dma_wait3A_2638, %dma_wait3A_2639] : memref<8x80x128xf32, #tpu.memory_space<vmem>> -> memref<1x80x128xf32, #tpu.memory_space<vmem>>
      %dma_wait3A_2641 = tpu.memref_squeeze %dma_wait3A_2640 : memref<1x80x128xf32, #tpu.memory_space<vmem>> -> memref<80x128xf32, #tpu.memory_space<vmem>>
      tpu.wait_dma2 semaphore(%arg21 : memref<!tpu.dma_semaphore, #tpu.memory_space<semaphore_mem>>) src(%dma_wait3A_2641 : memref<80x128xf32, #tpu.memory_space<vmem>>) dst(%dma_wait3A_2637 : memref<80x128xf32, #tpu.memory_space<hbm>>)
      %add3A_2642 = arith.constant 0 : i32
      %add3A_2643 = arith.addi %mul3A_1303, %add3A_2642 : i32
      %add3A_2644 = arith.constant 8 : i32
      %add3A_2645 = arith.addi %add3A_2643, %add3A_2644 : i32
      %dma_start3A_2646 = arith.constant 0 : i32
      %dma_start3A_2647 = arith.constant 0 : i32
      %dma_start3A_2648 = arith.constant 0 : i32
      %dma_start3A_2649 = tpu.memref_slice %arg11[%dma_start3A_2646, %dma_start3A_2647, %dma_start3A_2648] : memref<8x80x128xf32, #tpu.memory_space<vmem>> -> memref<1x80x128xf32, #tpu.memory_space<vmem>>
      %dma_start3A_2650 = tpu.memref_squeeze %dma_start3A_2649 : memref<1x80x128xf32, #tpu.memory_space<vmem>> -> memref<80x128xf32, #tpu.memory_space<vmem>>
      %dma_start3A_2651 = arith.constant 0 : i32
      %dma_start3A_2652 = tpu.memref_slice %arg10[%add3A_2645, %dma_start3A_2651] : memref<125x80xi32, #tpu.memory_space<vmem>> -> memref<1x80xi32, #tpu.memory_space<vmem>>
      %dma_start3A_2653 = tpu.memref_squeeze %dma_start3A_2652 : memref<1x80xi32, #tpu.memory_space<vmem>> -> memref<80xi32, #tpu.memory_space<vmem>>
      %dma_start3A_2654 = arith.constant 0 : i32
      %dma_start3A_2655 = arith.constant 0 : i32
      %dma_start3A_2656 = tpu.memref_slice %arg12[%dma_start3A_2654, %dma_start3A_2655] : memref<60x128xf32, #tpu.memory_space<vmem_shared>> -> memref<60x128xf32, #tpu.memory_space<vmem_shared>>
      tpu.enqueue_indirect_dma source(%dma_start3A_2656 : memref<60x128xf32, #tpu.memory_space<vmem_shared>>) target(%dma_start3A_2650 : memref<80x128xf32, #tpu.memory_space<vmem>>) offsets(%dma_start3A_2653 : memref<80xi32, #tpu.memory_space<vmem>>) semaphore(%arg13 : memref<!tpu.dma_semaphore, #tpu.memory_space<semaphore_mem>>)
      %add3A_2657 = arith.constant 1 : i32
      %add3A_2658 = arith.addi %mul3A_1303, %add3A_2657 : i32
      %mul3A_2659 = arith.constant 80 : i32
      %mul3A_2660 = arith.muli %add3A_2658, %mul3A_2659 : i32
      %add3A_2661 = arith.addi %mul3A_2, %mul3A_2660 : i32
      %dma_wait3A_2662 = arith.constant 1 : i32
      %dma_wait3A_2663 = arith.constant 0 : i32
      %dma_wait3A_2664 = arith.constant 0 : i32
      %dma_wait3A_2665 = tpu.memref_slice %arg11[%dma_wait3A_2662, %dma_wait3A_2663, %dma_wait3A_2664] : memref<8x80x128xf32, #tpu.memory_space<vmem>> -> memref<1x80x128xf32, #tpu.memory_space<vmem>>
      %dma_wait3A_2666 = tpu.memref_squeeze %dma_wait3A_2665 : memref<1x80x128xf32, #tpu.memory_space<vmem>> -> memref<80x128xf32, #tpu.memory_space<vmem>>
      %dma_wait3A_2667 = arith.constant 0 : i32
      %dma_wait3A_2668 = tpu.memref_slice %arg6[%add3A_2661, %dma_wait3A_2667] : memref<320000x128xf32, #tpu.memory_space<hbm>> -> memref<80x128xf32, #tpu.memory_space<hbm>>
      %dma_wait3A_2669 = arith.constant 0 : i32
      %dma_wait3A_2670 = tpu.memref_slice %arg6[%add3A_2661, %dma_wait3A_2669] : memref<320000x128xf32, #tpu.memory_space<hbm>> -> memref<80x128xf32, #tpu.memory_space<hbm>>
      %dma_wait3A_2671 = arith.constant 0 : i32
      %dma_wait3A_2672 = arith.constant 0 : i32
      %dma_wait3A_2673 = tpu.memref_slice %arg11[%dma_wait3A_2662, %dma_wait3A_2671, %dma_wait3A_2672] : memref<8x80x128xf32, #tpu.memory_space<vmem>> -> memref<1x80x128xf32, #tpu.memory_space<vmem>>
      %dma_wait3A_2674 = tpu.memref_squeeze %dma_wait3A_2673 : memref<1x80x128xf32, #tpu.memory_space<vmem>> -> memref<80x128xf32, #tpu.memory_space<vmem>>
      tpu.wait_dma2 semaphore(%arg22 : memref<!tpu.dma_semaphore, #tpu.memory_space<semaphore_mem>>) src(%dma_wait3A_2674 : memref<80x128xf32, #tpu.memory_space<vmem>>) dst(%dma_wait3A_2670 : memref<80x128xf32, #tpu.memory_space<hbm>>)
      %add3A_2675 = arith.constant 1 : i32
      %add3A_2676 = arith.addi %mul3A_1303, %add3A_2675 : i32
      %add3A_2677 = arith.constant 8 : i32
      %add3A_2678 = arith.addi %add3A_2676, %add3A_2677 : i32
      %dma_start3A_2679 = arith.constant 1 : i32
      %dma_start3A_2680 = arith.constant 0 : i32
      %dma_start3A_2681 = arith.constant 0 : i32
      %dma_start3A_2682 = tpu.memref_slice %arg11[%dma_start3A_2679, %dma_start3A_2680, %dma_start3A_2681] : memref<8x80x128xf32, #tpu.memory_space<vmem>> -> memref<1x80x128xf32, #tpu.memory_space<vmem>>
      %dma_start3A_2683 = tpu.memref_squeeze %dma_start3A_2682 : memref<1x80x128xf32, #tpu.memory_space<vmem>> -> memref<80x128xf32, #tpu.memory_space<vmem>>
      %dma_start3A_2684 = arith.constant 0 : i32
      %dma_start3A_2685 = tpu.memref_slice %arg10[%add3A_2678, %dma_start3A_2684] : memref<125x80xi32, #tpu.memory_space<vmem>> -> memref<1x80xi32, #tpu.memory_space<vmem>>
      %dma_start3A_2686 = tpu.memref_squeeze %dma_start3A_2685 : memref<1x80xi32, #tpu.memory_space<vmem>> -> memref<80xi32, #tpu.memory_space<vmem>>
      %dma_start3A_2687 = arith.constant 0 : i32
      %dma_start3A_2688 = arith.constant 0 : i32
      %dma_start3A_2689 = tpu.memref_slice %arg12[%dma_start3A_2687, %dma_start3A_2688] : memref<60x128xf32, #tpu.memory_space<vmem_shared>> -> memref<60x128xf32, #tpu.memory_space<vmem_shared>>
      tpu.enqueue_indirect_dma source(%dma_start3A_2689 : memref<60x128xf32, #tpu.memory_space<vmem_shared>>) target(%dma_start3A_2683 : memref<80x128xf32, #tpu.memory_space<vmem>>) offsets(%dma_start3A_2686 : memref<80xi32, #tpu.memory_space<vmem>>) semaphore(%arg14 : memref<!tpu.dma_semaphore, #tpu.memory_space<semaphore_mem>>)
      %add3A_2690 = arith.constant 2 : i32
      %add3A_2691 = arith.addi %mul3A_1303, %add3A_2690 : i32
      %mul3A_2692 = arith.constant 80 : i32
      %mul3A_2693 = arith.muli %add3A_2691, %mul3A_2692 : i32
      %add3A_2694 = arith.addi %mul3A_2, %mul3A_2693 : i32
      %dma_wait3A_2695 = arith.constant 2 : i32
      %dma_wait3A_2696 = arith.constant 0 : i32
      %dma_wait3A_2697 = arith.constant 0 : i32
      %dma_wait3A_2698 = tpu.memref_slice %arg11[%dma_wait3A_2695, %dma_wait3A_2696, %dma_wait3A_2697] : memref<8x80x128xf32, #tpu.memory_space<vmem>> -> memref<1x80x128xf32, #tpu.memory_space<vmem>>
      %dma_wait3A_2699 = tpu.memref_squeeze %dma_wait3A_2698 : memref<1x80x128xf32, #tpu.memory_space<vmem>> -> memref<80x128xf32, #tpu.memory_space<vmem>>
      %dma_wait3A_2700 = arith.constant 0 : i32
      %dma_wait3A_2701 = tpu.memref_slice %arg6[%add3A_2694, %dma_wait3A_2700] : memref<320000x128xf32, #tpu.memory_space<hbm>> -> memref<80x128xf32, #tpu.memory_space<hbm>>
      %dma_wait3A_2702 = arith.constant 0 : i32
      %dma_wait3A_2703 = tpu.memref_slice %arg6[%add3A_2694, %dma_wait3A_2702] : memref<320000x128xf32, #tpu.memory_space<hbm>> -> memref<80x128xf32, #tpu.memory_space<hbm>>
      %dma_wait3A_2704 = arith.constant 0 : i32
      %dma_wait3A_2705 = arith.constant 0 : i32
      %dma_wait3A_2706 = tpu.memref_slice %arg11[%dma_wait3A_2695, %dma_wait3A_2704, %dma_wait3A_2705] : memref<8x80x128xf32, #tpu.memory_space<vmem>> -> memref<1x80x128xf32, #tpu.memory_space<vmem>>
      %dma_wait3A_2707 = tpu.memref_squeeze %dma_wait3A_2706 : memref<1x80x128xf32, #tpu.memory_space<vmem>> -> memref<80x128xf32, #tpu.memory_space<vmem>>
      tpu.wait_dma2 semaphore(%arg23 : memref<!tpu.dma_semaphore, #tpu.memory_space<semaphore_mem>>) src(%dma_wait3A_2707 : memref<80x128xf32, #tpu.memory_space<vmem>>) dst(%dma_wait3A_2703 : memref<80x128xf32, #tpu.memory_space<hbm>>)
      %add3A_2708 = arith.constant 2 : i32
      %add3A_2709 = arith.addi %mul3A_1303, %add3A_2708 : i32
      %add3A_2710 = arith.constant 8 : i32
      %add3A_2711 = arith.addi %add3A_2709, %add3A_2710 : i32
      %dma_start3A_2712 = arith.constant 2 : i32
      %dma_start3A_2713 = arith.constant 0 : i32
      %dma_start3A_2714 = arith.constant 0 : i32
      %dma_start3A_2715 = tpu.memref_slice %arg11[%dma_start3A_2712, %dma_start3A_2713, %dma_start3A_2714] : memref<8x80x128xf32, #tpu.memory_space<vmem>> -> memref<1x80x128xf32, #tpu.memory_space<vmem>>
      %dma_start3A_2716 = tpu.memref_squeeze %dma_start3A_2715 : memref<1x80x128xf32, #tpu.memory_space<vmem>> -> memref<80x128xf32, #tpu.memory_space<vmem>>
      %dma_start3A_2717 = arith.constant 0 : i32
      %dma_start3A_2718 = tpu.memref_slice %arg10[%add3A_2711, %dma_start3A_2717] : memref<125x80xi32, #tpu.memory_space<vmem>> -> memref<1x80xi32, #tpu.memory_space<vmem>>
      %dma_start3A_2719 = tpu.memref_squeeze %dma_start3A_2718 : memref<1x80xi32, #tpu.memory_space<vmem>> -> memref<80xi32, #tpu.memory_space<vmem>>
      %dma_start3A_2720 = arith.constant 0 : i32
      %dma_start3A_2721 = arith.constant 0 : i32
      %dma_start3A_2722 = tpu.memref_slice %arg12[%dma_start3A_2720, %dma_start3A_2721] : memref<60x128xf32, #tpu.memory_space<vmem_shared>> -> memref<60x128xf32, #tpu.memory_space<vmem_shared>>
      tpu.enqueue_indirect_dma source(%dma_start3A_2722 : memref<60x128xf32, #tpu.memory_space<vmem_shared>>) target(%dma_start3A_2716 : memref<80x128xf32, #tpu.memory_space<vmem>>) offsets(%dma_start3A_2719 : memref<80xi32, #tpu.memory_space<vmem>>) semaphore(%arg15 : memref<!tpu.dma_semaphore, #tpu.memory_space<semaphore_mem>>)
      %add3A_2723 = arith.constant 3 : i32
      %add3A_2724 = arith.addi %mul3A_1303, %add3A_2723 : i32
      %mul3A_2725 = arith.constant 80 : i32
      %mul3A_2726 = arith.muli %add3A_2724, %mul3A_2725 : i32
      %add3A_2727 = arith.addi %mul3A_2, %mul3A_2726 : i32
      %dma_wait3A_2728 = arith.constant 3 : i32
      %dma_wait3A_2729 = arith.constant 0 : i32
      %dma_wait3A_2730 = arith.constant 0 : i32
      %dma_wait3A_2731 = tpu.memref_slice %arg11[%dma_wait3A_2728, %dma_wait3A_2729, %dma_wait3A_2730] : memref<8x80x128xf32, #tpu.memory_space<vmem>> -> memref<1x80x128xf32, #tpu.memory_space<vmem>>
      %dma_wait3A_2732 = tpu.memref_squeeze %dma_wait3A_2731 : memref<1x80x128xf32, #tpu.memory_space<vmem>> -> memref<80x128xf32, #tpu.memory_space<vmem>>
      %dma_wait3A_2733 = arith.constant 0 : i32
      %dma_wait3A_2734 = tpu.memref_slice %arg6[%add3A_2727, %dma_wait3A_2733] : memref<320000x128xf32, #tpu.memory_space<hbm>> -> memref<80x128xf32, #tpu.memory_space<hbm>>
      %dma_wait3A_2735 = arith.constant 0 : i32
      %dma_wait3A_2736 = tpu.memref_slice %arg6[%add3A_2727, %dma_wait3A_2735] : memref<320000x128xf32, #tpu.memory_space<hbm>> -> memref<80x128xf32, #tpu.memory_space<hbm>>
      %dma_wait3A_2737 = arith.constant 0 : i32
      %dma_wait3A_2738 = arith.constant 0 : i32
      %dma_wait3A_2739 = tpu.memref_slice %arg11[%dma_wait3A_2728, %dma_wait3A_2737, %dma_wait3A_2738] : memref<8x80x128xf32, #tpu.memory_space<vmem>> -> memref<1x80x128xf32, #tpu.memory_space<vmem>>
      %dma_wait3A_2740 = tpu.memref_squeeze %dma_wait3A_2739 : memref<1x80x128xf32, #tpu.memory_space<vmem>> -> memref<80x128xf32, #tpu.memory_space<vmem>>
      tpu.wait_dma2 semaphore(%arg24 : memref<!tpu.dma_semaphore, #tpu.memory_space<semaphore_mem>>) src(%dma_wait3A_2740 : memref<80x128xf32, #tpu.memory_space<vmem>>) dst(%dma_wait3A_2736 : memref<80x128xf32, #tpu.memory_space<hbm>>)
      %add3A_2741 = arith.constant 3 : i32
      %add3A_2742 = arith.addi %mul3A_1303, %add3A_2741 : i32
      %add3A_2743 = arith.constant 8 : i32
      %add3A_2744 = arith.addi %add3A_2742, %add3A_2743 : i32
      %dma_start3A_2745 = arith.constant 3 : i32
      %dma_start3A_2746 = arith.constant 0 : i32
      %dma_start3A_2747 = arith.constant 0 : i32
      %dma_start3A_2748 = tpu.memref_slice %arg11[%dma_start3A_2745, %dma_start3A_2746, %dma_start3A_2747] : memref<8x80x128xf32, #tpu.memory_space<vmem>> -> memref<1x80x128xf32, #tpu.memory_space<vmem>>
      %dma_start3A_2749 = tpu.memref_squeeze %dma_start3A_2748 : memref<1x80x128xf32, #tpu.memory_space<vmem>> -> memref<80x128xf32, #tpu.memory_space<vmem>>
      %dma_start3A_2750 = arith.constant 0 : i32
      %dma_start3A_2751 = tpu.memref_slice %arg10[%add3A_2744, %dma_start3A_2750] : memref<125x80xi32, #tpu.memory_space<vmem>> -> memref<1x80xi32, #tpu.memory_space<vmem>>
      %dma_start3A_2752 = tpu.memref_squeeze %dma_start3A_2751 : memref<1x80xi32, #tpu.memory_space<vmem>> -> memref<80xi32, #tpu.memory_space<vmem>>
      %dma_start3A_2753 = arith.constant 0 : i32
      %dma_start3A_2754 = arith.constant 0 : i32
      %dma_start3A_2755 = tpu.memref_slice %arg12[%dma_start3A_2753, %dma_start3A_2754] : memref<60x128xf32, #tpu.memory_space<vmem_shared>> -> memref<60x128xf32, #tpu.memory_space<vmem_shared>>
      tpu.enqueue_indirect_dma source(%dma_start3A_2755 : memref<60x128xf32, #tpu.memory_space<vmem_shared>>) target(%dma_start3A_2749 : memref<80x128xf32, #tpu.memory_space<vmem>>) offsets(%dma_start3A_2752 : memref<80xi32, #tpu.memory_space<vmem>>) semaphore(%arg16 : memref<!tpu.dma_semaphore, #tpu.memory_space<semaphore_mem>>)
      %add3A_2756 = arith.constant 4 : i32
      %add3A_2757 = arith.addi %mul3A_1303, %add3A_2756 : i32
      %mul3A_2758 = arith.constant 80 : i32
      %mul3A_2759 = arith.muli %add3A_2757, %mul3A_2758 : i32
      %add3A_2760 = arith.addi %mul3A_2, %mul3A_2759 : i32
      %dma_wait3A_2761 = arith.constant 4 : i32
      %dma_wait3A_2762 = arith.constant 0 : i32
      %dma_wait3A_2763 = arith.constant 0 : i32
      %dma_wait3A_2764 = tpu.memref_slice %arg11[%dma_wait3A_2761, %dma_wait3A_2762, %dma_wait3A_2763] : memref<8x80x128xf32, #tpu.memory_space<vmem>> -> memref<1x80x128xf32, #tpu.memory_space<vmem>>
      %dma_wait3A_2765 = tpu.memref_squeeze %dma_wait3A_2764 : memref<1x80x128xf32, #tpu.memory_space<vmem>> -> memref<80x128xf32, #tpu.memory_space<vmem>>
      %dma_wait3A_2766 = arith.constant 0 : i32
      %dma_wait3A_2767 = tpu.memref_slice %arg6[%add3A_2760, %dma_wait3A_2766] : memref<320000x128xf32, #tpu.memory_space<hbm>> -> memref<80x128xf32, #tpu.memory_space<hbm>>
      %dma_wait3A_2768 = arith.constant 0 : i32
      %dma_wait3A_2769 = tpu.memref_slice %arg6[%add3A_2760, %dma_wait3A_2768] : memref<320000x128xf32, #tpu.memory_space<hbm>> -> memref<80x128xf32, #tpu.memory_space<hbm>>
      %dma_wait3A_2770 = arith.constant 0 : i32
      %dma_wait3A_2771 = arith.constant 0 : i32
      %dma_wait3A_2772 = tpu.memref_slice %arg11[%dma_wait3A_2761, %dma_wait3A_2770, %dma_wait3A_2771] : memref<8x80x128xf32, #tpu.memory_space<vmem>> -> memref<1x80x128xf32, #tpu.memory_space<vmem>>
      %dma_wait3A_2773 = tpu.memref_squeeze %dma_wait3A_2772 : memref<1x80x128xf32, #tpu.memory_space<vmem>> -> memref<80x128xf32, #tpu.memory_space<vmem>>
      tpu.wait_dma2 semaphore(%arg25 : memref<!tpu.dma_semaphore, #tpu.memory_space<semaphore_mem>>) src(%dma_wait3A_2773 : memref<80x128xf32, #tpu.memory_space<vmem>>) dst(%dma_wait3A_2769 : memref<80x128xf32, #tpu.memory_space<hbm>>)
      %add3A_2774 = arith.constant 4 : i32
      %add3A_2775 = arith.addi %mul3A_1303, %add3A_2774 : i32
      %add3A_2776 = arith.constant 8 : i32
      %add3A_2777 = arith.addi %add3A_2775, %add3A_2776 : i32
      %dma_start3A_2778 = arith.constant 4 : i32
      %dma_start3A_2779 = arith.constant 0 : i32
      %dma_start3A_2780 = arith.constant 0 : i32
      %dma_start3A_2781 = tpu.memref_slice %arg11[%dma_start3A_2778, %dma_start3A_2779, %dma_start3A_2780] : memref<8x80x128xf32, #tpu.memory_space<vmem>> -> memref<1x80x128xf32, #tpu.memory_space<vmem>>
      %dma_start3A_2782 = tpu.memref_squeeze %dma_start3A_2781 : memref<1x80x128xf32, #tpu.memory_space<vmem>> -> memref<80x128xf32, #tpu.memory_space<vmem>>
      %dma_start3A_2783 = arith.constant 0 : i32
      %dma_start3A_2784 = tpu.memref_slice %arg10[%add3A_2777, %dma_start3A_2783] : memref<125x80xi32, #tpu.memory_space<vmem>> -> memref<1x80xi32, #tpu.memory_space<vmem>>
      %dma_start3A_2785 = tpu.memref_squeeze %dma_start3A_2784 : memref<1x80xi32, #tpu.memory_space<vmem>> -> memref<80xi32, #tpu.memory_space<vmem>>
      %dma_start3A_2786 = arith.constant 0 : i32
      %dma_start3A_2787 = arith.constant 0 : i32
      %dma_start3A_2788 = tpu.memref_slice %arg12[%dma_start3A_2786, %dma_start3A_2787] : memref<60x128xf32, #tpu.memory_space<vmem_shared>> -> memref<60x128xf32, #tpu.memory_space<vmem_shared>>
      tpu.enqueue_indirect_dma source(%dma_start3A_2788 : memref<60x128xf32, #tpu.memory_space<vmem_shared>>) target(%dma_start3A_2782 : memref<80x128xf32, #tpu.memory_space<vmem>>) offsets(%dma_start3A_2785 : memref<80xi32, #tpu.memory_space<vmem>>) semaphore(%arg17 : memref<!tpu.dma_semaphore, #tpu.memory_space<semaphore_mem>>)
      %add3A_2789 = arith.constant 5 : i32
      %add3A_2790 = arith.addi %mul3A_1303, %add3A_2789 : i32
      %mul3A_2791 = arith.constant 80 : i32
      %mul3A_2792 = arith.muli %add3A_2790, %mul3A_2791 : i32
      %add3A_2793 = arith.addi %mul3A_2, %mul3A_2792 : i32
      %dma_wait3A_2794 = arith.constant 5 : i32
      %dma_wait3A_2795 = arith.constant 0 : i32
      %dma_wait3A_2796 = arith.constant 0 : i32
      %dma_wait3A_2797 = tpu.memref_slice %arg11[%dma_wait3A_2794, %dma_wait3A_2795, %dma_wait3A_2796] : memref<8x80x128xf32, #tpu.memory_space<vmem>> -> memref<1x80x128xf32, #tpu.memory_space<vmem>>
      %dma_wait3A_2798 = tpu.memref_squeeze %dma_wait3A_2797 : memref<1x80x128xf32, #tpu.memory_space<vmem>> -> memref<80x128xf32, #tpu.memory_space<vmem>>
      %dma_wait3A_2799 = arith.constant 0 : i32
      %dma_wait3A_2800 = tpu.memref_slice %arg6[%add3A_2793, %dma_wait3A_2799] : memref<320000x128xf32, #tpu.memory_space<hbm>> -> memref<80x128xf32, #tpu.memory_space<hbm>>
      %dma_wait3A_2801 = arith.constant 0 : i32
      %dma_wait3A_2802 = tpu.memref_slice %arg6[%add3A_2793, %dma_wait3A_2801] : memref<320000x128xf32, #tpu.memory_space<hbm>> -> memref<80x128xf32, #tpu.memory_space<hbm>>
      %dma_wait3A_2803 = arith.constant 0 : i32
      %dma_wait3A_2804 = arith.constant 0 : i32
      %dma_wait3A_2805 = tpu.memref_slice %arg11[%dma_wait3A_2794, %dma_wait3A_2803, %dma_wait3A_2804] : memref<8x80x128xf32, #tpu.memory_space<vmem>> -> memref<1x80x128xf32, #tpu.memory_space<vmem>>
      %dma_wait3A_2806 = tpu.memref_squeeze %dma_wait3A_2805 : memref<1x80x128xf32, #tpu.memory_space<vmem>> -> memref<80x128xf32, #tpu.memory_space<vmem>>
      tpu.wait_dma2 semaphore(%arg26 : memref<!tpu.dma_semaphore, #tpu.memory_space<semaphore_mem>>) src(%dma_wait3A_2806 : memref<80x128xf32, #tpu.memory_space<vmem>>) dst(%dma_wait3A_2802 : memref<80x128xf32, #tpu.memory_space<hbm>>)
      %add3A_2807 = arith.constant 5 : i32
      %add3A_2808 = arith.addi %mul3A_1303, %add3A_2807 : i32
      %add3A_2809 = arith.constant 8 : i32
      %add3A_2810 = arith.addi %add3A_2808, %add3A_2809 : i32
      %dma_start3A_2811 = arith.constant 5 : i32
      %dma_start3A_2812 = arith.constant 0 : i32
      %dma_start3A_2813 = arith.constant 0 : i32
      %dma_start3A_2814 = tpu.memref_slice %arg11[%dma_start3A_2811, %dma_start3A_2812, %dma_start3A_2813] : memref<8x80x128xf32, #tpu.memory_space<vmem>> -> memref<1x80x128xf32, #tpu.memory_space<vmem>>
      %dma_start3A_2815 = tpu.memref_squeeze %dma_start3A_2814 : memref<1x80x128xf32, #tpu.memory_space<vmem>> -> memref<80x128xf32, #tpu.memory_space<vmem>>
      %dma_start3A_2816 = arith.constant 0 : i32
      %dma_start3A_2817 = tpu.memref_slice %arg10[%add3A_2810, %dma_start3A_2816] : memref<125x80xi32, #tpu.memory_space<vmem>> -> memref<1x80xi32, #tpu.memory_space<vmem>>
      %dma_start3A_2818 = tpu.memref_squeeze %dma_start3A_2817 : memref<1x80xi32, #tpu.memory_space<vmem>> -> memref<80xi32, #tpu.memory_space<vmem>>
      %dma_start3A_2819 = arith.constant 0 : i32
      %dma_start3A_2820 = arith.constant 0 : i32
      %dma_start3A_2821 = tpu.memref_slice %arg12[%dma_start3A_2819, %dma_start3A_2820] : memref<60x128xf32, #tpu.memory_space<vmem_shared>> -> memref<60x128xf32, #tpu.memory_space<vmem_shared>>
      tpu.enqueue_indirect_dma source(%dma_start3A_2821 : memref<60x128xf32, #tpu.memory_space<vmem_shared>>) target(%dma_start3A_2815 : memref<80x128xf32, #tpu.memory_space<vmem>>) offsets(%dma_start3A_2818 : memref<80xi32, #tpu.memory_space<vmem>>) semaphore(%arg18 : memref<!tpu.dma_semaphore, #tpu.memory_space<semaphore_mem>>)
      %add3A_2822 = arith.constant 6 : i32
      %add3A_2823 = arith.addi %mul3A_1303, %add3A_2822 : i32
      %mul3A_2824 = arith.constant 80 : i32
      %mul3A_2825 = arith.muli %add3A_2823, %mul3A_2824 : i32
      %add3A_2826 = arith.addi %mul3A_2, %mul3A_2825 : i32
      %dma_wait3A_2827 = arith.constant 6 : i32
      %dma_wait3A_2828 = arith.constant 0 : i32
      %dma_wait3A_2829 = arith.constant 0 : i32
      %dma_wait3A_2830 = tpu.memref_slice %arg11[%dma_wait3A_2827, %dma_wait3A_2828, %dma_wait3A_2829] : memref<8x80x128xf32, #tpu.memory_space<vmem>> -> memref<1x80x128xf32, #tpu.memory_space<vmem>>
      %dma_wait3A_2831 = tpu.memref_squeeze %dma_wait3A_2830 : memref<1x80x128xf32, #tpu.memory_space<vmem>> -> memref<80x128xf32, #tpu.memory_space<vmem>>
      %dma_wait3A_2832 = arith.constant 0 : i32
      %dma_wait3A_2833 = tpu.memref_slice %arg6[%add3A_2826, %dma_wait3A_2832] : memref<320000x128xf32, #tpu.memory_space<hbm>> -> memref<80x128xf32, #tpu.memory_space<hbm>>
      %dma_wait3A_2834 = arith.constant 0 : i32
      %dma_wait3A_2835 = tpu.memref_slice %arg6[%add3A_2826, %dma_wait3A_2834] : memref<320000x128xf32, #tpu.memory_space<hbm>> -> memref<80x128xf32, #tpu.memory_space<hbm>>
      %dma_wait3A_2836 = arith.constant 0 : i32
      %dma_wait3A_2837 = arith.constant 0 : i32
      %dma_wait3A_2838 = tpu.memref_slice %arg11[%dma_wait3A_2827, %dma_wait3A_2836, %dma_wait3A_2837] : memref<8x80x128xf32, #tpu.memory_space<vmem>> -> memref<1x80x128xf32, #tpu.memory_space<vmem>>
      %dma_wait3A_2839 = tpu.memref_squeeze %dma_wait3A_2838 : memref<1x80x128xf32, #tpu.memory_space<vmem>> -> memref<80x128xf32, #tpu.memory_space<vmem>>
      tpu.wait_dma2 semaphore(%arg27 : memref<!tpu.dma_semaphore, #tpu.memory_space<semaphore_mem>>) src(%dma_wait3A_2839 : memref<80x128xf32, #tpu.memory_space<vmem>>) dst(%dma_wait3A_2835 : memref<80x128xf32, #tpu.memory_space<hbm>>)
      %add3A_2840 = arith.constant 6 : i32
      %add3A_2841 = arith.addi %mul3A_1303, %add3A_2840 : i32
      %add3A_2842 = arith.constant 8 : i32
      %add3A_2843 = arith.addi %add3A_2841, %add3A_2842 : i32
      %dma_start3A_2844 = arith.constant 6 : i32
      %dma_start3A_2845 = arith.constant 0 : i32
      %dma_start3A_2846 = arith.constant 0 : i32
      %dma_start3A_2847 = tpu.memref_slice %arg11[%dma_start3A_2844, %dma_start3A_2845, %dma_start3A_2846] : memref<8x80x128xf32, #tpu.memory_space<vmem>> -> memref<1x80x128xf32, #tpu.memory_space<vmem>>
      %dma_start3A_2848 = tpu.memref_squeeze %dma_start3A_2847 : memref<1x80x128xf32, #tpu.memory_space<vmem>> -> memref<80x128xf32, #tpu.memory_space<vmem>>
      %dma_start3A_2849 = arith.constant 0 : i32
      %dma_start3A_2850 = tpu.memref_slice %arg10[%add3A_2843, %dma_start3A_2849] : memref<125x80xi32, #tpu.memory_space<vmem>> -> memref<1x80xi32, #tpu.memory_space<vmem>>
      %dma_start3A_2851 = tpu.memref_squeeze %dma_start3A_2850 : memref<1x80xi32, #tpu.memory_space<vmem>> -> memref<80xi32, #tpu.memory_space<vmem>>
      %dma_start3A_2852 = arith.constant 0 : i32
      %dma_start3A_2853 = arith.constant 0 : i32
      %dma_start3A_2854 = tpu.memref_slice %arg12[%dma_start3A_2852, %dma_start3A_2853] : memref<60x128xf32, #tpu.memory_space<vmem_shared>> -> memref<60x128xf32, #tpu.memory_space<vmem_shared>>
      tpu.enqueue_indirect_dma source(%dma_start3A_2854 : memref<60x128xf32, #tpu.memory_space<vmem_shared>>) target(%dma_start3A_2848 : memref<80x128xf32, #tpu.memory_space<vmem>>) offsets(%dma_start3A_2851 : memref<80xi32, #tpu.memory_space<vmem>>) semaphore(%arg19 : memref<!tpu.dma_semaphore, #tpu.memory_space<semaphore_mem>>)
      %add3A_2855 = arith.constant 7 : i32
      %add3A_2856 = arith.addi %mul3A_1303, %add3A_2855 : i32
      %mul3A_2857 = arith.constant 80 : i32
      %mul3A_2858 = arith.muli %add3A_2856, %mul3A_2857 : i32
      %add3A_2859 = arith.addi %mul3A_2, %mul3A_2858 : i32
      %dma_wait3A_2860 = arith.constant 7 : i32
      %dma_wait3A_2861 = arith.constant 0 : i32
      %dma_wait3A_2862 = arith.constant 0 : i32
      %dma_wait3A_2863 = tpu.memref_slice %arg11[%dma_wait3A_2860, %dma_wait3A_2861, %dma_wait3A_2862] : memref<8x80x128xf32, #tpu.memory_space<vmem>> -> memref<1x80x128xf32, #tpu.memory_space<vmem>>
      %dma_wait3A_2864 = tpu.memref_squeeze %dma_wait3A_2863 : memref<1x80x128xf32, #tpu.memory_space<vmem>> -> memref<80x128xf32, #tpu.memory_space<vmem>>
      %dma_wait3A_2865 = arith.constant 0 : i32
      %dma_wait3A_2866 = tpu.memref_slice %arg6[%add3A_2859, %dma_wait3A_2865] : memref<320000x128xf32, #tpu.memory_space<hbm>> -> memref<80x128xf32, #tpu.memory_space<hbm>>
      %dma_wait3A_2867 = arith.constant 0 : i32
      %dma_wait3A_2868 = tpu.memref_slice %arg6[%add3A_2859, %dma_wait3A_2867] : memref<320000x128xf32, #tpu.memory_space<hbm>> -> memref<80x128xf32, #tpu.memory_space<hbm>>
      %dma_wait3A_2869 = arith.constant 0 : i32
      %dma_wait3A_2870 = arith.constant 0 : i32
      %dma_wait3A_2871 = tpu.memref_slice %arg11[%dma_wait3A_2860, %dma_wait3A_2869, %dma_wait3A_2870] : memref<8x80x128xf32, #tpu.memory_space<vmem>> -> memref<1x80x128xf32, #tpu.memory_space<vmem>>
      %dma_wait3A_2872 = tpu.memref_squeeze %dma_wait3A_2871 : memref<1x80x128xf32, #tpu.memory_space<vmem>> -> memref<80x128xf32, #tpu.memory_space<vmem>>
      tpu.wait_dma2 semaphore(%arg28 : memref<!tpu.dma_semaphore, #tpu.memory_space<semaphore_mem>>) src(%dma_wait3A_2872 : memref<80x128xf32, #tpu.memory_space<vmem>>) dst(%dma_wait3A_2868 : memref<80x128xf32, #tpu.memory_space<hbm>>)
      %add3A_2873 = arith.constant 7 : i32
      %add3A_2874 = arith.addi %mul3A_1303, %add3A_2873 : i32
      %add3A_2875 = arith.constant 8 : i32
      %add3A_2876 = arith.addi %add3A_2874, %add3A_2875 : i32
      %dma_start3A_2877 = arith.constant 7 : i32
      %dma_start3A_2878 = arith.constant 0 : i32
      %dma_start3A_2879 = arith.constant 0 : i32
      %dma_start3A_2880 = tpu.memref_slice %arg11[%dma_start3A_2877, %dma_start3A_2878, %dma_start3A_2879] : memref<8x80x128xf32, #tpu.memory_space<vmem>> -> memref<1x80x128xf32, #tpu.memory_space<vmem>>
      %dma_start3A_2881 = tpu.memref_squeeze %dma_start3A_2880 : memref<1x80x128xf32, #tpu.memory_space<vmem>> -> memref<80x128xf32, #tpu.memory_space<vmem>>
      %dma_start3A_2882 = arith.constant 0 : i32
      %dma_start3A_2883 = tpu.memref_slice %arg10[%add3A_2876, %dma_start3A_2882] : memref<125x80xi32, #tpu.memory_space<vmem>> -> memref<1x80xi32, #tpu.memory_space<vmem>>
      %dma_start3A_2884 = tpu.memref_squeeze %dma_start3A_2883 : memref<1x80xi32, #tpu.memory_space<vmem>> -> memref<80xi32, #tpu.memory_space<vmem>>
      %dma_start3A_2885 = arith.constant 0 : i32
      %dma_start3A_2886 = arith.constant 0 : i32
      %dma_start3A_2887 = tpu.memref_slice %arg12[%dma_start3A_2885, %dma_start3A_2886] : memref<60x128xf32, #tpu.memory_space<vmem_shared>> -> memref<60x128xf32, #tpu.memory_space<vmem_shared>>
      tpu.enqueue_indirect_dma source(%dma_start3A_2887 : memref<60x128xf32, #tpu.memory_space<vmem_shared>>) target(%dma_start3A_2881 : memref<80x128xf32, #tpu.memory_space<vmem>>) offsets(%dma_start3A_2884 : memref<80xi32, #tpu.memory_space<vmem>>) semaphore(%arg20 : memref<!tpu.dma_semaphore, #tpu.memory_space<semaphore_mem>>)
    }
    %scan3A_121 = arith.constant 14 : i32
    %get3A = arith.constant 9600 : index
    %get3A_122 = tpu.vector_load %arg7[%get3A] {strides = array<i32>} : memref<10000xi32, #tpu.memory_space<vmem>>, vector<16xi32>,
    %get3A_123 = vector.shape_cast %get3A_122 : vector<16xi32> to vector<16xi32>
    %get3A_124 = arith.constant 9600 : index
    %get3A_125 = tpu.vector_load %arg8[%get3A_124] {strides = array<i32>} : memref<10000xi32, #tpu.memory_space<vmem>>, vector<16xi32>,
    %get3A_126 = vector.shape_cast %get3A_125 : vector<16xi32> to vector<16xi32>
    %get3A_127 = arith.constant 9600 : index
    %get3A_128 = tpu.vector_load %arg9[%get3A_127] {strides = array<i32>} : memref<10000xi32, #tpu.memory_space<vmem>>, vector<16xi32>,
    %get3A_129 = vector.shape_cast %get3A_128 : vector<16xi32> to vector<16xi32>
    %mul3A_130 = arith.constant 6 : i32
    %mul3A_131 = vector.broadcast %mul3A_130 : i32 to vector<16xi32>
    %mul3A_132 = arith.muli %get3A_123, %mul3A_131 : vector<16xi32>
    %add3A_133 = arith.addi %mul3A_132, %get3A_126 : vector<16xi32>
    %mul3A_134 = arith.constant 2 : i32
    %mul3A_135 = vector.broadcast %mul3A_134 : i32 to vector<16xi32>
    %mul3A_136 = arith.muli %add3A_133, %mul3A_135 : vector<16xi32>
    %add3A_137 = arith.addi %mul3A_136, %get3A_129 : vector<16xi32>
    %swap3A = arith.constant 120 : i32
    %swap3A_138 = arith.index_cast %swap3A : i32 to index
    %swap3A_139 = arith.constant 0 : index
    %swap3A_140 = tpu.vector_load %arg10[%swap3A_138, %swap3A_139] {strides = array<i32>} : memref<125x80xi32, #tpu.memory_space<vmem>>, vector<1x16xi32>,
    %swap3A_141 = vector.shape_cast %swap3A_140 : vector<1x16xi32> to vector<16xi32>
    %swap3A_142 = vector.shape_cast %add3A_137 : vector<16xi32> to vector<1x16xi32>
    tpu.vector_store %arg10[%swap3A_138, %swap3A_139], %swap3A_142 {strides = array<i32>} : memref<125x80xi32, #tpu.memory_space<vmem>>, vector<1x16xi32>,
    %get3A_143 = arith.constant 9616 : index
    %get3A_144 = tpu.vector_load %arg7[%get3A_143] {strides = array<i32>} : memref<10000xi32, #tpu.memory_space<vmem>>, vector<16xi32>,
    %get3A_145 = vector.shape_cast %get3A_144 : vector<16xi32> to vector<16xi32>
    %get3A_146 = arith.constant 9616 : index
    %get3A_147 = tpu.vector_load %arg8[%get3A_146] {strides = array<i32>} : memref<10000xi32, #tpu.memory_space<vmem>>, vector<16xi32>,
    %get3A_148 = vector.shape_cast %get3A_147 : vector<16xi32> to vector<16xi32>
    %get3A_149 = arith.constant 9616 : index
    %get3A_150 = tpu.vector_load %arg9[%get3A_149] {strides = array<i32>} : memref<10000xi32, #tpu.memory_space<vmem>>, vector<16xi32>,
    %get3A_151 = vector.shape_cast %get3A_150 : vector<16xi32> to vector<16xi32>
    %mul3A_152 = arith.constant 6 : i32
    %mul3A_153 = vector.broadcast %mul3A_152 : i32 to vector<16xi32>
    %mul3A_154 = arith.muli %get3A_145, %mul3A_153 : vector<16xi32>
    %add3A_155 = arith.addi %mul3A_154, %get3A_148 : vector<16xi32>
    %mul3A_156 = arith.constant 2 : i32
    %mul3A_157 = vector.broadcast %mul3A_156 : i32 to vector<16xi32>
    %mul3A_158 = arith.muli %add3A_155, %mul3A_157 : vector<16xi32>
    %add3A_159 = arith.addi %mul3A_158, %get3A_151 : vector<16xi32>
    %swap3A_160 = arith.constant 120 : i32
    %swap3A_161 = arith.index_cast %swap3A_160 : i32 to index
    %swap3A_162 = arith.constant 16 : index
    %swap3A_163 = tpu.vector_load %arg10[%swap3A_161, %swap3A_162] {strides = array<i32>} : memref<125x80xi32, #tpu.memory_space<vmem>>, vector<1x16xi32>,
    %swap3A_164 = vector.shape_cast %swap3A_163 : vector<1x16xi32> to vector<16xi32>
    %swap3A_165 = vector.shape_cast %add3A_159 : vector<16xi32> to vector<1x16xi32>
    tpu.vector_store %arg10[%swap3A_161, %swap3A_162], %swap3A_165 {strides = array<i32>} : memref<125x80xi32, #tpu.memory_space<vmem>>, vector<1x16xi32>,
    %get3A_166 = arith.constant 9632 : index
    %get3A_167 = tpu.vector_load %arg7[%get3A_166] {strides = array<i32>} : memref<10000xi32, #tpu.memory_space<vmem>>, vector<16xi32>,
    %get3A_168 = vector.shape_cast %get3A_167 : vector<16xi32> to vector<16xi32>
    %get3A_169 = arith.constant 9632 : index
    %get3A_170 = tpu.vector_load %arg8[%get3A_169] {strides = array<i32>} : memref<10000xi32, #tpu.memory_space<vmem>>, vector<16xi32>,
    %get3A_171 = vector.shape_cast %get3A_170 : vector<16xi32> to vector<16xi32>
    %get3A_172 = arith.constant 9632 : index
    %get3A_173 = tpu.vector_load %arg9[%get3A_172] {strides = array<i32>} : memref<10000xi32, #tpu.memory_space<vmem>>, vector<16xi32>,
    %get3A_174 = vector.shape_cast %get3A_173 : vector<16xi32> to vector<16xi32>
    %mul3A_175 = arith.constant 6 : i32
    %mul3A_176 = vector.broadcast %mul3A_175 : i32 to vector<16xi32>
    %mul3A_177 = arith.muli %get3A_168, %mul3A_176 : vector<16xi32>
    %add3A_178 = arith.addi %mul3A_177, %get3A_171 : vector<16xi32>
    %mul3A_179 = arith.constant 2 : i32
    %mul3A_180 = vector.broadcast %mul3A_179 : i32 to vector<16xi32>
    %mul3A_181 = arith.muli %add3A_178, %mul3A_180 : vector<16xi32>
    %add3A_182 = arith.addi %mul3A_181, %get3A_174 : vector<16xi32>
    %swap3A_183 = arith.constant 120 : i32
    %swap3A_184 = arith.index_cast %swap3A_183 : i32 to index
    %swap3A_185 = arith.constant 32 : index
    %swap3A_186 = tpu.vector_load %arg10[%swap3A_184, %swap3A_185] {strides = array<i32>} : memref<125x80xi32, #tpu.memory_space<vmem>>, vector<1x16xi32>,
    %swap3A_187 = vector.shape_cast %swap3A_186 : vector<1x16xi32> to vector<16xi32>
    %swap3A_188 = vector.shape_cast %add3A_182 : vector<16xi32> to vector<1x16xi32>
    tpu.vector_store %arg10[%swap3A_184, %swap3A_185], %swap3A_188 {strides = array<i32>} : memref<125x80xi32, #tpu.memory_space<vmem>>, vector<1x16xi32>,
    %get3A_189 = arith.constant 9648 : index
    %get3A_190 = tpu.vector_load %arg7[%get3A_189] {strides = array<i32>} : memref<10000xi32, #tpu.memory_space<vmem>>, vector<16xi32>,
    %get3A_191 = vector.shape_cast %get3A_190 : vector<16xi32> to vector<16xi32>
    %get3A_192 = arith.constant 9648 : index
    %get3A_193 = tpu.vector_load %arg8[%get3A_192] {strides = array<i32>} : memref<10000xi32, #tpu.memory_space<vmem>>, vector<16xi32>,
    %get3A_194 = vector.shape_cast %get3A_193 : vector<16xi32> to vector<16xi32>
    %get3A_195 = arith.constant 9648 : index
    %get3A_196 = tpu.vector_load %arg9[%get3A_195] {strides = array<i32>} : memref<10000xi32, #tpu.memory_space<vmem>>, vector<16xi32>,
    %get3A_197 = vector.shape_cast %get3A_196 : vector<16xi32> to vector<16xi32>
    %mul3A_198 = arith.constant 6 : i32
    %mul3A_199 = vector.broadcast %mul3A_198 : i32 to vector<16xi32>
    %mul3A_200 = arith.muli %get3A_191, %mul3A_199 : vector<16xi32>
    %add3A_201 = arith.addi %mul3A_200, %get3A_194 : vector<16xi32>
    %mul3A_202 = arith.constant 2 : i32
    %mul3A_203 = vector.broadcast %mul3A_202 : i32 to vector<16xi32>
    %mul3A_204 = arith.muli %add3A_201, %mul3A_203 : vector<16xi32>
    %add3A_205 = arith.addi %mul3A_204, %get3A_197 : vector<16xi32>
    %swap3A_206 = arith.constant 120 : i32
    %swap3A_207 = arith.index_cast %swap3A_206 : i32 to index
    %swap3A_208 = arith.constant 48 : index
    %swap3A_209 = tpu.vector_load %arg10[%swap3A_207, %swap3A_208] {strides = array<i32>} : memref<125x80xi32, #tpu.memory_space<vmem>>, vector<1x16xi32>,
    %swap3A_210 = vector.shape_cast %swap3A_209 : vector<1x16xi32> to vector<16xi32>
    %swap3A_211 = vector.shape_cast %add3A_205 : vector<16xi32> to vector<1x16xi32>
    tpu.vector_store %arg10[%swap3A_207, %swap3A_208], %swap3A_211 {strides = array<i32>} : memref<125x80xi32, #tpu.memory_space<vmem>>, vector<1x16xi32>,
    %get3A_212 = arith.constant 9664 : index
    %get3A_213 = tpu.vector_load %arg7[%get3A_212] {strides = array<i32>} : memref<10000xi32, #tpu.memory_space<vmem>>, vector<16xi32>,
    %get3A_214 = vector.shape_cast %get3A_213 : vector<16xi32> to vector<16xi32>
    %get3A_215 = arith.constant 9664 : index
    %get3A_216 = tpu.vector_load %arg8[%get3A_215] {strides = array<i32>} : memref<10000xi32, #tpu.memory_space<vmem>>, vector<16xi32>,
    %get3A_217 = vector.shape_cast %get3A_216 : vector<16xi32> to vector<16xi32>
    %get3A_218 = arith.constant 9664 : index
    %get3A_219 = tpu.vector_load %arg9[%get3A_218] {strides = array<i32>} : memref<10000xi32, #tpu.memory_space<vmem>>, vector<16xi32>,
    %get3A_220 = vector.shape_cast %get3A_219 : vector<16xi32> to vector<16xi32>
    %mul3A_221 = arith.constant 6 : i32
    %mul3A_222 = vector.broadcast %mul3A_221 : i32 to vector<16xi32>
    %mul3A_223 = arith.muli %get3A_214, %mul3A_222 : vector<16xi32>
    %add3A_224 = arith.addi %mul3A_223, %get3A_217 : vector<16xi32>
    %mul3A_225 = arith.constant 2 : i32
    %mul3A_226 = vector.broadcast %mul3A_225 : i32 to vector<16xi32>
    %mul3A_227 = arith.muli %add3A_224, %mul3A_226 : vector<16xi32>
    %add3A_228 = arith.addi %mul3A_227, %get3A_220 : vector<16xi32>
    %swap3A_229 = arith.constant 120 : i32
    %swap3A_230 = arith.index_cast %swap3A_229 : i32 to index
    %swap3A_231 = arith.constant 64 : index
    %swap3A_232 = tpu.vector_load %arg10[%swap3A_230, %swap3A_231] {strides = array<i32>} : memref<125x80xi32, #tpu.memory_space<vmem>>, vector<1x16xi32>,
    %swap3A_233 = vector.shape_cast %swap3A_232 : vector<1x16xi32> to vector<16xi32>
    %swap3A_234 = vector.shape_cast %add3A_228 : vector<16xi32> to vector<1x16xi32>
    tpu.vector_store %arg10[%swap3A_230, %swap3A_231], %swap3A_234 {strides = array<i32>} : memref<125x80xi32, #tpu.memory_space<vmem>>, vector<1x16xi32>,
    %dma_wait3A_235 = arith.constant 112 : i32
    %dma_wait3A_236 = arith.constant 0 : i32
    %dma_wait3A_237 = arith.constant 0 : i32
    %dma_wait3A_238 = arith.constant 0 : i32
    %dma_wait3A_239 = tpu.memref_slice %arg11[%dma_wait3A_236, %dma_wait3A_237, %dma_wait3A_238] : memref<8x80x128xf32, #tpu.memory_space<vmem>> -> memref<1x80x128xf32, #tpu.memory_space<vmem>>
    %dma_wait3A_240 = tpu.memref_squeeze %dma_wait3A_239 : memref<1x80x128xf32, #tpu.memory_space<vmem>> -> memref<80x128xf32, #tpu.memory_space<vmem>>
    %dma_wait3A_241 = arith.constant 0 : i32
    %dma_wait3A_242 = tpu.memref_slice %arg10[%dma_wait3A_235, %dma_wait3A_241] : memref<125x80xi32, #tpu.memory_space<vmem>> -> memref<1x80xi32, #tpu.memory_space<vmem>>
    %dma_wait3A_243 = tpu.memref_squeeze %dma_wait3A_242 : memref<1x80xi32, #tpu.memory_space<vmem>> -> memref<80xi32, #tpu.memory_space<vmem>>
    %dma_wait3A_244 = arith.constant 0 : i32
    %dma_wait3A_245 = arith.constant 0 : i32
    %dma_wait3A_246 = tpu.memref_slice %arg12[%dma_wait3A_244, %dma_wait3A_245] : memref<60x128xf32, #tpu.memory_space<vmem_shared>> -> memref<60x128xf32, #tpu.memory_space<vmem_shared>>
    tpu.wait_indirect_dma semaphore(%arg13 : memref<!tpu.dma_semaphore, #tpu.memory_space<semaphore_mem>>) src(%dma_wait3A_246 : memref<60x128xf32, #tpu.memory_space<vmem_shared>>) dst(%dma_wait3A_240 : memref<80x128xf32, #tpu.memory_space<vmem>>)
    %add3A_247 = arith.constant 8960 : i32
    %add3A_248 = arith.addi %mul3A_2, %add3A_247 : i32
    %dma_start3A_249 = arith.constant 0 : i32
    %dma_start3A_250 = arith.constant 0 : i32
    %dma_start3A_251 = arith.constant 0 : i32
    %dma_start3A_252 = tpu.memref_slice %arg11[%dma_start3A_249, %dma_start3A_250, %dma_start3A_251] : memref<8x80x128xf32, #tpu.memory_space<vmem>> -> memref<1x80x128xf32, #tpu.memory_space<vmem>>
    %dma_start3A_253 = tpu.memref_squeeze %dma_start3A_252 : memref<1x80x128xf32, #tpu.memory_space<vmem>> -> memref<80x128xf32, #tpu.memory_space<vmem>>
    %dma_start3A_254 = arith.constant 0 : i32
    %dma_start3A_255 = tpu.memref_slice %arg6[%add3A_248, %dma_start3A_254] : memref<320000x128xf32, #tpu.memory_space<hbm>> -> memref<80x128xf32, #tpu.memory_space<hbm>>
    %dma_start3A_256 = arith.constant 0 : i32
    %dma_start3A_257 = tpu.memref_slice %arg6[%add3A_248, %dma_start3A_256] : memref<320000x128xf32, #tpu.memory_space<hbm>> -> memref<80x128xf32, #tpu.memory_space<hbm>>
    %dma_start3A_258 = arith.constant 0 : i32
    %dma_start3A_259 = arith.constant 0 : i32
    %dma_start3A_260 = tpu.memref_slice %arg11[%dma_start3A_249, %dma_start3A_258, %dma_start3A_259] : memref<8x80x128xf32, #tpu.memory_space<vmem>> -> memref<1x80x128xf32, #tpu.memory_space<vmem>>
    %dma_start3A_261 = tpu.memref_squeeze %dma_start3A_260 : memref<1x80x128xf32, #tpu.memory_space<vmem>> -> memref<80x128xf32, #tpu.memory_space<vmem>>
    tpu.enqueue_dma source(%dma_start3A_261 : memref<80x128xf32, #tpu.memory_space<vmem>>) target(%dma_start3A_257 : memref<80x128xf32, #tpu.memory_space<hbm>>) target_semaphore(%arg21 : memref<!tpu.dma_semaphore, #tpu.memory_space<semaphore_mem>>)
    %add3A_262 = arith.constant 8960 : i32
    %add3A_263 = arith.addi %mul3A_2, %add3A_262 : i32
    %dma_wait3A_264 = arith.constant 0 : i32
    %dma_wait3A_265 = arith.constant 0 : i32
    %dma_wait3A_266 = arith.constant 0 : i32
    %dma_wait3A_267 = tpu.memref_slice %arg11[%dma_wait3A_264, %dma_wait3A_265, %dma_wait3A_266] : memref<8x80x128xf32, #tpu.memory_space<vmem>> -> memref<1x80x128xf32, #tpu.memory_space<vmem>>
    %dma_wait3A_268 = tpu.memref_squeeze %dma_wait3A_267 : memref<1x80x128xf32, #tpu.memory_space<vmem>> -> memref<80x128xf32, #tpu.memory_space<vmem>>
    %dma_wait3A_269 = arith.constant 0 : i32
    %dma_wait3A_270 = tpu.memref_slice %arg6[%add3A_263, %dma_wait3A_269] : memref<320000x128xf32, #tpu.memory_space<hbm>> -> memref<80x128xf32, #tpu.memory_space<hbm>>
    %dma_wait3A_271 = arith.constant 0 : i32
    %dma_wait3A_272 = tpu.memref_slice %arg6[%add3A_263, %dma_wait3A_271] : memref<320000x128xf32, #tpu.memory_space<hbm>> -> memref<80x128xf32, #tpu.memory_space<hbm>>
    %dma_wait3A_273 = arith.constant 0 : i32
    %dma_wait3A_274 = arith.constant 0 : i32
    %dma_wait3A_275 = tpu.memref_slice %arg11[%dma_wait3A_264, %dma_wait3A_273, %dma_wait3A_274] : memref<8x80x128xf32, #tpu.memory_space<vmem>> -> memref<1x80x128xf32, #tpu.memory_space<vmem>>
    %dma_wait3A_276 = tpu.memref_squeeze %dma_wait3A_275 : memref<1x80x128xf32, #tpu.memory_space<vmem>> -> memref<80x128xf32, #tpu.memory_space<vmem>>
    tpu.wait_dma2 semaphore(%arg21 : memref<!tpu.dma_semaphore, #tpu.memory_space<semaphore_mem>>) src(%dma_wait3A_276 : memref<80x128xf32, #tpu.memory_space<vmem>>) dst(%dma_wait3A_272 : memref<80x128xf32, #tpu.memory_space<hbm>>)
    %dma_start3A_277 = arith.constant 120 : i32
    %dma_start3A_278 = arith.constant 0 : i32
    %dma_start3A_279 = arith.constant 0 : i32
    %dma_start3A_280 = arith.constant 0 : i32
    %dma_start3A_281 = tpu.memref_slice %arg11[%dma_start3A_278, %dma_start3A_279, %dma_start3A_280] : memref<8x80x128xf32, #tpu.memory_space<vmem>> -> memref<1x80x128xf32, #tpu.memory_space<vmem>>
    %dma_start3A_282 = tpu.memref_squeeze %dma_start3A_281 : memref<1x80x128xf32, #tpu.memory_space<vmem>> -> memref<80x128xf32, #tpu.memory_space<vmem>>
    %dma_start3A_283 = arith.constant 0 : i32
    %dma_start3A_284 = tpu.memref_slice %arg10[%dma_start3A_277, %dma_start3A_283] : memref<125x80xi32, #tpu.memory_space<vmem>> -> memref<1x80xi32, #tpu.memory_space<vmem>>
    %dma_start3A_285 = tpu.memref_squeeze %dma_start3A_284 : memref<1x80xi32, #tpu.memory_space<vmem>> -> memref<80xi32, #tpu.memory_space<vmem>>
    %dma_start3A_286 = arith.constant 0 : i32
    %dma_start3A_287 = arith.constant 0 : i32
    %dma_start3A_288 = tpu.memref_slice %arg12[%dma_start3A_286, %dma_start3A_287] : memref<60x128xf32, #tpu.memory_space<vmem_shared>> -> memref<60x128xf32, #tpu.memory_space<vmem_shared>>
    tpu.enqueue_indirect_dma source(%dma_start3A_288 : memref<60x128xf32, #tpu.memory_space<vmem_shared>>) target(%dma_start3A_282 : memref<80x128xf32, #tpu.memory_space<vmem>>) offsets(%dma_start3A_285 : memref<80xi32, #tpu.memory_space<vmem>>) semaphore(%arg13 : memref<!tpu.dma_semaphore, #tpu.memory_space<semaphore_mem>>)
    %get3A_289 = arith.constant 9680 : index
    %get3A_290 = tpu.vector_load %arg7[%get3A_289] {strides = array<i32>} : memref<10000xi32, #tpu.memory_space<vmem>>, vector<16xi32>,
    %get3A_291 = vector.shape_cast %get3A_290 : vector<16xi32> to vector<16xi32>
    %get3A_292 = arith.constant 9680 : index
    %get3A_293 = tpu.vector_load %arg8[%get3A_292] {strides = array<i32>} : memref<10000xi32, #tpu.memory_space<vmem>>, vector<16xi32>,
    %get3A_294 = vector.shape_cast %get3A_293 : vector<16xi32> to vector<16xi32>
    %get3A_295 = arith.constant 9680 : index
    %get3A_296 = tpu.vector_load %arg9[%get3A_295] {strides = array<i32>} : memref<10000xi32, #tpu.memory_space<vmem>>, vector<16xi32>,
    %get3A_297 = vector.shape_cast %get3A_296 : vector<16xi32> to vector<16xi32>
    %mul3A_298 = arith.constant 6 : i32
    %mul3A_299 = vector.broadcast %mul3A_298 : i32 to vector<16xi32>
    %mul3A_300 = arith.muli %get3A_291, %mul3A_299 : vector<16xi32>
    %add3A_301 = arith.addi %mul3A_300, %get3A_294 : vector<16xi32>
    %mul3A_302 = arith.constant 2 : i32
    %mul3A_303 = vector.broadcast %mul3A_302 : i32 to vector<16xi32>
    %mul3A_304 = arith.muli %add3A_301, %mul3A_303 : vector<16xi32>
    %add3A_305 = arith.addi %mul3A_304, %get3A_297 : vector<16xi32>
    %swap3A_306 = arith.constant 121 : i32
    %swap3A_307 = arith.index_cast %swap3A_306 : i32 to index
    %swap3A_308 = arith.constant 0 : index
    %swap3A_309 = tpu.vector_load %arg10[%swap3A_307, %swap3A_308] {strides = array<i32>} : memref<125x80xi32, #tpu.memory_space<vmem>>, vector<1x16xi32>,
    %swap3A_310 = vector.shape_cast %swap3A_309 : vector<1x16xi32> to vector<16xi32>
    %swap3A_311 = vector.shape_cast %add3A_305 : vector<16xi32> to vector<1x16xi32>
    tpu.vector_store %arg10[%swap3A_307, %swap3A_308], %swap3A_311 {strides = array<i32>} : memref<125x80xi32, #tpu.memory_space<vmem>>, vector<1x16xi32>,
    %get3A_312 = arith.constant 9696 : index
    %get3A_313 = tpu.vector_load %arg7[%get3A_312] {strides = array<i32>} : memref<10000xi32, #tpu.memory_space<vmem>>, vector<16xi32>,
    %get3A_314 = vector.shape_cast %get3A_313 : vector<16xi32> to vector<16xi32>
    %get3A_315 = arith.constant 9696 : index
    %get3A_316 = tpu.vector_load %arg8[%get3A_315] {strides = array<i32>} : memref<10000xi32, #tpu.memory_space<vmem>>, vector<16xi32>,
    %get3A_317 = vector.shape_cast %get3A_316 : vector<16xi32> to vector<16xi32>
    %get3A_318 = arith.constant 9696 : index
    %get3A_319 = tpu.vector_load %arg9[%get3A_318] {strides = array<i32>} : memref<10000xi32, #tpu.memory_space<vmem>>, vector<16xi32>,
    %get3A_320 = vector.shape_cast %get3A_319 : vector<16xi32> to vector<16xi32>
    %mul3A_321 = arith.constant 6 : i32
    %mul3A_322 = vector.broadcast %mul3A_321 : i32 to vector<16xi32>
    %mul3A_323 = arith.muli %get3A_314, %mul3A_322 : vector<16xi32>
    %add3A_324 = arith.addi %mul3A_323, %get3A_317 : vector<16xi32>
    %mul3A_325 = arith.constant 2 : i32
    %mul3A_326 = vector.broadcast %mul3A_325 : i32 to vector<16xi32>
    %mul3A_327 = arith.muli %add3A_324, %mul3A_326 : vector<16xi32>
    %add3A_328 = arith.addi %mul3A_327, %get3A_320 : vector<16xi32>
    %swap3A_329 = arith.constant 121 : i32
    %swap3A_330 = arith.index_cast %swap3A_329 : i32 to index
    %swap3A_331 = arith.constant 16 : index
    %swap3A_332 = tpu.vector_load %arg10[%swap3A_330, %swap3A_331] {strides = array<i32>} : memref<125x80xi32, #tpu.memory_space<vmem>>, vector<1x16xi32>,
    %swap3A_333 = vector.shape_cast %swap3A_332 : vector<1x16xi32> to vector<16xi32>
    %swap3A_334 = vector.shape_cast %add3A_328 : vector<16xi32> to vector<1x16xi32>
    tpu.vector_store %arg10[%swap3A_330, %swap3A_331], %swap3A_334 {strides = array<i32>} : memref<125x80xi32, #tpu.memory_space<vmem>>, vector<1x16xi32>,
    %get3A_335 = arith.constant 9712 : index
    %get3A_336 = tpu.vector_load %arg7[%get3A_335] {strides = array<i32>} : memref<10000xi32, #tpu.memory_space<vmem>>, vector<16xi32>,
    %get3A_337 = vector.shape_cast %get3A_336 : vector<16xi32> to vector<16xi32>
    %get3A_338 = arith.constant 9712 : index
    %get3A_339 = tpu.vector_load %arg8[%get3A_338] {strides = array<i32>} : memref<10000xi32, #tpu.memory_space<vmem>>, vector<16xi32>,
    %get3A_340 = vector.shape_cast %get3A_339 : vector<16xi32> to vector<16xi32>
    %get3A_341 = arith.constant 9712 : index
    %get3A_342 = tpu.vector_load %arg9[%get3A_341] {strides = array<i32>} : memref<10000xi32, #tpu.memory_space<vmem>>, vector<16xi32>,
    %get3A_343 = vector.shape_cast %get3A_342 : vector<16xi32> to vector<16xi32>
    %mul3A_344 = arith.constant 6 : i32
    %mul3A_345 = vector.broadcast %mul3A_344 : i32 to vector<16xi32>
    %mul3A_346 = arith.muli %get3A_337, %mul3A_345 : vector<16xi32>
    %add3A_347 = arith.addi %mul3A_346, %get3A_340 : vector<16xi32>
    %mul3A_348 = arith.constant 2 : i32
    %mul3A_349 = vector.broadcast %mul3A_348 : i32 to vector<16xi32>
    %mul3A_350 = arith.muli %add3A_347, %mul3A_349 : vector<16xi32>
    %add3A_351 = arith.addi %mul3A_350, %get3A_343 : vector<16xi32>
    %swap3A_352 = arith.constant 121 : i32
    %swap3A_353 = arith.index_cast %swap3A_352 : i32 to index
    %swap3A_354 = arith.constant 32 : index
    %swap3A_355 = tpu.vector_load %arg10[%swap3A_353, %swap3A_354] {strides = array<i32>} : memref<125x80xi32, #tpu.memory_space<vmem>>, vector<1x16xi32>,
    %swap3A_356 = vector.shape_cast %swap3A_355 : vector<1x16xi32> to vector<16xi32>
    %swap3A_357 = vector.shape_cast %add3A_351 : vector<16xi32> to vector<1x16xi32>
    tpu.vector_store %arg10[%swap3A_353, %swap3A_354], %swap3A_357 {strides = array<i32>} : memref<125x80xi32, #tpu.memory_space<vmem>>, vector<1x16xi32>,
    %get3A_358 = arith.constant 9728 : index
    %get3A_359 = tpu.vector_load %arg7[%get3A_358] {strides = array<i32>} : memref<10000xi32, #tpu.memory_space<vmem>>, vector<16xi32>,
    %get3A_360 = vector.shape_cast %get3A_359 : vector<16xi32> to vector<16xi32>
    %get3A_361 = arith.constant 9728 : index
    %get3A_362 = tpu.vector_load %arg8[%get3A_361] {strides = array<i32>} : memref<10000xi32, #tpu.memory_space<vmem>>, vector<16xi32>,
    %get3A_363 = vector.shape_cast %get3A_362 : vector<16xi32> to vector<16xi32>
    %get3A_364 = arith.constant 9728 : index
    %get3A_365 = tpu.vector_load %arg9[%get3A_364] {strides = array<i32>} : memref<10000xi32, #tpu.memory_space<vmem>>, vector<16xi32>,
    %get3A_366 = vector.shape_cast %get3A_365 : vector<16xi32> to vector<16xi32>
    %mul3A_367 = arith.constant 6 : i32
    %mul3A_368 = vector.broadcast %mul3A_367 : i32 to vector<16xi32>
    %mul3A_369 = arith.muli %get3A_360, %mul3A_368 : vector<16xi32>
    %add3A_370 = arith.addi %mul3A_369, %get3A_363 : vector<16xi32>
    %mul3A_371 = arith.constant 2 : i32
    %mul3A_372 = vector.broadcast %mul3A_371 : i32 to vector<16xi32>
    %mul3A_373 = arith.muli %add3A_370, %mul3A_372 : vector<16xi32>
    %add3A_374 = arith.addi %mul3A_373, %get3A_366 : vector<16xi32>
    %swap3A_375 = arith.constant 121 : i32
    %swap3A_376 = arith.index_cast %swap3A_375 : i32 to index
    %swap3A_377 = arith.constant 48 : index
    %swap3A_378 = tpu.vector_load %arg10[%swap3A_376, %swap3A_377] {strides = array<i32>} : memref<125x80xi32, #tpu.memory_space<vmem>>, vector<1x16xi32>,
    %swap3A_379 = vector.shape_cast %swap3A_378 : vector<1x16xi32> to vector<16xi32>
    %swap3A_380 = vector.shape_cast %add3A_374 : vector<16xi32> to vector<1x16xi32>
    tpu.vector_store %arg10[%swap3A_376, %swap3A_377], %swap3A_380 {strides = array<i32>} : memref<125x80xi32, #tpu.memory_space<vmem>>, vector<1x16xi32>,
    %get3A_381 = arith.constant 9744 : index
    %get3A_382 = tpu.vector_load %arg7[%get3A_381] {strides = array<i32>} : memref<10000xi32, #tpu.memory_space<vmem>>, vector<16xi32>,
    %get3A_383 = vector.shape_cast %get3A_382 : vector<16xi32> to vector<16xi32>
    %get3A_384 = arith.constant 9744 : index
    %get3A_385 = tpu.vector_load %arg8[%get3A_384] {strides = array<i32>} : memref<10000xi32, #tpu.memory_space<vmem>>, vector<16xi32>,
    %get3A_386 = vector.shape_cast %get3A_385 : vector<16xi32> to vector<16xi32>
    %get3A_387 = arith.constant 9744 : index
    %get3A_388 = tpu.vector_load %arg9[%get3A_387] {strides = array<i32>} : memref<10000xi32, #tpu.memory_space<vmem>>, vector<16xi32>,
    %get3A_389 = vector.shape_cast %get3A_388 : vector<16xi32> to vector<16xi32>
    %mul3A_390 = arith.constant 6 : i32
    %mul3A_391 = vector.broadcast %mul3A_390 : i32 to vector<16xi32>
    %mul3A_392 = arith.muli %get3A_383, %mul3A_391 : vector<16xi32>
    %add3A_393 = arith.addi %mul3A_392, %get3A_386 : vector<16xi32>
    %mul3A_394 = arith.constant 2 : i32
    %mul3A_395 = vector.broadcast %mul3A_394 : i32 to vector<16xi32>
    %mul3A_396 = arith.muli %add3A_393, %mul3A_395 : vector<16xi32>
    %add3A_397 = arith.addi %mul3A_396, %get3A_389 : vector<16xi32>
    %swap3A_398 = arith.constant 121 : i32
    %swap3A_399 = arith.index_cast %swap3A_398 : i32 to index
    %swap3A_400 = arith.constant 64 : index
    %swap3A_401 = tpu.vector_load %arg10[%swap3A_399, %swap3A_400] {strides = array<i32>} : memref<125x80xi32, #tpu.memory_space<vmem>>, vector<1x16xi32>,
    %swap3A_402 = vector.shape_cast %swap3A_401 : vector<1x16xi32> to vector<16xi32>
    %swap3A_403 = vector.shape_cast %add3A_397 : vector<16xi32> to vector<1x16xi32>
    tpu.vector_store %arg10[%swap3A_399, %swap3A_400], %swap3A_403 {strides = array<i32>} : memref<125x80xi32, #tpu.memory_space<vmem>>, vector<1x16xi32>,
    %dma_wait3A_404 = arith.constant 113 : i32
    %dma_wait3A_405 = arith.constant 1 : i32
    %dma_wait3A_406 = arith.constant 0 : i32
    %dma_wait3A_407 = arith.constant 0 : i32
    %dma_wait3A_408 = tpu.memref_slice %arg11[%dma_wait3A_405, %dma_wait3A_406, %dma_wait3A_407] : memref<8x80x128xf32, #tpu.memory_space<vmem>> -> memref<1x80x128xf32, #tpu.memory_space<vmem>>
    %dma_wait3A_409 = tpu.memref_squeeze %dma_wait3A_408 : memref<1x80x128xf32, #tpu.memory_space<vmem>> -> memref<80x128xf32, #tpu.memory_space<vmem>>
    %dma_wait3A_410 = arith.constant 0 : i32
    %dma_wait3A_411 = tpu.memref_slice %arg10[%dma_wait3A_404, %dma_wait3A_410] : memref<125x80xi32, #tpu.memory_space<vmem>> -> memref<1x80xi32, #tpu.memory_space<vmem>>
    %dma_wait3A_412 = tpu.memref_squeeze %dma_wait3A_411 : memref<1x80xi32, #tpu.memory_space<vmem>> -> memref<80xi32, #tpu.memory_space<vmem>>
    %dma_wait3A_413 = arith.constant 0 : i32
    %dma_wait3A_414 = arith.constant 0 : i32
    %dma_wait3A_415 = tpu.memref_slice %arg12[%dma_wait3A_413, %dma_wait3A_414] : memref<60x128xf32, #tpu.memory_space<vmem_shared>> -> memref<60x128xf32, #tpu.memory_space<vmem_shared>>
    tpu.wait_indirect_dma semaphore(%arg14 : memref<!tpu.dma_semaphore, #tpu.memory_space<semaphore_mem>>) src(%dma_wait3A_415 : memref<60x128xf32, #tpu.memory_space<vmem_shared>>) dst(%dma_wait3A_409 : memref<80x128xf32, #tpu.memory_space<vmem>>)
    %add3A_416 = arith.constant 9040 : i32
    %add3A_417 = arith.addi %mul3A_2, %add3A_416 : i32
    %dma_start3A_418 = arith.constant 1 : i32
    %dma_start3A_419 = arith.constant 0 : i32
    %dma_start3A_420 = arith.constant 0 : i32
    %dma_start3A_421 = tpu.memref_slice %arg11[%dma_start3A_418, %dma_start3A_419, %dma_start3A_420] : memref<8x80x128xf32, #tpu.memory_space<vmem>> -> memref<1x80x128xf32, #tpu.memory_space<vmem>>
    %dma_start3A_422 = tpu.memref_squeeze %dma_start3A_421 : memref<1x80x128xf32, #tpu.memory_space<vmem>> -> memref<80x128xf32, #tpu.memory_space<vmem>>
    %dma_start3A_423 = arith.constant 0 : i32
    %dma_start3A_424 = tpu.memref_slice %arg6[%add3A_417, %dma_start3A_423] : memref<320000x128xf32, #tpu.memory_space<hbm>> -> memref<80x128xf32, #tpu.memory_space<hbm>>
    %dma_start3A_425 = arith.constant 0 : i32
    %dma_start3A_426 = tpu.memref_slice %arg6[%add3A_417, %dma_start3A_425] : memref<320000x128xf32, #tpu.memory_space<hbm>> -> memref<80x128xf32, #tpu.memory_space<hbm>>
    %dma_start3A_427 = arith.constant 0 : i32
    %dma_start3A_428 = arith.constant 0 : i32
    %dma_start3A_429 = tpu.memref_slice %arg11[%dma_start3A_418, %dma_start3A_427, %dma_start3A_428] : memref<8x80x128xf32, #tpu.memory_space<vmem>> -> memref<1x80x128xf32, #tpu.memory_space<vmem>>
    %dma_start3A_430 = tpu.memref_squeeze %dma_start3A_429 : memref<1x80x128xf32, #tpu.memory_space<vmem>> -> memref<80x128xf32, #tpu.memory_space<vmem>>
    tpu.enqueue_dma source(%dma_start3A_430 : memref<80x128xf32, #tpu.memory_space<vmem>>) target(%dma_start3A_426 : memref<80x128xf32, #tpu.memory_space<hbm>>) target_semaphore(%arg22 : memref<!tpu.dma_semaphore, #tpu.memory_space<semaphore_mem>>)
    %add3A_431 = arith.constant 9040 : i32
    %add3A_432 = arith.addi %mul3A_2, %add3A_431 : i32
    %dma_wait3A_433 = arith.constant 1 : i32
    %dma_wait3A_434 = arith.constant 0 : i32
    %dma_wait3A_435 = arith.constant 0 : i32
    %dma_wait3A_436 = tpu.memref_slice %arg11[%dma_wait3A_433, %dma_wait3A_434, %dma_wait3A_435] : memref<8x80x128xf32, #tpu.memory_space<vmem>> -> memref<1x80x128xf32, #tpu.memory_space<vmem>>
    %dma_wait3A_437 = tpu.memref_squeeze %dma_wait3A_436 : memref<1x80x128xf32, #tpu.memory_space<vmem>> -> memref<80x128xf32, #tpu.memory_space<vmem>>
    %dma_wait3A_438 = arith.constant 0 : i32
    %dma_wait3A_439 = tpu.memref_slice %arg6[%add3A_432, %dma_wait3A_438] : memref<320000x128xf32, #tpu.memory_space<hbm>> -> memref<80x128xf32, #tpu.memory_space<hbm>>
    %dma_wait3A_440 = arith.constant 0 : i32
    %dma_wait3A_441 = tpu.memref_slice %arg6[%add3A_432, %dma_wait3A_440] : memref<320000x128xf32, #tpu.memory_space<hbm>> -> memref<80x128xf32, #tpu.memory_space<hbm>>
    %dma_wait3A_442 = arith.constant 0 : i32
    %dma_wait3A_443 = arith.constant 0 : i32
    %dma_wait3A_444 = tpu.memref_slice %arg11[%dma_wait3A_433, %dma_wait3A_442, %dma_wait3A_443] : memref<8x80x128xf32, #tpu.memory_space<vmem>> -> memref<1x80x128xf32, #tpu.memory_space<vmem>>
    %dma_wait3A_445 = tpu.memref_squeeze %dma_wait3A_444 : memref<1x80x128xf32, #tpu.memory_space<vmem>> -> memref<80x128xf32, #tpu.memory_space<vmem>>
    tpu.wait_dma2 semaphore(%arg22 : memref<!tpu.dma_semaphore, #tpu.memory_space<semaphore_mem>>) src(%dma_wait3A_445 : memref<80x128xf32, #tpu.memory_space<vmem>>) dst(%dma_wait3A_441 : memref<80x128xf32, #tpu.memory_space<hbm>>)
    %dma_start3A_446 = arith.constant 121 : i32
    %dma_start3A_447 = arith.constant 1 : i32
    %dma_start3A_448 = arith.constant 0 : i32
    %dma_start3A_449 = arith.constant 0 : i32
    %dma_start3A_450 = tpu.memref_slice %arg11[%dma_start3A_447, %dma_start3A_448, %dma_start3A_449] : memref<8x80x128xf32, #tpu.memory_space<vmem>> -> memref<1x80x128xf32, #tpu.memory_space<vmem>>
    %dma_start3A_451 = tpu.memref_squeeze %dma_start3A_450 : memref<1x80x128xf32, #tpu.memory_space<vmem>> -> memref<80x128xf32, #tpu.memory_space<vmem>>
    %dma_start3A_452 = arith.constant 0 : i32
    %dma_start3A_453 = tpu.memref_slice %arg10[%dma_start3A_446, %dma_start3A_452] : memref<125x80xi32, #tpu.memory_space<vmem>> -> memref<1x80xi32, #tpu.memory_space<vmem>>
    %dma_start3A_454 = tpu.memref_squeeze %dma_start3A_453 : memref<1x80xi32, #tpu.memory_space<vmem>> -> memref<80xi32, #tpu.memory_space<vmem>>
    %dma_start3A_455 = arith.constant 0 : i32
    %dma_start3A_456 = arith.constant 0 : i32
    %dma_start3A_457 = tpu.memref_slice %arg12[%dma_start3A_455, %dma_start3A_456] : memref<60x128xf32, #tpu.memory_space<vmem_shared>> -> memref<60x128xf32, #tpu.memory_space<vmem_shared>>
    tpu.enqueue_indirect_dma source(%dma_start3A_457 : memref<60x128xf32, #tpu.memory_space<vmem_shared>>) target(%dma_start3A_451 : memref<80x128xf32, #tpu.memory_space<vmem>>) offsets(%dma_start3A_454 : memref<80xi32, #tpu.memory_space<vmem>>) semaphore(%arg14 : memref<!tpu.dma_semaphore, #tpu.memory_space<semaphore_mem>>)
    %get3A_458 = arith.constant 9760 : index
    %get3A_459 = tpu.vector_load %arg7[%get3A_458] {strides = array<i32>} : memref<10000xi32, #tpu.memory_space<vmem>>, vector<16xi32>,
    %get3A_460 = vector.shape_cast %get3A_459 : vector<16xi32> to vector<16xi32>
    %get3A_461 = arith.constant 9760 : index
    %get3A_462 = tpu.vector_load %arg8[%get3A_461] {strides = array<i32>} : memref<10000xi32, #tpu.memory_space<vmem>>, vector<16xi32>,
    %get3A_463 = vector.shape_cast %get3A_462 : vector<16xi32> to vector<16xi32>
    %get3A_464 = arith.constant 9760 : index
    %get3A_465 = tpu.vector_load %arg9[%get3A_464] {strides = array<i32>} : memref<10000xi32, #tpu.memory_space<vmem>>, vector<16xi32>,
    %get3A_466 = vector.shape_cast %get3A_465 : vector<16xi32> to vector<16xi32>
    %mul3A_467 = arith.constant 6 : i32
    %mul3A_468 = vector.broadcast %mul3A_467 : i32 to vector<16xi32>
    %mul3A_469 = arith.muli %get3A_460, %mul3A_468 : vector<16xi32>
    %add3A_470 = arith.addi %mul3A_469, %get3A_463 : vector<16xi32>
    %mul3A_471 = arith.constant 2 : i32
    %mul3A_472 = vector.broadcast %mul3A_471 : i32 to vector<16xi32>
    %mul3A_473 = arith.muli %add3A_470, %mul3A_472 : vector<16xi32>
    %add3A_474 = arith.addi %mul3A_473, %get3A_466 : vector<16xi32>
    %swap3A_475 = arith.constant 122 : i32
    %swap3A_476 = arith.index_cast %swap3A_475 : i32 to index
    %swap3A_477 = arith.constant 0 : index
    %swap3A_478 = tpu.vector_load %arg10[%swap3A_476, %swap3A_477] {strides = array<i32>} : memref<125x80xi32, #tpu.memory_space<vmem>>, vector<1x16xi32>,
    %swap3A_479 = vector.shape_cast %swap3A_478 : vector<1x16xi32> to vector<16xi32>
    %swap3A_480 = vector.shape_cast %add3A_474 : vector<16xi32> to vector<1x16xi32>
    tpu.vector_store %arg10[%swap3A_476, %swap3A_477], %swap3A_480 {strides = array<i32>} : memref<125x80xi32, #tpu.memory_space<vmem>>, vector<1x16xi32>,
    %get3A_481 = arith.constant 9776 : index
    %get3A_482 = tpu.vector_load %arg7[%get3A_481] {strides = array<i32>} : memref<10000xi32, #tpu.memory_space<vmem>>, vector<16xi32>,
    %get3A_483 = vector.shape_cast %get3A_482 : vector<16xi32> to vector<16xi32>
    %get3A_484 = arith.constant 9776 : index
    %get3A_485 = tpu.vector_load %arg8[%get3A_484] {strides = array<i32>} : memref<10000xi32, #tpu.memory_space<vmem>>, vector<16xi32>,
    %get3A_486 = vector.shape_cast %get3A_485 : vector<16xi32> to vector<16xi32>
    %get3A_487 = arith.constant 9776 : index
    %get3A_488 = tpu.vector_load %arg9[%get3A_487] {strides = array<i32>} : memref<10000xi32, #tpu.memory_space<vmem>>, vector<16xi32>,
    %get3A_489 = vector.shape_cast %get3A_488 : vector<16xi32> to vector<16xi32>
    %mul3A_490 = arith.constant 6 : i32
    %mul3A_491 = vector.broadcast %mul3A_490 : i32 to vector<16xi32>
    %mul3A_492 = arith.muli %get3A_483, %mul3A_491 : vector<16xi32>
    %add3A_493 = arith.addi %mul3A_492, %get3A_486 : vector<16xi32>
    %mul3A_494 = arith.constant 2 : i32
    %mul3A_495 = vector.broadcast %mul3A_494 : i32 to vector<16xi32>
    %mul3A_496 = arith.muli %add3A_493, %mul3A_495 : vector<16xi32>
    %add3A_497 = arith.addi %mul3A_496, %get3A_489 : vector<16xi32>
    %swap3A_498 = arith.constant 122 : i32
    %swap3A_499 = arith.index_cast %swap3A_498 : i32 to index
    %swap3A_500 = arith.constant 16 : index
    %swap3A_501 = tpu.vector_load %arg10[%swap3A_499, %swap3A_500] {strides = array<i32>} : memref<125x80xi32, #tpu.memory_space<vmem>>, vector<1x16xi32>,
    %swap3A_502 = vector.shape_cast %swap3A_501 : vector<1x16xi32> to vector<16xi32>
    %swap3A_503 = vector.shape_cast %add3A_497 : vector<16xi32> to vector<1x16xi32>
    tpu.vector_store %arg10[%swap3A_499, %swap3A_500], %swap3A_503 {strides = array<i32>} : memref<125x80xi32, #tpu.memory_space<vmem>>, vector<1x16xi32>,
    %get3A_504 = arith.constant 9792 : index
    %get3A_505 = tpu.vector_load %arg7[%get3A_504] {strides = array<i32>} : memref<10000xi32, #tpu.memory_space<vmem>>, vector<16xi32>,
    %get3A_506 = vector.shape_cast %get3A_505 : vector<16xi32> to vector<16xi32>
    %get3A_507 = arith.constant 9792 : index
    %get3A_508 = tpu.vector_load %arg8[%get3A_507] {strides = array<i32>} : memref<10000xi32, #tpu.memory_space<vmem>>, vector<16xi32>,
    %get3A_509 = vector.shape_cast %get3A_508 : vector<16xi32> to vector<16xi32>
    %get3A_510 = arith.constant 9792 : index
    %get3A_511 = tpu.vector_load %arg9[%get3A_510] {strides = array<i32>} : memref<10000xi32, #tpu.memory_space<vmem>>, vector<16xi32>,
    %get3A_512 = vector.shape_cast %get3A_511 : vector<16xi32> to vector<16xi32>
    %mul3A_513 = arith.constant 6 : i32
    %mul3A_514 = vector.broadcast %mul3A_513 : i32 to vector<16xi32>
    %mul3A_515 = arith.muli %get3A_506, %mul3A_514 : vector<16xi32>
    %add3A_516 = arith.addi %mul3A_515, %get3A_509 : vector<16xi32>
    %mul3A_517 = arith.constant 2 : i32
    %mul3A_518 = vector.broadcast %mul3A_517 : i32 to vector<16xi32>
    %mul3A_519 = arith.muli %add3A_516, %mul3A_518 : vector<16xi32>
    %add3A_520 = arith.addi %mul3A_519, %get3A_512 : vector<16xi32>
    %swap3A_521 = arith.constant 122 : i32
    %swap3A_522 = arith.index_cast %swap3A_521 : i32 to index
    %swap3A_523 = arith.constant 32 : index
    %swap3A_524 = tpu.vector_load %arg10[%swap3A_522, %swap3A_523] {strides = array<i32>} : memref<125x80xi32, #tpu.memory_space<vmem>>, vector<1x16xi32>,
    %swap3A_525 = vector.shape_cast %swap3A_524 : vector<1x16xi32> to vector<16xi32>
    %swap3A_526 = vector.shape_cast %add3A_520 : vector<16xi32> to vector<1x16xi32>
    tpu.vector_store %arg10[%swap3A_522, %swap3A_523], %swap3A_526 {strides = array<i32>} : memref<125x80xi32, #tpu.memory_space<vmem>>, vector<1x16xi32>,
    %get3A_527 = arith.constant 9808 : index
    %get3A_528 = tpu.vector_load %arg7[%get3A_527] {strides = array<i32>} : memref<10000xi32, #tpu.memory_space<vmem>>, vector<16xi32>,
    %get3A_529 = vector.shape_cast %get3A_528 : vector<16xi32> to vector<16xi32>
    %get3A_530 = arith.constant 9808 : index
    %get3A_531 = tpu.vector_load %arg8[%get3A_530] {strides = array<i32>} : memref<10000xi32, #tpu.memory_space<vmem>>, vector<16xi32>,
    %get3A_532 = vector.shape_cast %get3A_531 : vector<16xi32> to vector<16xi32>
    %get3A_533 = arith.constant 9808 : index
    %get3A_534 = tpu.vector_load %arg9[%get3A_533] {strides = array<i32>} : memref<10000xi32, #tpu.memory_space<vmem>>, vector<16xi32>,
    %get3A_535 = vector.shape_cast %get3A_534 : vector<16xi32> to vector<16xi32>
    %mul3A_536 = arith.constant 6 : i32
    %mul3A_537 = vector.broadcast %mul3A_536 : i32 to vector<16xi32>
    %mul3A_538 = arith.muli %get3A_529, %mul3A_537 : vector<16xi32>
    %add3A_539 = arith.addi %mul3A_538, %get3A_532 : vector<16xi32>
    %mul3A_540 = arith.constant 2 : i32
    %mul3A_541 = vector.broadcast %mul3A_540 : i32 to vector<16xi32>
    %mul3A_542 = arith.muli %add3A_539, %mul3A_541 : vector<16xi32>
    %add3A_543 = arith.addi %mul3A_542, %get3A_535 : vector<16xi32>
    %swap3A_544 = arith.constant 122 : i32
    %swap3A_545 = arith.index_cast %swap3A_544 : i32 to index
    %swap3A_546 = arith.constant 48 : index
    %swap3A_547 = tpu.vector_load %arg10[%swap3A_545, %swap3A_546] {strides = array<i32>} : memref<125x80xi32, #tpu.memory_space<vmem>>, vector<1x16xi32>,
    %swap3A_548 = vector.shape_cast %swap3A_547 : vector<1x16xi32> to vector<16xi32>
    %swap3A_549 = vector.shape_cast %add3A_543 : vector<16xi32> to vector<1x16xi32>
    tpu.vector_store %arg10[%swap3A_545, %swap3A_546], %swap3A_549 {strides = array<i32>} : memref<125x80xi32, #tpu.memory_space<vmem>>, vector<1x16xi32>,
    %get3A_550 = arith.constant 9824 : index
    %get3A_551 = tpu.vector_load %arg7[%get3A_550] {strides = array<i32>} : memref<10000xi32, #tpu.memory_space<vmem>>, vector<16xi32>,
    %get3A_552 = vector.shape_cast %get3A_551 : vector<16xi32> to vector<16xi32>
    %get3A_553 = arith.constant 9824 : index
    %get3A_554 = tpu.vector_load %arg8[%get3A_553] {strides = array<i32>} : memref<10000xi32, #tpu.memory_space<vmem>>, vector<16xi32>,
    %get3A_555 = vector.shape_cast %get3A_554 : vector<16xi32> to vector<16xi32>
    %get3A_556 = arith.constant 9824 : index
    %get3A_557 = tpu.vector_load %arg9[%get3A_556] {strides = array<i32>} : memref<10000xi32, #tpu.memory_space<vmem>>, vector<16xi32>,
    %get3A_558 = vector.shape_cast %get3A_557 : vector<16xi32> to vector<16xi32>
    %mul3A_559 = arith.constant 6 : i32
    %mul3A_560 = vector.broadcast %mul3A_559 : i32 to vector<16xi32>
    %mul3A_561 = arith.muli %get3A_552, %mul3A_560 : vector<16xi32>
    %add3A_562 = arith.addi %mul3A_561, %get3A_555 : vector<16xi32>
    %mul3A_563 = arith.constant 2 : i32
    %mul3A_564 = vector.broadcast %mul3A_563 : i32 to vector<16xi32>
    %mul3A_565 = arith.muli %add3A_562, %mul3A_564 : vector<16xi32>
    %add3A_566 = arith.addi %mul3A_565, %get3A_558 : vector<16xi32>
    %swap3A_567 = arith.constant 122 : i32
    %swap3A_568 = arith.index_cast %swap3A_567 : i32 to index
    %swap3A_569 = arith.constant 64 : index
    %swap3A_570 = tpu.vector_load %arg10[%swap3A_568, %swap3A_569] {strides = array<i32>} : memref<125x80xi32, #tpu.memory_space<vmem>>, vector<1x16xi32>,
    %swap3A_571 = vector.shape_cast %swap3A_570 : vector<1x16xi32> to vector<16xi32>
    %swap3A_572 = vector.shape_cast %add3A_566 : vector<16xi32> to vector<1x16xi32>
    tpu.vector_store %arg10[%swap3A_568, %swap3A_569], %swap3A_572 {strides = array<i32>} : memref<125x80xi32, #tpu.memory_space<vmem>>, vector<1x16xi32>,
    %dma_wait3A_573 = arith.constant 114 : i32
    %dma_wait3A_574 = arith.constant 2 : i32
    %dma_wait3A_575 = arith.constant 0 : i32
    %dma_wait3A_576 = arith.constant 0 : i32
    %dma_wait3A_577 = tpu.memref_slice %arg11[%dma_wait3A_574, %dma_wait3A_575, %dma_wait3A_576] : memref<8x80x128xf32, #tpu.memory_space<vmem>> -> memref<1x80x128xf32, #tpu.memory_space<vmem>>
    %dma_wait3A_578 = tpu.memref_squeeze %dma_wait3A_577 : memref<1x80x128xf32, #tpu.memory_space<vmem>> -> memref<80x128xf32, #tpu.memory_space<vmem>>
    %dma_wait3A_579 = arith.constant 0 : i32
    %dma_wait3A_580 = tpu.memref_slice %arg10[%dma_wait3A_573, %dma_wait3A_579] : memref<125x80xi32, #tpu.memory_space<vmem>> -> memref<1x80xi32, #tpu.memory_space<vmem>>
    %dma_wait3A_581 = tpu.memref_squeeze %dma_wait3A_580 : memref<1x80xi32, #tpu.memory_space<vmem>> -> memref<80xi32, #tpu.memory_space<vmem>>
    %dma_wait3A_582 = arith.constant 0 : i32
    %dma_wait3A_583 = arith.constant 0 : i32
    %dma_wait3A_584 = tpu.memref_slice %arg12[%dma_wait3A_582, %dma_wait3A_583] : memref<60x128xf32, #tpu.memory_space<vmem_shared>> -> memref<60x128xf32, #tpu.memory_space<vmem_shared>>
    tpu.wait_indirect_dma semaphore(%arg15 : memref<!tpu.dma_semaphore, #tpu.memory_space<semaphore_mem>>) src(%dma_wait3A_584 : memref<60x128xf32, #tpu.memory_space<vmem_shared>>) dst(%dma_wait3A_578 : memref<80x128xf32, #tpu.memory_space<vmem>>)
    %add3A_585 = arith.constant 9120 : i32
    %add3A_586 = arith.addi %mul3A_2, %add3A_585 : i32
    %dma_start3A_587 = arith.constant 2 : i32
    %dma_start3A_588 = arith.constant 0 : i32
    %dma_start3A_589 = arith.constant 0 : i32
    %dma_start3A_590 = tpu.memref_slice %arg11[%dma_start3A_587, %dma_start3A_588, %dma_start3A_589] : memref<8x80x128xf32, #tpu.memory_space<vmem>> -> memref<1x80x128xf32, #tpu.memory_space<vmem>>
    %dma_start3A_591 = tpu.memref_squeeze %dma_start3A_590 : memref<1x80x128xf32, #tpu.memory_space<vmem>> -> memref<80x128xf32, #tpu.memory_space<vmem>>
    %dma_start3A_592 = arith.constant 0 : i32
    %dma_start3A_593 = tpu.memref_slice %arg6[%add3A_586, %dma_start3A_592] : memref<320000x128xf32, #tpu.memory_space<hbm>> -> memref<80x128xf32, #tpu.memory_space<hbm>>
    %dma_start3A_594 = arith.constant 0 : i32
    %dma_start3A_595 = tpu.memref_slice %arg6[%add3A_586, %dma_start3A_594] : memref<320000x128xf32, #tpu.memory_space<hbm>> -> memref<80x128xf32, #tpu.memory_space<hbm>>
    %dma_start3A_596 = arith.constant 0 : i32
    %dma_start3A_597 = arith.constant 0 : i32
    %dma_start3A_598 = tpu.memref_slice %arg11[%dma_start3A_587, %dma_start3A_596, %dma_start3A_597] : memref<8x80x128xf32, #tpu.memory_space<vmem>> -> memref<1x80x128xf32, #tpu.memory_space<vmem>>
    %dma_start3A_599 = tpu.memref_squeeze %dma_start3A_598 : memref<1x80x128xf32, #tpu.memory_space<vmem>> -> memref<80x128xf32, #tpu.memory_space<vmem>>
    tpu.enqueue_dma source(%dma_start3A_599 : memref<80x128xf32, #tpu.memory_space<vmem>>) target(%dma_start3A_595 : memref<80x128xf32, #tpu.memory_space<hbm>>) target_semaphore(%arg23 : memref<!tpu.dma_semaphore, #tpu.memory_space<semaphore_mem>>)
    %add3A_600 = arith.constant 9120 : i32
    %add3A_601 = arith.addi %mul3A_2, %add3A_600 : i32
    %dma_wait3A_602 = arith.constant 2 : i32
    %dma_wait3A_603 = arith.constant 0 : i32
    %dma_wait3A_604 = arith.constant 0 : i32
    %dma_wait3A_605 = tpu.memref_slice %arg11[%dma_wait3A_602, %dma_wait3A_603, %dma_wait3A_604] : memref<8x80x128xf32, #tpu.memory_space<vmem>> -> memref<1x80x128xf32, #tpu.memory_space<vmem>>
    %dma_wait3A_606 = tpu.memref_squeeze %dma_wait3A_605 : memref<1x80x128xf32, #tpu.memory_space<vmem>> -> memref<80x128xf32, #tpu.memory_space<vmem>>
    %dma_wait3A_607 = arith.constant 0 : i32
    %dma_wait3A_608 = tpu.memref_slice %arg6[%add3A_601, %dma_wait3A_607] : memref<320000x128xf32, #tpu.memory_space<hbm>> -> memref<80x128xf32, #tpu.memory_space<hbm>>
    %dma_wait3A_609 = arith.constant 0 : i32
    %dma_wait3A_610 = tpu.memref_slice %arg6[%add3A_601, %dma_wait3A_609] : memref<320000x128xf32, #tpu.memory_space<hbm>> -> memref<80x128xf32, #tpu.memory_space<hbm>>
    %dma_wait3A_611 = arith.constant 0 : i32
    %dma_wait3A_612 = arith.constant 0 : i32
    %dma_wait3A_613 = tpu.memref_slice %arg11[%dma_wait3A_602, %dma_wait3A_611, %dma_wait3A_612] : memref<8x80x128xf32, #tpu.memory_space<vmem>> -> memref<1x80x128xf32, #tpu.memory_space<vmem>>
    %dma_wait3A_614 = tpu.memref_squeeze %dma_wait3A_613 : memref<1x80x128xf32, #tpu.memory_space<vmem>> -> memref<80x128xf32, #tpu.memory_space<vmem>>
    tpu.wait_dma2 semaphore(%arg23 : memref<!tpu.dma_semaphore, #tpu.memory_space<semaphore_mem>>) src(%dma_wait3A_614 : memref<80x128xf32, #tpu.memory_space<vmem>>) dst(%dma_wait3A_610 : memref<80x128xf32, #tpu.memory_space<hbm>>)
    %dma_start3A_615 = arith.constant 122 : i32
    %dma_start3A_616 = arith.constant 2 : i32
    %dma_start3A_617 = arith.constant 0 : i32
    %dma_start3A_618 = arith.constant 0 : i32
    %dma_start3A_619 = tpu.memref_slice %arg11[%dma_start3A_616, %dma_start3A_617, %dma_start3A_618] : memref<8x80x128xf32, #tpu.memory_space<vmem>> -> memref<1x80x128xf32, #tpu.memory_space<vmem>>
    %dma_start3A_620 = tpu.memref_squeeze %dma_start3A_619 : memref<1x80x128xf32, #tpu.memory_space<vmem>> -> memref<80x128xf32, #tpu.memory_space<vmem>>
    %dma_start3A_621 = arith.constant 0 : i32
    %dma_start3A_622 = tpu.memref_slice %arg10[%dma_start3A_615, %dma_start3A_621] : memref<125x80xi32, #tpu.memory_space<vmem>> -> memref<1x80xi32, #tpu.memory_space<vmem>>
    %dma_start3A_623 = tpu.memref_squeeze %dma_start3A_622 : memref<1x80xi32, #tpu.memory_space<vmem>> -> memref<80xi32, #tpu.memory_space<vmem>>
    %dma_start3A_624 = arith.constant 0 : i32
    %dma_start3A_625 = arith.constant 0 : i32
    %dma_start3A_626 = tpu.memref_slice %arg12[%dma_start3A_624, %dma_start3A_625] : memref<60x128xf32, #tpu.memory_space<vmem_shared>> -> memref<60x128xf32, #tpu.memory_space<vmem_shared>>
    tpu.enqueue_indirect_dma source(%dma_start3A_626 : memref<60x128xf32, #tpu.memory_space<vmem_shared>>) target(%dma_start3A_620 : memref<80x128xf32, #tpu.memory_space<vmem>>) offsets(%dma_start3A_623 : memref<80xi32, #tpu.memory_space<vmem>>) semaphore(%arg15 : memref<!tpu.dma_semaphore, #tpu.memory_space<semaphore_mem>>)
    %get3A_627 = arith.constant 9840 : index
    %get3A_628 = tpu.vector_load %arg7[%get3A_627] {strides = array<i32>} : memref<10000xi32, #tpu.memory_space<vmem>>, vector<16xi32>,
    %get3A_629 = vector.shape_cast %get3A_628 : vector<16xi32> to vector<16xi32>
    %get3A_630 = arith.constant 9840 : index
    %get3A_631 = tpu.vector_load %arg8[%get3A_630] {strides = array<i32>} : memref<10000xi32, #tpu.memory_space<vmem>>, vector<16xi32>,
    %get3A_632 = vector.shape_cast %get3A_631 : vector<16xi32> to vector<16xi32>
    %get3A_633 = arith.constant 9840 : index
    %get3A_634 = tpu.vector_load %arg9[%get3A_633] {strides = array<i32>} : memref<10000xi32, #tpu.memory_space<vmem>>, vector<16xi32>,
    %get3A_635 = vector.shape_cast %get3A_634 : vector<16xi32> to vector<16xi32>
    %mul3A_636 = arith.constant 6 : i32
    %mul3A_637 = vector.broadcast %mul3A_636 : i32 to vector<16xi32>
    %mul3A_638 = arith.muli %get3A_629, %mul3A_637 : vector<16xi32>
    %add3A_639 = arith.addi %mul3A_638, %get3A_632 : vector<16xi32>
    %mul3A_640 = arith.constant 2 : i32
    %mul3A_641 = vector.broadcast %mul3A_640 : i32 to vector<16xi32>
    %mul3A_642 = arith.muli %add3A_639, %mul3A_641 : vector<16xi32>
    %add3A_643 = arith.addi %mul3A_642, %get3A_635 : vector<16xi32>
    %swap3A_644 = arith.constant 123 : i32
    %swap3A_645 = arith.index_cast %swap3A_644 : i32 to index
    %swap3A_646 = arith.constant 0 : index
    %swap3A_647 = tpu.vector_load %arg10[%swap3A_645, %swap3A_646] {strides = array<i32>} : memref<125x80xi32, #tpu.memory_space<vmem>>, vector<1x16xi32>,
    %swap3A_648 = vector.shape_cast %swap3A_647 : vector<1x16xi32> to vector<16xi32>
    %swap3A_649 = vector.shape_cast %add3A_643 : vector<16xi32> to vector<1x16xi32>
    tpu.vector_store %arg10[%swap3A_645, %swap3A_646], %swap3A_649 {strides = array<i32>} : memref<125x80xi32, #tpu.memory_space<vmem>>, vector<1x16xi32>,
    %get3A_650 = arith.constant 9856 : index
    %get3A_651 = tpu.vector_load %arg7[%get3A_650] {strides = array<i32>} : memref<10000xi32, #tpu.memory_space<vmem>>, vector<16xi32>,
    %get3A_652 = vector.shape_cast %get3A_651 : vector<16xi32> to vector<16xi32>
    %get3A_653 = arith.constant 9856 : index
    %get3A_654 = tpu.vector_load %arg8[%get3A_653] {strides = array<i32>} : memref<10000xi32, #tpu.memory_space<vmem>>, vector<16xi32>,
    %get3A_655 = vector.shape_cast %get3A_654 : vector<16xi32> to vector<16xi32>
    %get3A_656 = arith.constant 9856 : index
    %get3A_657 = tpu.vector_load %arg9[%get3A_656] {strides = array<i32>} : memref<10000xi32, #tpu.memory_space<vmem>>, vector<16xi32>,
    %get3A_658 = vector.shape_cast %get3A_657 : vector<16xi32> to vector<16xi32>
    %mul3A_659 = arith.constant 6 : i32
    %mul3A_660 = vector.broadcast %mul3A_659 : i32 to vector<16xi32>
    %mul3A_661 = arith.muli %get3A_652, %mul3A_660 : vector<16xi32>
    %add3A_662 = arith.addi %mul3A_661, %get3A_655 : vector<16xi32>
    %mul3A_663 = arith.constant 2 : i32
    %mul3A_664 = vector.broadcast %mul3A_663 : i32 to vector<16xi32>
    %mul3A_665 = arith.muli %add3A_662, %mul3A_664 : vector<16xi32>
    %add3A_666 = arith.addi %mul3A_665, %get3A_658 : vector<16xi32>
    %swap3A_667 = arith.constant 123 : i32
    %swap3A_668 = arith.index_cast %swap3A_667 : i32 to index
    %swap3A_669 = arith.constant 16 : index
    %swap3A_670 = tpu.vector_load %arg10[%swap3A_668, %swap3A_669] {strides = array<i32>} : memref<125x80xi32, #tpu.memory_space<vmem>>, vector<1x16xi32>,
    %swap3A_671 = vector.shape_cast %swap3A_670 : vector<1x16xi32> to vector<16xi32>
    %swap3A_672 = vector.shape_cast %add3A_666 : vector<16xi32> to vector<1x16xi32>
    tpu.vector_store %arg10[%swap3A_668, %swap3A_669], %swap3A_672 {strides = array<i32>} : memref<125x80xi32, #tpu.memory_space<vmem>>, vector<1x16xi32>,
    %get3A_673 = arith.constant 9872 : index
    %get3A_674 = tpu.vector_load %arg7[%get3A_673] {strides = array<i32>} : memref<10000xi32, #tpu.memory_space<vmem>>, vector<16xi32>,
    %get3A_675 = vector.shape_cast %get3A_674 : vector<16xi32> to vector<16xi32>
    %get3A_676 = arith.constant 9872 : index
    %get3A_677 = tpu.vector_load %arg8[%get3A_676] {strides = array<i32>} : memref<10000xi32, #tpu.memory_space<vmem>>, vector<16xi32>,
    %get3A_678 = vector.shape_cast %get3A_677 : vector<16xi32> to vector<16xi32>
    %get3A_679 = arith.constant 9872 : index
    %get3A_680 = tpu.vector_load %arg9[%get3A_679] {strides = array<i32>} : memref<10000xi32, #tpu.memory_space<vmem>>, vector<16xi32>,
    %get3A_681 = vector.shape_cast %get3A_680 : vector<16xi32> to vector<16xi32>
    %mul3A_682 = arith.constant 6 : i32
    %mul3A_683 = vector.broadcast %mul3A_682 : i32 to vector<16xi32>
    %mul3A_684 = arith.muli %get3A_675, %mul3A_683 : vector<16xi32>
    %add3A_685 = arith.addi %mul3A_684, %get3A_678 : vector<16xi32>
    %mul3A_686 = arith.constant 2 : i32
    %mul3A_687 = vector.broadcast %mul3A_686 : i32 to vector<16xi32>
    %mul3A_688 = arith.muli %add3A_685, %mul3A_687 : vector<16xi32>
    %add3A_689 = arith.addi %mul3A_688, %get3A_681 : vector<16xi32>
    %swap3A_690 = arith.constant 123 : i32
    %swap3A_691 = arith.index_cast %swap3A_690 : i32 to index
    %swap3A_692 = arith.constant 32 : index
    %swap3A_693 = tpu.vector_load %arg10[%swap3A_691, %swap3A_692] {strides = array<i32>} : memref<125x80xi32, #tpu.memory_space<vmem>>, vector<1x16xi32>,
    %swap3A_694 = vector.shape_cast %swap3A_693 : vector<1x16xi32> to vector<16xi32>
    %swap3A_695 = vector.shape_cast %add3A_689 : vector<16xi32> to vector<1x16xi32>
    tpu.vector_store %arg10[%swap3A_691, %swap3A_692], %swap3A_695 {strides = array<i32>} : memref<125x80xi32, #tpu.memory_space<vmem>>, vector<1x16xi32>,
    %get3A_696 = arith.constant 9888 : index
    %get3A_697 = tpu.vector_load %arg7[%get3A_696] {strides = array<i32>} : memref<10000xi32, #tpu.memory_space<vmem>>, vector<16xi32>,
    %get3A_698 = vector.shape_cast %get3A_697 : vector<16xi32> to vector<16xi32>
    %get3A_699 = arith.constant 9888 : index
    %get3A_700 = tpu.vector_load %arg8[%get3A_699] {strides = array<i32>} : memref<10000xi32, #tpu.memory_space<vmem>>, vector<16xi32>,
    %get3A_701 = vector.shape_cast %get3A_700 : vector<16xi32> to vector<16xi32>
    %get3A_702 = arith.constant 9888 : index
    %get3A_703 = tpu.vector_load %arg9[%get3A_702] {strides = array<i32>} : memref<10000xi32, #tpu.memory_space<vmem>>, vector<16xi32>,
    %get3A_704 = vector.shape_cast %get3A_703 : vector<16xi32> to vector<16xi32>
    %mul3A_705 = arith.constant 6 : i32
    %mul3A_706 = vector.broadcast %mul3A_705 : i32 to vector<16xi32>
    %mul3A_707 = arith.muli %get3A_698, %mul3A_706 : vector<16xi32>
    %add3A_708 = arith.addi %mul3A_707, %get3A_701 : vector<16xi32>
    %mul3A_709 = arith.constant 2 : i32
    %mul3A_710 = vector.broadcast %mul3A_709 : i32 to vector<16xi32>
    %mul3A_711 = arith.muli %add3A_708, %mul3A_710 : vector<16xi32>
    %add3A_712 = arith.addi %mul3A_711, %get3A_704 : vector<16xi32>
    %swap3A_713 = arith.constant 123 : i32
    %swap3A_714 = arith.index_cast %swap3A_713 : i32 to index
    %swap3A_715 = arith.constant 48 : index
    %swap3A_716 = tpu.vector_load %arg10[%swap3A_714, %swap3A_715] {strides = array<i32>} : memref<125x80xi32, #tpu.memory_space<vmem>>, vector<1x16xi32>,
    %swap3A_717 = vector.shape_cast %swap3A_716 : vector<1x16xi32> to vector<16xi32>
    %swap3A_718 = vector.shape_cast %add3A_712 : vector<16xi32> to vector<1x16xi32>
    tpu.vector_store %arg10[%swap3A_714, %swap3A_715], %swap3A_718 {strides = array<i32>} : memref<125x80xi32, #tpu.memory_space<vmem>>, vector<1x16xi32>,
    %get3A_719 = arith.constant 9904 : index
    %get3A_720 = tpu.vector_load %arg7[%get3A_719] {strides = array<i32>} : memref<10000xi32, #tpu.memory_space<vmem>>, vector<16xi32>,
    %get3A_721 = vector.shape_cast %get3A_720 : vector<16xi32> to vector<16xi32>
    %get3A_722 = arith.constant 9904 : index
    %get3A_723 = tpu.vector_load %arg8[%get3A_722] {strides = array<i32>} : memref<10000xi32, #tpu.memory_space<vmem>>, vector<16xi32>,
    %get3A_724 = vector.shape_cast %get3A_723 : vector<16xi32> to vector<16xi32>
    %get3A_725 = arith.constant 9904 : index
    %get3A_726 = tpu.vector_load %arg9[%get3A_725] {strides = array<i32>} : memref<10000xi32, #tpu.memory_space<vmem>>, vector<16xi32>,
    %get3A_727 = vector.shape_cast %get3A_726 : vector<16xi32> to vector<16xi32>
    %mul3A_728 = arith.constant 6 : i32
    %mul3A_729 = vector.broadcast %mul3A_728 : i32 to vector<16xi32>
    %mul3A_730 = arith.muli %get3A_721, %mul3A_729 : vector<16xi32>
    %add3A_731 = arith.addi %mul3A_730, %get3A_724 : vector<16xi32>
    %mul3A_732 = arith.constant 2 : i32
    %mul3A_733 = vector.broadcast %mul3A_732 : i32 to vector<16xi32>
    %mul3A_734 = arith.muli %add3A_731, %mul3A_733 : vector<16xi32>
    %add3A_735 = arith.addi %mul3A_734, %get3A_727 : vector<16xi32>
    %swap3A_736 = arith.constant 123 : i32
    %swap3A_737 = arith.index_cast %swap3A_736 : i32 to index
    %swap3A_738 = arith.constant 64 : index
    %swap3A_739 = tpu.vector_load %arg10[%swap3A_737, %swap3A_738] {strides = array<i32>} : memref<125x80xi32, #tpu.memory_space<vmem>>, vector<1x16xi32>,
    %swap3A_740 = vector.shape_cast %swap3A_739 : vector<1x16xi32> to vector<16xi32>
    %swap3A_741 = vector.shape_cast %add3A_735 : vector<16xi32> to vector<1x16xi32>
    tpu.vector_store %arg10[%swap3A_737, %swap3A_738], %swap3A_741 {strides = array<i32>} : memref<125x80xi32, #tpu.memory_space<vmem>>, vector<1x16xi32>,
    %dma_wait3A_742 = arith.constant 115 : i32
    %dma_wait3A_743 = arith.constant 3 : i32
    %dma_wait3A_744 = arith.constant 0 : i32
    %dma_wait3A_745 = arith.constant 0 : i32
    %dma_wait3A_746 = tpu.memref_slice %arg11[%dma_wait3A_743, %dma_wait3A_744, %dma_wait3A_745] : memref<8x80x128xf32, #tpu.memory_space<vmem>> -> memref<1x80x128xf32, #tpu.memory_space<vmem>>
    %dma_wait3A_747 = tpu.memref_squeeze %dma_wait3A_746 : memref<1x80x128xf32, #tpu.memory_space<vmem>> -> memref<80x128xf32, #tpu.memory_space<vmem>>
    %dma_wait3A_748 = arith.constant 0 : i32
    %dma_wait3A_749 = tpu.memref_slice %arg10[%dma_wait3A_742, %dma_wait3A_748] : memref<125x80xi32, #tpu.memory_space<vmem>> -> memref<1x80xi32, #tpu.memory_space<vmem>>
    %dma_wait3A_750 = tpu.memref_squeeze %dma_wait3A_749 : memref<1x80xi32, #tpu.memory_space<vmem>> -> memref<80xi32, #tpu.memory_space<vmem>>
    %dma_wait3A_751 = arith.constant 0 : i32
    %dma_wait3A_752 = arith.constant 0 : i32
    %dma_wait3A_753 = tpu.memref_slice %arg12[%dma_wait3A_751, %dma_wait3A_752] : memref<60x128xf32, #tpu.memory_space<vmem_shared>> -> memref<60x128xf32, #tpu.memory_space<vmem_shared>>
    tpu.wait_indirect_dma semaphore(%arg16 : memref<!tpu.dma_semaphore, #tpu.memory_space<semaphore_mem>>) src(%dma_wait3A_753 : memref<60x128xf32, #tpu.memory_space<vmem_shared>>) dst(%dma_wait3A_747 : memref<80x128xf32, #tpu.memory_space<vmem>>)
    %add3A_754 = arith.constant 9200 : i32
    %add3A_755 = arith.addi %mul3A_2, %add3A_754 : i32
    %dma_start3A_756 = arith.constant 3 : i32
    %dma_start3A_757 = arith.constant 0 : i32
    %dma_start3A_758 = arith.constant 0 : i32
    %dma_start3A_759 = tpu.memref_slice %arg11[%dma_start3A_756, %dma_start3A_757, %dma_start3A_758] : memref<8x80x128xf32, #tpu.memory_space<vmem>> -> memref<1x80x128xf32, #tpu.memory_space<vmem>>
    %dma_start3A_760 = tpu.memref_squeeze %dma_start3A_759 : memref<1x80x128xf32, #tpu.memory_space<vmem>> -> memref<80x128xf32, #tpu.memory_space<vmem>>
    %dma_start3A_761 = arith.constant 0 : i32
    %dma_start3A_762 = tpu.memref_slice %arg6[%add3A_755, %dma_start3A_761] : memref<320000x128xf32, #tpu.memory_space<hbm>> -> memref<80x128xf32, #tpu.memory_space<hbm>>
    %dma_start3A_763 = arith.constant 0 : i32
    %dma_start3A_764 = tpu.memref_slice %arg6[%add3A_755, %dma_start3A_763] : memref<320000x128xf32, #tpu.memory_space<hbm>> -> memref<80x128xf32, #tpu.memory_space<hbm>>
    %dma_start3A_765 = arith.constant 0 : i32
    %dma_start3A_766 = arith.constant 0 : i32
    %dma_start3A_767 = tpu.memref_slice %arg11[%dma_start3A_756, %dma_start3A_765, %dma_start3A_766] : memref<8x80x128xf32, #tpu.memory_space<vmem>> -> memref<1x80x128xf32, #tpu.memory_space<vmem>>
    %dma_start3A_768 = tpu.memref_squeeze %dma_start3A_767 : memref<1x80x128xf32, #tpu.memory_space<vmem>> -> memref<80x128xf32, #tpu.memory_space<vmem>>
    tpu.enqueue_dma source(%dma_start3A_768 : memref<80x128xf32, #tpu.memory_space<vmem>>) target(%dma_start3A_764 : memref<80x128xf32, #tpu.memory_space<hbm>>) target_semaphore(%arg24 : memref<!tpu.dma_semaphore, #tpu.memory_space<semaphore_mem>>)
    %add3A_769 = arith.constant 9200 : i32
    %add3A_770 = arith.addi %mul3A_2, %add3A_769 : i32
    %dma_wait3A_771 = arith.constant 3 : i32
    %dma_wait3A_772 = arith.constant 0 : i32
    %dma_wait3A_773 = arith.constant 0 : i32
    %dma_wait3A_774 = tpu.memref_slice %arg11[%dma_wait3A_771, %dma_wait3A_772, %dma_wait3A_773] : memref<8x80x128xf32, #tpu.memory_space<vmem>> -> memref<1x80x128xf32, #tpu.memory_space<vmem>>
    %dma_wait3A_775 = tpu.memref_squeeze %dma_wait3A_774 : memref<1x80x128xf32, #tpu.memory_space<vmem>> -> memref<80x128xf32, #tpu.memory_space<vmem>>
    %dma_wait3A_776 = arith.constant 0 : i32
    %dma_wait3A_777 = tpu.memref_slice %arg6[%add3A_770, %dma_wait3A_776] : memref<320000x128xf32, #tpu.memory_space<hbm>> -> memref<80x128xf32, #tpu.memory_space<hbm>>
    %dma_wait3A_778 = arith.constant 0 : i32
    %dma_wait3A_779 = tpu.memref_slice %arg6[%add3A_770, %dma_wait3A_778] : memref<320000x128xf32, #tpu.memory_space<hbm>> -> memref<80x128xf32, #tpu.memory_space<hbm>>
    %dma_wait3A_780 = arith.constant 0 : i32
    %dma_wait3A_781 = arith.constant 0 : i32
    %dma_wait3A_782 = tpu.memref_slice %arg11[%dma_wait3A_771, %dma_wait3A_780, %dma_wait3A_781] : memref<8x80x128xf32, #tpu.memory_space<vmem>> -> memref<1x80x128xf32, #tpu.memory_space<vmem>>
    %dma_wait3A_783 = tpu.memref_squeeze %dma_wait3A_782 : memref<1x80x128xf32, #tpu.memory_space<vmem>> -> memref<80x128xf32, #tpu.memory_space<vmem>>
    tpu.wait_dma2 semaphore(%arg24 : memref<!tpu.dma_semaphore, #tpu.memory_space<semaphore_mem>>) src(%dma_wait3A_783 : memref<80x128xf32, #tpu.memory_space<vmem>>) dst(%dma_wait3A_779 : memref<80x128xf32, #tpu.memory_space<hbm>>)
    %dma_start3A_784 = arith.constant 123 : i32
    %dma_start3A_785 = arith.constant 3 : i32
    %dma_start3A_786 = arith.constant 0 : i32
    %dma_start3A_787 = arith.constant 0 : i32
    %dma_start3A_788 = tpu.memref_slice %arg11[%dma_start3A_785, %dma_start3A_786, %dma_start3A_787] : memref<8x80x128xf32, #tpu.memory_space<vmem>> -> memref<1x80x128xf32, #tpu.memory_space<vmem>>
    %dma_start3A_789 = tpu.memref_squeeze %dma_start3A_788 : memref<1x80x128xf32, #tpu.memory_space<vmem>> -> memref<80x128xf32, #tpu.memory_space<vmem>>
    %dma_start3A_790 = arith.constant 0 : i32
    %dma_start3A_791 = tpu.memref_slice %arg10[%dma_start3A_784, %dma_start3A_790] : memref<125x80xi32, #tpu.memory_space<vmem>> -> memref<1x80xi32, #tpu.memory_space<vmem>>
    %dma_start3A_792 = tpu.memref_squeeze %dma_start3A_791 : memref<1x80xi32, #tpu.memory_space<vmem>> -> memref<80xi32, #tpu.memory_space<vmem>>
    %dma_start3A_793 = arith.constant 0 : i32
    %dma_start3A_794 = arith.constant 0 : i32
    %dma_start3A_795 = tpu.memref_slice %arg12[%dma_start3A_793, %dma_start3A_794] : memref<60x128xf32, #tpu.memory_space<vmem_shared>> -> memref<60x128xf32, #tpu.memory_space<vmem_shared>>
    tpu.enqueue_indirect_dma source(%dma_start3A_795 : memref<60x128xf32, #tpu.memory_space<vmem_shared>>) target(%dma_start3A_789 : memref<80x128xf32, #tpu.memory_space<vmem>>) offsets(%dma_start3A_792 : memref<80xi32, #tpu.memory_space<vmem>>) semaphore(%arg16 : memref<!tpu.dma_semaphore, #tpu.memory_space<semaphore_mem>>)
    %get3A_796 = arith.constant 9920 : index
    %get3A_797 = tpu.vector_load %arg7[%get3A_796] {strides = array<i32>} : memref<10000xi32, #tpu.memory_space<vmem>>, vector<16xi32>,
    %get3A_798 = vector.shape_cast %get3A_797 : vector<16xi32> to vector<16xi32>
    %get3A_799 = arith.constant 9920 : index
    %get3A_800 = tpu.vector_load %arg8[%get3A_799] {strides = array<i32>} : memref<10000xi32, #tpu.memory_space<vmem>>, vector<16xi32>,
    %get3A_801 = vector.shape_cast %get3A_800 : vector<16xi32> to vector<16xi32>
    %get3A_802 = arith.constant 9920 : index
    %get3A_803 = tpu.vector_load %arg9[%get3A_802] {strides = array<i32>} : memref<10000xi32, #tpu.memory_space<vmem>>, vector<16xi32>,
    %get3A_804 = vector.shape_cast %get3A_803 : vector<16xi32> to vector<16xi32>
    %mul3A_805 = arith.constant 6 : i32
    %mul3A_806 = vector.broadcast %mul3A_805 : i32 to vector<16xi32>
    %mul3A_807 = arith.muli %get3A_798, %mul3A_806 : vector<16xi32>
    %add3A_808 = arith.addi %mul3A_807, %get3A_801 : vector<16xi32>
    %mul3A_809 = arith.constant 2 : i32
    %mul3A_810 = vector.broadcast %mul3A_809 : i32 to vector<16xi32>
    %mul3A_811 = arith.muli %add3A_808, %mul3A_810 : vector<16xi32>
    %add3A_812 = arith.addi %mul3A_811, %get3A_804 : vector<16xi32>
    %swap3A_813 = arith.constant 124 : i32
    %swap3A_814 = arith.index_cast %swap3A_813 : i32 to index
    %swap3A_815 = arith.constant 0 : index
    %swap3A_816 = tpu.vector_load %arg10[%swap3A_814, %swap3A_815] {strides = array<i32>} : memref<125x80xi32, #tpu.memory_space<vmem>>, vector<1x16xi32>,
    %swap3A_817 = vector.shape_cast %swap3A_816 : vector<1x16xi32> to vector<16xi32>
    %swap3A_818 = vector.shape_cast %add3A_812 : vector<16xi32> to vector<1x16xi32>
    tpu.vector_store %arg10[%swap3A_814, %swap3A_815], %swap3A_818 {strides = array<i32>} : memref<125x80xi32, #tpu.memory_space<vmem>>, vector<1x16xi32>,
    %get3A_819 = arith.constant 9936 : index
    %get3A_820 = tpu.vector_load %arg7[%get3A_819] {strides = array<i32>} : memref<10000xi32, #tpu.memory_space<vmem>>, vector<16xi32>,
    %get3A_821 = vector.shape_cast %get3A_820 : vector<16xi32> to vector<16xi32>
    %get3A_822 = arith.constant 9936 : index
    %get3A_823 = tpu.vector_load %arg8[%get3A_822] {strides = array<i32>} : memref<10000xi32, #tpu.memory_space<vmem>>, vector<16xi32>,
    %get3A_824 = vector.shape_cast %get3A_823 : vector<16xi32> to vector<16xi32>
    %get3A_825 = arith.constant 9936 : index
    %get3A_826 = tpu.vector_load %arg9[%get3A_825] {strides = array<i32>} : memref<10000xi32, #tpu.memory_space<vmem>>, vector<16xi32>,
    %get3A_827 = vector.shape_cast %get3A_826 : vector<16xi32> to vector<16xi32>
    %mul3A_828 = arith.constant 6 : i32
    %mul3A_829 = vector.broadcast %mul3A_828 : i32 to vector<16xi32>
    %mul3A_830 = arith.muli %get3A_821, %mul3A_829 : vector<16xi32>
    %add3A_831 = arith.addi %mul3A_830, %get3A_824 : vector<16xi32>
    %mul3A_832 = arith.constant 2 : i32
    %mul3A_833 = vector.broadcast %mul3A_832 : i32 to vector<16xi32>
    %mul3A_834 = arith.muli %add3A_831, %mul3A_833 : vector<16xi32>
    %add3A_835 = arith.addi %mul3A_834, %get3A_827 : vector<16xi32>
    %swap3A_836 = arith.constant 124 : i32
    %swap3A_837 = arith.index_cast %swap3A_836 : i32 to index
    %swap3A_838 = arith.constant 16 : index
    %swap3A_839 = tpu.vector_load %arg10[%swap3A_837, %swap3A_838] {strides = array<i32>} : memref<125x80xi32, #tpu.memory_space<vmem>>, vector<1x16xi32>,
    %swap3A_840 = vector.shape_cast %swap3A_839 : vector<1x16xi32> to vector<16xi32>
    %swap3A_841 = vector.shape_cast %add3A_835 : vector<16xi32> to vector<1x16xi32>
    tpu.vector_store %arg10[%swap3A_837, %swap3A_838], %swap3A_841 {strides = array<i32>} : memref<125x80xi32, #tpu.memory_space<vmem>>, vector<1x16xi32>,
    %get3A_842 = arith.constant 9952 : index
    %get3A_843 = tpu.vector_load %arg7[%get3A_842] {strides = array<i32>} : memref<10000xi32, #tpu.memory_space<vmem>>, vector<16xi32>,
    %get3A_844 = vector.shape_cast %get3A_843 : vector<16xi32> to vector<16xi32>
    %get3A_845 = arith.constant 9952 : index
    %get3A_846 = tpu.vector_load %arg8[%get3A_845] {strides = array<i32>} : memref<10000xi32, #tpu.memory_space<vmem>>, vector<16xi32>,
    %get3A_847 = vector.shape_cast %get3A_846 : vector<16xi32> to vector<16xi32>
    %get3A_848 = arith.constant 9952 : index
    %get3A_849 = tpu.vector_load %arg9[%get3A_848] {strides = array<i32>} : memref<10000xi32, #tpu.memory_space<vmem>>, vector<16xi32>,
    %get3A_850 = vector.shape_cast %get3A_849 : vector<16xi32> to vector<16xi32>
    %mul3A_851 = arith.constant 6 : i32
    %mul3A_852 = vector.broadcast %mul3A_851 : i32 to vector<16xi32>
    %mul3A_853 = arith.muli %get3A_844, %mul3A_852 : vector<16xi32>
    %add3A_854 = arith.addi %mul3A_853, %get3A_847 : vector<16xi32>
    %mul3A_855 = arith.constant 2 : i32
    %mul3A_856 = vector.broadcast %mul3A_855 : i32 to vector<16xi32>
    %mul3A_857 = arith.muli %add3A_854, %mul3A_856 : vector<16xi32>
    %add3A_858 = arith.addi %mul3A_857, %get3A_850 : vector<16xi32>
    %swap3A_859 = arith.constant 124 : i32
    %swap3A_860 = arith.index_cast %swap3A_859 : i32 to index
    %swap3A_861 = arith.constant 32 : index
    %swap3A_862 = tpu.vector_load %arg10[%swap3A_860, %swap3A_861] {strides = array<i32>} : memref<125x80xi32, #tpu.memory_space<vmem>>, vector<1x16xi32>,
    %swap3A_863 = vector.shape_cast %swap3A_862 : vector<1x16xi32> to vector<16xi32>
    %swap3A_864 = vector.shape_cast %add3A_858 : vector<16xi32> to vector<1x16xi32>
    tpu.vector_store %arg10[%swap3A_860, %swap3A_861], %swap3A_864 {strides = array<i32>} : memref<125x80xi32, #tpu.memory_space<vmem>>, vector<1x16xi32>,
    %get3A_865 = arith.constant 9968 : index
    %get3A_866 = tpu.vector_load %arg7[%get3A_865] {strides = array<i32>} : memref<10000xi32, #tpu.memory_space<vmem>>, vector<16xi32>,
    %get3A_867 = vector.shape_cast %get3A_866 : vector<16xi32> to vector<16xi32>
    %get3A_868 = arith.constant 9968 : index
    %get3A_869 = tpu.vector_load %arg8[%get3A_868] {strides = array<i32>} : memref<10000xi32, #tpu.memory_space<vmem>>, vector<16xi32>,
    %get3A_870 = vector.shape_cast %get3A_869 : vector<16xi32> to vector<16xi32>
    %get3A_871 = arith.constant 9968 : index
    %get3A_872 = tpu.vector_load %arg9[%get3A_871] {strides = array<i32>} : memref<10000xi32, #tpu.memory_space<vmem>>, vector<16xi32>,
    %get3A_873 = vector.shape_cast %get3A_872 : vector<16xi32> to vector<16xi32>
    %mul3A_874 = arith.constant 6 : i32
    %mul3A_875 = vector.broadcast %mul3A_874 : i32 to vector<16xi32>
    %mul3A_876 = arith.muli %get3A_867, %mul3A_875 : vector<16xi32>
    %add3A_877 = arith.addi %mul3A_876, %get3A_870 : vector<16xi32>
    %mul3A_878 = arith.constant 2 : i32
    %mul3A_879 = vector.broadcast %mul3A_878 : i32 to vector<16xi32>
    %mul3A_880 = arith.muli %add3A_877, %mul3A_879 : vector<16xi32>
    %add3A_881 = arith.addi %mul3A_880, %get3A_873 : vector<16xi32>
    %swap3A_882 = arith.constant 124 : i32
    %swap3A_883 = arith.index_cast %swap3A_882 : i32 to index
    %swap3A_884 = arith.constant 48 : index
    %swap3A_885 = tpu.vector_load %arg10[%swap3A_883, %swap3A_884] {strides = array<i32>} : memref<125x80xi32, #tpu.memory_space<vmem>>, vector<1x16xi32>,
    %swap3A_886 = vector.shape_cast %swap3A_885 : vector<1x16xi32> to vector<16xi32>
    %swap3A_887 = vector.shape_cast %add3A_881 : vector<16xi32> to vector<1x16xi32>
    tpu.vector_store %arg10[%swap3A_883, %swap3A_884], %swap3A_887 {strides = array<i32>} : memref<125x80xi32, #tpu.memory_space<vmem>>, vector<1x16xi32>,
    %get3A_888 = arith.constant 9984 : index
    %get3A_889 = tpu.vector_load %arg7[%get3A_888] {strides = array<i32>} : memref<10000xi32, #tpu.memory_space<vmem>>, vector<16xi32>,
    %get3A_890 = vector.shape_cast %get3A_889 : vector<16xi32> to vector<16xi32>
    %get3A_891 = arith.constant 9984 : index
    %get3A_892 = tpu.vector_load %arg8[%get3A_891] {strides = array<i32>} : memref<10000xi32, #tpu.memory_space<vmem>>, vector<16xi32>,
    %get3A_893 = vector.shape_cast %get3A_892 : vector<16xi32> to vector<16xi32>
    %get3A_894 = arith.constant 9984 : index
    %get3A_895 = tpu.vector_load %arg9[%get3A_894] {strides = array<i32>} : memref<10000xi32, #tpu.memory_space<vmem>>, vector<16xi32>,
    %get3A_896 = vector.shape_cast %get3A_895 : vector<16xi32> to vector<16xi32>
    %mul3A_897 = arith.constant 6 : i32
    %mul3A_898 = vector.broadcast %mul3A_897 : i32 to vector<16xi32>
    %mul3A_899 = arith.muli %get3A_890, %mul3A_898 : vector<16xi32>
    %add3A_900 = arith.addi %mul3A_899, %get3A_893 : vector<16xi32>
    %mul3A_901 = arith.constant 2 : i32
    %mul3A_902 = vector.broadcast %mul3A_901 : i32 to vector<16xi32>
    %mul3A_903 = arith.muli %add3A_900, %mul3A_902 : vector<16xi32>
    %add3A_904 = arith.addi %mul3A_903, %get3A_896 : vector<16xi32>
    %swap3A_905 = arith.constant 124 : i32
    %swap3A_906 = arith.index_cast %swap3A_905 : i32 to index
    %swap3A_907 = arith.constant 64 : index
    %swap3A_908 = tpu.vector_load %arg10[%swap3A_906, %swap3A_907] {strides = array<i32>} : memref<125x80xi32, #tpu.memory_space<vmem>>, vector<1x16xi32>,
    %swap3A_909 = vector.shape_cast %swap3A_908 : vector<1x16xi32> to vector<16xi32>
    %swap3A_910 = vector.shape_cast %add3A_904 : vector<16xi32> to vector<1x16xi32>
    tpu.vector_store %arg10[%swap3A_906, %swap3A_907], %swap3A_910 {strides = array<i32>} : memref<125x80xi32, #tpu.memory_space<vmem>>, vector<1x16xi32>,
    %dma_wait3A_911 = arith.constant 116 : i32
    %dma_wait3A_912 = arith.constant 4 : i32
    %dma_wait3A_913 = arith.constant 0 : i32
    %dma_wait3A_914 = arith.constant 0 : i32
    %dma_wait3A_915 = tpu.memref_slice %arg11[%dma_wait3A_912, %dma_wait3A_913, %dma_wait3A_914] : memref<8x80x128xf32, #tpu.memory_space<vmem>> -> memref<1x80x128xf32, #tpu.memory_space<vmem>>
    %dma_wait3A_916 = tpu.memref_squeeze %dma_wait3A_915 : memref<1x80x128xf32, #tpu.memory_space<vmem>> -> memref<80x128xf32, #tpu.memory_space<vmem>>
    %dma_wait3A_917 = arith.constant 0 : i32
    %dma_wait3A_918 = tpu.memref_slice %arg10[%dma_wait3A_911, %dma_wait3A_917] : memref<125x80xi32, #tpu.memory_space<vmem>> -> memref<1x80xi32, #tpu.memory_space<vmem>>
    %dma_wait3A_919 = tpu.memref_squeeze %dma_wait3A_918 : memref<1x80xi32, #tpu.memory_space<vmem>> -> memref<80xi32, #tpu.memory_space<vmem>>
    %dma_wait3A_920 = arith.constant 0 : i32
    %dma_wait3A_921 = arith.constant 0 : i32
    %dma_wait3A_922 = tpu.memref_slice %arg12[%dma_wait3A_920, %dma_wait3A_921] : memref<60x128xf32, #tpu.memory_space<vmem_shared>> -> memref<60x128xf32, #tpu.memory_space<vmem_shared>>
    tpu.wait_indirect_dma semaphore(%arg17 : memref<!tpu.dma_semaphore, #tpu.memory_space<semaphore_mem>>) src(%dma_wait3A_922 : memref<60x128xf32, #tpu.memory_space<vmem_shared>>) dst(%dma_wait3A_916 : memref<80x128xf32, #tpu.memory_space<vmem>>)
    %add3A_923 = arith.constant 9280 : i32
    %add3A_924 = arith.addi %mul3A_2, %add3A_923 : i32
    %dma_start3A_925 = arith.constant 4 : i32
    %dma_start3A_926 = arith.constant 0 : i32
    %dma_start3A_927 = arith.constant 0 : i32
    %dma_start3A_928 = tpu.memref_slice %arg11[%dma_start3A_925, %dma_start3A_926, %dma_start3A_927] : memref<8x80x128xf32, #tpu.memory_space<vmem>> -> memref<1x80x128xf32, #tpu.memory_space<vmem>>
    %dma_start3A_929 = tpu.memref_squeeze %dma_start3A_928 : memref<1x80x128xf32, #tpu.memory_space<vmem>> -> memref<80x128xf32, #tpu.memory_space<vmem>>
    %dma_start3A_930 = arith.constant 0 : i32
    %dma_start3A_931 = tpu.memref_slice %arg6[%add3A_924, %dma_start3A_930] : memref<320000x128xf32, #tpu.memory_space<hbm>> -> memref<80x128xf32, #tpu.memory_space<hbm>>
    %dma_start3A_932 = arith.constant 0 : i32
    %dma_start3A_933 = tpu.memref_slice %arg6[%add3A_924, %dma_start3A_932] : memref<320000x128xf32, #tpu.memory_space<hbm>> -> memref<80x128xf32, #tpu.memory_space<hbm>>
    %dma_start3A_934 = arith.constant 0 : i32
    %dma_start3A_935 = arith.constant 0 : i32
    %dma_start3A_936 = tpu.memref_slice %arg11[%dma_start3A_925, %dma_start3A_934, %dma_start3A_935] : memref<8x80x128xf32, #tpu.memory_space<vmem>> -> memref<1x80x128xf32, #tpu.memory_space<vmem>>
    %dma_start3A_937 = tpu.memref_squeeze %dma_start3A_936 : memref<1x80x128xf32, #tpu.memory_space<vmem>> -> memref<80x128xf32, #tpu.memory_space<vmem>>
    tpu.enqueue_dma source(%dma_start3A_937 : memref<80x128xf32, #tpu.memory_space<vmem>>) target(%dma_start3A_933 : memref<80x128xf32, #tpu.memory_space<hbm>>) target_semaphore(%arg25 : memref<!tpu.dma_semaphore, #tpu.memory_space<semaphore_mem>>)
    %add3A_938 = arith.constant 9280 : i32
    %add3A_939 = arith.addi %mul3A_2, %add3A_938 : i32
    %dma_wait3A_940 = arith.constant 4 : i32
    %dma_wait3A_941 = arith.constant 0 : i32
    %dma_wait3A_942 = arith.constant 0 : i32
    %dma_wait3A_943 = tpu.memref_slice %arg11[%dma_wait3A_940, %dma_wait3A_941, %dma_wait3A_942] : memref<8x80x128xf32, #tpu.memory_space<vmem>> -> memref<1x80x128xf32, #tpu.memory_space<vmem>>
    %dma_wait3A_944 = tpu.memref_squeeze %dma_wait3A_943 : memref<1x80x128xf32, #tpu.memory_space<vmem>> -> memref<80x128xf32, #tpu.memory_space<vmem>>
    %dma_wait3A_945 = arith.constant 0 : i32
    %dma_wait3A_946 = tpu.memref_slice %arg6[%add3A_939, %dma_wait3A_945] : memref<320000x128xf32, #tpu.memory_space<hbm>> -> memref<80x128xf32, #tpu.memory_space<hbm>>
    %dma_wait3A_947 = arith.constant 0 : i32
    %dma_wait3A_948 = tpu.memref_slice %arg6[%add3A_939, %dma_wait3A_947] : memref<320000x128xf32, #tpu.memory_space<hbm>> -> memref<80x128xf32, #tpu.memory_space<hbm>>
    %dma_wait3A_949 = arith.constant 0 : i32
    %dma_wait3A_950 = arith.constant 0 : i32
    %dma_wait3A_951 = tpu.memref_slice %arg11[%dma_wait3A_940, %dma_wait3A_949, %dma_wait3A_950] : memref<8x80x128xf32, #tpu.memory_space<vmem>> -> memref<1x80x128xf32, #tpu.memory_space<vmem>>
    %dma_wait3A_952 = tpu.memref_squeeze %dma_wait3A_951 : memref<1x80x128xf32, #tpu.memory_space<vmem>> -> memref<80x128xf32, #tpu.memory_space<vmem>>
    tpu.wait_dma2 semaphore(%arg25 : memref<!tpu.dma_semaphore, #tpu.memory_space<semaphore_mem>>) src(%dma_wait3A_952 : memref<80x128xf32, #tpu.memory_space<vmem>>) dst(%dma_wait3A_948 : memref<80x128xf32, #tpu.memory_space<hbm>>)
    %dma_start3A_953 = arith.constant 124 : i32
    %dma_start3A_954 = arith.constant 4 : i32
    %dma_start3A_955 = arith.constant 0 : i32
    %dma_start3A_956 = arith.constant 0 : i32
    %dma_start3A_957 = tpu.memref_slice %arg11[%dma_start3A_954, %dma_start3A_955, %dma_start3A_956] : memref<8x80x128xf32, #tpu.memory_space<vmem>> -> memref<1x80x128xf32, #tpu.memory_space<vmem>>
    %dma_start3A_958 = tpu.memref_squeeze %dma_start3A_957 : memref<1x80x128xf32, #tpu.memory_space<vmem>> -> memref<80x128xf32, #tpu.memory_space<vmem>>
    %dma_start3A_959 = arith.constant 0 : i32
    %dma_start3A_960 = tpu.memref_slice %arg10[%dma_start3A_953, %dma_start3A_959] : memref<125x80xi32, #tpu.memory_space<vmem>> -> memref<1x80xi32, #tpu.memory_space<vmem>>
    %dma_start3A_961 = tpu.memref_squeeze %dma_start3A_960 : memref<1x80xi32, #tpu.memory_space<vmem>> -> memref<80xi32, #tpu.memory_space<vmem>>
    %dma_start3A_962 = arith.constant 0 : i32
    %dma_start3A_963 = arith.constant 0 : i32
    %dma_start3A_964 = tpu.memref_slice %arg12[%dma_start3A_962, %dma_start3A_963] : memref<60x128xf32, #tpu.memory_space<vmem_shared>> -> memref<60x128xf32, #tpu.memory_space<vmem_shared>>
    tpu.enqueue_indirect_dma source(%dma_start3A_964 : memref<60x128xf32, #tpu.memory_space<vmem_shared>>) target(%dma_start3A_958 : memref<80x128xf32, #tpu.memory_space<vmem>>) offsets(%dma_start3A_961 : memref<80xi32, #tpu.memory_space<vmem>>) semaphore(%arg17 : memref<!tpu.dma_semaphore, #tpu.memory_space<semaphore_mem>>)
    %dma_wait3A_965 = arith.constant 117 : i32
    %dma_wait3A_966 = arith.constant 5 : i32
    %dma_wait3A_967 = arith.constant 0 : i32
    %dma_wait3A_968 = arith.constant 0 : i32
    %dma_wait3A_969 = tpu.memref_slice %arg11[%dma_wait3A_966, %dma_wait3A_967, %dma_wait3A_968] : memref<8x80x128xf32, #tpu.memory_space<vmem>> -> memref<1x80x128xf32, #tpu.memory_space<vmem>>
    %dma_wait3A_970 = tpu.memref_squeeze %dma_wait3A_969 : memref<1x80x128xf32, #tpu.memory_space<vmem>> -> memref<80x128xf32, #tpu.memory_space<vmem>>
    %dma_wait3A_971 = arith.constant 0 : i32
    %dma_wait3A_972 = tpu.memref_slice %arg10[%dma_wait3A_965, %dma_wait3A_971] : memref<125x80xi32, #tpu.memory_space<vmem>> -> memref<1x80xi32, #tpu.memory_space<vmem>>
    %dma_wait3A_973 = tpu.memref_squeeze %dma_wait3A_972 : memref<1x80xi32, #tpu.memory_space<vmem>> -> memref<80xi32, #tpu.memory_space<vmem>>
    %dma_wait3A_974 = arith.constant 0 : i32
    %dma_wait3A_975 = arith.constant 0 : i32
    %dma_wait3A_976 = tpu.memref_slice %arg12[%dma_wait3A_974, %dma_wait3A_975] : memref<60x128xf32, #tpu.memory_space<vmem_shared>> -> memref<60x128xf32, #tpu.memory_space<vmem_shared>>
    tpu.wait_indirect_dma semaphore(%arg18 : memref<!tpu.dma_semaphore, #tpu.memory_space<semaphore_mem>>) src(%dma_wait3A_976 : memref<60x128xf32, #tpu.memory_space<vmem_shared>>) dst(%dma_wait3A_970 : memref<80x128xf32, #tpu.memory_space<vmem>>)
    %add3A_977 = arith.constant 9360 : i32
    %add3A_978 = arith.addi %mul3A_2, %add3A_977 : i32
    %dma_start3A_979 = arith.constant 5 : i32
    %dma_start3A_980 = arith.constant 0 : i32
    %dma_start3A_981 = arith.constant 0 : i32
    %dma_start3A_982 = tpu.memref_slice %arg11[%dma_start3A_979, %dma_start3A_980, %dma_start3A_981] : memref<8x80x128xf32, #tpu.memory_space<vmem>> -> memref<1x80x128xf32, #tpu.memory_space<vmem>>
    %dma_start3A_983 = tpu.memref_squeeze %dma_start3A_982 : memref<1x80x128xf32, #tpu.memory_space<vmem>> -> memref<80x128xf32, #tpu.memory_space<vmem>>
    %dma_start3A_984 = arith.constant 0 : i32
    %dma_start3A_985 = tpu.memref_slice %arg6[%add3A_978, %dma_start3A_984] : memref<320000x128xf32, #tpu.memory_space<hbm>> -> memref<80x128xf32, #tpu.memory_space<hbm>>
    %dma_start3A_986 = arith.constant 0 : i32
    %dma_start3A_987 = tpu.memref_slice %arg6[%add3A_978, %dma_start3A_986] : memref<320000x128xf32, #tpu.memory_space<hbm>> -> memref<80x128xf32, #tpu.memory_space<hbm>>
    %dma_start3A_988 = arith.constant 0 : i32
    %dma_start3A_989 = arith.constant 0 : i32
    %dma_start3A_990 = tpu.memref_slice %arg11[%dma_start3A_979, %dma_start3A_988, %dma_start3A_989] : memref<8x80x128xf32, #tpu.memory_space<vmem>> -> memref<1x80x128xf32, #tpu.memory_space<vmem>>
    %dma_start3A_991 = tpu.memref_squeeze %dma_start3A_990 : memref<1x80x128xf32, #tpu.memory_space<vmem>> -> memref<80x128xf32, #tpu.memory_space<vmem>>
    tpu.enqueue_dma source(%dma_start3A_991 : memref<80x128xf32, #tpu.memory_space<vmem>>) target(%dma_start3A_987 : memref<80x128xf32, #tpu.memory_space<hbm>>) target_semaphore(%arg26 : memref<!tpu.dma_semaphore, #tpu.memory_space<semaphore_mem>>)
    %dma_wait3A_992 = arith.constant 118 : i32
    %dma_wait3A_993 = arith.constant 6 : i32
    %dma_wait3A_994 = arith.constant 0 : i32
    %dma_wait3A_995 = arith.constant 0 : i32
    %dma_wait3A_996 = tpu.memref_slice %arg11[%dma_wait3A_993, %dma_wait3A_994, %dma_wait3A_995] : memref<8x80x128xf32, #tpu.memory_space<vmem>> -> memref<1x80x128xf32, #tpu.memory_space<vmem>>
    %dma_wait3A_997 = tpu.memref_squeeze %dma_wait3A_996 : memref<1x80x128xf32, #tpu.memory_space<vmem>> -> memref<80x128xf32, #tpu.memory_space<vmem>>
    %dma_wait3A_998 = arith.constant 0 : i32
    %dma_wait3A_999 = tpu.memref_slice %arg10[%dma_wait3A_992, %dma_wait3A_998] : memref<125x80xi32, #tpu.memory_space<vmem>> -> memref<1x80xi32, #tpu.memory_space<vmem>>
    %dma_wait3A_1000 = tpu.memref_squeeze %dma_wait3A_999 : memref<1x80xi32, #tpu.memory_space<vmem>> -> memref<80xi32, #tpu.memory_space<vmem>>
    %dma_wait3A_1001 = arith.constant 0 : i32
    %dma_wait3A_1002 = arith.constant 0 : i32
    %dma_wait3A_1003 = tpu.memref_slice %arg12[%dma_wait3A_1001, %dma_wait3A_1002] : memref<60x128xf32, #tpu.memory_space<vmem_shared>> -> memref<60x128xf32, #tpu.memory_space<vmem_shared>>
    tpu.wait_indirect_dma semaphore(%arg19 : memref<!tpu.dma_semaphore, #tpu.memory_space<semaphore_mem>>) src(%dma_wait3A_1003 : memref<60x128xf32, #tpu.memory_space<vmem_shared>>) dst(%dma_wait3A_997 : memref<80x128xf32, #tpu.memory_space<vmem>>)
    %add3A_1004 = arith.constant 9440 : i32
    %add3A_1005 = arith.addi %mul3A_2, %add3A_1004 : i32
    %dma_start3A_1006 = arith.constant 6 : i32
    %dma_start3A_1007 = arith.constant 0 : i32
    %dma_start3A_1008 = arith.constant 0 : i32
    %dma_start3A_1009 = tpu.memref_slice %arg11[%dma_start3A_1006, %dma_start3A_1007, %dma_start3A_1008] : memref<8x80x128xf32, #tpu.memory_space<vmem>> -> memref<1x80x128xf32, #tpu.memory_space<vmem>>
    %dma_start3A_1010 = tpu.memref_squeeze %dma_start3A_1009 : memref<1x80x128xf32, #tpu.memory_space<vmem>> -> memref<80x128xf32, #tpu.memory_space<vmem>>
    %dma_start3A_1011 = arith.constant 0 : i32
    %dma_start3A_1012 = tpu.memref_slice %arg6[%add3A_1005, %dma_start3A_1011] : memref<320000x128xf32, #tpu.memory_space<hbm>> -> memref<80x128xf32, #tpu.memory_space<hbm>>
    %dma_start3A_1013 = arith.constant 0 : i32
    %dma_start3A_1014 = tpu.memref_slice %arg6[%add3A_1005, %dma_start3A_1013] : memref<320000x128xf32, #tpu.memory_space<hbm>> -> memref<80x128xf32, #tpu.memory_space<hbm>>
    %dma_start3A_1015 = arith.constant 0 : i32
    %dma_start3A_1016 = arith.constant 0 : i32
    %dma_start3A_1017 = tpu.memref_slice %arg11[%dma_start3A_1006, %dma_start3A_1015, %dma_start3A_1016] : memref<8x80x128xf32, #tpu.memory_space<vmem>> -> memref<1x80x128xf32, #tpu.memory_space<vmem>>
    %dma_start3A_1018 = tpu.memref_squeeze %dma_start3A_1017 : memref<1x80x128xf32, #tpu.memory_space<vmem>> -> memref<80x128xf32, #tpu.memory_space<vmem>>
    tpu.enqueue_dma source(%dma_start3A_1018 : memref<80x128xf32, #tpu.memory_space<vmem>>) target(%dma_start3A_1014 : memref<80x128xf32, #tpu.memory_space<hbm>>) target_semaphore(%arg27 : memref<!tpu.dma_semaphore, #tpu.memory_space<semaphore_mem>>)
    %dma_wait3A_1019 = arith.constant 119 : i32
    %dma_wait3A_1020 = arith.constant 7 : i32
    %dma_wait3A_1021 = arith.constant 0 : i32
    %dma_wait3A_1022 = arith.constant 0 : i32
    %dma_wait3A_1023 = tpu.memref_slice %arg11[%dma_wait3A_1020, %dma_wait3A_1021, %dma_wait3A_1022] : memref<8x80x128xf32, #tpu.memory_space<vmem>> -> memref<1x80x128xf32, #tpu.memory_space<vmem>>
    %dma_wait3A_1024 = tpu.memref_squeeze %dma_wait3A_1023 : memref<1x80x128xf32, #tpu.memory_space<vmem>> -> memref<80x128xf32, #tpu.memory_space<vmem>>
    %dma_wait3A_1025 = arith.constant 0 : i32
    %dma_wait3A_1026 = tpu.memref_slice %arg10[%dma_wait3A_1019, %dma_wait3A_1025] : memref<125x80xi32, #tpu.memory_space<vmem>> -> memref<1x80xi32, #tpu.memory_space<vmem>>
    %dma_wait3A_1027 = tpu.memref_squeeze %dma_wait3A_1026 : memref<1x80xi32, #tpu.memory_space<vmem>> -> memref<80xi32, #tpu.memory_space<vmem>>
    %dma_wait3A_1028 = arith.constant 0 : i32
    %dma_wait3A_1029 = arith.constant 0 : i32
    %dma_wait3A_1030 = tpu.memref_slice %arg12[%dma_wait3A_1028, %dma_wait3A_1029] : memref<60x128xf32, #tpu.memory_space<vmem_shared>> -> memref<60x128xf32, #tpu.memory_space<vmem_shared>>
    tpu.wait_indirect_dma semaphore(%arg20 : memref<!tpu.dma_semaphore, #tpu.memory_space<semaphore_mem>>) src(%dma_wait3A_1030 : memref<60x128xf32, #tpu.memory_space<vmem_shared>>) dst(%dma_wait3A_1024 : memref<80x128xf32, #tpu.memory_space<vmem>>)
    %add3A_1031 = arith.constant 9520 : i32
    %add3A_1032 = arith.addi %mul3A_2, %add3A_1031 : i32
    %dma_start3A_1033 = arith.constant 7 : i32
    %dma_start3A_1034 = arith.constant 0 : i32
    %dma_start3A_1035 = arith.constant 0 : i32
    %dma_start3A_1036 = tpu.memref_slice %arg11[%dma_start3A_1033, %dma_start3A_1034, %dma_start3A_1035] : memref<8x80x128xf32, #tpu.memory_space<vmem>> -> memref<1x80x128xf32, #tpu.memory_space<vmem>>
    %dma_start3A_1037 = tpu.memref_squeeze %dma_start3A_1036 : memref<1x80x128xf32, #tpu.memory_space<vmem>> -> memref<80x128xf32, #tpu.memory_space<vmem>>
    %dma_start3A_1038 = arith.constant 0 : i32
    %dma_start3A_1039 = tpu.memref_slice %arg6[%add3A_1032, %dma_start3A_1038] : memref<320000x128xf32, #tpu.memory_space<hbm>> -> memref<80x128xf32, #tpu.memory_space<hbm>>
    %dma_start3A_1040 = arith.constant 0 : i32
    %dma_start3A_1041 = tpu.memref_slice %arg6[%add3A_1032, %dma_start3A_1040] : memref<320000x128xf32, #tpu.memory_space<hbm>> -> memref<80x128xf32, #tpu.memory_space<hbm>>
    %dma_start3A_1042 = arith.constant 0 : i32
    %dma_start3A_1043 = arith.constant 0 : i32
    %dma_start3A_1044 = tpu.memref_slice %arg11[%dma_start3A_1033, %dma_start3A_1042, %dma_start3A_1043] : memref<8x80x128xf32, #tpu.memory_space<vmem>> -> memref<1x80x128xf32, #tpu.memory_space<vmem>>
    %dma_start3A_1045 = tpu.memref_squeeze %dma_start3A_1044 : memref<1x80x128xf32, #tpu.memory_space<vmem>> -> memref<80x128xf32, #tpu.memory_space<vmem>>
    tpu.enqueue_dma source(%dma_start3A_1045 : memref<80x128xf32, #tpu.memory_space<vmem>>) target(%dma_start3A_1041 : memref<80x128xf32, #tpu.memory_space<hbm>>) target_semaphore(%arg28 : memref<!tpu.dma_semaphore, #tpu.memory_space<semaphore_mem>>)
    %dma_wait3A_1046 = arith.constant 120 : i32
    %dma_wait3A_1047 = arith.constant 0 : i32
    %dma_wait3A_1048 = arith.constant 0 : i32
    %dma_wait3A_1049 = arith.constant 0 : i32
    %dma_wait3A_1050 = tpu.memref_slice %arg11[%dma_wait3A_1047, %dma_wait3A_1048, %dma_wait3A_1049] : memref<8x80x128xf32, #tpu.memory_space<vmem>> -> memref<1x80x128xf32, #tpu.memory_space<vmem>>
    %dma_wait3A_1051 = tpu.memref_squeeze %dma_wait3A_1050 : memref<1x80x128xf32, #tpu.memory_space<vmem>> -> memref<80x128xf32, #tpu.memory_space<vmem>>
    %dma_wait3A_1052 = arith.constant 0 : i32
    %dma_wait3A_1053 = tpu.memref_slice %arg10[%dma_wait3A_1046, %dma_wait3A_1052] : memref<125x80xi32, #tpu.memory_space<vmem>> -> memref<1x80xi32, #tpu.memory_space<vmem>>
    %dma_wait3A_1054 = tpu.memref_squeeze %dma_wait3A_1053 : memref<1x80xi32, #tpu.memory_space<vmem>> -> memref<80xi32, #tpu.memory_space<vmem>>
    %dma_wait3A_1055 = arith.constant 0 : i32
    %dma_wait3A_1056 = arith.constant 0 : i32
    %dma_wait3A_1057 = tpu.memref_slice %arg12[%dma_wait3A_1055, %dma_wait3A_1056] : memref<60x128xf32, #tpu.memory_space<vmem_shared>> -> memref<60x128xf32, #tpu.memory_space<vmem_shared>>
    tpu.wait_indirect_dma semaphore(%arg13 : memref<!tpu.dma_semaphore, #tpu.memory_space<semaphore_mem>>) src(%dma_wait3A_1057 : memref<60x128xf32, #tpu.memory_space<vmem_shared>>) dst(%dma_wait3A_1051 : memref<80x128xf32, #tpu.memory_space<vmem>>)
    %add3A_1058 = arith.constant 9600 : i32
    %add3A_1059 = arith.addi %mul3A_2, %add3A_1058 : i32
    %dma_start3A_1060 = arith.constant 0 : i32
    %dma_start3A_1061 = arith.constant 0 : i32
    %dma_start3A_1062 = arith.constant 0 : i32
    %dma_start3A_1063 = tpu.memref_slice %arg11[%dma_start3A_1060, %dma_start3A_1061, %dma_start3A_1062] : memref<8x80x128xf32, #tpu.memory_space<vmem>> -> memref<1x80x128xf32, #tpu.memory_space<vmem>>
    %dma_start3A_1064 = tpu.memref_squeeze %dma_start3A_1063 : memref<1x80x128xf32, #tpu.memory_space<vmem>> -> memref<80x128xf32, #tpu.memory_space<vmem>>
    %dma_start3A_1065 = arith.constant 0 : i32
    %dma_start3A_1066 = tpu.memref_slice %arg6[%add3A_1059, %dma_start3A_1065] : memref<320000x128xf32, #tpu.memory_space<hbm>> -> memref<80x128xf32, #tpu.memory_space<hbm>>
    %dma_start3A_1067 = arith.constant 0 : i32
    %dma_start3A_1068 = tpu.memref_slice %arg6[%add3A_1059, %dma_start3A_1067] : memref<320000x128xf32, #tpu.memory_space<hbm>> -> memref<80x128xf32, #tpu.memory_space<hbm>>
    %dma_start3A_1069 = arith.constant 0 : i32
    %dma_start3A_1070 = arith.constant 0 : i32
    %dma_start3A_1071 = tpu.memref_slice %arg11[%dma_start3A_1060, %dma_start3A_1069, %dma_start3A_1070] : memref<8x80x128xf32, #tpu.memory_space<vmem>> -> memref<1x80x128xf32, #tpu.memory_space<vmem>>
    %dma_start3A_1072 = tpu.memref_squeeze %dma_start3A_1071 : memref<1x80x128xf32, #tpu.memory_space<vmem>> -> memref<80x128xf32, #tpu.memory_space<vmem>>
    tpu.enqueue_dma source(%dma_start3A_1072 : memref<80x128xf32, #tpu.memory_space<vmem>>) target(%dma_start3A_1068 : memref<80x128xf32, #tpu.memory_space<hbm>>) target_semaphore(%arg21 : memref<!tpu.dma_semaphore, #tpu.memory_space<semaphore_mem>>)
    %dma_wait3A_1073 = arith.constant 121 : i32
    %dma_wait3A_1074 = arith.constant 1 : i32
    %dma_wait3A_1075 = arith.constant 0 : i32
    %dma_wait3A_1076 = arith.constant 0 : i32
    %dma_wait3A_1077 = tpu.memref_slice %arg11[%dma_wait3A_1074, %dma_wait3A_1075, %dma_wait3A_1076] : memref<8x80x128xf32, #tpu.memory_space<vmem>> -> memref<1x80x128xf32, #tpu.memory_space<vmem>>
    %dma_wait3A_1078 = tpu.memref_squeeze %dma_wait3A_1077 : memref<1x80x128xf32, #tpu.memory_space<vmem>> -> memref<80x128xf32, #tpu.memory_space<vmem>>
    %dma_wait3A_1079 = arith.constant 0 : i32
    %dma_wait3A_1080 = tpu.memref_slice %arg10[%dma_wait3A_1073, %dma_wait3A_1079] : memref<125x80xi32, #tpu.memory_space<vmem>> -> memref<1x80xi32, #tpu.memory_space<vmem>>
    %dma_wait3A_1081 = tpu.memref_squeeze %dma_wait3A_1080 : memref<1x80xi32, #tpu.memory_space<vmem>> -> memref<80xi32, #tpu.memory_space<vmem>>
    %dma_wait3A_1082 = arith.constant 0 : i32
    %dma_wait3A_1083 = arith.constant 0 : i32
    %dma_wait3A_1084 = tpu.memref_slice %arg12[%dma_wait3A_1082, %dma_wait3A_1083] : memref<60x128xf32, #tpu.memory_space<vmem_shared>> -> memref<60x128xf32, #tpu.memory_space<vmem_shared>>
    tpu.wait_indirect_dma semaphore(%arg14 : memref<!tpu.dma_semaphore, #tpu.memory_space<semaphore_mem>>) src(%dma_wait3A_1084 : memref<60x128xf32, #tpu.memory_space<vmem_shared>>) dst(%dma_wait3A_1078 : memref<80x128xf32, #tpu.memory_space<vmem>>)
    %add3A_1085 = arith.constant 9680 : i32
    %add3A_1086 = arith.addi %mul3A_2, %add3A_1085 : i32
    %dma_start3A_1087 = arith.constant 1 : i32
    %dma_start3A_1088 = arith.constant 0 : i32
    %dma_start3A_1089 = arith.constant 0 : i32
    %dma_start3A_1090 = tpu.memref_slice %arg11[%dma_start3A_1087, %dma_start3A_1088, %dma_start3A_1089] : memref<8x80x128xf32, #tpu.memory_space<vmem>> -> memref<1x80x128xf32, #tpu.memory_space<vmem>>
    %dma_start3A_1091 = tpu.memref_squeeze %dma_start3A_1090 : memref<1x80x128xf32, #tpu.memory_space<vmem>> -> memref<80x128xf32, #tpu.memory_space<vmem>>
    %dma_start3A_1092 = arith.constant 0 : i32
    %dma_start3A_1093 = tpu.memref_slice %arg6[%add3A_1086, %dma_start3A_1092] : memref<320000x128xf32, #tpu.memory_space<hbm>> -> memref<80x128xf32, #tpu.memory_space<hbm>>
    %dma_start3A_1094 = arith.constant 0 : i32
    %dma_start3A_1095 = tpu.memref_slice %arg6[%add3A_1086, %dma_start3A_1094] : memref<320000x128xf32, #tpu.memory_space<hbm>> -> memref<80x128xf32, #tpu.memory_space<hbm>>
    %dma_start3A_1096 = arith.constant 0 : i32
    %dma_start3A_1097 = arith.constant 0 : i32
    %dma_start3A_1098 = tpu.memref_slice %arg11[%dma_start3A_1087, %dma_start3A_1096, %dma_start3A_1097] : memref<8x80x128xf32, #tpu.memory_space<vmem>> -> memref<1x80x128xf32, #tpu.memory_space<vmem>>
    %dma_start3A_1099 = tpu.memref_squeeze %dma_start3A_1098 : memref<1x80x128xf32, #tpu.memory_space<vmem>> -> memref<80x128xf32, #tpu.memory_space<vmem>>
    tpu.enqueue_dma source(%dma_start3A_1099 : memref<80x128xf32, #tpu.memory_space<vmem>>) target(%dma_start3A_1095 : memref<80x128xf32, #tpu.memory_space<hbm>>) target_semaphore(%arg22 : memref<!tpu.dma_semaphore, #tpu.memory_space<semaphore_mem>>)
    %dma_wait3A_1100 = arith.constant 122 : i32
    %dma_wait3A_1101 = arith.constant 2 : i32
    %dma_wait3A_1102 = arith.constant 0 : i32
    %dma_wait3A_1103 = arith.constant 0 : i32
    %dma_wait3A_1104 = tpu.memref_slice %arg11[%dma_wait3A_1101, %dma_wait3A_1102, %dma_wait3A_1103] : memref<8x80x128xf32, #tpu.memory_space<vmem>> -> memref<1x80x128xf32, #tpu.memory_space<vmem>>
    %dma_wait3A_1105 = tpu.memref_squeeze %dma_wait3A_1104 : memref<1x80x128xf32, #tpu.memory_space<vmem>> -> memref<80x128xf32, #tpu.memory_space<vmem>>
    %dma_wait3A_1106 = arith.constant 0 : i32
    %dma_wait3A_1107 = tpu.memref_slice %arg10[%dma_wait3A_1100, %dma_wait3A_1106] : memref<125x80xi32, #tpu.memory_space<vmem>> -> memref<1x80xi32, #tpu.memory_space<vmem>>
    %dma_wait3A_1108 = tpu.memref_squeeze %dma_wait3A_1107 : memref<1x80xi32, #tpu.memory_space<vmem>> -> memref<80xi32, #tpu.memory_space<vmem>>
    %dma_wait3A_1109 = arith.constant 0 : i32
    %dma_wait3A_1110 = arith.constant 0 : i32
    %dma_wait3A_1111 = tpu.memref_slice %arg12[%dma_wait3A_1109, %dma_wait3A_1110] : memref<60x128xf32, #tpu.memory_space<vmem_shared>> -> memref<60x128xf32, #tpu.memory_space<vmem_shared>>
    tpu.wait_indirect_dma semaphore(%arg15 : memref<!tpu.dma_semaphore, #tpu.memory_space<semaphore_mem>>) src(%dma_wait3A_1111 : memref<60x128xf32, #tpu.memory_space<vmem_shared>>) dst(%dma_wait3A_1105 : memref<80x128xf32, #tpu.memory_space<vmem>>)
    %add3A_1112 = arith.constant 9760 : i32
    %add3A_1113 = arith.addi %mul3A_2, %add3A_1112 : i32
    %dma_start3A_1114 = arith.constant 2 : i32
    %dma_start3A_1115 = arith.constant 0 : i32
    %dma_start3A_1116 = arith.constant 0 : i32
    %dma_start3A_1117 = tpu.memref_slice %arg11[%dma_start3A_1114, %dma_start3A_1115, %dma_start3A_1116] : memref<8x80x128xf32, #tpu.memory_space<vmem>> -> memref<1x80x128xf32, #tpu.memory_space<vmem>>
    %dma_start3A_1118 = tpu.memref_squeeze %dma_start3A_1117 : memref<1x80x128xf32, #tpu.memory_space<vmem>> -> memref<80x128xf32, #tpu.memory_space<vmem>>
    %dma_start3A_1119 = arith.constant 0 : i32
    %dma_start3A_1120 = tpu.memref_slice %arg6[%add3A_1113, %dma_start3A_1119] : memref<320000x128xf32, #tpu.memory_space<hbm>> -> memref<80x128xf32, #tpu.memory_space<hbm>>
    %dma_start3A_1121 = arith.constant 0 : i32
    %dma_start3A_1122 = tpu.memref_slice %arg6[%add3A_1113, %dma_start3A_1121] : memref<320000x128xf32, #tpu.memory_space<hbm>> -> memref<80x128xf32, #tpu.memory_space<hbm>>
    %dma_start3A_1123 = arith.constant 0 : i32
    %dma_start3A_1124 = arith.constant 0 : i32
    %dma_start3A_1125 = tpu.memref_slice %arg11[%dma_start3A_1114, %dma_start3A_1123, %dma_start3A_1124] : memref<8x80x128xf32, #tpu.memory_space<vmem>> -> memref<1x80x128xf32, #tpu.memory_space<vmem>>
    %dma_start3A_1126 = tpu.memref_squeeze %dma_start3A_1125 : memref<1x80x128xf32, #tpu.memory_space<vmem>> -> memref<80x128xf32, #tpu.memory_space<vmem>>
    tpu.enqueue_dma source(%dma_start3A_1126 : memref<80x128xf32, #tpu.memory_space<vmem>>) target(%dma_start3A_1122 : memref<80x128xf32, #tpu.memory_space<hbm>>) target_semaphore(%arg23 : memref<!tpu.dma_semaphore, #tpu.memory_space<semaphore_mem>>)
    %dma_wait3A_1127 = arith.constant 123 : i32
    %dma_wait3A_1128 = arith.constant 3 : i32
    %dma_wait3A_1129 = arith.constant 0 : i32
    %dma_wait3A_1130 = arith.constant 0 : i32
    %dma_wait3A_1131 = tpu.memref_slice %arg11[%dma_wait3A_1128, %dma_wait3A_1129, %dma_wait3A_1130] : memref<8x80x128xf32, #tpu.memory_space<vmem>> -> memref<1x80x128xf32, #tpu.memory_space<vmem>>
    %dma_wait3A_1132 = tpu.memref_squeeze %dma_wait3A_1131 : memref<1x80x128xf32, #tpu.memory_space<vmem>> -> memref<80x128xf32, #tpu.memory_space<vmem>>
    %dma_wait3A_1133 = arith.constant 0 : i32
    %dma_wait3A_1134 = tpu.memref_slice %arg10[%dma_wait3A_1127, %dma_wait3A_1133] : memref<125x80xi32, #tpu.memory_space<vmem>> -> memref<1x80xi32, #tpu.memory_space<vmem>>
    %dma_wait3A_1135 = tpu.memref_squeeze %dma_wait3A_1134 : memref<1x80xi32, #tpu.memory_space<vmem>> -> memref<80xi32, #tpu.memory_space<vmem>>
    %dma_wait3A_1136 = arith.constant 0 : i32
    %dma_wait3A_1137 = arith.constant 0 : i32
    %dma_wait3A_1138 = tpu.memref_slice %arg12[%dma_wait3A_1136, %dma_wait3A_1137] : memref<60x128xf32, #tpu.memory_space<vmem_shared>> -> memref<60x128xf32, #tpu.memory_space<vmem_shared>>
    tpu.wait_indirect_dma semaphore(%arg16 : memref<!tpu.dma_semaphore, #tpu.memory_space<semaphore_mem>>) src(%dma_wait3A_1138 : memref<60x128xf32, #tpu.memory_space<vmem_shared>>) dst(%dma_wait3A_1132 : memref<80x128xf32, #tpu.memory_space<vmem>>)
    %add3A_1139 = arith.constant 9840 : i32
    %add3A_1140 = arith.addi %mul3A_2, %add3A_1139 : i32
    %dma_start3A_1141 = arith.constant 3 : i32
    %dma_start3A_1142 = arith.constant 0 : i32
    %dma_start3A_1143 = arith.constant 0 : i32
    %dma_start3A_1144 = tpu.memref_slice %arg11[%dma_start3A_1141, %dma_start3A_1142, %dma_start3A_1143] : memref<8x80x128xf32, #tpu.memory_space<vmem>> -> memref<1x80x128xf32, #tpu.memory_space<vmem>>
    %dma_start3A_1145 = tpu.memref_squeeze %dma_start3A_1144 : memref<1x80x128xf32, #tpu.memory_space<vmem>> -> memref<80x128xf32, #tpu.memory_space<vmem>>
    %dma_start3A_1146 = arith.constant 0 : i32
    %dma_start3A_1147 = tpu.memref_slice %arg6[%add3A_1140, %dma_start3A_1146] : memref<320000x128xf32, #tpu.memory_space<hbm>> -> memref<80x128xf32, #tpu.memory_space<hbm>>
    %dma_start3A_1148 = arith.constant 0 : i32
    %dma_start3A_1149 = tpu.memref_slice %arg6[%add3A_1140, %dma_start3A_1148] : memref<320000x128xf32, #tpu.memory_space<hbm>> -> memref<80x128xf32, #tpu.memory_space<hbm>>
    %dma_start3A_1150 = arith.constant 0 : i32
    %dma_start3A_1151 = arith.constant 0 : i32
    %dma_start3A_1152 = tpu.memref_slice %arg11[%dma_start3A_1141, %dma_start3A_1150, %dma_start3A_1151] : memref<8x80x128xf32, #tpu.memory_space<vmem>> -> memref<1x80x128xf32, #tpu.memory_space<vmem>>
    %dma_start3A_1153 = tpu.memref_squeeze %dma_start3A_1152 : memref<1x80x128xf32, #tpu.memory_space<vmem>> -> memref<80x128xf32, #tpu.memory_space<vmem>>
    tpu.enqueue_dma source(%dma_start3A_1153 : memref<80x128xf32, #tpu.memory_space<vmem>>) target(%dma_start3A_1149 : memref<80x128xf32, #tpu.memory_space<hbm>>) target_semaphore(%arg24 : memref<!tpu.dma_semaphore, #tpu.memory_space<semaphore_mem>>)
    %dma_wait3A_1154 = arith.constant 124 : i32
    %dma_wait3A_1155 = arith.constant 4 : i32
    %dma_wait3A_1156 = arith.constant 0 : i32
    %dma_wait3A_1157 = arith.constant 0 : i32
    %dma_wait3A_1158 = tpu.memref_slice %arg11[%dma_wait3A_1155, %dma_wait3A_1156, %dma_wait3A_1157] : memref<8x80x128xf32, #tpu.memory_space<vmem>> -> memref<1x80x128xf32, #tpu.memory_space<vmem>>
    %dma_wait3A_1159 = tpu.memref_squeeze %dma_wait3A_1158 : memref<1x80x128xf32, #tpu.memory_space<vmem>> -> memref<80x128xf32, #tpu.memory_space<vmem>>
    %dma_wait3A_1160 = arith.constant 0 : i32
    %dma_wait3A_1161 = tpu.memref_slice %arg10[%dma_wait3A_1154, %dma_wait3A_1160] : memref<125x80xi32, #tpu.memory_space<vmem>> -> memref<1x80xi32, #tpu.memory_space<vmem>>
    %dma_wait3A_1162 = tpu.memref_squeeze %dma_wait3A_1161 : memref<1x80xi32, #tpu.memory_space<vmem>> -> memref<80xi32, #tpu.memory_space<vmem>>
    %dma_wait3A_1163 = arith.constant 0 : i32
    %dma_wait3A_1164 = arith.constant 0 : i32
    %dma_wait3A_1165 = tpu.memref_slice %arg12[%dma_wait3A_1163, %dma_wait3A_1164] : memref<60x128xf32, #tpu.memory_space<vmem_shared>> -> memref<60x128xf32, #tpu.memory_space<vmem_shared>>
    tpu.wait_indirect_dma semaphore(%arg17 : memref<!tpu.dma_semaphore, #tpu.memory_space<semaphore_mem>>) src(%dma_wait3A_1165 : memref<60x128xf32, #tpu.memory_space<vmem_shared>>) dst(%dma_wait3A_1159 : memref<80x128xf32, #tpu.memory_space<vmem>>)
    %add3A_1166 = arith.constant 9920 : i32
    %add3A_1167 = arith.addi %mul3A_2, %add3A_1166 : i32
    %dma_start3A_1168 = arith.constant 4 : i32
    %dma_start3A_1169 = arith.constant 0 : i32
    %dma_start3A_1170 = arith.constant 0 : i32
    %dma_start3A_1171 = tpu.memref_slice %arg11[%dma_start3A_1168, %dma_start3A_1169, %dma_start3A_1170] : memref<8x80x128xf32, #tpu.memory_space<vmem>> -> memref<1x80x128xf32, #tpu.memory_space<vmem>>
    %dma_start3A_1172 = tpu.memref_squeeze %dma_start3A_1171 : memref<1x80x128xf32, #tpu.memory_space<vmem>> -> memref<80x128xf32, #tpu.memory_space<vmem>>
    %dma_start3A_1173 = arith.constant 0 : i32
    %dma_start3A_1174 = tpu.memref_slice %arg6[%add3A_1167, %dma_start3A_1173] : memref<320000x128xf32, #tpu.memory_space<hbm>> -> memref<80x128xf32, #tpu.memory_space<hbm>>
    %dma_start3A_1175 = arith.constant 0 : i32
    %dma_start3A_1176 = tpu.memref_slice %arg6[%add3A_1167, %dma_start3A_1175] : memref<320000x128xf32, #tpu.memory_space<hbm>> -> memref<80x128xf32, #tpu.memory_space<hbm>>
    %dma_start3A_1177 = arith.constant 0 : i32
    %dma_start3A_1178 = arith.constant 0 : i32
    %dma_start3A_1179 = tpu.memref_slice %arg11[%dma_start3A_1168, %dma_start3A_1177, %dma_start3A_1178] : memref<8x80x128xf32, #tpu.memory_space<vmem>> -> memref<1x80x128xf32, #tpu.memory_space<vmem>>
    %dma_start3A_1180 = tpu.memref_squeeze %dma_start3A_1179 : memref<1x80x128xf32, #tpu.memory_space<vmem>> -> memref<80x128xf32, #tpu.memory_space<vmem>>
    tpu.enqueue_dma source(%dma_start3A_1180 : memref<80x128xf32, #tpu.memory_space<vmem>>) target(%dma_start3A_1176 : memref<80x128xf32, #tpu.memory_space<hbm>>) target_semaphore(%arg25 : memref<!tpu.dma_semaphore, #tpu.memory_space<semaphore_mem>>)
    %add3A_1181 = arith.constant 9360 : i32
    %add3A_1182 = arith.addi %mul3A_2, %add3A_1181 : i32
    %dma_wait3A_1183 = arith.constant 5 : i32
    %dma_wait3A_1184 = arith.constant 0 : i32
    %dma_wait3A_1185 = arith.constant 0 : i32
    %dma_wait3A_1186 = tpu.memref_slice %arg11[%dma_wait3A_1183, %dma_wait3A_1184, %dma_wait3A_1185] : memref<8x80x128xf32, #tpu.memory_space<vmem>> -> memref<1x80x128xf32, #tpu.memory_space<vmem>>
    %dma_wait3A_1187 = tpu.memref_squeeze %dma_wait3A_1186 : memref<1x80x128xf32, #tpu.memory_space<vmem>> -> memref<80x128xf32, #tpu.memory_space<vmem>>
    %dma_wait3A_1188 = arith.constant 0 : i32
    %dma_wait3A_1189 = tpu.memref_slice %arg6[%add3A_1182, %dma_wait3A_1188] : memref<320000x128xf32, #tpu.memory_space<hbm>> -> memref<80x128xf32, #tpu.memory_space<hbm>>
    %dma_wait3A_1190 = arith.constant 0 : i32
    %dma_wait3A_1191 = tpu.memref_slice %arg6[%add3A_1182, %dma_wait3A_1190] : memref<320000x128xf32, #tpu.memory_space<hbm>> -> memref<80x128xf32, #tpu.memory_space<hbm>>
    %dma_wait3A_1192 = arith.constant 0 : i32
    %dma_wait3A_1193 = arith.constant 0 : i32
    %dma_wait3A_1194 = tpu.memref_slice %arg11[%dma_wait3A_1183, %dma_wait3A_1192, %dma_wait3A_1193] : memref<8x80x128xf32, #tpu.memory_space<vmem>> -> memref<1x80x128xf32, #tpu.memory_space<vmem>>
    %dma_wait3A_1195 = tpu.memref_squeeze %dma_wait3A_1194 : memref<1x80x128xf32, #tpu.memory_space<vmem>> -> memref<80x128xf32, #tpu.memory_space<vmem>>
    tpu.wait_dma2 semaphore(%arg26 : memref<!tpu.dma_semaphore, #tpu.memory_space<semaphore_mem>>) src(%dma_wait3A_1195 : memref<80x128xf32, #tpu.memory_space<vmem>>) dst(%dma_wait3A_1191 : memref<80x128xf32, #tpu.memory_space<hbm>>)
    %add3A_1196 = arith.constant 9440 : i32
    %add3A_1197 = arith.addi %mul3A_2, %add3A_1196 : i32
    %dma_wait3A_1198 = arith.constant 6 : i32
    %dma_wait3A_1199 = arith.constant 0 : i32
    %dma_wait3A_1200 = arith.constant 0 : i32
    %dma_wait3A_1201 = tpu.memref_slice %arg11[%dma_wait3A_1198, %dma_wait3A_1199, %dma_wait3A_1200] : memref<8x80x128xf32, #tpu.memory_space<vmem>> -> memref<1x80x128xf32, #tpu.memory_space<vmem>>
    %dma_wait3A_1202 = tpu.memref_squeeze %dma_wait3A_1201 : memref<1x80x128xf32, #tpu.memory_space<vmem>> -> memref<80x128xf32, #tpu.memory_space<vmem>>
    %dma_wait3A_1203 = arith.constant 0 : i32
    %dma_wait3A_1204 = tpu.memref_slice %arg6[%add3A_1197, %dma_wait3A_1203] : memref<320000x128xf32, #tpu.memory_space<hbm>> -> memref<80x128xf32, #tpu.memory_space<hbm>>
    %dma_wait3A_1205 = arith.constant 0 : i32
    %dma_wait3A_1206 = tpu.memref_slice %arg6[%add3A_1197, %dma_wait3A_1205] : memref<320000x128xf32, #tpu.memory_space<hbm>> -> memref<80x128xf32, #tpu.memory_space<hbm>>
    %dma_wait3A_1207 = arith.constant 0 : i32
    %dma_wait3A_1208 = arith.constant 0 : i32
    %dma_wait3A_1209 = tpu.memref_slice %arg11[%dma_wait3A_1198, %dma_wait3A_1207, %dma_wait3A_1208] : memref<8x80x128xf32, #tpu.memory_space<vmem>> -> memref<1x80x128xf32, #tpu.memory_space<vmem>>
    %dma_wait3A_1210 = tpu.memref_squeeze %dma_wait3A_1209 : memref<1x80x128xf32, #tpu.memory_space<vmem>> -> memref<80x128xf32, #tpu.memory_space<vmem>>
    tpu.wait_dma2 semaphore(%arg27 : memref<!tpu.dma_semaphore, #tpu.memory_space<semaphore_mem>>) src(%dma_wait3A_1210 : memref<80x128xf32, #tpu.memory_space<vmem>>) dst(%dma_wait3A_1206 : memref<80x128xf32, #tpu.memory_space<hbm>>)
    %add3A_1211 = arith.constant 9520 : i32
    %add3A_1212 = arith.addi %mul3A_2, %add3A_1211 : i32
    %dma_wait3A_1213 = arith.constant 7 : i32
    %dma_wait3A_1214 = arith.constant 0 : i32
    %dma_wait3A_1215 = arith.constant 0 : i32
    %dma_wait3A_1216 = tpu.memref_slice %arg11[%dma_wait3A_1213, %dma_wait3A_1214, %dma_wait3A_1215] : memref<8x80x128xf32, #tpu.memory_space<vmem>> -> memref<1x80x128xf32, #tpu.memory_space<vmem>>
    %dma_wait3A_1217 = tpu.memref_squeeze %dma_wait3A_1216 : memref<1x80x128xf32, #tpu.memory_space<vmem>> -> memref<80x128xf32, #tpu.memory_space<vmem>>
    %dma_wait3A_1218 = arith.constant 0 : i32
    %dma_wait3A_1219 = tpu.memref_slice %arg6[%add3A_1212, %dma_wait3A_1218] : memref<320000x128xf32, #tpu.memory_space<hbm>> -> memref<80x128xf32, #tpu.memory_space<hbm>>
    %dma_wait3A_1220 = arith.constant 0 : i32
    %dma_wait3A_1221 = tpu.memref_slice %arg6[%add3A_1212, %dma_wait3A_1220] : memref<320000x128xf32, #tpu.memory_space<hbm>> -> memref<80x128xf32, #tpu.memory_space<hbm>>
    %dma_wait3A_1222 = arith.constant 0 : i32
    %dma_wait3A_1223 = arith.constant 0 : i32
    %dma_wait3A_1224 = tpu.memref_slice %arg11[%dma_wait3A_1213, %dma_wait3A_1222, %dma_wait3A_1223] : memref<8x80x128xf32, #tpu.memory_space<vmem>> -> memref<1x80x128xf32, #tpu.memory_space<vmem>>
    %dma_wait3A_1225 = tpu.memref_squeeze %dma_wait3A_1224 : memref<1x80x128xf32, #tpu.memory_space<vmem>> -> memref<80x128xf32, #tpu.memory_space<vmem>>
    tpu.wait_dma2 semaphore(%arg28 : memref<!tpu.dma_semaphore, #tpu.memory_space<semaphore_mem>>) src(%dma_wait3A_1225 : memref<80x128xf32, #tpu.memory_space<vmem>>) dst(%dma_wait3A_1221 : memref<80x128xf32, #tpu.memory_space<hbm>>)
    %add3A_1226 = arith.constant 9600 : i32
    %add3A_1227 = arith.addi %mul3A_2, %add3A_1226 : i32
    %dma_wait3A_1228 = arith.constant 0 : i32
    %dma_wait3A_1229 = arith.constant 0 : i32
    %dma_wait3A_1230 = arith.constant 0 : i32
    %dma_wait3A_1231 = tpu.memref_slice %arg11[%dma_wait3A_1228, %dma_wait3A_1229, %dma_wait3A_1230] : memref<8x80x128xf32, #tpu.memory_space<vmem>> -> memref<1x80x128xf32, #tpu.memory_space<vmem>>
    %dma_wait3A_1232 = tpu.memref_squeeze %dma_wait3A_1231 : memref<1x80x128xf32, #tpu.memory_space<vmem>> -> memref<80x128xf32, #tpu.memory_space<vmem>>
    %dma_wait3A_1233 = arith.constant 0 : i32
    %dma_wait3A_1234 = tpu.memref_slice %arg6[%add3A_1227, %dma_wait3A_1233] : memref<320000x128xf32, #tpu.memory_space<hbm>> -> memref<80x128xf32, #tpu.memory_space<hbm>>
    %dma_wait3A_1235 = arith.constant 0 : i32
    %dma_wait3A_1236 = tpu.memref_slice %arg6[%add3A_1227, %dma_wait3A_1235] : memref<320000x128xf32, #tpu.memory_space<hbm>> -> memref<80x128xf32, #tpu.memory_space<hbm>>
    %dma_wait3A_1237 = arith.constant 0 : i32
    %dma_wait3A_1238 = arith.constant 0 : i32
    %dma_wait3A_1239 = tpu.memref_slice %arg11[%dma_wait3A_1228, %dma_wait3A_1237, %dma_wait3A_1238] : memref<8x80x128xf32, #tpu.memory_space<vmem>> -> memref<1x80x128xf32, #tpu.memory_space<vmem>>
    %dma_wait3A_1240 = tpu.memref_squeeze %dma_wait3A_1239 : memref<1x80x128xf32, #tpu.memory_space<vmem>> -> memref<80x128xf32, #tpu.memory_space<vmem>>
    tpu.wait_dma2 semaphore(%arg21 : memref<!tpu.dma_semaphore, #tpu.memory_space<semaphore_mem>>) src(%dma_wait3A_1240 : memref<80x128xf32, #tpu.memory_space<vmem>>) dst(%dma_wait3A_1236 : memref<80x128xf32, #tpu.memory_space<hbm>>)
    %add3A_1241 = arith.constant 9680 : i32
    %add3A_1242 = arith.addi %mul3A_2, %add3A_1241 : i32
    %dma_wait3A_1243 = arith.constant 1 : i32
    %dma_wait3A_1244 = arith.constant 0 : i32
    %dma_wait3A_1245 = arith.constant 0 : i32
    %dma_wait3A_1246 = tpu.memref_slice %arg11[%dma_wait3A_1243, %dma_wait3A_1244, %dma_wait3A_1245] : memref<8x80x128xf32, #tpu.memory_space<vmem>> -> memref<1x80x128xf32, #tpu.memory_space<vmem>>
    %dma_wait3A_1247 = tpu.memref_squeeze %dma_wait3A_1246 : memref<1x80x128xf32, #tpu.memory_space<vmem>> -> memref<80x128xf32, #tpu.memory_space<vmem>>
    %dma_wait3A_1248 = arith.constant 0 : i32
    %dma_wait3A_1249 = tpu.memref_slice %arg6[%add3A_1242, %dma_wait3A_1248] : memref<320000x128xf32, #tpu.memory_space<hbm>> -> memref<80x128xf32, #tpu.memory_space<hbm>>
    %dma_wait3A_1250 = arith.constant 0 : i32
    %dma_wait3A_1251 = tpu.memref_slice %arg6[%add3A_1242, %dma_wait3A_1250] : memref<320000x128xf32, #tpu.memory_space<hbm>> -> memref<80x128xf32, #tpu.memory_space<hbm>>
    %dma_wait3A_1252 = arith.constant 0 : i32
    %dma_wait3A_1253 = arith.constant 0 : i32
    %dma_wait3A_1254 = tpu.memref_slice %arg11[%dma_wait3A_1243, %dma_wait3A_1252, %dma_wait3A_1253] : memref<8x80x128xf32, #tpu.memory_space<vmem>> -> memref<1x80x128xf32, #tpu.memory_space<vmem>>
    %dma_wait3A_1255 = tpu.memref_squeeze %dma_wait3A_1254 : memref<1x80x128xf32, #tpu.memory_space<vmem>> -> memref<80x128xf32, #tpu.memory_space<vmem>>
    tpu.wait_dma2 semaphore(%arg22 : memref<!tpu.dma_semaphore, #tpu.memory_space<semaphore_mem>>) src(%dma_wait3A_1255 : memref<80x128xf32, #tpu.memory_space<vmem>>) dst(%dma_wait3A_1251 : memref<80x128xf32, #tpu.memory_space<hbm>>)
    %add3A_1256 = arith.constant 9760 : i32
    %add3A_1257 = arith.addi %mul3A_2, %add3A_1256 : i32
    %dma_wait3A_1258 = arith.constant 2 : i32
    %dma_wait3A_1259 = arith.constant 0 : i32
    %dma_wait3A_1260 = arith.constant 0 : i32
    %dma_wait3A_1261 = tpu.memref_slice %arg11[%dma_wait3A_1258, %dma_wait3A_1259, %dma_wait3A_1260] : memref<8x80x128xf32, #tpu.memory_space<vmem>> -> memref<1x80x128xf32, #tpu.memory_space<vmem>>
    %dma_wait3A_1262 = tpu.memref_squeeze %dma_wait3A_1261 : memref<1x80x128xf32, #tpu.memory_space<vmem>> -> memref<80x128xf32, #tpu.memory_space<vmem>>
    %dma_wait3A_1263 = arith.constant 0 : i32
    %dma_wait3A_1264 = tpu.memref_slice %arg6[%add3A_1257, %dma_wait3A_1263] : memref<320000x128xf32, #tpu.memory_space<hbm>> -> memref<80x128xf32, #tpu.memory_space<hbm>>
    %dma_wait3A_1265 = arith.constant 0 : i32
    %dma_wait3A_1266 = tpu.memref_slice %arg6[%add3A_1257, %dma_wait3A_1265] : memref<320000x128xf32, #tpu.memory_space<hbm>> -> memref<80x128xf32, #tpu.memory_space<hbm>>
    %dma_wait3A_1267 = arith.constant 0 : i32
    %dma_wait3A_1268 = arith.constant 0 : i32
    %dma_wait3A_1269 = tpu.memref_slice %arg11[%dma_wait3A_1258, %dma_wait3A_1267, %dma_wait3A_1268] : memref<8x80x128xf32, #tpu.memory_space<vmem>> -> memref<1x80x128xf32, #tpu.memory_space<vmem>>
    %dma_wait3A_1270 = tpu.memref_squeeze %dma_wait3A_1269 : memref<1x80x128xf32, #tpu.memory_space<vmem>> -> memref<80x128xf32, #tpu.memory_space<vmem>>
    tpu.wait_dma2 semaphore(%arg23 : memref<!tpu.dma_semaphore, #tpu.memory_space<semaphore_mem>>) src(%dma_wait3A_1270 : memref<80x128xf32, #tpu.memory_space<vmem>>) dst(%dma_wait3A_1266 : memref<80x128xf32, #tpu.memory_space<hbm>>)
    %add3A_1271 = arith.constant 9840 : i32
    %add3A_1272 = arith.addi %mul3A_2, %add3A_1271 : i32
    %dma_wait3A_1273 = arith.constant 3 : i32
    %dma_wait3A_1274 = arith.constant 0 : i32
    %dma_wait3A_1275 = arith.constant 0 : i32
    %dma_wait3A_1276 = tpu.memref_slice %arg11[%dma_wait3A_1273, %dma_wait3A_1274, %dma_wait3A_1275] : memref<8x80x128xf32, #tpu.memory_space<vmem>> -> memref<1x80x128xf32, #tpu.memory_space<vmem>>
    %dma_wait3A_1277 = tpu.memref_squeeze %dma_wait3A_1276 : memref<1x80x128xf32, #tpu.memory_space<vmem>> -> memref<80x128xf32, #tpu.memory_space<vmem>>
    %dma_wait3A_1278 = arith.constant 0 : i32
    %dma_wait3A_1279 = tpu.memref_slice %arg6[%add3A_1272, %dma_wait3A_1278] : memref<320000x128xf32, #tpu.memory_space<hbm>> -> memref<80x128xf32, #tpu.memory_space<hbm>>
    %dma_wait3A_1280 = arith.constant 0 : i32
    %dma_wait3A_1281 = tpu.memref_slice %arg6[%add3A_1272, %dma_wait3A_1280] : memref<320000x128xf32, #tpu.memory_space<hbm>> -> memref<80x128xf32, #tpu.memory_space<hbm>>
    %dma_wait3A_1282 = arith.constant 0 : i32
    %dma_wait3A_1283 = arith.constant 0 : i32
    %dma_wait3A_1284 = tpu.memref_slice %arg11[%dma_wait3A_1273, %dma_wait3A_1282, %dma_wait3A_1283] : memref<8x80x128xf32, #tpu.memory_space<vmem>> -> memref<1x80x128xf32, #tpu.memory_space<vmem>>
    %dma_wait3A_1285 = tpu.memref_squeeze %dma_wait3A_1284 : memref<1x80x128xf32, #tpu.memory_space<vmem>> -> memref<80x128xf32, #tpu.memory_space<vmem>>
    tpu.wait_dma2 semaphore(%arg24 : memref<!tpu.dma_semaphore, #tpu.memory_space<semaphore_mem>>) src(%dma_wait3A_1285 : memref<80x128xf32, #tpu.memory_space<vmem>>) dst(%dma_wait3A_1281 : memref<80x128xf32, #tpu.memory_space<hbm>>)
    %add3A_1286 = arith.constant 9920 : i32
    %add3A_1287 = arith.addi %mul3A_2, %add3A_1286 : i32
    %dma_wait3A_1288 = arith.constant 4 : i32
    %dma_wait3A_1289 = arith.constant 0 : i32
    %dma_wait3A_1290 = arith.constant 0 : i32
    %dma_wait3A_1291 = tpu.memref_slice %arg11[%dma_wait3A_1288, %dma_wait3A_1289, %dma_wait3A_1290] : memref<8x80x128xf32, #tpu.memory_space<vmem>> -> memref<1x80x128xf32, #tpu.memory_space<vmem>>
    %dma_wait3A_1292 = tpu.memref_squeeze %dma_wait3A_1291 : memref<1x80x128xf32, #tpu.memory_space<vmem>> -> memref<80x128xf32, #tpu.memory_space<vmem>>
    %dma_wait3A_1293 = arith.constant 0 : i32
    %dma_wait3A_1294 = tpu.memref_slice %arg6[%add3A_1287, %dma_wait3A_1293] : memref<320000x128xf32, #tpu.memory_space<hbm>> -> memref<80x128xf32, #tpu.memory_space<hbm>>
    %dma_wait3A_1295 = arith.constant 0 : i32
    %dma_wait3A_1296 = tpu.memref_slice %arg6[%add3A_1287, %dma_wait3A_1295] : memref<320000x128xf32, #tpu.memory_space<hbm>> -> memref<80x128xf32, #tpu.memory_space<hbm>>
    %dma_wait3A_1297 = arith.constant 0 : i32
    %dma_wait3A_1298 = arith.constant 0 : i32
    %dma_wait3A_1299 = tpu.memref_slice %arg11[%dma_wait3A_1288, %dma_wait3A_1297, %dma_wait3A_1298] : memref<8x80x128xf32, #tpu.memory_space<vmem>> -> memref<1x80x128xf32, #tpu.memory_space<vmem>>
    %dma_wait3A_1300 = tpu.memref_squeeze %dma_wait3A_1299 : memref<1x80x128xf32, #tpu.memory_space<vmem>> -> memref<80x128xf32, #tpu.memory_space<vmem>>
    tpu.wait_dma2 semaphore(%arg25 : memref<!tpu.dma_semaphore, #tpu.memory_space<semaphore_mem>>) src(%dma_wait3A_1300 : memref<80x128xf32, #tpu.memory_space<vmem>>) dst(%dma_wait3A_1296 : memref<80x128xf32, #tpu.memory_space<hbm>>)
    return
  }
}

module attributes {stable_mosaic.version = 14 : i64} {
  func.func @_build_table_kernel(%arg0: memref<5x128xf32, #tpu.memory_space<vmem>>, %arg1: memref<6x128xf32, #tpu.memory_space<vmem>>, %arg2: memref<2x128xf32, #tpu.memory_space<vmem>>, %arg3: memref<60x128xf32, #tpu.memory_space<vmem>>) attributes {dimension_semantics = [], scalar_prefetch = 0 : i64, scratch_operands = 0 : i64, tpu.core_type = #tpu.core_type<tc>} {
    %get3A = arith.constant 0 : index
    %get3A_0 = arith.constant 0 : index
    %get3A_1 = vector.load %arg0[%get3A, %get3A_0] : memref<5x128xf32, #tpu.memory_space<vmem>>, vector<1x128xf32>
    %get3A_2 = arith.constant 0 : index
    %get3A_3 = arith.constant 0 : index
    %get3A_4 = vector.load %arg1[%get3A_2, %get3A_3] : memref<6x128xf32, #tpu.memory_space<vmem>>, vector<1x128xf32>
    %add3A = arith.addf %get3A_1, %get3A_4 : vector<1x128xf32>
    %get3A_5 = arith.constant 0 : index
    %get3A_6 = arith.constant 0 : index
    %get3A_7 = vector.load %arg2[%get3A_5, %get3A_6] : memref<2x128xf32, #tpu.memory_space<vmem>>, vector<1x128xf32>
    %add3A_8 = arith.addf %add3A, %get3A_7 : vector<1x128xf32>
    %swap3A = arith.constant 0 : index
    %swap3A_9 = arith.constant 0 : index
    %swap3A_10 = vector.load %arg3[%swap3A, %swap3A_9] : memref<60x128xf32, #tpu.memory_space<vmem>>, vector<1x128xf32>
    tpu.vector_store %arg3[%swap3A, %swap3A_9], %add3A_8 {strides = array<i32>} : memref<60x128xf32, #tpu.memory_space<vmem>>, vector<1x128xf32>,
    %get3A_11 = arith.constant 1 : index
    %get3A_12 = arith.constant 0 : index
    %get3A_13 = vector.load %arg2[%get3A_11, %get3A_12] : memref<2x128xf32, #tpu.memory_space<vmem>>, vector<1x128xf32>
    %add3A_14 = arith.addf %add3A, %get3A_13 : vector<1x128xf32>
    %swap3A_15 = arith.constant 1 : index
    %swap3A_16 = arith.constant 0 : index
    %swap3A_17 = vector.load %arg3[%swap3A_15, %swap3A_16] : memref<60x128xf32, #tpu.memory_space<vmem>>, vector<1x128xf32>
    tpu.vector_store %arg3[%swap3A_15, %swap3A_16], %add3A_14 {strides = array<i32>} : memref<60x128xf32, #tpu.memory_space<vmem>>, vector<1x128xf32>,
    %get3A_18 = arith.constant 0 : index
    %get3A_19 = arith.constant 0 : index
    %get3A_20 = vector.load %arg0[%get3A_18, %get3A_19] : memref<5x128xf32, #tpu.memory_space<vmem>>, vector<1x128xf32>
    %get3A_21 = arith.constant 1 : index
    %get3A_22 = arith.constant 0 : index
    %get3A_23 = vector.load %arg1[%get3A_21, %get3A_22] : memref<6x128xf32, #tpu.memory_space<vmem>>, vector<1x128xf32>
    %add3A_24 = arith.addf %get3A_20, %get3A_23 : vector<1x128xf32>
    %get3A_25 = arith.constant 0 : index
    %get3A_26 = arith.constant 0 : index
    %get3A_27 = vector.load %arg2[%get3A_25, %get3A_26] : memref<2x128xf32, #tpu.memory_space<vmem>>, vector<1x128xf32>
    %add3A_28 = arith.addf %add3A_24, %get3A_27 : vector<1x128xf32>
    %swap3A_29 = arith.constant 2 : index
    %swap3A_30 = arith.constant 0 : index
    %swap3A_31 = vector.load %arg3[%swap3A_29, %swap3A_30] : memref<60x128xf32, #tpu.memory_space<vmem>>, vector<1x128xf32>
    tpu.vector_store %arg3[%swap3A_29, %swap3A_30], %add3A_28 {strides = array<i32>} : memref<60x128xf32, #tpu.memory_space<vmem>>, vector<1x128xf32>,
    %get3A_32 = arith.constant 1 : index
    %get3A_33 = arith.constant 0 : index
    %get3A_34 = vector.load %arg2[%get3A_32, %get3A_33] : memref<2x128xf32, #tpu.memory_space<vmem>>, vector<1x128xf32>
    %add3A_35 = arith.addf %add3A_24, %get3A_34 : vector<1x128xf32>
    %swap3A_36 = arith.constant 3 : index
    %swap3A_37 = arith.constant 0 : index
    %swap3A_38 = vector.load %arg3[%swap3A_36, %swap3A_37] : memref<60x128xf32, #tpu.memory_space<vmem>>, vector<1x128xf32>
    tpu.vector_store %arg3[%swap3A_36, %swap3A_37], %add3A_35 {strides = array<i32>} : memref<60x128xf32, #tpu.memory_space<vmem>>, vector<1x128xf32>,
    %get3A_39 = arith.constant 0 : index
    %get3A_40 = arith.constant 0 : index
    %get3A_41 = vector.load %arg0[%get3A_39, %get3A_40] : memref<5x128xf32, #tpu.memory_space<vmem>>, vector<1x128xf32>
    %get3A_42 = arith.constant 2 : index
    %get3A_43 = arith.constant 0 : index
    %get3A_44 = vector.load %arg1[%get3A_42, %get3A_43] : memref<6x128xf32, #tpu.memory_space<vmem>>, vector<1x128xf32>
    %add3A_45 = arith.addf %get3A_41, %get3A_44 : vector<1x128xf32>
    %get3A_46 = arith.constant 0 : index
    %get3A_47 = arith.constant 0 : index
    %get3A_48 = vector.load %arg2[%get3A_46, %get3A_47] : memref<2x128xf32, #tpu.memory_space<vmem>>, vector<1x128xf32>
    %add3A_49 = arith.addf %add3A_45, %get3A_48 : vector<1x128xf32>
    %swap3A_50 = arith.constant 4 : index
    %swap3A_51 = arith.constant 0 : index
    %swap3A_52 = vector.load %arg3[%swap3A_50, %swap3A_51] : memref<60x128xf32, #tpu.memory_space<vmem>>, vector<1x128xf32>
    tpu.vector_store %arg3[%swap3A_50, %swap3A_51], %add3A_49 {strides = array<i32>} : memref<60x128xf32, #tpu.memory_space<vmem>>, vector<1x128xf32>,
    %get3A_53 = arith.constant 1 : index
    %get3A_54 = arith.constant 0 : index
    %get3A_55 = vector.load %arg2[%get3A_53, %get3A_54] : memref<2x128xf32, #tpu.memory_space<vmem>>, vector<1x128xf32>
    %add3A_56 = arith.addf %add3A_45, %get3A_55 : vector<1x128xf32>
    %swap3A_57 = arith.constant 5 : index
    %swap3A_58 = arith.constant 0 : index
    %swap3A_59 = vector.load %arg3[%swap3A_57, %swap3A_58] : memref<60x128xf32, #tpu.memory_space<vmem>>, vector<1x128xf32>
    tpu.vector_store %arg3[%swap3A_57, %swap3A_58], %add3A_56 {strides = array<i32>} : memref<60x128xf32, #tpu.memory_space<vmem>>, vector<1x128xf32>,
    %get3A_60 = arith.constant 0 : index
    %get3A_61 = arith.constant 0 : index
    %get3A_62 = vector.load %arg0[%get3A_60, %get3A_61] : memref<5x128xf32, #tpu.memory_space<vmem>>, vector<1x128xf32>
    %get3A_63 = arith.constant 3 : index
    %get3A_64 = arith.constant 0 : index
    %get3A_65 = vector.load %arg1[%get3A_63, %get3A_64] : memref<6x128xf32, #tpu.memory_space<vmem>>, vector<1x128xf32>
    %add3A_66 = arith.addf %get3A_62, %get3A_65 : vector<1x128xf32>
    %get3A_67 = arith.constant 0 : index
    %get3A_68 = arith.constant 0 : index
    %get3A_69 = vector.load %arg2[%get3A_67, %get3A_68] : memref<2x128xf32, #tpu.memory_space<vmem>>, vector<1x128xf32>
    %add3A_70 = arith.addf %add3A_66, %get3A_69 : vector<1x128xf32>
    %swap3A_71 = arith.constant 6 : index
    %swap3A_72 = arith.constant 0 : index
    %swap3A_73 = vector.load %arg3[%swap3A_71, %swap3A_72] : memref<60x128xf32, #tpu.memory_space<vmem>>, vector<1x128xf32>
    tpu.vector_store %arg3[%swap3A_71, %swap3A_72], %add3A_70 {strides = array<i32>} : memref<60x128xf32, #tpu.memory_space<vmem>>, vector<1x128xf32>,
    %get3A_74 = arith.constant 1 : index
    %get3A_75 = arith.constant 0 : index
    %get3A_76 = vector.load %arg2[%get3A_74, %get3A_75] : memref<2x128xf32, #tpu.memory_space<vmem>>, vector<1x128xf32>
    %add3A_77 = arith.addf %add3A_66, %get3A_76 : vector<1x128xf32>
    %swap3A_78 = arith.constant 7 : index
    %swap3A_79 = arith.constant 0 : index
    %swap3A_80 = vector.load %arg3[%swap3A_78, %swap3A_79] : memref<60x128xf32, #tpu.memory_space<vmem>>, vector<1x128xf32>
    tpu.vector_store %arg3[%swap3A_78, %swap3A_79], %add3A_77 {strides = array<i32>} : memref<60x128xf32, #tpu.memory_space<vmem>>, vector<1x128xf32>,
    %get3A_81 = arith.constant 0 : index
    %get3A_82 = arith.constant 0 : index
    %get3A_83 = vector.load %arg0[%get3A_81, %get3A_82] : memref<5x128xf32, #tpu.memory_space<vmem>>, vector<1x128xf32>
    %get3A_84 = arith.constant 4 : index
    %get3A_85 = arith.constant 0 : index
    %get3A_86 = vector.load %arg1[%get3A_84, %get3A_85] : memref<6x128xf32, #tpu.memory_space<vmem>>, vector<1x128xf32>
    %add3A_87 = arith.addf %get3A_83, %get3A_86 : vector<1x128xf32>
    %get3A_88 = arith.constant 0 : index
    %get3A_89 = arith.constant 0 : index
    %get3A_90 = vector.load %arg2[%get3A_88, %get3A_89] : memref<2x128xf32, #tpu.memory_space<vmem>>, vector<1x128xf32>
    %add3A_91 = arith.addf %add3A_87, %get3A_90 : vector<1x128xf32>
    %swap3A_92 = arith.constant 8 : index
    %swap3A_93 = arith.constant 0 : index
    %swap3A_94 = vector.load %arg3[%swap3A_92, %swap3A_93] : memref<60x128xf32, #tpu.memory_space<vmem>>, vector<1x128xf32>
    tpu.vector_store %arg3[%swap3A_92, %swap3A_93], %add3A_91 {strides = array<i32>} : memref<60x128xf32, #tpu.memory_space<vmem>>, vector<1x128xf32>,
    %get3A_95 = arith.constant 1 : index
    %get3A_96 = arith.constant 0 : index
    %get3A_97 = vector.load %arg2[%get3A_95, %get3A_96] : memref<2x128xf32, #tpu.memory_space<vmem>>, vector<1x128xf32>
    %add3A_98 = arith.addf %add3A_87, %get3A_97 : vector<1x128xf32>
    %swap3A_99 = arith.constant 9 : index
    %swap3A_100 = arith.constant 0 : index
    %swap3A_101 = vector.load %arg3[%swap3A_99, %swap3A_100] : memref<60x128xf32, #tpu.memory_space<vmem>>, vector<1x128xf32>
    tpu.vector_store %arg3[%swap3A_99, %swap3A_100], %add3A_98 {strides = array<i32>} : memref<60x128xf32, #tpu.memory_space<vmem>>, vector<1x128xf32>,
    %get3A_102 = arith.constant 0 : index
    %get3A_103 = arith.constant 0 : index
    %get3A_104 = vector.load %arg0[%get3A_102, %get3A_103] : memref<5x128xf32, #tpu.memory_space<vmem>>, vector<1x128xf32>
    %get3A_105 = arith.constant 5 : index
    %get3A_106 = arith.constant 0 : index
    %get3A_107 = vector.load %arg1[%get3A_105, %get3A_106] : memref<6x128xf32, #tpu.memory_space<vmem>>, vector<1x128xf32>
    %add3A_108 = arith.addf %get3A_104, %get3A_107 : vector<1x128xf32>
    %get3A_109 = arith.constant 0 : index
    %get3A_110 = arith.constant 0 : index
    %get3A_111 = vector.load %arg2[%get3A_109, %get3A_110] : memref<2x128xf32, #tpu.memory_space<vmem>>, vector<1x128xf32>
    %add3A_112 = arith.addf %add3A_108, %get3A_111 : vector<1x128xf32>
    %swap3A_113 = arith.constant 10 : index
    %swap3A_114 = arith.constant 0 : index
    %swap3A_115 = vector.load %arg3[%swap3A_113, %swap3A_114] : memref<60x128xf32, #tpu.memory_space<vmem>>, vector<1x128xf32>
    tpu.vector_store %arg3[%swap3A_113, %swap3A_114], %add3A_112 {strides = array<i32>} : memref<60x128xf32, #tpu.memory_space<vmem>>, vector<1x128xf32>,
    %get3A_116 = arith.constant 1 : index
    %get3A_117 = arith.constant 0 : index
    %get3A_118 = vector.load %arg2[%get3A_116, %get3A_117] : memref<2x128xf32, #tpu.memory_space<vmem>>, vector<1x128xf32>
    %add3A_119 = arith.addf %add3A_108, %get3A_118 : vector<1x128xf32>
    %swap3A_120 = arith.constant 11 : index
    %swap3A_121 = arith.constant 0 : index
    %swap3A_122 = vector.load %arg3[%swap3A_120, %swap3A_121] : memref<60x128xf32, #tpu.memory_space<vmem>>, vector<1x128xf32>
    tpu.vector_store %arg3[%swap3A_120, %swap3A_121], %add3A_119 {strides = array<i32>} : memref<60x128xf32, #tpu.memory_space<vmem>>, vector<1x128xf32>,
    %get3A_123 = arith.constant 1 : index
    %get3A_124 = arith.constant 0 : index
    %get3A_125 = vector.load %arg0[%get3A_123, %get3A_124] : memref<5x128xf32, #tpu.memory_space<vmem>>, vector<1x128xf32>
    %get3A_126 = arith.constant 0 : index
    %get3A_127 = arith.constant 0 : index
    %get3A_128 = vector.load %arg1[%get3A_126, %get3A_127] : memref<6x128xf32, #tpu.memory_space<vmem>>, vector<1x128xf32>
    %add3A_129 = arith.addf %get3A_125, %get3A_128 : vector<1x128xf32>
    %get3A_130 = arith.constant 0 : index
    %get3A_131 = arith.constant 0 : index
    %get3A_132 = vector.load %arg2[%get3A_130, %get3A_131] : memref<2x128xf32, #tpu.memory_space<vmem>>, vector<1x128xf32>
    %add3A_133 = arith.addf %add3A_129, %get3A_132 : vector<1x128xf32>
    %swap3A_134 = arith.constant 12 : index
    %swap3A_135 = arith.constant 0 : index
    %swap3A_136 = vector.load %arg3[%swap3A_134, %swap3A_135] : memref<60x128xf32, #tpu.memory_space<vmem>>, vector<1x128xf32>
    tpu.vector_store %arg3[%swap3A_134, %swap3A_135], %add3A_133 {strides = array<i32>} : memref<60x128xf32, #tpu.memory_space<vmem>>, vector<1x128xf32>,
    %get3A_137 = arith.constant 1 : index
    %get3A_138 = arith.constant 0 : index
    %get3A_139 = vector.load %arg2[%get3A_137, %get3A_138] : memref<2x128xf32, #tpu.memory_space<vmem>>, vector<1x128xf32>
    %add3A_140 = arith.addf %add3A_129, %get3A_139 : vector<1x128xf32>
    %swap3A_141 = arith.constant 13 : index
    %swap3A_142 = arith.constant 0 : index
    %swap3A_143 = vector.load %arg3[%swap3A_141, %swap3A_142] : memref<60x128xf32, #tpu.memory_space<vmem>>, vector<1x128xf32>
    tpu.vector_store %arg3[%swap3A_141, %swap3A_142], %add3A_140 {strides = array<i32>} : memref<60x128xf32, #tpu.memory_space<vmem>>, vector<1x128xf32>,
    %get3A_144 = arith.constant 1 : index
    %get3A_145 = arith.constant 0 : index
    %get3A_146 = vector.load %arg0[%get3A_144, %get3A_145] : memref<5x128xf32, #tpu.memory_space<vmem>>, vector<1x128xf32>
    %get3A_147 = arith.constant 1 : index
    %get3A_148 = arith.constant 0 : index
    %get3A_149 = vector.load %arg1[%get3A_147, %get3A_148] : memref<6x128xf32, #tpu.memory_space<vmem>>, vector<1x128xf32>
    %add3A_150 = arith.addf %get3A_146, %get3A_149 : vector<1x128xf32>
    %get3A_151 = arith.constant 0 : index
    %get3A_152 = arith.constant 0 : index
    %get3A_153 = vector.load %arg2[%get3A_151, %get3A_152] : memref<2x128xf32, #tpu.memory_space<vmem>>, vector<1x128xf32>
    %add3A_154 = arith.addf %add3A_150, %get3A_153 : vector<1x128xf32>
    %swap3A_155 = arith.constant 14 : index
    %swap3A_156 = arith.constant 0 : index
    %swap3A_157 = vector.load %arg3[%swap3A_155, %swap3A_156] : memref<60x128xf32, #tpu.memory_space<vmem>>, vector<1x128xf32>
    tpu.vector_store %arg3[%swap3A_155, %swap3A_156], %add3A_154 {strides = array<i32>} : memref<60x128xf32, #tpu.memory_space<vmem>>, vector<1x128xf32>,
    %get3A_158 = arith.constant 1 : index
    %get3A_159 = arith.constant 0 : index
    %get3A_160 = vector.load %arg2[%get3A_158, %get3A_159] : memref<2x128xf32, #tpu.memory_space<vmem>>, vector<1x128xf32>
    %add3A_161 = arith.addf %add3A_150, %get3A_160 : vector<1x128xf32>
    %swap3A_162 = arith.constant 15 : index
    %swap3A_163 = arith.constant 0 : index
    %swap3A_164 = vector.load %arg3[%swap3A_162, %swap3A_163] : memref<60x128xf32, #tpu.memory_space<vmem>>, vector<1x128xf32>
    tpu.vector_store %arg3[%swap3A_162, %swap3A_163], %add3A_161 {strides = array<i32>} : memref<60x128xf32, #tpu.memory_space<vmem>>, vector<1x128xf32>,
    %get3A_165 = arith.constant 1 : index
    %get3A_166 = arith.constant 0 : index
    %get3A_167 = vector.load %arg0[%get3A_165, %get3A_166] : memref<5x128xf32, #tpu.memory_space<vmem>>, vector<1x128xf32>
    %get3A_168 = arith.constant 2 : index
    %get3A_169 = arith.constant 0 : index
    %get3A_170 = vector.load %arg1[%get3A_168, %get3A_169] : memref<6x128xf32, #tpu.memory_space<vmem>>, vector<1x128xf32>
    %add3A_171 = arith.addf %get3A_167, %get3A_170 : vector<1x128xf32>
    %get3A_172 = arith.constant 0 : index
    %get3A_173 = arith.constant 0 : index
    %get3A_174 = vector.load %arg2[%get3A_172, %get3A_173] : memref<2x128xf32, #tpu.memory_space<vmem>>, vector<1x128xf32>
    %add3A_175 = arith.addf %add3A_171, %get3A_174 : vector<1x128xf32>
    %swap3A_176 = arith.constant 16 : index
    %swap3A_177 = arith.constant 0 : index
    %swap3A_178 = vector.load %arg3[%swap3A_176, %swap3A_177] : memref<60x128xf32, #tpu.memory_space<vmem>>, vector<1x128xf32>
    tpu.vector_store %arg3[%swap3A_176, %swap3A_177], %add3A_175 {strides = array<i32>} : memref<60x128xf32, #tpu.memory_space<vmem>>, vector<1x128xf32>,
    %get3A_179 = arith.constant 1 : index
    %get3A_180 = arith.constant 0 : index
    %get3A_181 = vector.load %arg2[%get3A_179, %get3A_180] : memref<2x128xf32, #tpu.memory_space<vmem>>, vector<1x128xf32>
    %add3A_182 = arith.addf %add3A_171, %get3A_181 : vector<1x128xf32>
    %swap3A_183 = arith.constant 17 : index
    %swap3A_184 = arith.constant 0 : index
    %swap3A_185 = vector.load %arg3[%swap3A_183, %swap3A_184] : memref<60x128xf32, #tpu.memory_space<vmem>>, vector<1x128xf32>
    tpu.vector_store %arg3[%swap3A_183, %swap3A_184], %add3A_182 {strides = array<i32>} : memref<60x128xf32, #tpu.memory_space<vmem>>, vector<1x128xf32>,
    %get3A_186 = arith.constant 1 : index
    %get3A_187 = arith.constant 0 : index
    %get3A_188 = vector.load %arg0[%get3A_186, %get3A_187] : memref<5x128xf32, #tpu.memory_space<vmem>>, vector<1x128xf32>
    %get3A_189 = arith.constant 3 : index
    %get3A_190 = arith.constant 0 : index
    %get3A_191 = vector.load %arg1[%get3A_189, %get3A_190] : memref<6x128xf32, #tpu.memory_space<vmem>>, vector<1x128xf32>
    %add3A_192 = arith.addf %get3A_188, %get3A_191 : vector<1x128xf32>
    %get3A_193 = arith.constant 0 : index
    %get3A_194 = arith.constant 0 : index
    %get3A_195 = vector.load %arg2[%get3A_193, %get3A_194] : memref<2x128xf32, #tpu.memory_space<vmem>>, vector<1x128xf32>
    %add3A_196 = arith.addf %add3A_192, %get3A_195 : vector<1x128xf32>
    %swap3A_197 = arith.constant 18 : index
    %swap3A_198 = arith.constant 0 : index
    %swap3A_199 = vector.load %arg3[%swap3A_197, %swap3A_198] : memref<60x128xf32, #tpu.memory_space<vmem>>, vector<1x128xf32>
    tpu.vector_store %arg3[%swap3A_197, %swap3A_198], %add3A_196 {strides = array<i32>} : memref<60x128xf32, #tpu.memory_space<vmem>>, vector<1x128xf32>,
    %get3A_200 = arith.constant 1 : index
    %get3A_201 = arith.constant 0 : index
    %get3A_202 = vector.load %arg2[%get3A_200, %get3A_201] : memref<2x128xf32, #tpu.memory_space<vmem>>, vector<1x128xf32>
    %add3A_203 = arith.addf %add3A_192, %get3A_202 : vector<1x128xf32>
    %swap3A_204 = arith.constant 19 : index
    %swap3A_205 = arith.constant 0 : index
    %swap3A_206 = vector.load %arg3[%swap3A_204, %swap3A_205] : memref<60x128xf32, #tpu.memory_space<vmem>>, vector<1x128xf32>
    tpu.vector_store %arg3[%swap3A_204, %swap3A_205], %add3A_203 {strides = array<i32>} : memref<60x128xf32, #tpu.memory_space<vmem>>, vector<1x128xf32>,
    %get3A_207 = arith.constant 1 : index
    %get3A_208 = arith.constant 0 : index
    %get3A_209 = vector.load %arg0[%get3A_207, %get3A_208] : memref<5x128xf32, #tpu.memory_space<vmem>>, vector<1x128xf32>
    %get3A_210 = arith.constant 4 : index
    %get3A_211 = arith.constant 0 : index
    %get3A_212 = vector.load %arg1[%get3A_210, %get3A_211] : memref<6x128xf32, #tpu.memory_space<vmem>>, vector<1x128xf32>
    %add3A_213 = arith.addf %get3A_209, %get3A_212 : vector<1x128xf32>
    %get3A_214 = arith.constant 0 : index
    %get3A_215 = arith.constant 0 : index
    %get3A_216 = vector.load %arg2[%get3A_214, %get3A_215] : memref<2x128xf32, #tpu.memory_space<vmem>>, vector<1x128xf32>
    %add3A_217 = arith.addf %add3A_213, %get3A_216 : vector<1x128xf32>
    %swap3A_218 = arith.constant 20 : index
    %swap3A_219 = arith.constant 0 : index
    %swap3A_220 = vector.load %arg3[%swap3A_218, %swap3A_219] : memref<60x128xf32, #tpu.memory_space<vmem>>, vector<1x128xf32>
    tpu.vector_store %arg3[%swap3A_218, %swap3A_219], %add3A_217 {strides = array<i32>} : memref<60x128xf32, #tpu.memory_space<vmem>>, vector<1x128xf32>,
    %get3A_221 = arith.constant 1 : index
    %get3A_222 = arith.constant 0 : index
    %get3A_223 = vector.load %arg2[%get3A_221, %get3A_222] : memref<2x128xf32, #tpu.memory_space<vmem>>, vector<1x128xf32>
    %add3A_224 = arith.addf %add3A_213, %get3A_223 : vector<1x128xf32>
    %swap3A_225 = arith.constant 21 : index
    %swap3A_226 = arith.constant 0 : index
    %swap3A_227 = vector.load %arg3[%swap3A_225, %swap3A_226] : memref<60x128xf32, #tpu.memory_space<vmem>>, vector<1x128xf32>
    tpu.vector_store %arg3[%swap3A_225, %swap3A_226], %add3A_224 {strides = array<i32>} : memref<60x128xf32, #tpu.memory_space<vmem>>, vector<1x128xf32>,
    %get3A_228 = arith.constant 1 : index
    %get3A_229 = arith.constant 0 : index
    %get3A_230 = vector.load %arg0[%get3A_228, %get3A_229] : memref<5x128xf32, #tpu.memory_space<vmem>>, vector<1x128xf32>
    %get3A_231 = arith.constant 5 : index
    %get3A_232 = arith.constant 0 : index
    %get3A_233 = vector.load %arg1[%get3A_231, %get3A_232] : memref<6x128xf32, #tpu.memory_space<vmem>>, vector<1x128xf32>
    %add3A_234 = arith.addf %get3A_230, %get3A_233 : vector<1x128xf32>
    %get3A_235 = arith.constant 0 : index
    %get3A_236 = arith.constant 0 : index
    %get3A_237 = vector.load %arg2[%get3A_235, %get3A_236] : memref<2x128xf32, #tpu.memory_space<vmem>>, vector<1x128xf32>
    %add3A_238 = arith.addf %add3A_234, %get3A_237 : vector<1x128xf32>
    %swap3A_239 = arith.constant 22 : index
    %swap3A_240 = arith.constant 0 : index
    %swap3A_241 = vector.load %arg3[%swap3A_239, %swap3A_240] : memref<60x128xf32, #tpu.memory_space<vmem>>, vector<1x128xf32>
    tpu.vector_store %arg3[%swap3A_239, %swap3A_240], %add3A_238 {strides = array<i32>} : memref<60x128xf32, #tpu.memory_space<vmem>>, vector<1x128xf32>,
    %get3A_242 = arith.constant 1 : index
    %get3A_243 = arith.constant 0 : index
    %get3A_244 = vector.load %arg2[%get3A_242, %get3A_243] : memref<2x128xf32, #tpu.memory_space<vmem>>, vector<1x128xf32>
    %add3A_245 = arith.addf %add3A_234, %get3A_244 : vector<1x128xf32>
    %swap3A_246 = arith.constant 23 : index
    %swap3A_247 = arith.constant 0 : index
    %swap3A_248 = vector.load %arg3[%swap3A_246, %swap3A_247] : memref<60x128xf32, #tpu.memory_space<vmem>>, vector<1x128xf32>
    tpu.vector_store %arg3[%swap3A_246, %swap3A_247], %add3A_245 {strides = array<i32>} : memref<60x128xf32, #tpu.memory_space<vmem>>, vector<1x128xf32>,
    %get3A_249 = arith.constant 2 : index
    %get3A_250 = arith.constant 0 : index
    %get3A_251 = vector.load %arg0[%get3A_249, %get3A_250] : memref<5x128xf32, #tpu.memory_space<vmem>>, vector<1x128xf32>
    %get3A_252 = arith.constant 0 : index
    %get3A_253 = arith.constant 0 : index
    %get3A_254 = vector.load %arg1[%get3A_252, %get3A_253] : memref<6x128xf32, #tpu.memory_space<vmem>>, vector<1x128xf32>
    %add3A_255 = arith.addf %get3A_251, %get3A_254 : vector<1x128xf32>
    %get3A_256 = arith.constant 0 : index
    %get3A_257 = arith.constant 0 : index
    %get3A_258 = vector.load %arg2[%get3A_256, %get3A_257] : memref<2x128xf32, #tpu.memory_space<vmem>>, vector<1x128xf32>
    %add3A_259 = arith.addf %add3A_255, %get3A_258 : vector<1x128xf32>
    %swap3A_260 = arith.constant 24 : index
    %swap3A_261 = arith.constant 0 : index
    %swap3A_262 = vector.load %arg3[%swap3A_260, %swap3A_261] : memref<60x128xf32, #tpu.memory_space<vmem>>, vector<1x128xf32>
    tpu.vector_store %arg3[%swap3A_260, %swap3A_261], %add3A_259 {strides = array<i32>} : memref<60x128xf32, #tpu.memory_space<vmem>>, vector<1x128xf32>,
    %get3A_263 = arith.constant 1 : index
    %get3A_264 = arith.constant 0 : index
    %get3A_265 = vector.load %arg2[%get3A_263, %get3A_264] : memref<2x128xf32, #tpu.memory_space<vmem>>, vector<1x128xf32>
    %add3A_266 = arith.addf %add3A_255, %get3A_265 : vector<1x128xf32>
    %swap3A_267 = arith.constant 25 : index
    %swap3A_268 = arith.constant 0 : index
    %swap3A_269 = vector.load %arg3[%swap3A_267, %swap3A_268] : memref<60x128xf32, #tpu.memory_space<vmem>>, vector<1x128xf32>
    tpu.vector_store %arg3[%swap3A_267, %swap3A_268], %add3A_266 {strides = array<i32>} : memref<60x128xf32, #tpu.memory_space<vmem>>, vector<1x128xf32>,
    %get3A_270 = arith.constant 2 : index
    %get3A_271 = arith.constant 0 : index
    %get3A_272 = vector.load %arg0[%get3A_270, %get3A_271] : memref<5x128xf32, #tpu.memory_space<vmem>>, vector<1x128xf32>
    %get3A_273 = arith.constant 1 : index
    %get3A_274 = arith.constant 0 : index
    %get3A_275 = vector.load %arg1[%get3A_273, %get3A_274] : memref<6x128xf32, #tpu.memory_space<vmem>>, vector<1x128xf32>
    %add3A_276 = arith.addf %get3A_272, %get3A_275 : vector<1x128xf32>
    %get3A_277 = arith.constant 0 : index
    %get3A_278 = arith.constant 0 : index
    %get3A_279 = vector.load %arg2[%get3A_277, %get3A_278] : memref<2x128xf32, #tpu.memory_space<vmem>>, vector<1x128xf32>
    %add3A_280 = arith.addf %add3A_276, %get3A_279 : vector<1x128xf32>
    %swap3A_281 = arith.constant 26 : index
    %swap3A_282 = arith.constant 0 : index
    %swap3A_283 = vector.load %arg3[%swap3A_281, %swap3A_282] : memref<60x128xf32, #tpu.memory_space<vmem>>, vector<1x128xf32>
    tpu.vector_store %arg3[%swap3A_281, %swap3A_282], %add3A_280 {strides = array<i32>} : memref<60x128xf32, #tpu.memory_space<vmem>>, vector<1x128xf32>,
    %get3A_284 = arith.constant 1 : index
    %get3A_285 = arith.constant 0 : index
    %get3A_286 = vector.load %arg2[%get3A_284, %get3A_285] : memref<2x128xf32, #tpu.memory_space<vmem>>, vector<1x128xf32>
    %add3A_287 = arith.addf %add3A_276, %get3A_286 : vector<1x128xf32>
    %swap3A_288 = arith.constant 27 : index
    %swap3A_289 = arith.constant 0 : index
    %swap3A_290 = vector.load %arg3[%swap3A_288, %swap3A_289] : memref<60x128xf32, #tpu.memory_space<vmem>>, vector<1x128xf32>
    tpu.vector_store %arg3[%swap3A_288, %swap3A_289], %add3A_287 {strides = array<i32>} : memref<60x128xf32, #tpu.memory_space<vmem>>, vector<1x128xf32>,
    %get3A_291 = arith.constant 2 : index
    %get3A_292 = arith.constant 0 : index
    %get3A_293 = vector.load %arg0[%get3A_291, %get3A_292] : memref<5x128xf32, #tpu.memory_space<vmem>>, vector<1x128xf32>
    %get3A_294 = arith.constant 2 : index
    %get3A_295 = arith.constant 0 : index
    %get3A_296 = vector.load %arg1[%get3A_294, %get3A_295] : memref<6x128xf32, #tpu.memory_space<vmem>>, vector<1x128xf32>
    %add3A_297 = arith.addf %get3A_293, %get3A_296 : vector<1x128xf32>
    %get3A_298 = arith.constant 0 : index
    %get3A_299 = arith.constant 0 : index
    %get3A_300 = vector.load %arg2[%get3A_298, %get3A_299] : memref<2x128xf32, #tpu.memory_space<vmem>>, vector<1x128xf32>
    %add3A_301 = arith.addf %add3A_297, %get3A_300 : vector<1x128xf32>
    %swap3A_302 = arith.constant 28 : index
    %swap3A_303 = arith.constant 0 : index
    %swap3A_304 = vector.load %arg3[%swap3A_302, %swap3A_303] : memref<60x128xf32, #tpu.memory_space<vmem>>, vector<1x128xf32>
    tpu.vector_store %arg3[%swap3A_302, %swap3A_303], %add3A_301 {strides = array<i32>} : memref<60x128xf32, #tpu.memory_space<vmem>>, vector<1x128xf32>,
    %get3A_305 = arith.constant 1 : index
    %get3A_306 = arith.constant 0 : index
    %get3A_307 = vector.load %arg2[%get3A_305, %get3A_306] : memref<2x128xf32, #tpu.memory_space<vmem>>, vector<1x128xf32>
    %add3A_308 = arith.addf %add3A_297, %get3A_307 : vector<1x128xf32>
    %swap3A_309 = arith.constant 29 : index
    %swap3A_310 = arith.constant 0 : index
    %swap3A_311 = vector.load %arg3[%swap3A_309, %swap3A_310] : memref<60x128xf32, #tpu.memory_space<vmem>>, vector<1x128xf32>
    tpu.vector_store %arg3[%swap3A_309, %swap3A_310], %add3A_308 {strides = array<i32>} : memref<60x128xf32, #tpu.memory_space<vmem>>, vector<1x128xf32>,
    %get3A_312 = arith.constant 2 : index
    %get3A_313 = arith.constant 0 : index
    %get3A_314 = vector.load %arg0[%get3A_312, %get3A_313] : memref<5x128xf32, #tpu.memory_space<vmem>>, vector<1x128xf32>
    %get3A_315 = arith.constant 3 : index
    %get3A_316 = arith.constant 0 : index
    %get3A_317 = vector.load %arg1[%get3A_315, %get3A_316] : memref<6x128xf32, #tpu.memory_space<vmem>>, vector<1x128xf32>
    %add3A_318 = arith.addf %get3A_314, %get3A_317 : vector<1x128xf32>
    %get3A_319 = arith.constant 0 : index
    %get3A_320 = arith.constant 0 : index
    %get3A_321 = vector.load %arg2[%get3A_319, %get3A_320] : memref<2x128xf32, #tpu.memory_space<vmem>>, vector<1x128xf32>
    %add3A_322 = arith.addf %add3A_318, %get3A_321 : vector<1x128xf32>
    %swap3A_323 = arith.constant 30 : index
    %swap3A_324 = arith.constant 0 : index
    %swap3A_325 = vector.load %arg3[%swap3A_323, %swap3A_324] : memref<60x128xf32, #tpu.memory_space<vmem>>, vector<1x128xf32>
    tpu.vector_store %arg3[%swap3A_323, %swap3A_324], %add3A_322 {strides = array<i32>} : memref<60x128xf32, #tpu.memory_space<vmem>>, vector<1x128xf32>,
    %get3A_326 = arith.constant 1 : index
    %get3A_327 = arith.constant 0 : index
    %get3A_328 = vector.load %arg2[%get3A_326, %get3A_327] : memref<2x128xf32, #tpu.memory_space<vmem>>, vector<1x128xf32>
    %add3A_329 = arith.addf %add3A_318, %get3A_328 : vector<1x128xf32>
    %swap3A_330 = arith.constant 31 : index
    %swap3A_331 = arith.constant 0 : index
    %swap3A_332 = vector.load %arg3[%swap3A_330, %swap3A_331] : memref<60x128xf32, #tpu.memory_space<vmem>>, vector<1x128xf32>
    tpu.vector_store %arg3[%swap3A_330, %swap3A_331], %add3A_329 {strides = array<i32>} : memref<60x128xf32, #tpu.memory_space<vmem>>, vector<1x128xf32>,
    %get3A_333 = arith.constant 2 : index
    %get3A_334 = arith.constant 0 : index
    %get3A_335 = vector.load %arg0[%get3A_333, %get3A_334] : memref<5x128xf32, #tpu.memory_space<vmem>>, vector<1x128xf32>
    %get3A_336 = arith.constant 4 : index
    %get3A_337 = arith.constant 0 : index
    %get3A_338 = vector.load %arg1[%get3A_336, %get3A_337] : memref<6x128xf32, #tpu.memory_space<vmem>>, vector<1x128xf32>
    %add3A_339 = arith.addf %get3A_335, %get3A_338 : vector<1x128xf32>
    %get3A_340 = arith.constant 0 : index
    %get3A_341 = arith.constant 0 : index
    %get3A_342 = vector.load %arg2[%get3A_340, %get3A_341] : memref<2x128xf32, #tpu.memory_space<vmem>>, vector<1x128xf32>
    %add3A_343 = arith.addf %add3A_339, %get3A_342 : vector<1x128xf32>
    %swap3A_344 = arith.constant 32 : index
    %swap3A_345 = arith.constant 0 : index
    %swap3A_346 = vector.load %arg3[%swap3A_344, %swap3A_345] : memref<60x128xf32, #tpu.memory_space<vmem>>, vector<1x128xf32>
    tpu.vector_store %arg3[%swap3A_344, %swap3A_345], %add3A_343 {strides = array<i32>} : memref<60x128xf32, #tpu.memory_space<vmem>>, vector<1x128xf32>,
    %get3A_347 = arith.constant 1 : index
    %get3A_348 = arith.constant 0 : index
    %get3A_349 = vector.load %arg2[%get3A_347, %get3A_348] : memref<2x128xf32, #tpu.memory_space<vmem>>, vector<1x128xf32>
    %add3A_350 = arith.addf %add3A_339, %get3A_349 : vector<1x128xf32>
    %swap3A_351 = arith.constant 33 : index
    %swap3A_352 = arith.constant 0 : index
    %swap3A_353 = vector.load %arg3[%swap3A_351, %swap3A_352] : memref<60x128xf32, #tpu.memory_space<vmem>>, vector<1x128xf32>
    tpu.vector_store %arg3[%swap3A_351, %swap3A_352], %add3A_350 {strides = array<i32>} : memref<60x128xf32, #tpu.memory_space<vmem>>, vector<1x128xf32>,
    %get3A_354 = arith.constant 2 : index
    %get3A_355 = arith.constant 0 : index
    %get3A_356 = vector.load %arg0[%get3A_354, %get3A_355] : memref<5x128xf32, #tpu.memory_space<vmem>>, vector<1x128xf32>
    %get3A_357 = arith.constant 5 : index
    %get3A_358 = arith.constant 0 : index
    %get3A_359 = vector.load %arg1[%get3A_357, %get3A_358] : memref<6x128xf32, #tpu.memory_space<vmem>>, vector<1x128xf32>
    %add3A_360 = arith.addf %get3A_356, %get3A_359 : vector<1x128xf32>
    %get3A_361 = arith.constant 0 : index
    %get3A_362 = arith.constant 0 : index
    %get3A_363 = vector.load %arg2[%get3A_361, %get3A_362] : memref<2x128xf32, #tpu.memory_space<vmem>>, vector<1x128xf32>
    %add3A_364 = arith.addf %add3A_360, %get3A_363 : vector<1x128xf32>
    %swap3A_365 = arith.constant 34 : index
    %swap3A_366 = arith.constant 0 : index
    %swap3A_367 = vector.load %arg3[%swap3A_365, %swap3A_366] : memref<60x128xf32, #tpu.memory_space<vmem>>, vector<1x128xf32>
    tpu.vector_store %arg3[%swap3A_365, %swap3A_366], %add3A_364 {strides = array<i32>} : memref<60x128xf32, #tpu.memory_space<vmem>>, vector<1x128xf32>,
    %get3A_368 = arith.constant 1 : index
    %get3A_369 = arith.constant 0 : index
    %get3A_370 = vector.load %arg2[%get3A_368, %get3A_369] : memref<2x128xf32, #tpu.memory_space<vmem>>, vector<1x128xf32>
    %add3A_371 = arith.addf %add3A_360, %get3A_370 : vector<1x128xf32>
    %swap3A_372 = arith.constant 35 : index
    %swap3A_373 = arith.constant 0 : index
    %swap3A_374 = vector.load %arg3[%swap3A_372, %swap3A_373] : memref<60x128xf32, #tpu.memory_space<vmem>>, vector<1x128xf32>
    tpu.vector_store %arg3[%swap3A_372, %swap3A_373], %add3A_371 {strides = array<i32>} : memref<60x128xf32, #tpu.memory_space<vmem>>, vector<1x128xf32>,
    %get3A_375 = arith.constant 3 : index
    %get3A_376 = arith.constant 0 : index
    %get3A_377 = vector.load %arg0[%get3A_375, %get3A_376] : memref<5x128xf32, #tpu.memory_space<vmem>>, vector<1x128xf32>
    %get3A_378 = arith.constant 0 : index
    %get3A_379 = arith.constant 0 : index
    %get3A_380 = vector.load %arg1[%get3A_378, %get3A_379] : memref<6x128xf32, #tpu.memory_space<vmem>>, vector<1x128xf32>
    %add3A_381 = arith.addf %get3A_377, %get3A_380 : vector<1x128xf32>
    %get3A_382 = arith.constant 0 : index
    %get3A_383 = arith.constant 0 : index
    %get3A_384 = vector.load %arg2[%get3A_382, %get3A_383] : memref<2x128xf32, #tpu.memory_space<vmem>>, vector<1x128xf32>
    %add3A_385 = arith.addf %add3A_381, %get3A_384 : vector<1x128xf32>
    %swap3A_386 = arith.constant 36 : index
    %swap3A_387 = arith.constant 0 : index
    %swap3A_388 = vector.load %arg3[%swap3A_386, %swap3A_387] : memref<60x128xf32, #tpu.memory_space<vmem>>, vector<1x128xf32>
    tpu.vector_store %arg3[%swap3A_386, %swap3A_387], %add3A_385 {strides = array<i32>} : memref<60x128xf32, #tpu.memory_space<vmem>>, vector<1x128xf32>,
    %get3A_389 = arith.constant 1 : index
    %get3A_390 = arith.constant 0 : index
    %get3A_391 = vector.load %arg2[%get3A_389, %get3A_390] : memref<2x128xf32, #tpu.memory_space<vmem>>, vector<1x128xf32>
    %add3A_392 = arith.addf %add3A_381, %get3A_391 : vector<1x128xf32>
    %swap3A_393 = arith.constant 37 : index
    %swap3A_394 = arith.constant 0 : index
    %swap3A_395 = vector.load %arg3[%swap3A_393, %swap3A_394] : memref<60x128xf32, #tpu.memory_space<vmem>>, vector<1x128xf32>
    tpu.vector_store %arg3[%swap3A_393, %swap3A_394], %add3A_392 {strides = array<i32>} : memref<60x128xf32, #tpu.memory_space<vmem>>, vector<1x128xf32>,
    %get3A_396 = arith.constant 3 : index
    %get3A_397 = arith.constant 0 : index
    %get3A_398 = vector.load %arg0[%get3A_396, %get3A_397] : memref<5x128xf32, #tpu.memory_space<vmem>>, vector<1x128xf32>
    %get3A_399 = arith.constant 1 : index
    %get3A_400 = arith.constant 0 : index
    %get3A_401 = vector.load %arg1[%get3A_399, %get3A_400] : memref<6x128xf32, #tpu.memory_space<vmem>>, vector<1x128xf32>
    %add3A_402 = arith.addf %get3A_398, %get3A_401 : vector<1x128xf32>
    %get3A_403 = arith.constant 0 : index
    %get3A_404 = arith.constant 0 : index
    %get3A_405 = vector.load %arg2[%get3A_403, %get3A_404] : memref<2x128xf32, #tpu.memory_space<vmem>>, vector<1x128xf32>
    %add3A_406 = arith.addf %add3A_402, %get3A_405 : vector<1x128xf32>
    %swap3A_407 = arith.constant 38 : index
    %swap3A_408 = arith.constant 0 : index
    %swap3A_409 = vector.load %arg3[%swap3A_407, %swap3A_408] : memref<60x128xf32, #tpu.memory_space<vmem>>, vector<1x128xf32>
    tpu.vector_store %arg3[%swap3A_407, %swap3A_408], %add3A_406 {strides = array<i32>} : memref<60x128xf32, #tpu.memory_space<vmem>>, vector<1x128xf32>,
    %get3A_410 = arith.constant 1 : index
    %get3A_411 = arith.constant 0 : index
    %get3A_412 = vector.load %arg2[%get3A_410, %get3A_411] : memref<2x128xf32, #tpu.memory_space<vmem>>, vector<1x128xf32>
    %add3A_413 = arith.addf %add3A_402, %get3A_412 : vector<1x128xf32>
    %swap3A_414 = arith.constant 39 : index
    %swap3A_415 = arith.constant 0 : index
    %swap3A_416 = vector.load %arg3[%swap3A_414, %swap3A_415] : memref<60x128xf32, #tpu.memory_space<vmem>>, vector<1x128xf32>
    tpu.vector_store %arg3[%swap3A_414, %swap3A_415], %add3A_413 {strides = array<i32>} : memref<60x128xf32, #tpu.memory_space<vmem>>, vector<1x128xf32>,
    %get3A_417 = arith.constant 3 : index
    %get3A_418 = arith.constant 0 : index
    %get3A_419 = vector.load %arg0[%get3A_417, %get3A_418] : memref<5x128xf32, #tpu.memory_space<vmem>>, vector<1x128xf32>
    %get3A_420 = arith.constant 2 : index
    %get3A_421 = arith.constant 0 : index
    %get3A_422 = vector.load %arg1[%get3A_420, %get3A_421] : memref<6x128xf32, #tpu.memory_space<vmem>>, vector<1x128xf32>
    %add3A_423 = arith.addf %get3A_419, %get3A_422 : vector<1x128xf32>
    %get3A_424 = arith.constant 0 : index
    %get3A_425 = arith.constant 0 : index
    %get3A_426 = vector.load %arg2[%get3A_424, %get3A_425] : memref<2x128xf32, #tpu.memory_space<vmem>>, vector<1x128xf32>
    %add3A_427 = arith.addf %add3A_423, %get3A_426 : vector<1x128xf32>
    %swap3A_428 = arith.constant 40 : index
    %swap3A_429 = arith.constant 0 : index
    %swap3A_430 = vector.load %arg3[%swap3A_428, %swap3A_429] : memref<60x128xf32, #tpu.memory_space<vmem>>, vector<1x128xf32>
    tpu.vector_store %arg3[%swap3A_428, %swap3A_429], %add3A_427 {strides = array<i32>} : memref<60x128xf32, #tpu.memory_space<vmem>>, vector<1x128xf32>,
    %get3A_431 = arith.constant 1 : index
    %get3A_432 = arith.constant 0 : index
    %get3A_433 = vector.load %arg2[%get3A_431, %get3A_432] : memref<2x128xf32, #tpu.memory_space<vmem>>, vector<1x128xf32>
    %add3A_434 = arith.addf %add3A_423, %get3A_433 : vector<1x128xf32>
    %swap3A_435 = arith.constant 41 : index
    %swap3A_436 = arith.constant 0 : index
    %swap3A_437 = vector.load %arg3[%swap3A_435, %swap3A_436] : memref<60x128xf32, #tpu.memory_space<vmem>>, vector<1x128xf32>
    tpu.vector_store %arg3[%swap3A_435, %swap3A_436], %add3A_434 {strides = array<i32>} : memref<60x128xf32, #tpu.memory_space<vmem>>, vector<1x128xf32>,
    %get3A_438 = arith.constant 3 : index
    %get3A_439 = arith.constant 0 : index
    %get3A_440 = vector.load %arg0[%get3A_438, %get3A_439] : memref<5x128xf32, #tpu.memory_space<vmem>>, vector<1x128xf32>
    %get3A_441 = arith.constant 3 : index
    %get3A_442 = arith.constant 0 : index
    %get3A_443 = vector.load %arg1[%get3A_441, %get3A_442] : memref<6x128xf32, #tpu.memory_space<vmem>>, vector<1x128xf32>
    %add3A_444 = arith.addf %get3A_440, %get3A_443 : vector<1x128xf32>
    %get3A_445 = arith.constant 0 : index
    %get3A_446 = arith.constant 0 : index
    %get3A_447 = vector.load %arg2[%get3A_445, %get3A_446] : memref<2x128xf32, #tpu.memory_space<vmem>>, vector<1x128xf32>
    %add3A_448 = arith.addf %add3A_444, %get3A_447 : vector<1x128xf32>
    %swap3A_449 = arith.constant 42 : index
    %swap3A_450 = arith.constant 0 : index
    %swap3A_451 = vector.load %arg3[%swap3A_449, %swap3A_450] : memref<60x128xf32, #tpu.memory_space<vmem>>, vector<1x128xf32>
    tpu.vector_store %arg3[%swap3A_449, %swap3A_450], %add3A_448 {strides = array<i32>} : memref<60x128xf32, #tpu.memory_space<vmem>>, vector<1x128xf32>,
    %get3A_452 = arith.constant 1 : index
    %get3A_453 = arith.constant 0 : index
    %get3A_454 = vector.load %arg2[%get3A_452, %get3A_453] : memref<2x128xf32, #tpu.memory_space<vmem>>, vector<1x128xf32>
    %add3A_455 = arith.addf %add3A_444, %get3A_454 : vector<1x128xf32>
    %swap3A_456 = arith.constant 43 : index
    %swap3A_457 = arith.constant 0 : index
    %swap3A_458 = vector.load %arg3[%swap3A_456, %swap3A_457] : memref<60x128xf32, #tpu.memory_space<vmem>>, vector<1x128xf32>
    tpu.vector_store %arg3[%swap3A_456, %swap3A_457], %add3A_455 {strides = array<i32>} : memref<60x128xf32, #tpu.memory_space<vmem>>, vector<1x128xf32>,
    %get3A_459 = arith.constant 3 : index
    %get3A_460 = arith.constant 0 : index
    %get3A_461 = vector.load %arg0[%get3A_459, %get3A_460] : memref<5x128xf32, #tpu.memory_space<vmem>>, vector<1x128xf32>
    %get3A_462 = arith.constant 4 : index
    %get3A_463 = arith.constant 0 : index
    %get3A_464 = vector.load %arg1[%get3A_462, %get3A_463] : memref<6x128xf32, #tpu.memory_space<vmem>>, vector<1x128xf32>
    %add3A_465 = arith.addf %get3A_461, %get3A_464 : vector<1x128xf32>
    %get3A_466 = arith.constant 0 : index
    %get3A_467 = arith.constant 0 : index
    %get3A_468 = vector.load %arg2[%get3A_466, %get3A_467] : memref<2x128xf32, #tpu.memory_space<vmem>>, vector<1x128xf32>
    %add3A_469 = arith.addf %add3A_465, %get3A_468 : vector<1x128xf32>
    %swap3A_470 = arith.constant 44 : index
    %swap3A_471 = arith.constant 0 : index
    %swap3A_472 = vector.load %arg3[%swap3A_470, %swap3A_471] : memref<60x128xf32, #tpu.memory_space<vmem>>, vector<1x128xf32>
    tpu.vector_store %arg3[%swap3A_470, %swap3A_471], %add3A_469 {strides = array<i32>} : memref<60x128xf32, #tpu.memory_space<vmem>>, vector<1x128xf32>,
    %get3A_473 = arith.constant 1 : index
    %get3A_474 = arith.constant 0 : index
    %get3A_475 = vector.load %arg2[%get3A_473, %get3A_474] : memref<2x128xf32, #tpu.memory_space<vmem>>, vector<1x128xf32>
    %add3A_476 = arith.addf %add3A_465, %get3A_475 : vector<1x128xf32>
    %swap3A_477 = arith.constant 45 : index
    %swap3A_478 = arith.constant 0 : index
    %swap3A_479 = vector.load %arg3[%swap3A_477, %swap3A_478] : memref<60x128xf32, #tpu.memory_space<vmem>>, vector<1x128xf32>
    tpu.vector_store %arg3[%swap3A_477, %swap3A_478], %add3A_476 {strides = array<i32>} : memref<60x128xf32, #tpu.memory_space<vmem>>, vector<1x128xf32>,
    %get3A_480 = arith.constant 3 : index
    %get3A_481 = arith.constant 0 : index
    %get3A_482 = vector.load %arg0[%get3A_480, %get3A_481] : memref<5x128xf32, #tpu.memory_space<vmem>>, vector<1x128xf32>
    %get3A_483 = arith.constant 5 : index
    %get3A_484 = arith.constant 0 : index
    %get3A_485 = vector.load %arg1[%get3A_483, %get3A_484] : memref<6x128xf32, #tpu.memory_space<vmem>>, vector<1x128xf32>
    %add3A_486 = arith.addf %get3A_482, %get3A_485 : vector<1x128xf32>
    %get3A_487 = arith.constant 0 : index
    %get3A_488 = arith.constant 0 : index
    %get3A_489 = vector.load %arg2[%get3A_487, %get3A_488] : memref<2x128xf32, #tpu.memory_space<vmem>>, vector<1x128xf32>
    %add3A_490 = arith.addf %add3A_486, %get3A_489 : vector<1x128xf32>
    %swap3A_491 = arith.constant 46 : index
    %swap3A_492 = arith.constant 0 : index
    %swap3A_493 = vector.load %arg3[%swap3A_491, %swap3A_492] : memref<60x128xf32, #tpu.memory_space<vmem>>, vector<1x128xf32>
    tpu.vector_store %arg3[%swap3A_491, %swap3A_492], %add3A_490 {strides = array<i32>} : memref<60x128xf32, #tpu.memory_space<vmem>>, vector<1x128xf32>,
    %get3A_494 = arith.constant 1 : index
    %get3A_495 = arith.constant 0 : index
    %get3A_496 = vector.load %arg2[%get3A_494, %get3A_495] : memref<2x128xf32, #tpu.memory_space<vmem>>, vector<1x128xf32>
    %add3A_497 = arith.addf %add3A_486, %get3A_496 : vector<1x128xf32>
    %swap3A_498 = arith.constant 47 : index
    %swap3A_499 = arith.constant 0 : index
    %swap3A_500 = vector.load %arg3[%swap3A_498, %swap3A_499] : memref<60x128xf32, #tpu.memory_space<vmem>>, vector<1x128xf32>
    tpu.vector_store %arg3[%swap3A_498, %swap3A_499], %add3A_497 {strides = array<i32>} : memref<60x128xf32, #tpu.memory_space<vmem>>, vector<1x128xf32>,
    %get3A_501 = arith.constant 4 : index
    %get3A_502 = arith.constant 0 : index
    %get3A_503 = vector.load %arg0[%get3A_501, %get3A_502] : memref<5x128xf32, #tpu.memory_space<vmem>>, vector<1x128xf32>
    %get3A_504 = arith.constant 0 : index
    %get3A_505 = arith.constant 0 : index
    %get3A_506 = vector.load %arg1[%get3A_504, %get3A_505] : memref<6x128xf32, #tpu.memory_space<vmem>>, vector<1x128xf32>
    %add3A_507 = arith.addf %get3A_503, %get3A_506 : vector<1x128xf32>
    %get3A_508 = arith.constant 0 : index
    %get3A_509 = arith.constant 0 : index
    %get3A_510 = vector.load %arg2[%get3A_508, %get3A_509] : memref<2x128xf32, #tpu.memory_space<vmem>>, vector<1x128xf32>
    %add3A_511 = arith.addf %add3A_507, %get3A_510 : vector<1x128xf32>
    %swap3A_512 = arith.constant 48 : index
    %swap3A_513 = arith.constant 0 : index
    %swap3A_514 = vector.load %arg3[%swap3A_512, %swap3A_513] : memref<60x128xf32, #tpu.memory_space<vmem>>, vector<1x128xf32>
    tpu.vector_store %arg3[%swap3A_512, %swap3A_513], %add3A_511 {strides = array<i32>} : memref<60x128xf32, #tpu.memory_space<vmem>>, vector<1x128xf32>,
    %get3A_515 = arith.constant 1 : index
    %get3A_516 = arith.constant 0 : index
    %get3A_517 = vector.load %arg2[%get3A_515, %get3A_516] : memref<2x128xf32, #tpu.memory_space<vmem>>, vector<1x128xf32>
    %add3A_518 = arith.addf %add3A_507, %get3A_517 : vector<1x128xf32>
    %swap3A_519 = arith.constant 49 : index
    %swap3A_520 = arith.constant 0 : index
    %swap3A_521 = vector.load %arg3[%swap3A_519, %swap3A_520] : memref<60x128xf32, #tpu.memory_space<vmem>>, vector<1x128xf32>
    tpu.vector_store %arg3[%swap3A_519, %swap3A_520], %add3A_518 {strides = array<i32>} : memref<60x128xf32, #tpu.memory_space<vmem>>, vector<1x128xf32>,
    %get3A_522 = arith.constant 4 : index
    %get3A_523 = arith.constant 0 : index
    %get3A_524 = vector.load %arg0[%get3A_522, %get3A_523] : memref<5x128xf32, #tpu.memory_space<vmem>>, vector<1x128xf32>
    %get3A_525 = arith.constant 1 : index
    %get3A_526 = arith.constant 0 : index
    %get3A_527 = vector.load %arg1[%get3A_525, %get3A_526] : memref<6x128xf32, #tpu.memory_space<vmem>>, vector<1x128xf32>
    %add3A_528 = arith.addf %get3A_524, %get3A_527 : vector<1x128xf32>
    %get3A_529 = arith.constant 0 : index
    %get3A_530 = arith.constant 0 : index
    %get3A_531 = vector.load %arg2[%get3A_529, %get3A_530] : memref<2x128xf32, #tpu.memory_space<vmem>>, vector<1x128xf32>
    %add3A_532 = arith.addf %add3A_528, %get3A_531 : vector<1x128xf32>
    %swap3A_533 = arith.constant 50 : index
    %swap3A_534 = arith.constant 0 : index
    %swap3A_535 = vector.load %arg3[%swap3A_533, %swap3A_534] : memref<60x128xf32, #tpu.memory_space<vmem>>, vector<1x128xf32>
    tpu.vector_store %arg3[%swap3A_533, %swap3A_534], %add3A_532 {strides = array<i32>} : memref<60x128xf32, #tpu.memory_space<vmem>>, vector<1x128xf32>,
    %get3A_536 = arith.constant 1 : index
    %get3A_537 = arith.constant 0 : index
    %get3A_538 = vector.load %arg2[%get3A_536, %get3A_537] : memref<2x128xf32, #tpu.memory_space<vmem>>, vector<1x128xf32>
    %add3A_539 = arith.addf %add3A_528, %get3A_538 : vector<1x128xf32>
    %swap3A_540 = arith.constant 51 : index
    %swap3A_541 = arith.constant 0 : index
    %swap3A_542 = vector.load %arg3[%swap3A_540, %swap3A_541] : memref<60x128xf32, #tpu.memory_space<vmem>>, vector<1x128xf32>
    tpu.vector_store %arg3[%swap3A_540, %swap3A_541], %add3A_539 {strides = array<i32>} : memref<60x128xf32, #tpu.memory_space<vmem>>, vector<1x128xf32>,
    %get3A_543 = arith.constant 4 : index
    %get3A_544 = arith.constant 0 : index
    %get3A_545 = vector.load %arg0[%get3A_543, %get3A_544] : memref<5x128xf32, #tpu.memory_space<vmem>>, vector<1x128xf32>
    %get3A_546 = arith.constant 2 : index
    %get3A_547 = arith.constant 0 : index
    %get3A_548 = vector.load %arg1[%get3A_546, %get3A_547] : memref<6x128xf32, #tpu.memory_space<vmem>>, vector<1x128xf32>
    %add3A_549 = arith.addf %get3A_545, %get3A_548 : vector<1x128xf32>
    %get3A_550 = arith.constant 0 : index
    %get3A_551 = arith.constant 0 : index
    %get3A_552 = vector.load %arg2[%get3A_550, %get3A_551] : memref<2x128xf32, #tpu.memory_space<vmem>>, vector<1x128xf32>
    %add3A_553 = arith.addf %add3A_549, %get3A_552 : vector<1x128xf32>
    %swap3A_554 = arith.constant 52 : index
    %swap3A_555 = arith.constant 0 : index
    %swap3A_556 = vector.load %arg3[%swap3A_554, %swap3A_555] : memref<60x128xf32, #tpu.memory_space<vmem>>, vector<1x128xf32>
    tpu.vector_store %arg3[%swap3A_554, %swap3A_555], %add3A_553 {strides = array<i32>} : memref<60x128xf32, #tpu.memory_space<vmem>>, vector<1x128xf32>,
    %get3A_557 = arith.constant 1 : index
    %get3A_558 = arith.constant 0 : index
    %get3A_559 = vector.load %arg2[%get3A_557, %get3A_558] : memref<2x128xf32, #tpu.memory_space<vmem>>, vector<1x128xf32>
    %add3A_560 = arith.addf %add3A_549, %get3A_559 : vector<1x128xf32>
    %swap3A_561 = arith.constant 53 : index
    %swap3A_562 = arith.constant 0 : index
    %swap3A_563 = vector.load %arg3[%swap3A_561, %swap3A_562] : memref<60x128xf32, #tpu.memory_space<vmem>>, vector<1x128xf32>
    tpu.vector_store %arg3[%swap3A_561, %swap3A_562], %add3A_560 {strides = array<i32>} : memref<60x128xf32, #tpu.memory_space<vmem>>, vector<1x128xf32>,
    %get3A_564 = arith.constant 4 : index
    %get3A_565 = arith.constant 0 : index
    %get3A_566 = vector.load %arg0[%get3A_564, %get3A_565] : memref<5x128xf32, #tpu.memory_space<vmem>>, vector<1x128xf32>
    %get3A_567 = arith.constant 3 : index
    %get3A_568 = arith.constant 0 : index
    %get3A_569 = vector.load %arg1[%get3A_567, %get3A_568] : memref<6x128xf32, #tpu.memory_space<vmem>>, vector<1x128xf32>
    %add3A_570 = arith.addf %get3A_566, %get3A_569 : vector<1x128xf32>
    %get3A_571 = arith.constant 0 : index
    %get3A_572 = arith.constant 0 : index
    %get3A_573 = vector.load %arg2[%get3A_571, %get3A_572] : memref<2x128xf32, #tpu.memory_space<vmem>>, vector<1x128xf32>
    %add3A_574 = arith.addf %add3A_570, %get3A_573 : vector<1x128xf32>
    %swap3A_575 = arith.constant 54 : index
    %swap3A_576 = arith.constant 0 : index
    %swap3A_577 = vector.load %arg3[%swap3A_575, %swap3A_576] : memref<60x128xf32, #tpu.memory_space<vmem>>, vector<1x128xf32>
    tpu.vector_store %arg3[%swap3A_575, %swap3A_576], %add3A_574 {strides = array<i32>} : memref<60x128xf32, #tpu.memory_space<vmem>>, vector<1x128xf32>,
    %get3A_578 = arith.constant 1 : index
    %get3A_579 = arith.constant 0 : index
    %get3A_580 = vector.load %arg2[%get3A_578, %get3A_579] : memref<2x128xf32, #tpu.memory_space<vmem>>, vector<1x128xf32>
    %add3A_581 = arith.addf %add3A_570, %get3A_580 : vector<1x128xf32>
    %swap3A_582 = arith.constant 55 : index
    %swap3A_583 = arith.constant 0 : index
    %swap3A_584 = vector.load %arg3[%swap3A_582, %swap3A_583] : memref<60x128xf32, #tpu.memory_space<vmem>>, vector<1x128xf32>
    tpu.vector_store %arg3[%swap3A_582, %swap3A_583], %add3A_581 {strides = array<i32>} : memref<60x128xf32, #tpu.memory_space<vmem>>, vector<1x128xf32>,
    %get3A_585 = arith.constant 4 : index
    %get3A_586 = arith.constant 0 : index
    %get3A_587 = vector.load %arg0[%get3A_585, %get3A_586] : memref<5x128xf32, #tpu.memory_space<vmem>>, vector<1x128xf32>
    %get3A_588 = arith.constant 4 : index
    %get3A_589 = arith.constant 0 : index
    %get3A_590 = vector.load %arg1[%get3A_588, %get3A_589] : memref<6x128xf32, #tpu.memory_space<vmem>>, vector<1x128xf32>
    %add3A_591 = arith.addf %get3A_587, %get3A_590 : vector<1x128xf32>
    %get3A_592 = arith.constant 0 : index
    %get3A_593 = arith.constant 0 : index
    %get3A_594 = vector.load %arg2[%get3A_592, %get3A_593] : memref<2x128xf32, #tpu.memory_space<vmem>>, vector<1x128xf32>
    %add3A_595 = arith.addf %add3A_591, %get3A_594 : vector<1x128xf32>
    %swap3A_596 = arith.constant 56 : index
    %swap3A_597 = arith.constant 0 : index
    %swap3A_598 = vector.load %arg3[%swap3A_596, %swap3A_597] : memref<60x128xf32, #tpu.memory_space<vmem>>, vector<1x128xf32>
    tpu.vector_store %arg3[%swap3A_596, %swap3A_597], %add3A_595 {strides = array<i32>} : memref<60x128xf32, #tpu.memory_space<vmem>>, vector<1x128xf32>,
    %get3A_599 = arith.constant 1 : index
    %get3A_600 = arith.constant 0 : index
    %get3A_601 = vector.load %arg2[%get3A_599, %get3A_600] : memref<2x128xf32, #tpu.memory_space<vmem>>, vector<1x128xf32>
    %add3A_602 = arith.addf %add3A_591, %get3A_601 : vector<1x128xf32>
    %swap3A_603 = arith.constant 57 : index
    %swap3A_604 = arith.constant 0 : index
    %swap3A_605 = vector.load %arg3[%swap3A_603, %swap3A_604] : memref<60x128xf32, #tpu.memory_space<vmem>>, vector<1x128xf32>
    tpu.vector_store %arg3[%swap3A_603, %swap3A_604], %add3A_602 {strides = array<i32>} : memref<60x128xf32, #tpu.memory_space<vmem>>, vector<1x128xf32>,
    %get3A_606 = arith.constant 4 : index
    %get3A_607 = arith.constant 0 : index
    %get3A_608 = vector.load %arg0[%get3A_606, %get3A_607] : memref<5x128xf32, #tpu.memory_space<vmem>>, vector<1x128xf32>
    %get3A_609 = arith.constant 5 : index
    %get3A_610 = arith.constant 0 : index
    %get3A_611 = vector.load %arg1[%get3A_609, %get3A_610] : memref<6x128xf32, #tpu.memory_space<vmem>>, vector<1x128xf32>
    %add3A_612 = arith.addf %get3A_608, %get3A_611 : vector<1x128xf32>
    %get3A_613 = arith.constant 0 : index
    %get3A_614 = arith.constant 0 : index
    %get3A_615 = vector.load %arg2[%get3A_613, %get3A_614] : memref<2x128xf32, #tpu.memory_space<vmem>>, vector<1x128xf32>
    %add3A_616 = arith.addf %add3A_612, %get3A_615 : vector<1x128xf32>
    %swap3A_617 = arith.constant 58 : index
    %swap3A_618 = arith.constant 0 : index
    %swap3A_619 = vector.load %arg3[%swap3A_617, %swap3A_618] : memref<60x128xf32, #tpu.memory_space<vmem>>, vector<1x128xf32>
    tpu.vector_store %arg3[%swap3A_617, %swap3A_618], %add3A_616 {strides = array<i32>} : memref<60x128xf32, #tpu.memory_space<vmem>>, vector<1x128xf32>,
    %get3A_620 = arith.constant 1 : index
    %get3A_621 = arith.constant 0 : index
    %get3A_622 = vector.load %arg2[%get3A_620, %get3A_621] : memref<2x128xf32, #tpu.memory_space<vmem>>, vector<1x128xf32>
    %add3A_623 = arith.addf %add3A_612, %get3A_622 : vector<1x128xf32>
    %swap3A_624 = arith.constant 59 : index
    %swap3A_625 = arith.constant 0 : index
    %swap3A_626 = vector.load %arg3[%swap3A_624, %swap3A_625] : memref<60x128xf32, #tpu.memory_space<vmem>>, vector<1x128xf32>
    tpu.vector_store %arg3[%swap3A_624, %swap3A_625], %add3A_623 {strides = array<i32>} : memref<60x128xf32, #tpu.memory_space<vmem>>, vector<1x128xf32>,
    return
  }
}

</mosaic_0001>

<sc_bundles>
// kernel: kernel.4.cloned.1.call-start
scs
__scs_entry_jumppad:
0x0: {  	(pc) =	sbr.rel $0x88, $3  }
0x1: {  	(tag) =	ssettag $0x0;
	lr =	simm.s32 $0x1  }
0x2: {  	[smem:$0x3F9D] =	sst lr;
	_ =	strace $0xD0000000  }
0x3: {  	_ = 	snop  }
0x4: {  	_ = 	snop  }
0x5: {  	_ = 	snop  }
0x6: {  	_ = 	snop  }
0x7: {  	_ = 	snop  }
__scs_overlays_trampoline_lowered:
0x8: {  	[smem:$0x3FAC] =	sst s0  }
0x9: {  	[smem:$0x3FAD] =	sst s1  }
0xa: {  	[smem:$0x3FAE] =	sst s2  }
0xb: {  	[smem:$0x3FAF] =	sst s3  }
0xc: {  	[smem:$0x3FB0] =	sst s4  }
0xd: {  	[smem:$0x3FB1] =	sst s5  }
0xe: {  	[smem:$0x3FB2] =	sst s6  }
0xf: {  	[smem:$0x3FB3] =	sst s7  }
0x10: {  	[smem:$0x3FB4] =	sst s8  }
0x11: {  	[smem:$0x3FB5] =	sst s9;
	s0 =	simm.s32 @!p0 $0x0  }
0x12: {  	s1 =	sld [smem:$0x3F9B];
	s0 =	simm.s32 @p0 $0x1  }
0x13: {  	[smem:$0x3FB6] =	sst s0;
	s0 =	simm.s32 @!p1 $0x0  }
0x14: {  	s2 =	sld [smem:$0x3F9A];
	s0 =	simm.s32 @p1 $0x1  }
0x15: {  	[smem:$0x3FB7] =	sst s0;
	s0 =	simm.s32 @!p2 $0x0  }
0x16: {  	s3 =	sld [smem:$0x3FDB];
	s0 =	simm.s32 @p2 $0x1  }
0x17: {  	s4 =	simm.s32 $0x1BF5;
	[smem:$0x3FB9] =	sst s0  }
0x18: {  	s0 =	sld [smem:$0x3F9C];
	_ =	swait.ge [sflag:s4], $0x0  }
0x19: {  	s7 =	sld [smem:$0x3F9D]  }
0x1a: {  	s8 =	sadd.s32 $0xFFFFE003, lr  }
0x1b: {  	s9 =	sadd.s32 $0xFFFFFEF7, lr;
	s5 =	simm.s32 $0xFFFFFFFF;
	p2 =	slt.u32 s8, $0xFFFFF086  }
0x1c: {  	p1 =	slt.u32 s9, $0xF7A;
	s5 =	simm.s32 @!p2 $0x0  }
0x1d: {  	s5 =	simm.s32 @p1 $0x1;
	p0 =	seq.s32 s7, s2  }
0x1e: {  	s7 =	smul.u32 @!p0 $0xF7A, s2;
	p2 =	seq.s32 @!p0 s5, $0x0  }
0x1f: {  	s9 =	smul.u32 $0xF7A, s1;
	s8 =	simm.s32 @!p0 $0x1BF5;
	p2 =	por !p2, p0  }
0x20: {  	[sflag:s8] =	ssyncset.s32 @!p0 $0xFFFFF086;
	s6 =	sadd.s32 @!p0 s3, s7;
	s7 =	simm.s32 @!p0 $0x108  }
0x21: {  	s3 =	sadd.s32 s3, s9;
	s6 =	sadd.s32 @!p0 $0x88, s6;
	s7 =	simm.s32 @p2 $0x1082  }
0x22: {  	[simem:s7], [sflag:s8] =	dma.local @!p0 [hbm:s6], $0xF7A  }
0x23: {  	s9 =	sor.u32 $0xD0000000, s2;
	s6 =	simm.s32 $0x108;
	_ =	swait.ge @!p0 [sflag:s8], $0x0  }
0x24: {  	s3 =	sadd.s32 $0x88, s3;
	s6 =	simm.s32 @!p1 $0x1082;
	[sflag:s4] =	ssyncset.s32 $0xFFFFF086  }
0x25: {  	[simem:s6], [sflag:s4] =	dma.local [hbm:s3], $0xF7A  }
0x26: {  	[smem:$0x3F9D] =	sst s1;
	(tag) =	ssettag s2;
	_ =	strace s9  }
0x27: {  	s1 =	sld [smem:$0x3FAD]  }
0x28: {  	s2 =	sld [smem:$0x3FAE]  }
0x29: {  	s4 =	sld [smem:$0x3FB0]  }
0x2a: {  	p0 =	seq.s32 s5, $0x0;
	s5 =	sld [smem:$0x3FB1]  }
0x2b: {  	s6 =	sld [smem:$0x3FB2]  }
0x2c: {  	s7 =	sld [smem:$0x3FB3]  }
0x2d: {  	s3 =	simm.s32 $0x108;
	s8 =	sld [smem:$0x3FB4]  }
0x2e: {  	s3 =	simm.s32 @!p0 $0x1082;
	s9 =	sld [smem:$0x3FB5]  }
0x2f: {  	lr =	sadd.s32 s0, s3;
	s0 =	sld [smem:$0x3FAC]  }
0x30: {  	s3 =	sld [smem:$0x3FAF]  }
0x31: {  	[smem:$0x3FB8] =	sst s10  }
0x32: {  	s10 =	sld [smem:$0x3FB6];
	_ =	sdelay $0x3  }
0x33: {  	p0 =	seq.s32 s10, $0x1;
	s10 =	sld [smem:$0x3FB8];
	_ =	sdelay $0x3  }
0x34: {  	[smem:$0x3FB8] =	sst s10  }
0x35: {  	s10 =	sld [smem:$0x3FB7];
	_ =	sdelay $0x3  }
0x36: {  	p1 =	seq.s32 s10, $0x1;
	s10 =	sld [smem:$0x3FB8];
	_ =	sdelay $0x3  }
0x37: {  	[smem:$0x3FB8] =	sst s10  }
0x38: {  	s10 =	sld [smem:$0x3FB9]  }
0x39: {  	_ = 	snop;
	(pc) =	sbr.ind lr, $3  }
0x3a: {  	_ = 	snop  }
0x3b: {  	_ = 	snop  }
0x3c: {  	p2 =	seq.s32 s10, $0x1;
	s10 =	sld [smem:$0x3FB8]  }
0x3d: {  	_ =	shalt  }
0x3e: {  	_ =	shalt  }
0x3f: {  	_ =	shalt  }
0x40: {  	_ =	shalt  }
0x41: {  	_ =	shalt  }
0x42: {  	_ =	shalt  }
0x43: {  	_ =	shalt  }
0x44: {  	_ =	shalt  }
0x45: {  	_ =	shalt  }
0x46: {  	_ =	shalt  }
0x47: {  	_ =	shalt  }
0x48: {  	_ =	shalt  }
0x49: {  	_ =	shalt  }
0x4a: {  	_ =	shalt  }
0x4b: {  	_ =	shalt  }
0x4c: {  	_ =	shalt  }
0x4d: {  	_ =	shalt  }
0x4e: {  	_ =	shalt  }
0x4f: {  	_ =	shalt  }
0x50: {  	_ =	shalt  }
0x51: {  	_ =	shalt  }
0x52: {  	_ =	shalt  }
0x53: {  	_ =	shalt  }
0x54: {  	_ =	shalt  }
0x55: {  	_ =	shalt  }
0x56: {  	_ =	shalt  }
0x57: {  	_ =	shalt  }
0x58: {  	_ =	shalt  }
0x59: {  	_ =	shalt  }
0x5a: {  	_ =	shalt  }
0x5b: {  	_ =	shalt  }
0x5c: {  	_ =	shalt  }
0x5d: {  	_ =	shalt  }
0x5e: {  	_ =	shalt  }
0x5f: {  	_ =	shalt  }
0x60: {  	_ =	shalt  }
0x61: {  	_ =	shalt  }
0x62: {  	_ =	shalt  }
0x63: {  	_ =	shalt  }
0x64: {  	_ =	shalt  }
0x65: {  	_ =	shalt  }
0x66: {  	_ =	shalt  }
0x67: {  	_ =	shalt  }
0x68: {  	_ =	shalt  }
0x69: {  	_ =	shalt  }
0x6a: {  	_ =	shalt  }
0x6b: {  	_ =	shalt  }
0x6c: {  	_ =	shalt  }
0x6d: {  	_ =	shalt  }
0x6e: {  	_ =	shalt  }
0x6f: {  	_ =	shalt  }
0x70: {  	_ =	shalt  }
0x71: {  	_ =	shalt  }
0x72: {  	_ =	shalt  }
0x73: {  	_ =	shalt  }
0x74: {  	_ =	shalt  }
0x75: {  	_ =	shalt  }
0x76: {  	_ =	shalt  }
0x77: {  	_ =	shalt  }
0x78: {  	_ =	shalt  }
0x79: {  	_ =	shalt  }
0x7a: {  	_ =	shalt  }
0x7b: {  	_ =	shalt  }
0x7c: {  	_ =	shalt  }
0x7d: {  	_ =	shalt  }
0x7e: {  	_ =	shalt  }
0x7f: {  	_ =	shalt  }
0x80: {  	_ =	shalt  }
0x81: {  	_ =	shalt  }
0x82: {  	_ =	shalt  }
0x83: {  	_ =	shalt  }
0x84: {  	_ =	shalt  }
0x85: {  	_ =	shalt  }
0x86: {  	_ =	shalt  }
0x87: {  	_ =	shalt  }
.Lfunc_end0:
.L_simem_size_0:
called_computation_lowered:
.L_overlay_start_0:
0x88: {  	s2 =	sld [smem:$0x3FD9]  }
0x89: {  	s3 =	sld [smem:$0x3FFE];
	_ =	sdelay $0x1  }
0x8a: {  	s1 =	srdreg.scid  }
0x8b: {  	s0 =	sand.u32 $0x1, s1  }
0x8c: {  	s17 =	sshll.u32 s0, $0xA;
	s2 =	sadd.s32 s3, s2  }
0x8d: {  	s2 =	sadd.s32 s2, s17  }
0x8e: {  	[smem:$0x3FC4] =	sst s2  }
0x8f: {  	_ = 	snop  }
0x90: {  	s2 =	sld [smem:$0x3FD0];
	(tm) =	ssettm $0x1  }
0x91: {  	s18 =	sld [smem:$0x3FFB];
	_ =	sdelay $0x3  }
0x92: {  	_ =	strace s18  }
0x93: {  	s3 =	sld [smem:$0x3FFC];
	_ =	sdelay $0x3  }
0x94: {  	_ =	strace s3  }
0x95: {  	s3 =	sld [smem:$0x3FFD];
	_ =	sdelay $0x3  }
0x96: {  	_ =	strace s3  }
0x97: {  	_ =	strace $0x8FFFFFFF  }
0x98: {  	s19 =	sld [smem:$0x3FDB];
	_ =	sdelay $0x1  }
0x99: {  	s4 =	simm.s32 $_scs_section_size  }
0x9a: {  	s5 =	simm.s32 $_size__tile_overlayer_lowered;
	s6 =	simm.s32 $_tile_overlayer_lowered  }
0x9b: {  	s22 =	simm.s32 $0x1BFF;
	s21 =	sshll.u32 s6, $0x1;
	s3 =	sadd.s32 s4, s19  }
0x9c: {  	s7 =	simm.s32 $0x0;
	s20 =	sshll.u32 s5, $0x1;
	s5 =	sadd.s32 s21, s3  }
0x9d: {  	[timem:s7], [sflag:s22] =	dma.local [hbm:s5], s20  }
0x9e: {  	_ =	swait.ge [sflag:s22], s20  }
0x9f: {  	s4 =	ssub.s32 $0x0, s20;
	[sflag:s22] =	ssyncset.done $0x0  }
0xa0: {  	[sflag:s22] =	ssyncadd.s32 s4;
	_ =	sdelay $0x1  }
0xa1: {  	s23 =	simm.s32 $0x1B8B  }
0xa2: {  	_ =	swait.ge [sflag:s23], $0x1  }
0xa3: {  	[sflag:s23] =	ssyncset.done $0x0  }
0xa4: {  	s25 =	simm.s32 $0x1B8E;
	s24 =	sld [smem:$0x3FFE];
	[sflag:s23] =	ssyncadd.s32 $0xFFFFFFFF  }
0xa5: {  	s26 =	simm.s32 $execute0_lowered;
	[smem:$0x3FD2] =	sst s25  }
0xa6: {  	s5 =	sshll.u32 s26, $0x1;
	_ =	strace $0x80000046;
	[dreg:$0x1] =	wrdreg $0xFFFFFFFF  }
0xa7: {  	s28 =	simm.s32 $_size_execute0_lowered;
	s3 =	sadd.s32 s3, s5;
	[dreg:$0x0] =	wrdreg $0x0  }
0xa8: {  	s5 =	sshll.u32 s28, $0x1;
	[dreg:$0x2] =	wrdreg s3  }
0xa9: {  	[dreg:$0x3] =	wrdreg s5  }
0xaa: {  	[dreg:$0x4] =	wrdreg $0xC0  }
0xab: {  	_ =	task [dreg:s7], $0x5FFFF  }
0xac: {  	[dreg:$0x1] =	wrdreg $0xFFFFFFFF  }
0xad: {  	[dreg:$0x0] =	wrdreg $0x60  }
0xae: {  	[dreg:$0x2] =	wrdreg s24  }
0xaf: {  	[dreg:$0x3] =	wrdreg s2  }
0xb0: {  	[dreg:$0x4] =	wrdreg $0x1F6800  }
0xb1: {  	[dreg:$0x5] =	wrdreg $0x9  }
0xb2: {  	_ =	task.clear_ibuf [dreg:s7], $0x6FFFF;
	_ =	strace $0x90000046  }
0xb3: {  	s29 =	simm.s32 $0x9;
	_ =	strace $0x80000048  }
0xb4: {  	_ =	swait.ge [sflag:s29], $0x1  }
0xb5: {  	[sflag:s29] =	ssyncadd.s32 $0xFFFFFFFF  }
0xb6: {  	_ =	strace $0x90000048  }
0xb7: {  	_ =	sfence  }
0xb8: {  	s30 =	sld [smem:$0x0];
	_ =	sdelay $0x2  }
0xb9: {  	s31 =	sshll.u32 s1, $0xD;
	s1 =	sshrl.u32 s1, $0x2  }
0xba: {  	s3 =	sand.u32 $0x4000, s31;
	s1 =	sadd.s32 s1, s30  }
0xbb: {  	s0 =	sor.u32 s3, s0;
	s1 =	sshll.u32 s1, $0x11  }
0xbc: {  	s0 =	sor.u32 s1, s0  }
0xbd: {  	s0 =	sadd.s32 $0x8F2B, s0  }
0xbe: {  	[sflag:s0] =	ssyncadd.remote.s32 $0x1  }
0xbf: {  	_ =	sfence.sel $0xFFFF  }
0xc0: {  	[dreg:$0x0] =	wrdreg $0xFFFFFFFF;
	(pc) =	sbr.abs _section_cstart, $3  }
0xc1: {  	[dreg:$0x1] =	wrdreg $0xFFFFFFFF  }
0xc2: {  	_ =	task.clear_ibuf [dreg:s7], $0x2FFFF;
	_ =	strace $0x9FFFFFFF  }
0xc3: {  	(tm) =	ssettm $0x7FFFFFFF  }
tec
execute0_lowered:
.L_overlay_start_1:
0x0: {  	(tag) =	ssettag $0x1  }
0x1: {  	s0 =	rddreg [dreg:$0x0]  }
0x2: {  	s3 =	rddreg [dreg:$0x1];
	s2 =	srdreg.scid  }
0x3: {  	s4 =	stileid.u32;
	s1 =	rddreg [dreg:$0x2]  }
0x4: {  	s5 =	sand.u32 $0x1, s2;
	s6 =	sshll.u32 s4, $0x1;
	s2 =	simm.s32 $0x0  }
0x5: {  	s8 =	sadd.s32 $0x1DA00, s0;
	s6 =	sor.u32 s5, s6;
	s30 =	ssub.s32 $0x2, s5  }
0x6: {  	[smem:$0x7FF] =	sst s2;
	s7 =	smul.u32 $0x2710, s6;
	s9 =	sshrl.u32 s30, $0x1  }
0x7: {  	_ =	strace $0x80000047;
	s6 =	smul.u32 $0x138800, s6;
	s11 =	ssub.s32 s30, s9  }
0x8: {  	[dreg:$0x4] =	wrdreg s8;
	s7 =	sshrl.u32 s7, $0x3;
	s30 =	smax.u32 s11, $0x1  }
0x9: {  	s7 =	sadd.s32 s0, s7;
	[dreg:$0x15] =	wrdreg s30  }
0xa: {  	s10 =	sshrl.u32 s6, $0x3;
	s12 =	sadd.s32 $0x13C00, s7;
	[dreg:$0x5] =	wrdreg s7  }
0xb: {  	s0 =	sadd.s32 s3, s10;
	s7 =	sadd.s32 $0x9E00, s7;
	[dreg:$0x6] =	wrdreg s12  }
0xc: {  	s13 =	sadd.s32 $0x23000, s0;
	[dreg:$0x7] =	wrdreg s7  }
0xd: {  	s14 =	sadd.s32 $0x23500, s0;
	[dreg:$0x8] =	wrdreg s13  }
0xe: {  	s28 =	simm.s32 $0xB;
	s15 =	sadd.s32 $0x23A00, s0;
	[dreg:$0x9] =	wrdreg s14  }
0xf: {  	s29 =	simm.s32 $0x50;
	s16 =	sadd.s32 $0x23F00, s0;
	[dreg:$0xa] =	wrdreg s15  }
0x10: {  	s31 =	simm.s32 $0x17E80;
	s17 =	sadd.s32 $0x24400, s0;
	[dreg:$0xb] =	wrdreg s16  }
0x11: {  	s20 =	smul.u32 $0x4E200, s4;
	s18 =	sadd.s32 $0x24900, s0;
	[dreg:$0xc] =	wrdreg s17  }
0x12: {  	p0 =	sne.s32 s4, $0x0;
	s19 =	sadd.s32 $0x24E00, s0;
	[dreg:$0xd] =	wrdreg s18  }
0x13: {  	s4 =	simm.s32 $0x0;
	s21 =	sadd.s32 $0x25300, s0;
	[dreg:$0xe] =	wrdreg s19  }
0x14: {  	s5 =	smul.u32 $0x27100, s5;
	s22 =	sadd.s32 $0x25800, s0;
	[dreg:$0xf] =	wrdreg s21  }
0x15: {  	s8 =	simm.s32 $0x2;
	s23 =	sadd.s32 $0x25D00, s0;
	[dreg:$0x10] =	wrdreg s22  }
0x16: {  	s9 =	simm.s32 $0x3;
	s24 =	sadd.s32 $0x26200, s0;
	[dreg:$0x11] =	wrdreg s23  }
0x17: {  	s11 =	simm.s32 $0x5;
	s25 =	sadd.s32 $0x26700, s0;
	[dreg:$0x12] =	wrdreg s24  }
0x18: {  	s3 =	sadd.s32 s20, s3;
	s0 =	sadd.s32 $0x26C00, s0;
	[dreg:$0x13] =	wrdreg s25  }
0x19: {  	s10 =	simm.s32 $0x4;
	s26 =	sadd.s32 s5, s3;
	[dreg:$0x14] =	wrdreg s0  }
0x1a: {  	s0 =	sadd.s32 $0x2300, s26;
	s25 =	simm.s32 $0x9;
	s26 =	simm.s32 $0xA  }
0x1b: {  	s21 =	simm.s32 $0xB680;
	s22 =	simm.s32 $0xDE80;
	s23 =	simm.s32 $0x12E80  }
0x1c: {  	s24 =	simm.s32 $0x15680;
	s19 =	simm.s32 $0x1;
	s15 =	simm.s32 $0xC  }
0x1d: {  	s16 =	simm.s32 $0xD;
	s13 =	simm.s32 $0x6;
	s14 =	simm.s32 $0x7  }
0x1e: {  	s17 =	simm.s32 $0x8;
	[dreg:$0x16] =	wrdreg s0;
	s0 =	sshrl.u32 @!p0 s1, $0x3  }
0x1f: {  	s7 =	simm.s32 $0x10;
	[dreg:$0x17] =	wrdreg s0;
	s0 =	simm.s32 $0x10680  }
.LBB2_1:
0x20: {  	[dreg:$0x18] =	wrdreg s4  }
0x21: {  	s4 =	rddreg [dreg:$0x4]  }
0x22: {  	s3 =	simm.s32 @!p0 $0x1C11;
	s5 =	rddreg [dreg:$0x17]  }
0x23: {  	[spmem:s5], [sflag:s3] =	dma.local @!p0 [hbm:s4], $0x3C0  }
0x24: {  	s3 =	simm.s32 @!p0 $0x11  }
0x25: {  	_ =	swait.ge @!p0 [sflag:s3], $0x3C0  }
0x26: {  	[sflag:s3] =	ssyncset.done @!p0 $0x0  }
0x27: {  	s5 =	rddreg [dreg:$0x6];
	[sflag:s3] =	ssyncadd.s32 @!p0 $0xFFFFFC40  }
0x28: {  	[tilespmem:s2], [sflag:$0x9] =	stream.linear.gather [hbm4b:s5+s2], $0x2710, $0x38;
	[tilespmem:$0x1F860] =	vst v63  }
0x29: {  	s12 =	simm.s32 $0x2780;
	s6 =	rddreg [dreg:$0x7]  }
0x2a: {  	[tilespmem:s12], [sflag:$0xA] =	stream.linear.gather [hbm4b:s6+s2], $0x2710, $0x38;
	[tilespmem:$0x1F860] =	vst v63  }
0x2b: {  	s20 =	simm.s32 $0x4F00;
	s18 =	rddreg [dreg:$0x5]  }
0x2c: {  	[tilespmem:s20], [sflag:$0xB] =	stream.linear.gather [hbm4b:s18+s2], $0x2710, $0x38;
	[tilespmem:$0x1F860] =	vst v63  }
0x2d: {  	_ =	swait.ge [sflag:s25], $0x2710  }
0x2e: {  	[sflag:s25] =	ssyncset.done $0x0  }
0x2f: {  	[sflag:s25] =	ssyncadd.s32 $0xFFFFD8F0  }
0x30: {  	_ =	swait.ge [sflag:s26], $0x2710  }
0x31: {  	[sflag:s26] =	ssyncset.done $0x0  }
0x32: {  	[sflag:s26] =	ssyncadd.s32 $0xFFFFD8F0  }
0x33: {  	_ =	swait.ge [sflag:s28], $0x2710  }
0x34: {  	[sflag:s28] =	ssyncset.done $0x0  }
0x35: {  	s30 =	simm.s32 $0x0;
	[sflag:s28] =	ssyncadd.s32 $0xFFFFD8F0  }
0x36: {  	v0 =	vld [tilespmem:s30+$0x0];
	_ =	sdelay $0x1  }
0x37: {  	v1 =	vld [tilespmem:s30+$0x2780];
	_ =	sdelay $0x1  }
0x38: {  	v2 =	vld [tilespmem:s30+$0x4F00]  }
0x39: {  	v0 =	vmul.u32 $0x6, v0;
	_ =	sdelay $0x1  }
0x3a: {  	v0 =	vadd.s32 v1, v0  }
0x3b: {  	v0 =	vshll.u32 v0, $0x1  }
0x3c: {  	s3 =	simm.s32 $0x76A0;
	v0 =	vadd.s32 v2, v0  }
0x3d: {  	[tilespmem:s3+$0xFFFFFFE0] =	vst v0  }
0x3e: {  	v0 =	vld [tilespmem:s30+$0x10];
	_ =	sdelay $0x1  }
0x3f: {  	v1 =	vld [tilespmem:s30+$0x2790];
	_ =	sdelay $0x1  }
0x40: {  	v2 =	vld [tilespmem:s30+$0x4F10]  }
0x41: {  	v0 =	vmul.u32 $0x6, v0;
	_ =	sdelay $0x1  }
0x42: {  	v0 =	vadd.s32 v1, v0  }
0x43: {  	v0 =	vshll.u32 v0, $0x1  }
0x44: {  	v0 =	vadd.s32 v2, v0  }
0x45: {  	[tilespmem:s3+$0xFFFFFFF0] =	vst v0  }
0x46: {  	v0 =	vld [tilespmem:s30+$0x20];
	_ =	sdelay $0x1  }
0x47: {  	v1 =	vld [tilespmem:s30+$0x27A0];
	_ =	sdelay $0x1  }
0x48: {  	v2 =	vld [tilespmem:s30+$0x4F20]  }
0x49: {  	v0 =	vmul.u32 $0x6, v0;
	_ =	sdelay $0x1  }
0x4a: {  	v0 =	vadd.s32 v1, v0  }
0x4b: {  	v0 =	vshll.u32 v0, $0x1  }
0x4c: {  	v0 =	vadd.s32 v2, v0  }
0x4d: {  	[tilespmem:s3+$0x0] =	vst v0  }
0x4e: {  	v0 =	vld [tilespmem:s30+$0x30];
	_ =	sdelay $0x1  }
0x4f: {  	v1 =	vld [tilespmem:s30+$0x27B0];
	_ =	sdelay $0x1  }
0x50: {  	v2 =	vld [tilespmem:s30+$0x4F30]  }
0x51: {  	v0 =	vmul.u32 $0x6, v0;
	_ =	sdelay $0x1  }
0x52: {  	v0 =	vadd.s32 v1, v0  }
0x53: {  	v0 =	vshll.u32 v0, $0x1  }
0x54: {  	v0 =	vadd.s32 v2, v0  }
0x55: {  	[tilespmem:s3+$0x10] =	vst v0  }
0x56: {  	v0 =	vld [tilespmem:s30+$0x40];
	_ =	sdelay $0x1  }
0x57: {  	v1 =	vld [tilespmem:s30+$0x27C0];
	_ =	sdelay $0x1  }
0x58: {  	v2 =	vld [tilespmem:s30+$0x4F40]  }
0x59: {  	v0 =	vmul.u32 $0x6, v0;
	_ =	sdelay $0x1  }
0x5a: {  	v0 =	vadd.s32 v1, v0  }
0x5b: {  	v0 =	vshll.u32 v0, $0x1  }
0x5c: {  	s4 =	simm.s32 $0x140;
	s20 =	simm.s32 $0x280;
	v0 =	vadd.s32 v2, v0  }
.LBB2_2:
0x5d: {  	s6 =	sshra.s32 s4, $0x2  }
0x5e: {  	[tilespmem:s3+$0x20] =	vst v0;
	s3 =	sadd.s32 $0x80, s3;
	s4 =	smov.u32 s20;
	s5 =	sadd.s32 $0x140, s20  }
0x5f: {  	p1 =	sne.s32 s20, $0x8C0;
	v0 =	vld [tilespmem:s6+$0x0];
	_ =	sdelay $0x1  }
0x60: {  	v1 =	vld [tilespmem:s6+$0x2780];
	_ =	sdelay $0x1  }
0x61: {  	v2 =	vld [tilespmem:s6+$0x4F00]  }
0x62: {  	v0 =	vmul.u32 $0x6, v0;
	_ =	sdelay $0x1  }
0x63: {  	v0 =	vadd.s32 v1, v0  }
0x64: {  	v0 =	vshll.u32 v0, $0x1  }
0x65: {  	v0 =	vadd.s32 v2, v0  }
0x66: {  	[tilespmem:s3+$0xFFFFFFE0] =	vst v0  }
0x67: {  	v0 =	vld [tilespmem:s6+$0x10];
	_ =	sdelay $0x1  }
0x68: {  	v1 =	vld [tilespmem:s6+$0x2790];
	_ =	sdelay $0x1  }
0x69: {  	v2 =	vld [tilespmem:s6+$0x4F10]  }
0x6a: {  	v0 =	vmul.u32 $0x6, v0;
	_ =	sdelay $0x1  }
0x6b: {  	v0 =	vadd.s32 v1, v0  }
0x6c: {  	v0 =	vshll.u32 v0, $0x1  }
0x6d: {  	v0 =	vadd.s32 v2, v0  }
0x6e: {  	[tilespmem:s3+$0xFFFFFFF0] =	vst v0  }
0x6f: {  	v0 =	vld [tilespmem:s6+$0x20];
	_ =	sdelay $0x1  }
0x70: {  	v1 =	vld [tilespmem:s6+$0x27A0];
	_ =	sdelay $0x1  }
0x71: {  	v2 =	vld [tilespmem:s6+$0x4F20]  }
0x72: {  	v0 =	vmul.u32 $0x6, v0;
	_ =	sdelay $0x1  }
0x73: {  	v0 =	vadd.s32 v1, v0  }
0x74: {  	v0 =	vshll.u32 v0, $0x1  }
0x75: {  	v0 =	vadd.s32 v2, v0  }
0x76: {  	[tilespmem:s3+$0x0] =	vst v0  }
0x77: {  	v0 =	vld [tilespmem:s6+$0x30]  }
0x78: {  	v1 =	vld [tilespmem:s6+$0x27B0]  }
0x79: {  	v2 =	vld [tilespmem:s6+$0x4F30];
	_ =	sdelay $0x2  }
0x7a: {  	v0 =	vmul.u32 $0x6, v0;
	_ =	sdelay $0x1  }
0x7b: {  	v0 =	vadd.s32 v1, v0  }
0x7c: {  	v0 =	vshll.u32 v0, $0x1  }
0x7d: {  	v0 =	vadd.s32 v2, v0  }
0x7e: {  	[tilespmem:s3+$0x10] =	vst v0  }
0x7f: {  	v0 =	vld [tilespmem:s6+$0x40]  }
0x80: {  	v1 =	vld [tilespmem:s6+$0x27C0]  }
0x81: {  	v2 =	vld [tilespmem:s6+$0x4F40];
	_ =	sdelay $0x2  }
.Ltmp0:
0x82: {  	v0 =	vmul.u32 $0x6, v0;
	(pc) =	sbr.rel @p1 .LBB2_2-.Ltmp0, $4  }
0x83: {  	_ = 	snop  }
0x84: {  	v0 =	vadd.s32 v1, v0  }
0x85: {  	v0 =	vshll.u32 v0, $0x1  }
0x86: {  	s20 =	smov.u32 s5;
	v0 =	vadd.s32 v2, v0  }
0x87: {  	s4 =	sshra.s32 s4, $0x2;
	[tilespmem:s3+$0x20] =	vst v0  }
0x88: {  	v0 =	vld [tilespmem:s4+$0x0];
	_ =	sdelay $0x1  }
0x89: {  	v1 =	vld [tilespmem:s4+$0x2780];
	_ =	sdelay $0x1  }
0x8a: {  	v2 =	vld [tilespmem:s4+$0x4F00]  }
0x8b: {  	v0 =	vmul.u32 $0x6, v0;
	_ =	sdelay $0x1  }
0x8c: {  	v0 =	vadd.s32 v1, v0  }
0x8d: {  	v0 =	vshll.u32 v0, $0x1  }
0x8e: {  	s5 =	sadd.s32 $0x80, s3;
	v0 =	vadd.s32 v2, v0  }
0x8f: {  	[tilespmem:s5+$0xFFFFFFE0] =	vst v0  }
0x90: {  	v0 =	vld [tilespmem:s4+$0x10];
	_ =	sdelay $0x1  }
0x91: {  	v56 =	vld [tilespmem:s4+$0x2790];
	_ =	sdelay $0x1  }
0x92: {  	v57 =	vld [tilespmem:s4+$0x4F10]  }
0x93: {  	v0 =	vmul.u32 $0x6, v0;
	_ =	sdelay $0x1  }
0x94: {  	v0 =	vadd.s32 v56, v0  }
0x95: {  	v0 =	vshll.u32 v0, $0x1  }
0x96: {  	v0 =	vadd.s32 v57, v0  }
0x97: {  	[tilespmem:s5+$0xFFFFFFF0] =	vst v0  }
0x98: {  	v0 =	vld [tilespmem:s4+$0x20];
	_ =	sdelay $0x1  }
0x99: {  	v58 =	vld [tilespmem:s4+$0x27A0];
	_ =	sdelay $0x1  }
0x9a: {  	v59 =	vld [tilespmem:s4+$0x4F20]  }
0x9b: {  	v0 =	vmul.u32 $0x6, v0;
	_ =	sdelay $0x1  }
0x9c: {  	v0 =	vadd.s32 v58, v0  }
0x9d: {  	v0 =	vshll.u32 v0, $0x1  }
0x9e: {  	v0 =	vadd.s32 v59, v0  }
0x9f: {  	[tilespmem:s5+$0x0] =	vst v0  }
0xa0: {  	v0 =	vld [tilespmem:s4+$0x30];
	_ =	sdelay $0x1  }
0xa1: {  	v60 =	vld [tilespmem:s4+$0x27B0];
	_ =	sdelay $0x1  }
0xa2: {  	v61 =	vld [tilespmem:s4+$0x4F30]  }
0xa3: {  	v0 =	vmul.u32 $0x6, v0;
	_ =	sdelay $0x1  }
0xa4: {  	v0 =	vadd.s32 v60, v0  }
0xa5: {  	v0 =	vshll.u32 v0, $0x1  }
0xa6: {  	v0 =	vadd.s32 v61, v0  }
0xa7: {  	[tilespmem:s5+$0x10] =	vst v0  }
0xa8: {  	v0 =	vld [tilespmem:s4+$0x40];
	_ =	sdelay $0x1  }
0xa9: {  	v62 =	vld [tilespmem:s4+$0x27C0];
	_ =	sdelay $0x1  }
0xaa: {  	v63 =	vld [tilespmem:s4+$0x4F40]  }
0xab: {  	v0 =	vmul.u32 $0x6, v0;
	_ =	sdelay $0x1  }
0xac: {  	v0 =	vadd.s32 v62, v0  }
0xad: {  	v0 =	vshll.u32 v0, $0x1  }
0xae: {  	v0 =	vadd.s32 v63, v0  }
0xaf: {  	[tilespmem:s5+$0x20] =	vst v0  }
0xb0: {  	s6 =	simm.s32 $0x7680;
	[bflag:$0x0] =	sbarrier.arrive $0xFFFF  }
0xb1: {  	[tilespmem:s21], [sflag:$0x1] =	stream.indirect.gather [spmem:s1], $0x80, s6, s29, $0xb8;
	[tilespmem:$0x1F860] =	vst v63  }
0xb2: {  	s12 =	simm.s32 $0x7700  }
0xb3: {  	[tilespmem:s22], [sflag:$0x2] =	stream.indirect.gather [spmem:s1], $0x80, s12, s29, $0xb8;
	[tilespmem:$0x1F860] =	vst v63  }
0xb4: {  	s18 =	simm.s32 $0x7780  }
0xb5: {  	[tilespmem:s0], [sflag:$0x3] =	stream.indirect.gather [spmem:s1], $0x80, s18, s29, $0xb8;
	[tilespmem:$0x1F860] =	vst v63  }
0xb6: {  	s20 =	simm.s32 $0x7800  }
0xb7: {  	[tilespmem:s23], [sflag:$0x4] =	stream.indirect.gather [spmem:s1], $0x80, s20, s29, $0xb8;
	[tilespmem:$0x1F860] =	vst v63  }
0xb8: {  	s30 =	simm.s32 $0x7A00;
	s3 =	simm.s32 $0x4E0;
	s21 =	simm.s32 $0x7880  }
0xb9: {  	[tilespmem:s24], [sflag:$0x5] =	stream.indirect.gather [spmem:s1], $0x80, s21, s29, $0xb8;
	[tilespmem:$0x1F860] =	vst v63  }
0xba: {  	s4 =	simm.s32 $0x53E0;
	s5 =	rddreg [dreg:$0x16];
	s22 =	simm.s32 $0x7900  }
0xbb: {  	[tilespmem:s31], [sflag:$0x6] =	stream.indirect.gather [spmem:s1], $0x80, s22, s29, $0xb8;
	[tilespmem:$0x1F860] =	vst v63  }
0xbc: {  	s23 =	simm.s32 $0x7980;
	s20 =	simm.s32 $0x2C60;
	s24 =	simm.s32 $0x1A680  }
0xbd: {  	[tilespmem:s24], [sflag:$0x7] =	stream.indirect.gather [spmem:s1], $0x80, s23, s29, $0xb8;
	[tilespmem:$0x1F860] =	vst v63  }
0xbe: {  	s21 =	simm.s32 $0x4B0;
	s31 =	simm.s32 $0x1CE80;
	s22 =	simm.s32 $0x0  }
0xbf: {  	[tilespmem:s31], [sflag:$0x8] =	stream.indirect.gather [spmem:s1], $0x80, s30, s29, $0xb8;
	[tilespmem:$0x1F860] =	vst v63  }
.LBB2_4:
0xc0: {  	v0 =	vld [tilespmem:s3+$0xFFFFFDA0];
	_ =	sdelay $0x1  }
0xc1: {  	v1 =	vld [tilespmem:s20+$0xFFFFFDA0];
	_ =	sdelay $0x1  }
0xc2: {  	v2 =	vld [tilespmem:s4+$0xFFFFFDA0]  }
0xc3: {  	v0 =	vmul.u32 $0x6, v0;
	_ =	sdelay $0x1  }
0xc4: {  	v0 =	vadd.s32 v1, v0  }
0xc5: {  	v0 =	vshll.u32 v0, $0x1  }
0xc6: {  	s6 =	sshra.s32 s22, $0x2;
	v0 =	vadd.s32 v2, v0  }
0xc7: {  	[tilespmem:s6+$0x7A80] =	vst v0  }
0xc8: {  	v0 =	vld [tilespmem:s3+$0xFFFFFDB0];
	_ =	sdelay $0x1  }
0xc9: {  	v39 =	vld [tilespmem:s20+$0xFFFFFDB0];
	_ =	sdelay $0x1  }
0xca: {  	v40 =	vld [tilespmem:s4+$0xFFFFFDB0]  }
0xcb: {  	v0 =	vmul.u32 $0x6, v0;
	_ =	sdelay $0x1  }
0xcc: {  	v0 =	vadd.s32 v39, v0  }
0xcd: {  	v0 =	vshll.u32 v0, $0x1  }
0xce: {  	v0 =	vadd.s32 v40, v0  }
0xcf: {  	[tilespmem:s6+$0x7A90] =	vst v0  }
0xd0: {  	v0 =	vld [tilespmem:s3+$0xFFFFFDC0];
	_ =	sdelay $0x1  }
0xd1: {  	v41 =	vld [tilespmem:s20+$0xFFFFFDC0];
	_ =	sdelay $0x1  }
0xd2: {  	v42 =	vld [tilespmem:s4+$0xFFFFFDC0]  }
0xd3: {  	v0 =	vmul.u32 $0x6, v0;
	_ =	sdelay $0x1  }
0xd4: {  	v0 =	vadd.s32 v41, v0  }
0xd5: {  	v0 =	vshll.u32 v0, $0x1  }
0xd6: {  	v0 =	vadd.s32 v42, v0  }
0xd7: {  	[tilespmem:s6+$0x7AA0] =	vst v0  }
0xd8: {  	v0 =	vld [tilespmem:s3+$0xFFFFFDD0];
	_ =	sdelay $0x1  }
0xd9: {  	v43 =	vld [tilespmem:s20+$0xFFFFFDD0];
	_ =	sdelay $0x1  }
0xda: {  	v44 =	vld [tilespmem:s4+$0xFFFFFDD0]  }
0xdb: {  	v0 =	vmul.u32 $0x6, v0;
	_ =	sdelay $0x1  }
0xdc: {  	v0 =	vadd.s32 v43, v0  }
0xdd: {  	v0 =	vshll.u32 v0, $0x1  }
0xde: {  	v0 =	vadd.s32 v44, v0  }
0xdf: {  	[tilespmem:s6+$0x7AB0] =	vst v0  }
0xe0: {  	v0 =	vld [tilespmem:s3+$0xFFFFFDE0];
	_ =	sdelay $0x1  }
0xe1: {  	v45 =	vld [tilespmem:s20+$0xFFFFFDE0];
	_ =	sdelay $0x1  }
0xe2: {  	v46 =	vld [tilespmem:s4+$0xFFFFFDE0]  }
0xe3: {  	v0 =	vmul.u32 $0x6, v0;
	_ =	sdelay $0x1  }
0xe4: {  	v0 =	vadd.s32 v45, v0  }
0xe5: {  	v0 =	vshll.u32 v0, $0x1  }
0xe6: {  	v0 =	vadd.s32 v46, v0  }
0xe7: {  	[tilespmem:s6+$0x7AC0] =	vst v0  }
0xe8: {  	_ =	swait.ge [sflag:s19], $0x2800  }
0xe9: {  	[sflag:s19] =	ssyncset.done $0x0  }
0xea: {  	s31 =	sadd.s32 $0xFFFFDD00, s5;
	s18 =	simm.s32 $0xB680;
	[sflag:s19] =	ssyncadd.s32 $0xFFFFD800  }
0xeb: {  	[hbm4b:s31+s2] =	stream.linear.scatter [tilespmem:s18], [sflag:$0x9], $0x2800, $0x38;
	[tilespmem:$0x1F860] =	vst v63  }
0xec: {  	v47 =	vld [tilespmem:s3+$0xFFFFFDF0];
	_ =	sdelay $0x1  }
0xed: {  	v48 =	vld [tilespmem:s20+$0xFFFFFDF0];
	_ =	sdelay $0x1  }
0xee: {  	v49 =	vld [tilespmem:s4+$0xFFFFFDF0]  }
0xef: {  	v0 =	vmul.u32 $0x6, v47;
	_ =	sdelay $0x1  }
0xf0: {  	v0 =	vadd.s32 v48, v0  }
0xf1: {  	v0 =	vshll.u32 v0, $0x1  }
0xf2: {  	v0 =	vadd.s32 v49, v0  }
0xf3: {  	[tilespmem:s6+$0x7B00] =	vst v0  }
0xf4: {  	v0 =	vld [tilespmem:s3+$0xFFFFFE00];
	_ =	sdelay $0x1  }
0xf5: {  	v50 =	vld [tilespmem:s20+$0xFFFFFE00];
	_ =	sdelay $0x1  }
0xf6: {  	v51 =	vld [tilespmem:s4+$0xFFFFFE00]  }
0xf7: {  	v0 =	vmul.u32 $0x6, v0;
	_ =	sdelay $0x1  }
0xf8: {  	v0 =	vadd.s32 v50, v0  }
0xf9: {  	v0 =	vshll.u32 v0, $0x1  }
0xfa: {  	s31 =	sadd.s32 $0xFFFFFE20, s21;
	v0 =	vadd.s32 v51, v0  }
0xfb: {  	s31 =	sor.u32 $0x70, s31;
	[tilespmem:s6+$0x7B10] =	vst v0  }
0xfc: {  	v0 =	vld [tilespmem:s31+$0x0];
	_ =	sdelay $0x1  }
0xfd: {  	v52 =	vld [tilespmem:s31+$0x2780];
	_ =	sdelay $0x1  }
0xfe: {  	v53 =	vld [tilespmem:s31+$0x4F00]  }
0xff: {  	v0 =	vmul.u32 $0x6, v0;
	_ =	sdelay $0x1  }
0x100: {  	v0 =	vadd.s32 v52, v0  }
0x101: {  	v0 =	vshll.u32 v0, $0x1  }
0x102: {  	v0 =	vadd.s32 v53, v0  }
0x103: {  	[tilespmem:s6+$0x7B20] =	vst v0  }
0x104: {  	v0 =	vld [tilespmem:s3+$0xFFFFFE20];
	_ =	sdelay $0x1  }
0x105: {  	v54 =	vld [tilespmem:s20+$0xFFFFFE20];
	_ =	sdelay $0x1  }
0x106: {  	v55 =	vld [tilespmem:s4+$0xFFFFFE20]  }
0x107: {  	v0 =	vmul.u32 $0x6, v0;
	_ =	sdelay $0x1  }
0x108: {  	v0 =	vadd.s32 v54, v0  }
0x109: {  	v0 =	vshll.u32 v0, $0x1  }
0x10a: {  	v0 =	vadd.s32 v55, v0  }
0x10b: {  	[tilespmem:s6+$0x7B30] =	vst v0  }
0x10c: {  	v0 =	vld [tilespmem:s3+$0xFFFFFE30];
	_ =	sdelay $0x1  }
0x10d: {  	v56 =	vld [tilespmem:s20+$0xFFFFFE30];
	_ =	sdelay $0x1  }
0x10e: {  	v57 =	vld [tilespmem:s4+$0xFFFFFE30]  }
0x10f: {  	v0 =	vmul.u32 $0x6, v0;
	_ =	sdelay $0x1  }
0x110: {  	v0 =	vadd.s32 v56, v0  }
0x111: {  	v0 =	vshll.u32 v0, $0x1  }
0x112: {  	v0 =	vadd.s32 v57, v0  }
0x113: {  	[tilespmem:s6+$0x7B40] =	vst v0  }
0x114: {  	_ =	swait.ge [sflag:s8], $0x2800  }
0x115: {  	[sflag:s8] =	ssyncset.done $0x0  }
0x116: {  	s30 =	simm.s32 $0xDE80;
	s31 =	sadd.s32 $0xFFFFE200, s5;
	[sflag:s8] =	ssyncadd.s32 $0xFFFFD800  }
0x117: {  	[hbm4b:s31+s2] =	stream.linear.scatter [tilespmem:s30], [sflag:$0xA], $0x2800, $0x38;
	[tilespmem:$0x1F860] =	vst v63  }
0x118: {  	v58 =	vld [tilespmem:s3+$0xFFFFFE40];
	_ =	sdelay $0x1  }
0x119: {  	v59 =	vld [tilespmem:s20+$0xFFFFFE40];
	_ =	sdelay $0x1  }
0x11a: {  	v60 =	vld [tilespmem:s4+$0xFFFFFE40]  }
0x11b: {  	v0 =	vmul.u32 $0x6, v58;
	_ =	sdelay $0x1  }
0x11c: {  	v0 =	vadd.s32 v59, v0  }
0x11d: {  	v0 =	vshll.u32 v0, $0x1  }
0x11e: {  	s31 =	sadd.s32 $0xFFFFFE70, s21;
	v0 =	vadd.s32 v60, v0  }
0x11f: {  	s23 =	sor.u32 $0x30, s31;
	[tilespmem:s6+$0x7B80] =	vst v0  }
0x120: {  	v0 =	vld [tilespmem:s23+$0x0];
	_ =	sdelay $0x1  }
0x121: {  	v61 =	vld [tilespmem:s23+$0x2780];
	_ =	sdelay $0x1  }
0x122: {  	v62 =	vld [tilespmem:s23+$0x4F00]  }
0x123: {  	v0 =	vmul.u32 $0x6, v0;
	_ =	sdelay $0x1  }
0x124: {  	v0 =	vadd.s32 v61, v0  }
0x125: {  	v0 =	vshll.u32 v0, $0x1  }
0x126: {  	v0 =	vadd.s32 v62, v0  }
0x127: {  	[tilespmem:s6+$0x7B90] =	vst v0  }
0x128: {  	v0 =	vld [tilespmem:s3+$0xFFFFFE60];
	_ =	sdelay $0x1  }
0x129: {  	v63 =	vld [tilespmem:s20+$0xFFFFFE60];
	_ =	sdelay $0x1  }
0x12a: {  	v4 =	vld [tilespmem:s4+$0xFFFFFE60]  }
0x12b: {  	v0 =	vmul.u32 $0x6, v0;
	_ =	sdelay $0x1  }
0x12c: {  	v0 =	vadd.s32 v63, v0  }
0x12d: {  	v0 =	vshll.u32 v0, $0x1  }
0x12e: {  	s8 =	sadd.s32 $0xFFFFFE90, s21;
	v0 =	vadd.s32 v4, v0  }
0x12f: {  	s23 =	sor.u32 $0x50, s8;
	[tilespmem:s6+$0x7BA0] =	vst v0  }
0x130: {  	v0 =	vld [tilespmem:s23+$0x0];
	_ =	sdelay $0x1  }
0x131: {  	v5 =	vld [tilespmem:s23+$0x2780];
	_ =	sdelay $0x1  }
0x132: {  	v6 =	vld [tilespmem:s23+$0x4F00]  }
0x133: {  	v0 =	vmul.u32 $0x6, v0;
	_ =	sdelay $0x1  }
0x134: {  	v0 =	vadd.s32 v5, v0  }
0x135: {  	v0 =	vshll.u32 v0, $0x1  }
0x136: {  	v0 =	vadd.s32 v6, v0  }
0x137: {  	s12 =	sor.u32 $0x60, s31;
	[tilespmem:s6+$0x7BB0] =	vst v0  }
0x138: {  	v0 =	vld [tilespmem:s12+$0x0];
	_ =	sdelay $0x1  }
0x139: {  	v7 =	vld [tilespmem:s12+$0x2780];
	_ =	sdelay $0x1  }
0x13a: {  	v8 =	vld [tilespmem:s12+$0x4F00]  }
0x13b: {  	v0 =	vmul.u32 $0x6, v0;
	_ =	sdelay $0x1  }
0x13c: {  	v0 =	vadd.s32 v7, v0  }
0x13d: {  	v0 =	vshll.u32 v0, $0x1  }
0x13e: {  	v0 =	vadd.s32 v8, v0  }
0x13f: {  	[tilespmem:s6+$0x7BC0] =	vst v0  }
0x140: {  	_ =	swait.ge [sflag:s9], $0x2800  }
0x141: {  	[sflag:s9] =	ssyncset.done $0x0  }
0x142: {  	s19 =	sadd.s32 $0xFFFFE700, s5;
	s12 =	simm.s32 $0x10680;
	[sflag:s9] =	ssyncadd.s32 $0xFFFFD800  }
0x143: {  	[hbm4b:s19+s2] =	stream.linear.scatter [tilespmem:s12], [sflag:$0xB], $0x2800, $0x38;
	[tilespmem:$0x1F860] =	vst v63  }
0x144: {  	v9 =	vld [tilespmem:s3+$0xFFFFFE90];
	_ =	sdelay $0x1  }
0x145: {  	v10 =	vld [tilespmem:s20+$0xFFFFFE90];
	_ =	sdelay $0x1  }
0x146: {  	v11 =	vld [tilespmem:s4+$0xFFFFFE90]  }
0x147: {  	v0 =	vmul.u32 $0x6, v9;
	_ =	sdelay $0x1  }
0x148: {  	v0 =	vadd.s32 v10, v0  }
0x149: {  	v0 =	vshll.u32 v0, $0x1  }
0x14a: {  	v0 =	vadd.s32 v11, v0  }
0x14b: {  	[tilespmem:s6+$0x7C00] =	vst v0  }
0x14c: {  	v0 =	vld [tilespmem:s3+$0xFFFFFEA0];
	_ =	sdelay $0x1  }
0x14d: {  	v12 =	vld [tilespmem:s20+$0xFFFFFEA0];
	_ =	sdelay $0x1  }
0x14e: {  	v13 =	vld [tilespmem:s4+$0xFFFFFEA0]  }
0x14f: {  	v0 =	vmul.u32 $0x6, v0;
	_ =	sdelay $0x1  }
0x150: {  	v0 =	vadd.s32 v12, v0  }
0x151: {  	v0 =	vshll.u32 v0, $0x1  }
0x152: {  	v0 =	vadd.s32 v13, v0  }
0x153: {  	[tilespmem:s6+$0x7C10] =	vst v0  }
0x154: {  	v0 =	vld [tilespmem:s3+$0xFFFFFEB0];
	_ =	sdelay $0x1  }
0x155: {  	v14 =	vld [tilespmem:s20+$0xFFFFFEB0];
	_ =	sdelay $0x1  }
0x156: {  	v15 =	vld [tilespmem:s4+$0xFFFFFEB0]  }
0x157: {  	v0 =	vmul.u32 $0x6, v0;
	_ =	sdelay $0x1  }
0x158: {  	v0 =	vadd.s32 v14, v0  }
0x159: {  	v0 =	vshll.u32 v0, $0x1  }
0x15a: {  	v0 =	vadd.s32 v15, v0  }
0x15b: {  	[tilespmem:s6+$0x7C20] =	vst v0  }
0x15c: {  	v0 =	vld [tilespmem:s3+$0xFFFFFEC0];
	_ =	sdelay $0x1  }
0x15d: {  	v16 =	vld [tilespmem:s20+$0xFFFFFEC0];
	_ =	sdelay $0x1  }
0x15e: {  	v17 =	vld [tilespmem:s4+$0xFFFFFEC0]  }
0x15f: {  	v0 =	vmul.u32 $0x6, v0;
	_ =	sdelay $0x1  }
0x160: {  	v0 =	vadd.s32 v16, v0  }
0x161: {  	v0 =	vshll.u32 v0, $0x1  }
0x162: {  	v0 =	vadd.s32 v17, v0  }
0x163: {  	[tilespmem:s6+$0x7C30] =	vst v0  }
0x164: {  	v0 =	vld [tilespmem:s3+$0xFFFFFED0];
	_ =	sdelay $0x1  }
0x165: {  	v18 =	vld [tilespmem:s20+$0xFFFFFED0];
	_ =	sdelay $0x1  }
0x166: {  	v19 =	vld [tilespmem:s4+$0xFFFFFED0]  }
0x167: {  	v0 =	vmul.u32 $0x6, v0;
	_ =	sdelay $0x1  }
0x168: {  	v0 =	vadd.s32 v18, v0  }
0x169: {  	v0 =	vshll.u32 v0, $0x1  }
0x16a: {  	v0 =	vadd.s32 v19, v0  }
0x16b: {  	[tilespmem:s6+$0x7C40] =	vst v0  }
0x16c: {  	_ =	swait.ge [sflag:s10], $0x2800  }
0x16d: {  	[sflag:s10] =	ssyncset.done $0x0  }
0x16e: {  	s24 =	sadd.s32 $0xFFFFEC00, s5;
	s0 =	simm.s32 $0x12E80;
	[sflag:s10] =	ssyncadd.s32 $0xFFFFD800  }
0x16f: {  	[hbm4b:s24+s2] =	stream.linear.scatter [tilespmem:s0], [sflag:$0xC], $0x2800, $0x38;
	[tilespmem:$0x1F860] =	vst v63  }
0x170: {  	v20 =	vld [tilespmem:s3+$0xFFFFFEE0];
	_ =	sdelay $0x1  }
0x171: {  	v21 =	vld [tilespmem:s20+$0xFFFFFEE0];
	_ =	sdelay $0x1  }
0x172: {  	v22 =	vld [tilespmem:s4+$0xFFFFFEE0]  }
0x173: {  	v0 =	vmul.u32 $0x6, v20;
	_ =	sdelay $0x1  }
0x174: {  	v0 =	vadd.s32 v21, v0  }
0x175: {  	v0 =	vshll.u32 v0, $0x1  }
0x176: {  	s8 =	sadd.s32 $0xFFFFFF10, s21;
	v0 =	vadd.s32 v22, v0  }
0x177: {  	s31 =	sor.u32 $0x50, s8;
	[tilespmem:s6+$0x7C80] =	vst v0  }
0x178: {  	v0 =	vld [tilespmem:s31+$0x0];
	_ =	sdelay $0x1  }
0x179: {  	v23 =	vld [tilespmem:s31+$0x2780];
	_ =	sdelay $0x1  }
0x17a: {  	v24 =	vld [tilespmem:s31+$0x4F00]  }
0x17b: {  	v0 =	vmul.u32 $0x6, v0;
	_ =	sdelay $0x1  }
0x17c: {  	v0 =	vadd.s32 v23, v0  }
0x17d: {  	v0 =	vshll.u32 v0, $0x1  }
0x17e: {  	v0 =	vadd.s32 v24, v0  }
0x17f: {  	s31 =	sor.u32 $0x60, s8;
	[tilespmem:s6+$0x7C90] =	vst v0  }
0x180: {  	v0 =	vld [tilespmem:s31+$0x0];
	_ =	sdelay $0x1  }
0x181: {  	v25 =	vld [tilespmem:s31+$0x2780];
	_ =	sdelay $0x1  }
0x182: {  	v26 =	vld [tilespmem:s31+$0x4F00]  }
0x183: {  	v0 =	vmul.u32 $0x6, v0;
	_ =	sdelay $0x1  }
0x184: {  	v0 =	vadd.s32 v25, v0  }
0x185: {  	v0 =	vshll.u32 v0, $0x1  }
0x186: {  	v0 =	vadd.s32 v26, v0  }
0x187: {  	s23 =	sor.u32 $0x70, s8;
	[tilespmem:s6+$0x7CA0] =	vst v0  }
0x188: {  	v0 =	vld [tilespmem:s23+$0x0];
	_ =	sdelay $0x1  }
0x189: {  	v27 =	vld [tilespmem:s23+$0x2780];
	_ =	sdelay $0x1  }
0x18a: {  	v28 =	vld [tilespmem:s23+$0x4F00]  }
0x18b: {  	v0 =	vmul.u32 $0x6, v0;
	_ =	sdelay $0x1  }
0x18c: {  	v0 =	vadd.s32 v27, v0  }
0x18d: {  	v0 =	vshll.u32 v0, $0x1  }
0x18e: {  	v0 =	vadd.s32 v28, v0  }
0x18f: {  	[tilespmem:s6+$0x7CB0] =	vst v0  }
0x190: {  	v0 =	vld [tilespmem:s3+$0xFFFFFF20];
	_ =	sdelay $0x1  }
0x191: {  	v29 =	vld [tilespmem:s20+$0xFFFFFF20];
	_ =	sdelay $0x1  }
0x192: {  	v30 =	vld [tilespmem:s4+$0xFFFFFF20]  }
0x193: {  	v0 =	vmul.u32 $0x6, v0;
	_ =	sdelay $0x1  }
0x194: {  	v0 =	vadd.s32 v29, v0  }
0x195: {  	v0 =	vshll.u32 v0, $0x1  }
0x196: {  	v0 =	vadd.s32 v30, v0  }
0x197: {  	[tilespmem:s6+$0x7CC0] =	vst v0  }
0x198: {  	_ =	swait.ge [sflag:s11], $0x2800  }
0x199: {  	[sflag:s11] =	ssyncset.done $0x0  }
0x19a: {  	s19 =	sadd.s32 $0xFFFFF100, s5;
	s24 =	simm.s32 $0x15680;
	[sflag:s11] =	ssyncadd.s32 $0xFFFFD800  }
0x19b: {  	[hbm4b:s19+s2] =	stream.linear.scatter [tilespmem:s24], [sflag:$0xD], $0x2800, $0x38;
	[tilespmem:$0x1F860] =	vst v63  }
0x19c: {  	v31 =	vld [tilespmem:s3+$0xFFFFFF30];
	_ =	sdelay $0x1  }
0x19d: {  	v32 =	vld [tilespmem:s20+$0xFFFFFF30];
	_ =	sdelay $0x1  }
0x19e: {  	v33 =	vld [tilespmem:s4+$0xFFFFFF30]  }
0x19f: {  	v0 =	vmul.u32 $0x6, v31;
	_ =	sdelay $0x1  }
0x1a0: {  	v0 =	vadd.s32 v32, v0  }
0x1a1: {  	v0 =	vshll.u32 v0, $0x1  }
0x1a2: {  	v0 =	vadd.s32 v33, v0  }
0x1a3: {  	[tilespmem:s6+$0x7D00] =	vst v0  }
0x1a4: {  	v0 =	vld [tilespmem:s3+$0xFFFFFF40];
	_ =	sdelay $0x1  }
0x1a5: {  	v34 =	vld [tilespmem:s20+$0xFFFFFF40];
	_ =	sdelay $0x1  }
0x1a6: {  	v35 =	vld [tilespmem:s4+$0xFFFFFF40]  }
0x1a7: {  	v0 =	vmul.u32 $0x6, v0;
	_ =	sdelay $0x1  }
0x1a8: {  	v0 =	vadd.s32 v34, v0  }
0x1a9: {  	v0 =	vshll.u32 v0, $0x1  }
0x1aa: {  	s8 =	sadd.s32 $0xFFFFFF60, s21;
	v0 =	vadd.s32 v35, v0  }
0x1ab: {  	s31 =	sor.u32 $0x30, s8;
	[tilespmem:s6+$0x7D10] =	vst v0  }
0x1ac: {  	v0 =	vld [tilespmem:s31+$0x0];
	_ =	sdelay $0x1  }
0x1ad: {  	v36 =	vld [tilespmem:s31+$0x2780];
	_ =	sdelay $0x1  }
0x1ae: {  	v37 =	vld [tilespmem:s31+$0x4F00]  }
0x1af: {  	v0 =	vmul.u32 $0x6, v0;
	_ =	sdelay $0x1  }
0x1b0: {  	v0 =	vadd.s32 v36, v0  }
0x1b1: {  	v0 =	vshll.u32 v0, $0x1  }
0x1b2: {  	v0 =	vadd.s32 v37, v0  }
0x1b3: {  	[tilespmem:s6+$0x7D20] =	vst v0  }
0x1b4: {  	v0 =	vld [tilespmem:s3+$0xFFFFFF60];
	_ =	sdelay $0x1  }
0x1b5: {  	v38 =	vld [tilespmem:s20+$0xFFFFFF60];
	_ =	sdelay $0x1  }
0x1b6: {  	v39 =	vld [tilespmem:s4+$0xFFFFFF60]  }
0x1b7: {  	v0 =	vmul.u32 $0x6, v0;
	_ =	sdelay $0x1  }
0x1b8: {  	v0 =	vadd.s32 v38, v0  }
0x1b9: {  	v0 =	vshll.u32 v0, $0x1  }
0x1ba: {  	v0 =	vadd.s32 v39, v0  }
0x1bb: {  	s23 =	sor.u32 $0x50, s8;
	[tilespmem:s6+$0x7D30] =	vst v0  }
0x1bc: {  	v0 =	vld [tilespmem:s23+$0x0];
	_ =	sdelay $0x1  }
0x1bd: {  	v40 =	vld [tilespmem:s23+$0x2780];
	_ =	sdelay $0x1  }
0x1be: {  	v41 =	vld [tilespmem:s23+$0x4F00]  }
0x1bf: {  	v0 =	vmul.u32 $0x6, v0;
	_ =	sdelay $0x1  }
0x1c0: {  	v0 =	vadd.s32 v40, v0  }
0x1c1: {  	v0 =	vshll.u32 v0, $0x1  }
0x1c2: {  	v0 =	vadd.s32 v41, v0  }
0x1c3: {  	[tilespmem:s6+$0x7D40] =	vst v0  }
0x1c4: {  	_ =	swait.ge [sflag:s13], $0x2800  }
0x1c5: {  	[sflag:s13] =	ssyncset.done $0x0  }
0x1c6: {  	s19 =	sadd.s32 $0xFFFFF600, s5;
	s31 =	simm.s32 $0x17E80;
	[sflag:s13] =	ssyncadd.s32 $0xFFFFD800  }
0x1c7: {  	[hbm4b:s19+s2] =	stream.linear.scatter [tilespmem:s31], [sflag:$0xE], $0x2800, $0x38;
	[tilespmem:$0x1F860] =	vst v63  }
0x1c8: {  	v42 =	vld [tilespmem:s3+$0xFFFFFF80];
	_ =	sdelay $0x1  }
0x1c9: {  	v43 =	vld [tilespmem:s20+$0xFFFFFF80];
	_ =	sdelay $0x1  }
0x1ca: {  	v44 =	vld [tilespmem:s4+$0xFFFFFF80]  }
0x1cb: {  	v0 =	vmul.u32 $0x6, v42;
	_ =	sdelay $0x1  }
0x1cc: {  	v0 =	vadd.s32 v43, v0  }
0x1cd: {  	v0 =	vshll.u32 v0, $0x1  }
0x1ce: {  	s8 =	sadd.s32 $0xFFFFFFB0, s21;
	v0 =	vadd.s32 v44, v0  }
0x1cf: {  	s23 =	sor.u32 $0x70, s8;
	[tilespmem:s6+$0x7D80] =	vst v0  }
0x1d0: {  	v0 =	vld [tilespmem:s23+$0x0];
	_ =	sdelay $0x1  }
0x1d1: {  	v45 =	vld [tilespmem:s23+$0x2780];
	_ =	sdelay $0x1  }
0x1d2: {  	v46 =	vld [tilespmem:s23+$0x4F00]  }
0x1d3: {  	v0 =	vmul.u32 $0x6, v0;
	_ =	sdelay $0x1  }
0x1d4: {  	v0 =	vadd.s32 v45, v0  }
0x1d5: {  	v0 =	vshll.u32 v0, $0x1  }
0x1d6: {  	v0 =	vadd.s32 v46, v0  }
0x1d7: {  	[tilespmem:s6+$0x7D90] =	vst v0  }
0x1d8: {  	v0 =	vld [tilespmem:s3+$0xFFFFFFA0];
	_ =	sdelay $0x1  }
0x1d9: {  	v47 =	vld [tilespmem:s20+$0xFFFFFFA0];
	_ =	sdelay $0x1  }
0x1da: {  	v48 =	vld [tilespmem:s4+$0xFFFFFFA0]  }
0x1db: {  	v0 =	vmul.u32 $0x6, v0;
	_ =	sdelay $0x1  }
0x1dc: {  	v0 =	vadd.s32 v47, v0  }
0x1dd: {  	v0 =	vshll.u32 v0, $0x1  }
0x1de: {  	v0 =	vadd.s32 v48, v0  }
0x1df: {  	[tilespmem:s6+$0x7DA0] =	vst v0  }
0x1e0: {  	v0 =	vld [tilespmem:s3+$0xFFFFFFB0];
	_ =	sdelay $0x1  }
0x1e1: {  	v49 =	vld [tilespmem:s20+$0xFFFFFFB0];
	_ =	sdelay $0x1  }
0x1e2: {  	v50 =	vld [tilespmem:s4+$0xFFFFFFB0]  }
0x1e3: {  	v0 =	vmul.u32 $0x6, v0;
	_ =	sdelay $0x1  }
0x1e4: {  	v0 =	vadd.s32 v49, v0  }
0x1e5: {  	v0 =	vshll.u32 v0, $0x1  }
0x1e6: {  	v0 =	vadd.s32 v50, v0  }
0x1e7: {  	[tilespmem:s6+$0x7DB0] =	vst v0  }
0x1e8: {  	v0 =	vld [tilespmem:s3+$0xFFFFFFC0];
	_ =	sdelay $0x1  }
0x1e9: {  	v51 =	vld [tilespmem:s20+$0xFFFFFFC0];
	_ =	sdelay $0x1  }
0x1ea: {  	v52 =	vld [tilespmem:s4+$0xFFFFFFC0]  }
0x1eb: {  	v0 =	vmul.u32 $0x6, v0;
	_ =	sdelay $0x1  }
0x1ec: {  	v0 =	vadd.s32 v51, v0  }
0x1ed: {  	v0 =	vshll.u32 v0, $0x1  }
0x1ee: {  	v0 =	vadd.s32 v52, v0  }
0x1ef: {  	[tilespmem:s6+$0x7DC0] =	vst v0  }
0x1f0: {  	_ =	swait.ge [sflag:s14], $0x2800  }
0x1f1: {  	[sflag:s14] =	ssyncset.done $0x0  }
0x1f2: {  	s8 =	simm.s32 $0x1A680;
	s19 =	sadd.s32 $0xFFFFFB00, s5;
	[sflag:s14] =	ssyncadd.s32 $0xFFFFD800  }
0x1f3: {  	[hbm4b:s19+s2] =	stream.linear.scatter [tilespmem:s8], [sflag:$0xF], $0x2800, $0x38;
	[tilespmem:$0x1F860] =	vst v63  }
0x1f4: {  	v53 =	vld [tilespmem:s3+$0xFFFFFFD0];
	_ =	sdelay $0x1  }
0x1f5: {  	v54 =	vld [tilespmem:s20+$0xFFFFFFD0];
	_ =	sdelay $0x1  }
0x1f6: {  	v55 =	vld [tilespmem:s4+$0xFFFFFFD0]  }
0x1f7: {  	v0 =	vmul.u32 $0x6, v53;
	_ =	sdelay $0x1  }
0x1f8: {  	v0 =	vadd.s32 v54, v0  }
0x1f9: {  	v0 =	vshll.u32 v0, $0x1  }
0x1fa: {  	v0 =	vadd.s32 v55, v0  }
0x1fb: {  	[tilespmem:s6+$0x7E00] =	vst v0  }
0x1fc: {  	v0 =	vld [tilespmem:s3+$0xFFFFFFE0];
	_ =	sdelay $0x1  }
0x1fd: {  	v56 =	vld [tilespmem:s20+$0xFFFFFFE0];
	_ =	sdelay $0x1  }
0x1fe: {  	v57 =	vld [tilespmem:s4+$0xFFFFFFE0]  }
0x1ff: {  	v0 =	vmul.u32 $0x6, v0;
	_ =	sdelay $0x1  }
0x200: {  	v0 =	vadd.s32 v56, v0  }
0x201: {  	v0 =	vshll.u32 v0, $0x1  }
0x202: {  	v0 =	vadd.s32 v57, v0  }
0x203: {  	[tilespmem:s6+$0x7E10] =	vst v0  }
0x204: {  	v0 =	vld [tilespmem:s3+$0xFFFFFFF0];
	_ =	sdelay $0x1  }
0x205: {  	v58 =	vld [tilespmem:s20+$0xFFFFFFF0];
	_ =	sdelay $0x1  }
0x206: {  	v59 =	vld [tilespmem:s4+$0xFFFFFFF0]  }
0x207: {  	v0 =	vmul.u32 $0x6, v0;
	_ =	sdelay $0x1  }
0x208: {  	v0 =	vadd.s32 v58, v0  }
0x209: {  	v0 =	vshll.u32 v0, $0x1  }
0x20a: {  	v0 =	vadd.s32 v59, v0  }
0x20b: {  	[tilespmem:s6+$0x7E20] =	vst v0  }
0x20c: {  	v0 =	vld [tilespmem:s3+$0x0];
	_ =	sdelay $0x1  }
0x20d: {  	v60 =	vld [tilespmem:s20+$0x0];
	_ =	sdelay $0x1  }
0x20e: {  	v61 =	vld [tilespmem:s4+$0x0]  }
0x20f: {  	v0 =	vmul.u32 $0x6, v0;
	_ =	sdelay $0x1  }
0x210: {  	v0 =	vadd.s32 v60, v0  }
0x211: {  	v0 =	vshll.u32 v0, $0x1  }
0x212: {  	v0 =	vadd.s32 v61, v0  }
0x213: {  	s19 =	sor.u32 $0x70, s21;
	[tilespmem:s6+$0x7E30] =	vst v0  }
0x214: {  	v0 =	vld [tilespmem:s19+$0x0];
	_ =	sdelay $0x1  }
0x215: {  	v62 =	vld [tilespmem:s19+$0x2780];
	_ =	sdelay $0x1  }
0x216: {  	v63 =	vld [tilespmem:s19+$0x4F00]  }
0x217: {  	v0 =	vmul.u32 $0x6, v0;
	_ =	sdelay $0x1  }
0x218: {  	v0 =	vadd.s32 v62, v0  }
0x219: {  	v0 =	vshll.u32 v0, $0x1  }
0x21a: {  	v0 =	vadd.s32 v63, v0  }
0x21b: {  	[tilespmem:s6+$0x7E40] =	vst v0  }
0x21c: {  	_ =	swait.ge [sflag:s17], $0x2800  }
0x21d: {  	[sflag:s17] =	ssyncset.done $0x0  }
0x21e: {  	s19 =	simm.s32 $0x1CE80;
	[sflag:s17] =	ssyncadd.s32 $0xFFFFD800  }
0x21f: {  	[hbm4b:s5+s2] =	stream.linear.scatter [tilespmem:s19], [sflag:$0x10], $0x2800, $0x38;
	[tilespmem:$0x1F860] =	vst v63  }
0x220: {  	_ =	swait.ge [sflag:s25], $0x2800  }
0x221: {  	[sflag:s25] =	ssyncset.done $0x0  }
0x222: {  	s23 =	sadd.s32 $0x7A80, s6;
	[sflag:s25] =	ssyncadd.s32 $0xFFFFD800  }
0x223: {  	[tilespmem:s18], [sflag:$0x1] =	stream.indirect.gather [spmem:s1], $0x80, s23, s29, $0xb8;
	[tilespmem:$0x1F860] =	vst v63  }
0x224: {  	_ =	swait.ge [sflag:s26], $0x2800  }
0x225: {  	[sflag:s26] =	ssyncset.done $0x0  }
0x226: {  	s18 =	sadd.s32 $0x7B00, s6;
	[sflag:s26] =	ssyncadd.s32 $0xFFFFD800  }
0x227: {  	[tilespmem:s30], [sflag:$0x2] =	stream.indirect.gather [spmem:s1], $0x80, s18, s29, $0xb8;
	[tilespmem:$0x1F860] =	vst v63  }
0x228: {  	_ =	swait.ge [sflag:s28], $0x2800  }
0x229: {  	[sflag:s28] =	ssyncset.done $0x0  }
0x22a: {  	s18 =	sadd.s32 $0x7B80, s6;
	[sflag:s28] =	ssyncadd.s32 $0xFFFFD800  }
0x22b: {  	[tilespmem:s12], [sflag:$0x3] =	stream.indirect.gather [spmem:s1], $0x80, s18, s29, $0xb8;
	[tilespmem:$0x1F860] =	vst v63  }
0x22c: {  	_ =	swait.ge [sflag:s15], $0x2800  }
0x22d: {  	[sflag:s15] =	ssyncset.done $0x0  }
0x22e: {  	s18 =	sadd.s32 $0x7C00, s6;
	[sflag:s15] =	ssyncadd.s32 $0xFFFFD800  }
0x22f: {  	[tilespmem:s0], [sflag:$0x4] =	stream.indirect.gather [spmem:s1], $0x80, s18, s29, $0xb8;
	[tilespmem:$0x1F860] =	vst v63  }
0x230: {  	_ =	swait.ge [sflag:s16], $0x2800  }
0x231: {  	[sflag:s16] =	ssyncset.done $0x0  }
0x232: {  	s12 =	simm.s32 $0xE;
	s18 =	sadd.s32 $0x7C80, s6;
	[sflag:s16] =	ssyncadd.s32 $0xFFFFD800  }
0x233: {  	[tilespmem:s24], [sflag:$0x5] =	stream.indirect.gather [spmem:s1], $0x80, s18, s29, $0xb8;
	[tilespmem:$0x1F860] =	vst v63  }
0x234: {  	_ =	swait.ge [sflag:s12], $0x2800  }
0x235: {  	[sflag:s12] =	ssyncset.done $0x0  }
0x236: {  	s30 =	simm.s32 $0xF;
	s0 =	sadd.s32 $0x7D00, s6;
	[sflag:s12] =	ssyncadd.s32 $0xFFFFD800  }
0x237: {  	[tilespmem:s31], [sflag:$0x6] =	stream.indirect.gather [spmem:s1], $0x80, s0, s29, $0xb8;
	[tilespmem:$0x1F860] =	vst v63  }
0x238: {  	p1 =	sne.s32 s22, $0xD000;
	_ =	swait.ge [sflag:s30], $0x2800  }
0x239: {  	s22 =	sadd.s32 $0x1000, s22;
	s21 =	sadd.s32 $0x280, s21;
	[sflag:s30] =	ssyncset.done $0x0  }
0x23a: {  	s4 =	sadd.s32 $0x280, s4;
	s18 =	sadd.s32 $0x7D80, s6;
	[sflag:s30] =	ssyncadd.s32 $0xFFFFD800  }
0x23b: {  	[tilespmem:s8], [sflag:$0x7] =	stream.indirect.gather [spmem:s1], $0x80, s18, s29, $0xb8;
	[tilespmem:$0x1F860] =	vst v63  }
.Ltmp1:
0x23c: {  	s20 =	sadd.s32 $0x280, s20;
	_ =	swait.ge [sflag:s7], $0x2800;
	(pc) =	sbr.rel @p1 .LBB2_4-.Ltmp1, $4  }
0x23d: {  	s3 =	sadd.s32 $0x280, s3;
	s5 =	sadd.s32 $0x2800, s5;
	[sflag:s7] =	ssyncset.done $0x0  }
0x23e: {  	s23 =	simm.s32 $0x1CE80;
	s6 =	sadd.s32 $0x7E00, s6;
	[sflag:s7] =	ssyncadd.s32 $0xFFFFD800  }
0x23f: {  	[tilespmem:s19], [sflag:$0x8] =	stream.indirect.gather [spmem:s1], $0x80, s6, s29, $0xb8;
	[tilespmem:$0x1F860] =	vst v63  }
0x240: {  	s24 =	simm.s32 $0x1A680;
	s8 =	simm.s32 $0x2;
	s19 =	simm.s32 $0x1  }
0x241: {  	v0 =	vld [tilespmem:$0x2580]  }
0x242: {  	v1 =	vld [tilespmem:$0x4D00]  }
0x243: {  	v2 =	vld [tilespmem:$0x7480]  }
0x244: {  	v3 =	vld [tilespmem:$0x2590]  }
0x245: {  	v4 =	vld [tilespmem:$0x4D10]  }
0x246: {  	v5 =	vld [tilespmem:$0x7490]  }
0x247: {  	v6 =	vld [tilespmem:$0x25A0]  }
0x248: {  	v7 =	vld [tilespmem:$0x4D20]  }
0x249: {  	v9 =	vld [tilespmem:$0x25B0]  }
0x24a: {  	v10 =	vld [tilespmem:$0x25C0]  }
0x24b: {  	v8 =	vld [tilespmem:$0x74A0]  }
0x24c: {  	v46 =	vld [tilespmem:$0x4D40];
	v0 =	vmul.u32 $0x6, v0  }
0x24d: {  	v11 =	vld [tilespmem:$0x4D30];
	v45 =	vmul.u32 $0x6, v3  }
0x24e: {  	v48 =	vld [tilespmem:$0x74C0];
	v6 =	vmul.u32 $0x6, v6;
	v47 =	vmul.u32 $0x6, v9;
	v0 =	vadd.s32 v1, v0  }
0x24f: {  	v12 =	vld [tilespmem:$0x74B0];
	v49 =	vmul.u32 $0x6, v10;
	v1 =	vadd.s32 v4, v45;
	v0 =	vshll.u32 v0, $0x1  }
0x250: {  	v6 =	vadd.s32 v7, v6;
	v1 =	vshll.u32 v1, $0x1;
	v0 =	vadd.s32 v2, v0  }
0x251: {  	v54 =	vadd.s32 v46, v49;
	v51 =	vshll.u32 v6, $0x1;
	v50 =	vadd.s32 v5, v1;
	[tilespmem:$0xB280] =	vst v0  }
0x252: {  	v56 =	vshll.u32 v54, $0x1;
	v2 =	vadd.s32 v11, v47;
	v52 =	vadd.s32 v8, v51;
	[tilespmem:$0xB290] =	vst v50  }
0x253: {  	v57 =	vadd.s32 v48, v56;
	v53 =	vshll.u32 v2, $0x1;
	[tilespmem:$0xB2A0] =	vst v52  }
0x254: {  	[tilespmem:$0xB2C0] =	vst v57;
	v55 =	vadd.s32 v12, v53  }
0x255: {  	[tilespmem:$0xB2B0] =	vst v55  }
0x256: {  	_ =	swait.ge [sflag:s19], $0x2800  }
0x257: {  	[sflag:s19] =	ssyncset.done $0x0  }
0x258: {  	s18 =	simm.s32 $0xB680;
	s3 =	rddreg [dreg:$0x8];
	[sflag:s19] =	ssyncadd.s32 $0xFFFFD800  }
0x259: {  	[hbm4b:s3+s2] =	stream.linear.scatter [tilespmem:s18], [sflag:$0x9], $0x2800, $0x38;
	[tilespmem:$0x1F860] =	vst v63  }
0x25a: {  	_ =	swait.ge [sflag:s25], $0x2800  }
0x25b: {  	[sflag:s25] =	ssyncset.done $0x0  }
0x25c: {  	s6 =	simm.s32 $0xB280;
	[sflag:s25] =	ssyncadd.s32 $0xFFFFD800  }
0x25d: {  	[tilespmem:s18], [sflag:$0x1] =	stream.indirect.gather [spmem:s1], $0x80, s6, s29, $0xb8;
	[tilespmem:$0x1F860] =	vst v63  }
0x25e: {  	v58 =	vld [tilespmem:$0x25D0]  }
0x25f: {  	v59 =	vld [tilespmem:$0x4D50]  }
0x260: {  	v60 =	vld [tilespmem:$0x74D0]  }
0x261: {  	v61 =	vld [tilespmem:$0x25E0]  }
0x262: {  	v62 =	vld [tilespmem:$0x4D60]  }
0x263: {  	v63 =	vld [tilespmem:$0x74E0]  }
0x264: {  	v15 =	vld [tilespmem:$0x25F0]  }
0x265: {  	v16 =	vld [tilespmem:$0x4D70]  }
0x266: {  	v18 =	vld [tilespmem:$0x2600]  }
0x267: {  	v19 =	vld [tilespmem:$0x2610]  }
0x268: {  	v17 =	vld [tilespmem:$0x74F0]  }
0x269: {  	v20 =	vld [tilespmem:$0x4D80];
	v0 =	vmul.u32 $0x6, v58  }
0x26a: {  	v22 =	vld [tilespmem:$0x4D90];
	v21 =	vmul.u32 $0x6, v61  }
0x26b: {  	v23 =	vld [tilespmem:$0x7500];
	v6 =	vmul.u32 $0x6, v15;
	v24 =	vmul.u32 $0x6, v18;
	v0 =	vadd.s32 v59, v0  }
0x26c: {  	v25 =	vld [tilespmem:$0x7510];
	v26 =	vmul.u32 $0x6, v19;
	v1 =	vadd.s32 v62, v21;
	v0 =	vshll.u32 v0, $0x1  }
0x26d: {  	v6 =	vadd.s32 v16, v6;
	v1 =	vshll.u32 v1, $0x1;
	v0 =	vadd.s32 v60, v0  }
0x26e: {  	v2 =	vadd.s32 v20, v24;
	v28 =	vshll.u32 v6, $0x1;
	v27 =	vadd.s32 v63, v1;
	[tilespmem:$0xB300] =	vst v0  }
0x26f: {  	v31 =	vadd.s32 v22, v26;
	v30 =	vshll.u32 v2, $0x1;
	v29 =	vadd.s32 v17, v28;
	[tilespmem:$0xB310] =	vst v27  }
0x270: {  	v33 =	vshll.u32 v31, $0x1;
	v32 =	vadd.s32 v23, v30;
	[tilespmem:$0xB320] =	vst v29  }
0x271: {  	v34 =	vadd.s32 v25, v33;
	[tilespmem:$0xB330] =	vst v32  }
0x272: {  	[tilespmem:$0xB340] =	vst v34  }
0x273: {  	_ =	swait.ge [sflag:s8], $0x2800  }
0x274: {  	[sflag:s8] =	ssyncset.done $0x0  }
0x275: {  	s5 =	simm.s32 $0xDE80;
	s20 =	rddreg [dreg:$0x9];
	[sflag:s8] =	ssyncadd.s32 $0xFFFFD800  }
0x276: {  	[hbm4b:s20+s2] =	stream.linear.scatter [tilespmem:s5], [sflag:$0xA], $0x2800, $0x38;
	[tilespmem:$0x1F860] =	vst v63  }
0x277: {  	_ =	swait.ge [sflag:s26], $0x2800  }
0x278: {  	[sflag:s26] =	ssyncset.done $0x0  }
0x279: {  	s21 =	simm.s32 $0xB300;
	[sflag:s26] =	ssyncadd.s32 $0xFFFFD800  }
0x27a: {  	[tilespmem:s5], [sflag:$0x2] =	stream.indirect.gather [spmem:s1], $0x80, s21, s29, $0xb8;
	[tilespmem:$0x1F860] =	vst v63  }
0x27b: {  	v35 =	vld [tilespmem:$0x2620]  }
0x27c: {  	v36 =	vld [tilespmem:$0x4DA0]  }
0x27d: {  	v37 =	vld [tilespmem:$0x7520]  }
0x27e: {  	v38 =	vld [tilespmem:$0x2630]  }
0x27f: {  	v39 =	vld [tilespmem:$0x4DB0]  }
0x280: {  	v40 =	vld [tilespmem:$0x7530]  }
0x281: {  	v41 =	vld [tilespmem:$0x2640]  }
0x282: {  	v42 =	vld [tilespmem:$0x4DC0]  }
0x283: {  	v44 =	vld [tilespmem:$0x2650]  }
0x284: {  	v45 =	vld [tilespmem:$0x2660]  }
0x285: {  	v43 =	vld [tilespmem:$0x7540]  }
0x286: {  	v46 =	vld [tilespmem:$0x4DD0];
	v0 =	vmul.u32 $0x6, v35  }
0x287: {  	v48 =	vld [tilespmem:$0x4DE0];
	v47 =	vmul.u32 $0x6, v38  }
0x288: {  	v49 =	vld [tilespmem:$0x7550];
	v6 =	vmul.u32 $0x6, v41;
	v50 =	vmul.u32 $0x6, v44;
	v0 =	vadd.s32 v36, v0  }
0x289: {  	v51 =	vld [tilespmem:$0x7560];
	v52 =	vmul.u32 $0x6, v45;
	v1 =	vadd.s32 v39, v47;
	v0 =	vshll.u32 v0, $0x1  }
0x28a: {  	v6 =	vadd.s32 v42, v6;
	v1 =	vshll.u32 v1, $0x1;
	v0 =	vadd.s32 v37, v0  }
0x28b: {  	v2 =	vadd.s32 v46, v50;
	v54 =	vshll.u32 v6, $0x1;
	v53 =	vadd.s32 v40, v1;
	[tilespmem:$0xB380] =	vst v0  }
0x28c: {  	v57 =	vadd.s32 v48, v52;
	v56 =	vshll.u32 v2, $0x1;
	v55 =	vadd.s32 v43, v54;
	[tilespmem:$0xB390] =	vst v53  }
0x28d: {  	v59 =	vshll.u32 v57, $0x1;
	v58 =	vadd.s32 v49, v56;
	[tilespmem:$0xB3A0] =	vst v55  }
0x28e: {  	v60 =	vadd.s32 v51, v59;
	[tilespmem:$0xB3B0] =	vst v58  }
0x28f: {  	[tilespmem:$0xB3C0] =	vst v60  }
0x290: {  	_ =	swait.ge [sflag:s9], $0x2800  }
0x291: {  	[sflag:s9] =	ssyncset.done $0x0  }
0x292: {  	s6 =	simm.s32 $0x10680;
	s22 =	rddreg [dreg:$0xa];
	[sflag:s9] =	ssyncadd.s32 $0xFFFFD800  }
0x293: {  	[hbm4b:s22+s2] =	stream.linear.scatter [tilespmem:s6], [sflag:$0xB], $0x2800, $0x38;
	[tilespmem:$0x1F860] =	vst v63  }
0x294: {  	_ =	swait.ge [sflag:s28], $0x2800  }
0x295: {  	[sflag:s28] =	ssyncset.done $0x0  }
0x296: {  	s0 =	simm.s32 $0xB380;
	[sflag:s28] =	ssyncadd.s32 $0xFFFFD800  }
0x297: {  	[tilespmem:s6], [sflag:$0x3] =	stream.indirect.gather [spmem:s1], $0x80, s0, s29, $0xb8;
	[tilespmem:$0x1F860] =	vst v63  }
0x298: {  	v61 =	vld [tilespmem:$0x2670]  }
0x299: {  	v62 =	vld [tilespmem:$0x4DF0]  }
0x29a: {  	v63 =	vld [tilespmem:$0x7570]  }
0x29b: {  	v15 =	vld [tilespmem:$0x2680]  }
0x29c: {  	v16 =	vld [tilespmem:$0x4E00]  }
0x29d: {  	v17 =	vld [tilespmem:$0x7580]  }
0x29e: {  	v18 =	vld [tilespmem:$0x2690]  }
0x29f: {  	v19 =	vld [tilespmem:$0x4E10]  }
0x2a0: {  	v21 =	vld [tilespmem:$0x26A0]  }
0x2a1: {  	v22 =	vld [tilespmem:$0x26B0]  }
0x2a2: {  	v20 =	vld [tilespmem:$0x7590]  }
0x2a3: {  	v23 =	vld [tilespmem:$0x4E20];
	v0 =	vmul.u32 $0x6, v61  }
0x2a4: {  	v25 =	vld [tilespmem:$0x4E30];
	v24 =	vmul.u32 $0x6, v15  }
0x2a5: {  	v26 =	vld [tilespmem:$0x75A0];
	v6 =	vmul.u32 $0x6, v18;
	v27 =	vmul.u32 $0x6, v21;
	v0 =	vadd.s32 v62, v0  }
0x2a6: {  	v28 =	vld [tilespmem:$0x75B0];
	v29 =	vmul.u32 $0x6, v22;
	v1 =	vadd.s32 v16, v24;
	v0 =	vshll.u32 v0, $0x1  }
0x2a7: {  	v6 =	vadd.s32 v19, v6;
	v1 =	vshll.u32 v1, $0x1;
	v0 =	vadd.s32 v63, v0  }
0x2a8: {  	v2 =	vadd.s32 v23, v27;
	v31 =	vshll.u32 v6, $0x1;
	v30 =	vadd.s32 v17, v1;
	[tilespmem:$0xB400] =	vst v0  }
0x2a9: {  	v34 =	vadd.s32 v25, v29;
	v33 =	vshll.u32 v2, $0x1;
	v32 =	vadd.s32 v20, v31;
	[tilespmem:$0xB410] =	vst v30  }
0x2aa: {  	v36 =	vshll.u32 v34, $0x1;
	v35 =	vadd.s32 v26, v33;
	[tilespmem:$0xB420] =	vst v32  }
0x2ab: {  	v37 =	vadd.s32 v28, v36;
	[tilespmem:$0xB430] =	vst v35  }
0x2ac: {  	[tilespmem:$0xB440] =	vst v37  }
0x2ad: {  	_ =	swait.ge [sflag:s10], $0x2800  }
0x2ae: {  	[sflag:s10] =	ssyncset.done $0x0  }
0x2af: {  	s0 =	simm.s32 $0x12E80;
	s4 =	rddreg [dreg:$0xb];
	[sflag:s10] =	ssyncadd.s32 $0xFFFFD800  }
0x2b0: {  	[hbm4b:s4+s2] =	stream.linear.scatter [tilespmem:s0], [sflag:$0xC], $0x2800, $0x38;
	[tilespmem:$0x1F860] =	vst v63  }
0x2b1: {  	_ =	swait.ge [sflag:s15], $0x2800  }
0x2b2: {  	[sflag:s15] =	ssyncset.done $0x0  }
0x2b3: {  	s20 =	simm.s32 $0xB400;
	[sflag:s15] =	ssyncadd.s32 $0xFFFFD800  }
0x2b4: {  	[tilespmem:s0], [sflag:$0x4] =	stream.indirect.gather [spmem:s1], $0x80, s20, s29, $0xb8;
	[tilespmem:$0x1F860] =	vst v63  }
0x2b5: {  	v38 =	vld [tilespmem:$0x26C0]  }
0x2b6: {  	v39 =	vld [tilespmem:$0x4E40]  }
0x2b7: {  	v40 =	vld [tilespmem:$0x75C0]  }
0x2b8: {  	v41 =	vld [tilespmem:$0x26D0]  }
0x2b9: {  	v42 =	vld [tilespmem:$0x4E50]  }
0x2ba: {  	v43 =	vld [tilespmem:$0x75D0]  }
0x2bb: {  	v44 =	vld [tilespmem:$0x26E0]  }
0x2bc: {  	v45 =	vld [tilespmem:$0x4E60]  }
0x2bd: {  	v47 =	vld [tilespmem:$0x26F0]  }
0x2be: {  	v48 =	vld [tilespmem:$0x2700]  }
0x2bf: {  	v46 =	vld [tilespmem:$0x75E0]  }
0x2c0: {  	v51 =	vld [tilespmem:$0x4E80];
	v0 =	vmul.u32 $0x6, v38  }
0x2c1: {  	v49 =	vld [tilespmem:$0x4E70];
	v50 =	vmul.u32 $0x6, v41  }
0x2c2: {  	v54 =	vld [tilespmem:$0x7600];
	v6 =	vmul.u32 $0x6, v44;
	v53 =	vmul.u32 $0x6, v47;
	v0 =	vadd.s32 v39, v0  }
0x2c3: {  	v52 =	vld [tilespmem:$0x75F0];
	v55 =	vmul.u32 $0x6, v48;
	v1 =	vadd.s32 v42, v50;
	v0 =	vshll.u32 v0, $0x1  }
0x2c4: {  	v6 =	vadd.s32 v45, v6;
	v1 =	vshll.u32 v1, $0x1;
	v0 =	vadd.s32 v40, v0  }
0x2c5: {  	v60 =	vadd.s32 v51, v55;
	v58 =	vshll.u32 v6, $0x1;
	v56 =	vadd.s32 v43, v1;
	[tilespmem:$0xB480] =	vst v0  }
0x2c6: {  	v57 =	vadd.s32 v49, v53;
	v62 =	vshll.u32 v60, $0x1;
	v59 =	vadd.s32 v46, v58;
	[tilespmem:$0xB490] =	vst v56  }
0x2c7: {  	v1 =	vshll.u32 v57, $0x1;
	v63 =	vadd.s32 v54, v62;
	[tilespmem:$0xB4A0] =	vst v59  }
0x2c8: {  	v61 =	vadd.s32 v52, v1;
	[tilespmem:$0xB4C0] =	vst v63  }
0x2c9: {  	[tilespmem:$0xB4B0] =	vst v61  }
0x2ca: {  	_ =	swait.ge [sflag:s11], $0x2800  }
0x2cb: {  	[sflag:s11] =	ssyncset.done $0x0  }
0x2cc: {  	s4 =	simm.s32 $0x15680;
	s21 =	rddreg [dreg:$0xc];
	[sflag:s11] =	ssyncadd.s32 $0xFFFFD800  }
0x2cd: {  	[hbm4b:s21+s2] =	stream.linear.scatter [tilespmem:s4], [sflag:$0xD], $0x2800, $0x38;
	[tilespmem:$0x1F860] =	vst v63  }
0x2ce: {  	_ =	swait.ge [sflag:s16], $0x2800  }
0x2cf: {  	[sflag:s16] =	ssyncset.done $0x0  }
0x2d0: {  	s22 =	simm.s32 $0xB480;
	[sflag:s16] =	ssyncadd.s32 $0xFFFFD800  }
0x2d1: {  	[tilespmem:s4], [sflag:$0x5] =	stream.indirect.gather [spmem:s1], $0x80, s22, s29, $0xb8;
	[tilespmem:$0x1F860] =	vst v63  }
0x2d2: {  	_ =	swait.ge [sflag:s13], $0x2800  }
0x2d3: {  	[sflag:s13] =	ssyncset.done $0x0  }
0x2d4: {  	s20 =	rddreg [dreg:$0xd];
	[sflag:s13] =	ssyncadd.s32 $0xFFFFD800  }
0x2d5: {  	[hbm4b:s20+s2] =	stream.linear.scatter [tilespmem:s31], [sflag:$0xE], $0x2800, $0x38;
	[tilespmem:$0x1F860] =	vst v63  }
0x2d6: {  	_ =	swait.ge [sflag:s14], $0x2800  }
0x2d7: {  	[sflag:s14] =	ssyncset.done $0x0  }
0x2d8: {  	s21 =	rddreg [dreg:$0xe];
	[sflag:s14] =	ssyncadd.s32 $0xFFFFD800  }
0x2d9: {  	[hbm4b:s21+s2] =	stream.linear.scatter [tilespmem:s24], [sflag:$0xF], $0x2800, $0x38;
	[tilespmem:$0x1F860] =	vst v63  }
0x2da: {  	_ =	swait.ge [sflag:s17], $0x2800  }
0x2db: {  	[sflag:s17] =	ssyncset.done $0x0  }
0x2dc: {  	s22 =	rddreg [dreg:$0xf];
	[sflag:s17] =	ssyncadd.s32 $0xFFFFD800  }
0x2dd: {  	[hbm4b:s22+s2] =	stream.linear.scatter [tilespmem:s23], [sflag:$0x10], $0x2800, $0x38;
	[tilespmem:$0x1F860] =	vst v63  }
0x2de: {  	_ =	swait.ge [sflag:s19], $0x2800  }
0x2df: {  	[sflag:s19] =	ssyncset.done $0x0  }
0x2e0: {  	s24 =	rddreg [dreg:$0x10];
	[sflag:s19] =	ssyncadd.s32 $0xFFFFD800  }
0x2e1: {  	[hbm4b:s24+s2] =	stream.linear.scatter [tilespmem:s18], [sflag:$0x9], $0x2800, $0x38;
	[tilespmem:$0x1F860] =	vst v63  }
0x2e2: {  	_ =	swait.ge [sflag:s8], $0x2800  }
0x2e3: {  	[sflag:s8] =	ssyncset.done $0x0  }
0x2e4: {  	s20 =	rddreg [dreg:$0x11];
	[sflag:s8] =	ssyncadd.s32 $0xFFFFD800  }
0x2e5: {  	[hbm4b:s20+s2] =	stream.linear.scatter [tilespmem:s5], [sflag:$0xA], $0x2800, $0x38;
	[tilespmem:$0x1F860] =	vst v63  }
0x2e6: {  	_ =	swait.ge [sflag:s9], $0x2800  }
0x2e7: {  	[sflag:s9] =	ssyncset.done $0x0  }
0x2e8: {  	s21 =	rddreg [dreg:$0x12];
	[sflag:s9] =	ssyncadd.s32 $0xFFFFD800  }
0x2e9: {  	[hbm4b:s21+s2] =	stream.linear.scatter [tilespmem:s6], [sflag:$0xB], $0x2800, $0x38;
	[tilespmem:$0x1F860] =	vst v63  }
0x2ea: {  	_ =	swait.ge [sflag:s10], $0x2800  }
0x2eb: {  	[sflag:s10] =	ssyncset.done $0x0  }
0x2ec: {  	s22 =	rddreg [dreg:$0x13];
	[sflag:s10] =	ssyncadd.s32 $0xFFFFD800  }
0x2ed: {  	[hbm4b:s22+s2] =	stream.linear.scatter [tilespmem:s0], [sflag:$0xC], $0x2800, $0x38;
	[tilespmem:$0x1F860] =	vst v63  }
0x2ee: {  	_ =	swait.ge [sflag:s11], $0x2800  }
0x2ef: {  	[sflag:s11] =	ssyncset.done $0x0  }
0x2f0: {  	s23 =	rddreg [dreg:$0x14];
	[sflag:s11] =	ssyncadd.s32 $0xFFFFD800  }
0x2f1: {  	[hbm4b:s23+s2] =	stream.linear.scatter [tilespmem:s4], [sflag:$0xD], $0x2800, $0x38;
	[tilespmem:$0x1F860] =	vst v63  }
0x2f2: {  	_ =	swait.ge [sflag:s12], $0x2800  }
0x2f3: {  	[sflag:s12] =	ssyncset.done $0x0  }
0x2f4: {  	[sflag:s12] =	ssyncadd.s32 $0xFFFFD800  }
0x2f5: {  	_ =	swait.ge [sflag:s30], $0x2800  }
0x2f6: {  	[sflag:s30] =	ssyncset.done $0x0  }
0x2f7: {  	[sflag:s30] =	ssyncadd.s32 $0xFFFFD800  }
0x2f8: {  	_ =	swait.ge [sflag:s7], $0x2800  }
0x2f9: {  	[sflag:s7] =	ssyncset.done $0x0  }
0x2fa: {  	[sflag:s7] =	ssyncadd.s32 $0xFFFFD800  }
0x2fb: {  	_ =	swait.ge [sflag:s25], $0x2800  }
0x2fc: {  	[sflag:s25] =	ssyncset.done $0x0  }
0x2fd: {  	[sflag:s25] =	ssyncadd.s32 $0xFFFFD800  }
0x2fe: {  	_ =	swait.ge [sflag:s26], $0x2800  }
0x2ff: {  	[sflag:s26] =	ssyncset.done $0x0  }
0x300: {  	[sflag:s26] =	ssyncadd.s32 $0xFFFFD800  }
0x301: {  	_ =	swait.ge [sflag:s28], $0x2800  }
0x302: {  	[sflag:s28] =	ssyncset.done $0x0  }
0x303: {  	[sflag:s28] =	ssyncadd.s32 $0xFFFFD800  }
0x304: {  	_ =	swait.ge [sflag:s15], $0x2800  }
0x305: {  	[sflag:s15] =	ssyncset.done $0x0  }
0x306: {  	[sflag:s15] =	ssyncadd.s32 $0xFFFFD800  }
0x307: {  	_ =	swait.ge [sflag:s16], $0x2800  }
0x308: {  	s24 =	rddreg [dreg:$0x18]  }
0x309: {  	s30 =	rddreg [dreg:$0x15];
	s4 =	sadd.s32 $0x1, s24  }
0x30a: {  	p1 =	sne.s32 s4, s30  }
.Ltmp2:
0x30b: {  	_ = 	snop;
	(pc) =	sbr.rel @p1 .LBB2_1-.Ltmp2, $4  }
0x30c: {  	_ = 	snop  }
0x30d: {  	s21 =	simm.s32 $0xB680  }
0x30e: {  	s22 =	simm.s32 $0xDE80;
	s0 =	simm.s32 $0x10680;
	[sflag:s16] =	ssyncset.done $0x0  }
0x30f: {  	s23 =	simm.s32 $0x12E80;
	[sflag:s16] =	ssyncadd.s32 $0xFFFFD800;
	s24 =	simm.s32 $0x15680  }
0x310: {  	_ =	sfence.sel $0x180000  }
0x311: {  	[bflag:$0x0] =	sbarrier.arrive $0xFFFF  }
0x312: {  	_ =	strace $0x90000047  }
0x313: {  	[bflag:$0x2] =	sbarrier.arrive $0xFFFF  }
0x314: {  	s0 =	rddreg [dreg:$0x3]  }
0x315: {  	s0 =	sadd.s32 @!p0 $0x100000, s0  }
0x316: {  	[sflag:s0] =	ssyncadd.tile.s32 @!p0 $0x1;
	_ =	shalt  }
.Lfunc_end2:
_tile_overlayer_lowered:
.L_overlay_start_2:
0x317: {  	(tag) =	ssettag $0x2  }
0x318: {  	s0 =	rddreg [dreg:$0x0];
	s2 =	stileid.u32  }
0x319: {  	s1 =	rddreg [dreg:$0x1];
	p0 =	sne.s32 s2, $0x0  }
0x31a: {  	s3 =	rddreg [dreg:$0x2];
	[bflag:$0x3] =	sbarrier.arrive $0xFFFF;
	s2 =	simm.s32 @!p0 $0x1C11  }
0x31b: {  	[timem:s3], [sflag:s2] =	dma.local @!p0 [hbm:s0], s1  }
0x31c: {  	s0 =	simm.s32 @!p0 $0x11  }
0x31d: {  	_ =	swait.ge @!p0 [sflag:s0], s1  }
0x31e: {  	s1 =	ssub.s32 @!p0 $0x0, s1;
	[sflag:s0] =	ssyncset.done @!p0 $0x0  }
0x31f: {  	[sflag:s0] =	ssyncadd.s32 @!p0 s1  }
0x320: {  	[bflag:$0x3] =	sbarrier.arrive $0xFFFF  }
0x321: {  	_ =	shalt  }

</sc_bundles>
